<compile_context>
chip_gen: v7x
topology: tpu7x:2x2x1
jax: 0.10.2.dev20260603
libtpu: 0.0.44.dev20260713+nightly
codegen_flags: <defaults>
</compile_context>

<pallas_src>
import functools

import jax
import jax.numpy as jnp
from jax import lax
from jax.experimental import pallas as pl
from jax.experimental.pallas import tpu as pltpu
from jax.experimental.pallas import tpu_sc as plsc

_N = 10000
_E = 320000
_D = 128
_H = 64
_NUM_INNER = 3
_EPS = 1e-5

_NC = 2
_NS = 16
_C = 128
_EC = _E // _NC
_CH = _EC // _C
_NB = _N // 8
_W = 632


_G = 6
_ROWS_PC = _CH
_RPS = _ROWS_PC // _NS
_NIT = _RPS // _G


def _sc_agg(h, src2, dst2, zeros):
    hd = h.shape[1]
    mesh = plsc.VectorSubcoreMesh(core_axis_name="c", subcore_axis_name="s")

    @functools.partial(
        pl.kernel,
        mesh=mesh,
        out_type=jax.ShapeDtypeStruct((_NC, _N, hd), jnp.float32),
        scratch_types=[
            pltpu.VMEM_SHARED((_N, hd), jnp.float32),
            pltpu.VMEM((_G, _C), jnp.int32),
            pltpu.VMEM((_G, _C), jnp.int32),
            pltpu.VMEM((_G, _C, hd), jnp.float32),
            pltpu.SemaphoreType.DMA,
            pltpu.SemaphoreType.DMA,
        ],
        compiler_params=pltpu.CompilerParams(use_tc_tiling_on_sc=False),
    )
    def k(h_hbm, src_hbm, dst_hbm, z_hbm, out_hbm, agg_sh, srcv, dstv, rows,
          sem_g, sem_a):
        c = lax.axis_index("c")
        s = lax.axis_index("s")
        row0 = 8 * ((s * _NB) // _NS)
        pltpu.sync_copy(z_hbm.at[pl.ds(row0, _W)],
                        agg_sh.at[pl.ds(row0, _W)])
        plsc.subcore_barrier()
        start = c * _ROWS_PC + s * _RPS

        def body(i, carry):
            r0 = start + i * _G
            pltpu.sync_copy(src_hbm.at[pl.ds(r0, _G)], srcv)
            pltpu.sync_copy(dst_hbm.at[pl.ds(r0, _G)], dstv)
            gets = [pltpu.async_copy(h_hbm.at[srcv.at[b]], rows.at[b], sem_g)
                    for b in range(_G)]
            puts = []
            for b in range(_G):
                gets[b].wait()
                puts.append(pltpu.async_copy(rows.at[b],
                                             agg_sh.at[dstv.at[b]], sem_a,
                                             add=True))
            for cp in puts:
                cp.wait()
            return carry

        lax.fori_loop(0, _NIT, body, 0)

        @pl.when(s < _ROWS_PC - _NS * _RPS)
        def _():
            r = c * _ROWS_PC + _NS * _RPS + s
            pltpu.sync_copy(src_hbm.at[r], srcv.at[0])
            pltpu.sync_copy(dst_hbm.at[r], dstv.at[0])
            pltpu.async_copy(h_hbm.at[srcv.at[0]], rows.at[0], sem_g).wait()
            pltpu.async_copy(rows.at[0], agg_sh.at[dstv.at[0]], sem_a,
                             add=True).wait()

        plsc.subcore_barrier()
        pltpu.sync_copy(agg_sh.at[pl.ds(row0, _W)],
                        out_hbm.at[c, pl.ds(row0, _W)])

    return k(h, src2, dst2, zeros)


def _sc_gather(h, src2):
    hd = h.shape[1]
    mesh = plsc.VectorSubcoreMesh(core_axis_name="c", subcore_axis_name="s")

    @functools.partial(
        pl.kernel,
        mesh=mesh,
        out_type=jax.ShapeDtypeStruct((_E // _C, _C, hd), jnp.float32),
        scratch_types=[
            pltpu.VMEM((_G, _C), jnp.int32),
            pltpu.VMEM((_G, _C, hd), jnp.float32),
            pltpu.SemaphoreType.DMA,
        ],
        compiler_params=pltpu.CompilerParams(use_tc_tiling_on_sc=False),
    )
    def k(h_hbm, src_hbm, out_hbm, srcv, rows, sem_g):
        c = lax.axis_index("c")
        s = lax.axis_index("s")
        start = c * _ROWS_PC + s * _RPS

        def body(i, carry):
            r0 = start + i * _G
            pltpu.sync_copy(src_hbm.at[pl.ds(r0, _G)], srcv)
            gets = [pltpu.async_copy(h_hbm.at[srcv.at[b]], rows.at[b], sem_g)
                    for b in range(_G)]
            for cp in gets:
                cp.wait()
            pltpu.sync_copy(rows, out_hbm.at[pl.ds(r0, _G)])
            return carry

        lax.fori_loop(0, _NIT, body, 0)

        @pl.when(s < _ROWS_PC - _NS * _RPS)
        def _():
            r = c * _ROWS_PC + _NS * _RPS + s
            pltpu.sync_copy(src_hbm.at[r], srcv.at[0])
            pltpu.async_copy(h_hbm.at[srcv.at[0]], rows.at[0], sem_g).wait()
            pltpu.sync_copy(rows.at[0], out_hbm.at[r])

    return k(h, src2)


def _bf16_dot(a, w):
    return jnp.dot(a, w, preferred_element_type=jnp.float32)


def _layer_body(h_ref, s_ref, w1_ref, b1_ref, w2_ref, b2_ref, g_ref, be_ref,
                o_ref):
    z = h_ref[...] + s_ref[0] + s_ref[1]
    a = jnp.maximum(_bf16_dot(z, w1_ref[...]) + b1_ref[...], 0.0)
    y = _bf16_dot(a, w2_ref[...]) + b2_ref[...]
    mu = jnp.mean(y, axis=0, keepdims=True)
    d = y - mu
    var = jnp.mean(d * d, axis=0, keepdims=True)
    h = d / jnp.sqrt(var + _EPS) * g_ref[...] + be_ref[...]
    o_ref[...] = jnp.maximum(h, 0.0)


def _layer(h, s2, w1, b1, w2, b2, g, be):
    return pl.pallas_call(
        _layer_body,
        out_shape=jax.ShapeDtypeStruct((_N, _H), jnp.float32),
    )(h, s2, w1, b1.reshape(1, _H), w2, b2.reshape(1, _H),
      g.reshape(1, _H), be.reshape(1, _H))


def kernel(x, edge_index, W1_0, b1_0, W2_0, b2_0, g_0, be_0,
           W1s, b1s, W2s, b2s, gs, bes):
    src = edge_index[0]
    dst = edge_index[1]
    src2 = src.reshape(_E // _C, _C)
    dst2 = dst.reshape(_E // _C, _C)
    zeros_h = jnp.zeros((_N, _H), jnp.float32)

    params = [(W1_0, b1_0, W2_0, b2_0, g_0, be_0)]
    for i in range(_NUM_INNER):
        params.append((W1s[i], b1s[i], W2s[i], b2s[i], gs[i], bes[i]))

    w1, b1, w2, b2, g, be = params[0]
    updates = _sc_gather(x, src2).reshape(_E, _D)
    agg = jnp.zeros_like(x).at[dst].add(updates)
    y = jnp.maximum((x + agg) @ w1 + b1, 0.0) @ w2 + b2
    mu = jnp.mean(y, 0)
    var = jnp.var(y, 0)
    h = jax.nn.relu((y - mu) / jnp.sqrt(var + _EPS) * g + be)

    for l in range(1, _NUM_INNER + 1):
        s2 = _sc_agg(h, src2, dst2, zeros_h)
        w1, b1, w2, b2, g, be = params[l]
        h = _layer(h, s2, w1, b1, w2, b2, g, be)
    return h

# --- scband reference (transcript-rebuilt; emitter-appended) ---
"""Pipeline reference for scband-cgin-88519275970748 (READ-ONLY COPY).

The authoritative reference and input builder live on the scoring server;
editing this copy changes nothing except your own understanding.
"""

import jax, jax.numpy as jnp
import numpy as np

N = 10000
E = 320000
D = 128
H = 64
NUM_INNER = 3  # num_layers=5 -> 4 GINConvs total: 1 input conv + 3 hidden convs


def _lin_init(key, fan_in, shape):
    bound = 1.0 / np.sqrt(fan_in)
    return jax.random.uniform(key, shape, dtype=jnp.float32, minval=-bound, maxval=bound)


def setup_inputs(seed: int = 0) -> dict:
    key = jax.random.key(seed)
    ks = jax.random.split(key, 12)
    x = jax.random.normal(ks[0], (N, D), dtype=jnp.float32)
    edge_index = jax.random.randint(ks[1], (2, E), 0, N, dtype=jnp.int32)
    inp = {
        'x': x,
        'edge_index': edge_index,
        'W1_0': _lin_init(ks[2], D, (D, H)),
        'b1_0': _lin_init(ks[3], D, (H,)),
        'W2_0': _lin_init(ks[4], H, (H, H)),
        'b2_0': _lin_init(ks[5], H, (H,)),
        'g_0': jnp.ones((H,), dtype=jnp.float32),
        'be_0': jnp.zeros((H,), dtype=jnp.float32),
        'W1s': _lin_init(ks[6], H, (NUM_INNER, H, H)),
        'b1s': _lin_init(ks[7], H, (NUM_INNER, H)),
        'W2s': _lin_init(ks[8], H, (NUM_INNER, H, H)),
        'b2s': _lin_init(ks[9], H, (NUM_INNER, H)),
        'gs': jnp.ones((NUM_INNER, H), dtype=jnp.float32),
        'bes': jnp.zeros((NUM_INNER, H), dtype=jnp.float32),
    }
    return inp


def _gin_conv(h, src, dst, W1, b1, W2, b2):
    # GINConv: MLP((1+eps)*x_i + sum_{j in N(i)} x_j), eps=0 (default, not trained)
    agg = jnp.zeros_like(h).at[dst].add(h[src])
    z = h + agg
    z = jnp.maximum(z @ W1 + b1, 0.0) @ W2 + b2
    return z


def _batch_norm(h, g, b, eps=1e-5):
    mu = jnp.mean(h, axis=0)
    var = jnp.var(h, axis=0)  # biased, matches torch BatchNorm1d training stats
    return (h - mu) / jnp.sqrt(var + eps) * g + b


def reference(x, edge_index, W1_0, b1_0, W2_0, b2_0, g_0, be_0, W1s, b1s, W2s, b2s, gs, bes):
    src = edge_index[0]
    dst = edge_index[1]
    h = _gin_conv(x, src, dst, W1_0, b1_0, W2_0, b2_0)
    h = _batch_norm(h, g_0, be_0)
    h = jax.nn.relu(h)
    # dropout p=0.0 -> no-op
    for i in range(NUM_INNER):
        h = _gin_conv(h, src, dst, W1s[i], b1s[i], W2s[i], b2s[i])
        h = _batch_norm(h, gs[i], bes[i])
        h = jax.nn.relu(h)
    return h

if __name__ == "__main__":
    import jax
    _d = setup_inputs()
    print(jax.jit(kernel)(*tuple(_d.values())))

</pallas_src>

<mosaic_0001>
#map = affine_map<(d0, d1) -> (0, 0)>
#map1 = affine_map<(d0, d1) -> (0, 0, 0)>
module attributes {stable_mosaic.version = 14 : i64} {
  func.func @k(%arg0: i32, %arg1: i32, %arg2: memref<10000x128xf32, #tpu.memory_space<hbm>>, %arg3: memref<2500x128xi32, #tpu.memory_space<hbm>>, %arg4: memref<2500x128x128xf32, #tpu.memory_space<hbm>>, %arg5: memref<6x128xi32, #tpu.memory_space<vmem>>, %arg6: memref<6x128x128xf32, #tpu.memory_space<vmem>>, %arg7: memref<!tpu.dma_semaphore, #tpu.memory_space<semaphore_mem>>) attributes {dimension_semantics = [#tpu.dimension_semantics<core_parallel>, #tpu.dimension_semantics<subcore_parallel>], iteration_bounds = array<i64: 2, 16>, scalar_prefetch = 0 : i64, scratch_operands = 3 : i64, tpu.core_type = #tpu.core_type<sc_vector_subcore>, window_params = [{transform_indices = #map}, {transform_indices = #map}, {transform_indices = #map1}]} {
    %mul3A = arith.constant 1250 : i32
    %mul3A_0 = arith.muli %arg0, %mul3A : i32
    %mul3A_1 = arith.constant 78 : i32
    %mul3A_2 = arith.muli %arg1, %mul3A_1 : i32
    %add3A = arith.addi %mul3A_0, %mul3A_2 : i32
    %scan3A = arith.constant 0 : i32
    %scan3A_3 = arith.constant 0 : i32
    %scan3A_4 = arith.constant 13 : i32
    %scan3A_5 = arith.addi %scan3A_3, %scan3A_4 : i32
    %scan3A_6 = arith.constant 1 : i32
    scf.for %scan3A_10 = %scan3A_3 to %scan3A_5 step %scan3A_6  : i32 {
      %mul3A_11 = arith.constant 6 : i32
      %mul3A_12 = arith.muli %scan3A_10, %mul3A_11 : i32
      %add3A_13 = arith.addi %add3A, %mul3A_12 : i32
      "tpu.region"() ({
        %run_scoped3A = tpu.sem_alloc : memref<!tpu.dma_semaphore, #tpu.memory_space<semaphore_mem>>
        %dma_start3A_156 = arith.constant 0 : i32
        %dma_start3A_157 = tpu.memref_slice %arg3[%add3A_13, %dma_start3A_156] : memref<2500x128xi32, #tpu.memory_space<hbm>> -> memref<6x128xi32, #tpu.memory_space<hbm>>
        %dma_start3A_158 = arith.constant 0 : i32
        %dma_start3A_159 = tpu.memref_slice %arg3[%add3A_13, %dma_start3A_158] : memref<2500x128xi32, #tpu.memory_space<hbm>> -> memref<6x128xi32, #tpu.memory_space<hbm>>
        tpu.enqueue_dma source(%dma_start3A_159 : memref<6x128xi32, #tpu.memory_space<hbm>>) target(%arg5 : memref<6x128xi32, #tpu.memory_space<vmem>>) target_semaphore(%run_scoped3A : memref<!tpu.dma_semaphore, #tpu.memory_space<semaphore_mem>>)
        %dma_wait3A_160 = arith.constant 0 : i32
        %dma_wait3A_161 = tpu.memref_slice %arg3[%add3A_13, %dma_wait3A_160] : memref<2500x128xi32, #tpu.memory_space<hbm>> -> memref<6x128xi32, #tpu.memory_space<hbm>>
        %dma_wait3A_162 = arith.constant 0 : i32
        %dma_wait3A_163 = tpu.memref_slice %arg3[%add3A_13, %dma_wait3A_162] : memref<2500x128xi32, #tpu.memory_space<hbm>> -> memref<6x128xi32, #tpu.memory_space<hbm>>
        tpu.wait_dma2 semaphore(%run_scoped3A : memref<!tpu.dma_semaphore, #tpu.memory_space<semaphore_mem>>) src(%dma_wait3A_163 : memref<6x128xi32, #tpu.memory_space<hbm>>) dst(%arg5 : memref<6x128xi32, #tpu.memory_space<vmem>>)
        tpu.yield
      }) : () -> ()
      %dma_start3A = arith.constant 0 : i32
      %dma_start3A_14 = arith.constant 0 : i32
      %dma_start3A_15 = arith.constant 0 : i32
      %dma_start3A_16 = arith.constant 0 : i32
      %dma_start3A_17 = tpu.memref_slice %arg6[%dma_start3A_14, %dma_start3A_15, %dma_start3A_16] : memref<6x128x128xf32, #tpu.memory_space<vmem>> -> memref<1x128x128xf32, #tpu.memory_space<vmem>>
      %dma_start3A_18 = tpu.memref_squeeze %dma_start3A_17 : memref<1x128x128xf32, #tpu.memory_space<vmem>> -> memref<128x128xf32, #tpu.memory_space<vmem>>
      %dma_start3A_19 = arith.constant 0 : i32
      %dma_start3A_20 = tpu.memref_slice %arg5[%dma_start3A, %dma_start3A_19] : memref<6x128xi32, #tpu.memory_space<vmem>> -> memref<1x128xi32, #tpu.memory_space<vmem>>
      %dma_start3A_21 = tpu.memref_squeeze %dma_start3A_20 : memref<1x128xi32, #tpu.memory_space<vmem>> -> memref<128xi32, #tpu.memory_space<vmem>>
      %dma_start3A_22 = arith.constant 0 : i32
      %dma_start3A_23 = arith.constant 0 : i32
      %dma_start3A_24 = tpu.memref_slice %arg2[%dma_start3A_22, %dma_start3A_23] : memref<10000x128xf32, #tpu.memory_space<hbm>> -> memref<10000x128xf32, #tpu.memory_space<hbm>>
      tpu.enqueue_indirect_dma source(%dma_start3A_24 : memref<10000x128xf32, #tpu.memory_space<hbm>>) target(%dma_start3A_18 : memref<128x128xf32, #tpu.memory_space<vmem>>) offsets(%dma_start3A_21 : memref<128xi32, #tpu.memory_space<vmem>>) semaphore(%arg7 : memref<!tpu.dma_semaphore, #tpu.memory_space<semaphore_mem>>)
      %dma_start3A_25 = arith.constant 1 : i32
      %dma_start3A_26 = arith.constant 1 : i32
      %dma_start3A_27 = arith.constant 0 : i32
      %dma_start3A_28 = arith.constant 0 : i32
      %dma_start3A_29 = tpu.memref_slice %arg6[%dma_start3A_26, %dma_start3A_27, %dma_start3A_28] : memref<6x128x128xf32, #tpu.memory_space<vmem>> -> memref<1x128x128xf32, #tpu.memory_space<vmem>>
      %dma_start3A_30 = tpu.memref_squeeze %dma_start3A_29 : memref<1x128x128xf32, #tpu.memory_space<vmem>> -> memref<128x128xf32, #tpu.memory_space<vmem>>
      %dma_start3A_31 = arith.constant 0 : i32
      %dma_start3A_32 = tpu.memref_slice %arg5[%dma_start3A_25, %dma_start3A_31] : memref<6x128xi32, #tpu.memory_space<vmem>> -> memref<1x128xi32, #tpu.memory_space<vmem>>
      %dma_start3A_33 = tpu.memref_squeeze %dma_start3A_32 : memref<1x128xi32, #tpu.memory_space<vmem>> -> memref<128xi32, #tpu.memory_space<vmem>>
      %dma_start3A_34 = arith.constant 0 : i32
      %dma_start3A_35 = arith.constant 0 : i32
      %dma_start3A_36 = tpu.memref_slice %arg2[%dma_start3A_34, %dma_start3A_35] : memref<10000x128xf32, #tpu.memory_space<hbm>> -> memref<10000x128xf32, #tpu.memory_space<hbm>>
      tpu.enqueue_indirect_dma source(%dma_start3A_36 : memref<10000x128xf32, #tpu.memory_space<hbm>>) target(%dma_start3A_30 : memref<128x128xf32, #tpu.memory_space<vmem>>) offsets(%dma_start3A_33 : memref<128xi32, #tpu.memory_space<vmem>>) semaphore(%arg7 : memref<!tpu.dma_semaphore, #tpu.memory_space<semaphore_mem>>)
      %dma_start3A_37 = arith.constant 2 : i32
      %dma_start3A_38 = arith.constant 2 : i32
      %dma_start3A_39 = arith.constant 0 : i32
      %dma_start3A_40 = arith.constant 0 : i32
      %dma_start3A_41 = tpu.memref_slice %arg6[%dma_start3A_38, %dma_start3A_39, %dma_start3A_40] : memref<6x128x128xf32, #tpu.memory_space<vmem>> -> memref<1x128x128xf32, #tpu.memory_space<vmem>>
      %dma_start3A_42 = tpu.memref_squeeze %dma_start3A_41 : memref<1x128x128xf32, #tpu.memory_space<vmem>> -> memref<128x128xf32, #tpu.memory_space<vmem>>
      %dma_start3A_43 = arith.constant 0 : i32
      %dma_start3A_44 = tpu.memref_slice %arg5[%dma_start3A_37, %dma_start3A_43] : memref<6x128xi32, #tpu.memory_space<vmem>> -> memref<1x128xi32, #tpu.memory_space<vmem>>
      %dma_start3A_45 = tpu.memref_squeeze %dma_start3A_44 : memref<1x128xi32, #tpu.memory_space<vmem>> -> memref<128xi32, #tpu.memory_space<vmem>>
      %dma_start3A_46 = arith.constant 0 : i32
      %dma_start3A_47 = arith.constant 0 : i32
      %dma_start3A_48 = tpu.memref_slice %arg2[%dma_start3A_46, %dma_start3A_47] : memref<10000x128xf32, #tpu.memory_space<hbm>> -> memref<10000x128xf32, #tpu.memory_space<hbm>>
      tpu.enqueue_indirect_dma source(%dma_start3A_48 : memref<10000x128xf32, #tpu.memory_space<hbm>>) target(%dma_start3A_42 : memref<128x128xf32, #tpu.memory_space<vmem>>) offsets(%dma_start3A_45 : memref<128xi32, #tpu.memory_space<vmem>>) semaphore(%arg7 : memref<!tpu.dma_semaphore, #tpu.memory_space<semaphore_mem>>)
      %dma_start3A_49 = arith.constant 3 : i32
      %dma_start3A_50 = arith.constant 3 : i32
      %dma_start3A_51 = arith.constant 0 : i32
      %dma_start3A_52 = arith.constant 0 : i32
      %dma_start3A_53 = tpu.memref_slice %arg6[%dma_start3A_50, %dma_start3A_51, %dma_start3A_52] : memref<6x128x128xf32, #tpu.memory_space<vmem>> -> memref<1x128x128xf32, #tpu.memory_space<vmem>>
      %dma_start3A_54 = tpu.memref_squeeze %dma_start3A_53 : memref<1x128x128xf32, #tpu.memory_space<vmem>> -> memref<128x128xf32, #tpu.memory_space<vmem>>
      %dma_start3A_55 = arith.constant 0 : i32
      %dma_start3A_56 = tpu.memref_slice %arg5[%dma_start3A_49, %dma_start3A_55] : memref<6x128xi32, #tpu.memory_space<vmem>> -> memref<1x128xi32, #tpu.memory_space<vmem>>
      %dma_start3A_57 = tpu.memref_squeeze %dma_start3A_56 : memref<1x128xi32, #tpu.memory_space<vmem>> -> memref<128xi32, #tpu.memory_space<vmem>>
      %dma_start3A_58 = arith.constant 0 : i32
      %dma_start3A_59 = arith.constant 0 : i32
      %dma_start3A_60 = tpu.memref_slice %arg2[%dma_start3A_58, %dma_start3A_59] : memref<10000x128xf32, #tpu.memory_space<hbm>> -> memref<10000x128xf32, #tpu.memory_space<hbm>>
      tpu.enqueue_indirect_dma source(%dma_start3A_60 : memref<10000x128xf32, #tpu.memory_space<hbm>>) target(%dma_start3A_54 : memref<128x128xf32, #tpu.memory_space<vmem>>) offsets(%dma_start3A_57 : memref<128xi32, #tpu.memory_space<vmem>>) semaphore(%arg7 : memref<!tpu.dma_semaphore, #tpu.memory_space<semaphore_mem>>)
      %dma_start3A_61 = arith.constant 4 : i32
      %dma_start3A_62 = arith.constant 4 : i32
      %dma_start3A_63 = arith.constant 0 : i32
      %dma_start3A_64 = arith.constant 0 : i32
      %dma_start3A_65 = tpu.memref_slice %arg6[%dma_start3A_62, %dma_start3A_63, %dma_start3A_64] : memref<6x128x128xf32, #tpu.memory_space<vmem>> -> memref<1x128x128xf32, #tpu.memory_space<vmem>>
      %dma_start3A_66 = tpu.memref_squeeze %dma_start3A_65 : memref<1x128x128xf32, #tpu.memory_space<vmem>> -> memref<128x128xf32, #tpu.memory_space<vmem>>
      %dma_start3A_67 = arith.constant 0 : i32
      %dma_start3A_68 = tpu.memref_slice %arg5[%dma_start3A_61, %dma_start3A_67] : memref<6x128xi32, #tpu.memory_space<vmem>> -> memref<1x128xi32, #tpu.memory_space<vmem>>
      %dma_start3A_69 = tpu.memref_squeeze %dma_start3A_68 : memref<1x128xi32, #tpu.memory_space<vmem>> -> memref<128xi32, #tpu.memory_space<vmem>>
      %dma_start3A_70 = arith.constant 0 : i32
      %dma_start3A_71 = arith.constant 0 : i32
      %dma_start3A_72 = tpu.memref_slice %arg2[%dma_start3A_70, %dma_start3A_71] : memref<10000x128xf32, #tpu.memory_space<hbm>> -> memref<10000x128xf32, #tpu.memory_space<hbm>>
      tpu.enqueue_indirect_dma source(%dma_start3A_72 : memref<10000x128xf32, #tpu.memory_space<hbm>>) target(%dma_start3A_66 : memref<128x128xf32, #tpu.memory_space<vmem>>) offsets(%dma_start3A_69 : memref<128xi32, #tpu.memory_space<vmem>>) semaphore(%arg7 : memref<!tpu.dma_semaphore, #tpu.memory_space<semaphore_mem>>)
      %dma_start3A_73 = arith.constant 5 : i32
      %dma_start3A_74 = arith.constant 5 : i32
      %dma_start3A_75 = arith.constant 0 : i32
      %dma_start3A_76 = arith.constant 0 : i32
      %dma_start3A_77 = tpu.memref_slice %arg6[%dma_start3A_74, %dma_start3A_75, %dma_start3A_76] : memref<6x128x128xf32, #tpu.memory_space<vmem>> -> memref<1x128x128xf32, #tpu.memory_space<vmem>>
      %dma_start3A_78 = tpu.memref_squeeze %dma_start3A_77 : memref<1x128x128xf32, #tpu.memory_space<vmem>> -> memref<128x128xf32, #tpu.memory_space<vmem>>
      %dma_start3A_79 = arith.constant 0 : i32
      %dma_start3A_80 = tpu.memref_slice %arg5[%dma_start3A_73, %dma_start3A_79] : memref<6x128xi32, #tpu.memory_space<vmem>> -> memref<1x128xi32, #tpu.memory_space<vmem>>
      %dma_start3A_81 = tpu.memref_squeeze %dma_start3A_80 : memref<1x128xi32, #tpu.memory_space<vmem>> -> memref<128xi32, #tpu.memory_space<vmem>>
      %dma_start3A_82 = arith.constant 0 : i32
      %dma_start3A_83 = arith.constant 0 : i32
      %dma_start3A_84 = tpu.memref_slice %arg2[%dma_start3A_82, %dma_start3A_83] : memref<10000x128xf32, #tpu.memory_space<hbm>> -> memref<10000x128xf32, #tpu.memory_space<hbm>>
      tpu.enqueue_indirect_dma source(%dma_start3A_84 : memref<10000x128xf32, #tpu.memory_space<hbm>>) target(%dma_start3A_78 : memref<128x128xf32, #tpu.memory_space<vmem>>) offsets(%dma_start3A_81 : memref<128xi32, #tpu.memory_space<vmem>>) semaphore(%arg7 : memref<!tpu.dma_semaphore, #tpu.memory_space<semaphore_mem>>)
      %dma_wait3A = arith.constant 0 : i32
      %dma_wait3A_85 = arith.constant 0 : i32
      %dma_wait3A_86 = arith.constant 0 : i32
      %dma_wait3A_87 = arith.constant 0 : i32
      %dma_wait3A_88 = tpu.memref_slice %arg6[%dma_wait3A_85, %dma_wait3A_86, %dma_wait3A_87] : memref<6x128x128xf32, #tpu.memory_space<vmem>> -> memref<1x128x128xf32, #tpu.memory_space<vmem>>
      %dma_wait3A_89 = tpu.memref_squeeze %dma_wait3A_88 : memref<1x128x128xf32, #tpu.memory_space<vmem>> -> memref<128x128xf32, #tpu.memory_space<vmem>>
      %dma_wait3A_90 = arith.constant 0 : i32
      %dma_wait3A_91 = tpu.memref_slice %arg5[%dma_wait3A, %dma_wait3A_90] : memref<6x128xi32, #tpu.memory_space<vmem>> -> memref<1x128xi32, #tpu.memory_space<vmem>>
      %dma_wait3A_92 = tpu.memref_squeeze %dma_wait3A_91 : memref<1x128xi32, #tpu.memory_space<vmem>> -> memref<128xi32, #tpu.memory_space<vmem>>
      %dma_wait3A_93 = arith.constant 0 : i32
      %dma_wait3A_94 = arith.constant 0 : i32
      %dma_wait3A_95 = tpu.memref_slice %arg2[%dma_wait3A_93, %dma_wait3A_94] : memref<10000x128xf32, #tpu.memory_space<hbm>> -> memref<10000x128xf32, #tpu.memory_space<hbm>>
      tpu.wait_indirect_dma semaphore(%arg7 : memref<!tpu.dma_semaphore, #tpu.memory_space<semaphore_mem>>) src(%dma_wait3A_95 : memref<10000x128xf32, #tpu.memory_space<hbm>>) dst(%dma_wait3A_89 : memref<128x128xf32, #tpu.memory_space<vmem>>)
      %dma_wait3A_96 = arith.constant 1 : i32
      %dma_wait3A_97 = arith.constant 1 : i32
      %dma_wait3A_98 = arith.constant 0 : i32
      %dma_wait3A_99 = arith.constant 0 : i32
      %dma_wait3A_100 = tpu.memref_slice %arg6[%dma_wait3A_97, %dma_wait3A_98, %dma_wait3A_99] : memref<6x128x128xf32, #tpu.memory_space<vmem>> -> memref<1x128x128xf32, #tpu.memory_space<vmem>>
      %dma_wait3A_101 = tpu.memref_squeeze %dma_wait3A_100 : memref<1x128x128xf32, #tpu.memory_space<vmem>> -> memref<128x128xf32, #tpu.memory_space<vmem>>
      %dma_wait3A_102 = arith.constant 0 : i32
      %dma_wait3A_103 = tpu.memref_slice %arg5[%dma_wait3A_96, %dma_wait3A_102] : memref<6x128xi32, #tpu.memory_space<vmem>> -> memref<1x128xi32, #tpu.memory_space<vmem>>
      %dma_wait3A_104 = tpu.memref_squeeze %dma_wait3A_103 : memref<1x128xi32, #tpu.memory_space<vmem>> -> memref<128xi32, #tpu.memory_space<vmem>>
      %dma_wait3A_105 = arith.constant 0 : i32
      %dma_wait3A_106 = arith.constant 0 : i32
      %dma_wait3A_107 = tpu.memref_slice %arg2[%dma_wait3A_105, %dma_wait3A_106] : memref<10000x128xf32, #tpu.memory_space<hbm>> -> memref<10000x128xf32, #tpu.memory_space<hbm>>
      tpu.wait_indirect_dma semaphore(%arg7 : memref<!tpu.dma_semaphore, #tpu.memory_space<semaphore_mem>>) src(%dma_wait3A_107 : memref<10000x128xf32, #tpu.memory_space<hbm>>) dst(%dma_wait3A_101 : memref<128x128xf32, #tpu.memory_space<vmem>>)
      %dma_wait3A_108 = arith.constant 2 : i32
      %dma_wait3A_109 = arith.constant 2 : i32
      %dma_wait3A_110 = arith.constant 0 : i32
      %dma_wait3A_111 = arith.constant 0 : i32
      %dma_wait3A_112 = tpu.memref_slice %arg6[%dma_wait3A_109, %dma_wait3A_110, %dma_wait3A_111] : memref<6x128x128xf32, #tpu.memory_space<vmem>> -> memref<1x128x128xf32, #tpu.memory_space<vmem>>
      %dma_wait3A_113 = tpu.memref_squeeze %dma_wait3A_112 : memref<1x128x128xf32, #tpu.memory_space<vmem>> -> memref<128x128xf32, #tpu.memory_space<vmem>>
      %dma_wait3A_114 = arith.constant 0 : i32
      %dma_wait3A_115 = tpu.memref_slice %arg5[%dma_wait3A_108, %dma_wait3A_114] : memref<6x128xi32, #tpu.memory_space<vmem>> -> memref<1x128xi32, #tpu.memory_space<vmem>>
      %dma_wait3A_116 = tpu.memref_squeeze %dma_wait3A_115 : memref<1x128xi32, #tpu.memory_space<vmem>> -> memref<128xi32, #tpu.memory_space<vmem>>
      %dma_wait3A_117 = arith.constant 0 : i32
      %dma_wait3A_118 = arith.constant 0 : i32
      %dma_wait3A_119 = tpu.memref_slice %arg2[%dma_wait3A_117, %dma_wait3A_118] : memref<10000x128xf32, #tpu.memory_space<hbm>> -> memref<10000x128xf32, #tpu.memory_space<hbm>>
      tpu.wait_indirect_dma semaphore(%arg7 : memref<!tpu.dma_semaphore, #tpu.memory_space<semaphore_mem>>) src(%dma_wait3A_119 : memref<10000x128xf32, #tpu.memory_space<hbm>>) dst(%dma_wait3A_113 : memref<128x128xf32, #tpu.memory_space<vmem>>)
      %dma_wait3A_120 = arith.constant 3 : i32
      %dma_wait3A_121 = arith.constant 3 : i32
      %dma_wait3A_122 = arith.constant 0 : i32
      %dma_wait3A_123 = arith.constant 0 : i32
      %dma_wait3A_124 = tpu.memref_slice %arg6[%dma_wait3A_121, %dma_wait3A_122, %dma_wait3A_123] : memref<6x128x128xf32, #tpu.memory_space<vmem>> -> memref<1x128x128xf32, #tpu.memory_space<vmem>>
      %dma_wait3A_125 = tpu.memref_squeeze %dma_wait3A_124 : memref<1x128x128xf32, #tpu.memory_space<vmem>> -> memref<128x128xf32, #tpu.memory_space<vmem>>
      %dma_wait3A_126 = arith.constant 0 : i32
      %dma_wait3A_127 = tpu.memref_slice %arg5[%dma_wait3A_120, %dma_wait3A_126] : memref<6x128xi32, #tpu.memory_space<vmem>> -> memref<1x128xi32, #tpu.memory_space<vmem>>
      %dma_wait3A_128 = tpu.memref_squeeze %dma_wait3A_127 : memref<1x128xi32, #tpu.memory_space<vmem>> -> memref<128xi32, #tpu.memory_space<vmem>>
      %dma_wait3A_129 = arith.constant 0 : i32
      %dma_wait3A_130 = arith.constant 0 : i32
      %dma_wait3A_131 = tpu.memref_slice %arg2[%dma_wait3A_129, %dma_wait3A_130] : memref<10000x128xf32, #tpu.memory_space<hbm>> -> memref<10000x128xf32, #tpu.memory_space<hbm>>
      tpu.wait_indirect_dma semaphore(%arg7 : memref<!tpu.dma_semaphore, #tpu.memory_space<semaphore_mem>>) src(%dma_wait3A_131 : memref<10000x128xf32, #tpu.memory_space<hbm>>) dst(%dma_wait3A_125 : memref<128x128xf32, #tpu.memory_space<vmem>>)
      %dma_wait3A_132 = arith.constant 4 : i32
      %dma_wait3A_133 = arith.constant 4 : i32
      %dma_wait3A_134 = arith.constant 0 : i32
      %dma_wait3A_135 = arith.constant 0 : i32
      %dma_wait3A_136 = tpu.memref_slice %arg6[%dma_wait3A_133, %dma_wait3A_134, %dma_wait3A_135] : memref<6x128x128xf32, #tpu.memory_space<vmem>> -> memref<1x128x128xf32, #tpu.memory_space<vmem>>
      %dma_wait3A_137 = tpu.memref_squeeze %dma_wait3A_136 : memref<1x128x128xf32, #tpu.memory_space<vmem>> -> memref<128x128xf32, #tpu.memory_space<vmem>>
      %dma_wait3A_138 = arith.constant 0 : i32
      %dma_wait3A_139 = tpu.memref_slice %arg5[%dma_wait3A_132, %dma_wait3A_138] : memref<6x128xi32, #tpu.memory_space<vmem>> -> memref<1x128xi32, #tpu.memory_space<vmem>>
      %dma_wait3A_140 = tpu.memref_squeeze %dma_wait3A_139 : memref<1x128xi32, #tpu.memory_space<vmem>> -> memref<128xi32, #tpu.memory_space<vmem>>
      %dma_wait3A_141 = arith.constant 0 : i32
      %dma_wait3A_142 = arith.constant 0 : i32
      %dma_wait3A_143 = tpu.memref_slice %arg2[%dma_wait3A_141, %dma_wait3A_142] : memref<10000x128xf32, #tpu.memory_space<hbm>> -> memref<10000x128xf32, #tpu.memory_space<hbm>>
      tpu.wait_indirect_dma semaphore(%arg7 : memref<!tpu.dma_semaphore, #tpu.memory_space<semaphore_mem>>) src(%dma_wait3A_143 : memref<10000x128xf32, #tpu.memory_space<hbm>>) dst(%dma_wait3A_137 : memref<128x128xf32, #tpu.memory_space<vmem>>)
      %dma_wait3A_144 = arith.constant 5 : i32
      %dma_wait3A_145 = arith.constant 5 : i32
      %dma_wait3A_146 = arith.constant 0 : i32
      %dma_wait3A_147 = arith.constant 0 : i32
      %dma_wait3A_148 = tpu.memref_slice %arg6[%dma_wait3A_145, %dma_wait3A_146, %dma_wait3A_147] : memref<6x128x128xf32, #tpu.memory_space<vmem>> -> memref<1x128x128xf32, #tpu.memory_space<vmem>>
      %dma_wait3A_149 = tpu.memref_squeeze %dma_wait3A_148 : memref<1x128x128xf32, #tpu.memory_space<vmem>> -> memref<128x128xf32, #tpu.memory_space<vmem>>
      %dma_wait3A_150 = arith.constant 0 : i32
      %dma_wait3A_151 = tpu.memref_slice %arg5[%dma_wait3A_144, %dma_wait3A_150] : memref<6x128xi32, #tpu.memory_space<vmem>> -> memref<1x128xi32, #tpu.memory_space<vmem>>
      %dma_wait3A_152 = tpu.memref_squeeze %dma_wait3A_151 : memref<1x128xi32, #tpu.memory_space<vmem>> -> memref<128xi32, #tpu.memory_space<vmem>>
      %dma_wait3A_153 = arith.constant 0 : i32
      %dma_wait3A_154 = arith.constant 0 : i32
      %dma_wait3A_155 = tpu.memref_slice %arg2[%dma_wait3A_153, %dma_wait3A_154] : memref<10000x128xf32, #tpu.memory_space<hbm>> -> memref<10000x128xf32, #tpu.memory_space<hbm>>
      tpu.wait_indirect_dma semaphore(%arg7 : memref<!tpu.dma_semaphore, #tpu.memory_space<semaphore_mem>>) src(%dma_wait3A_155 : memref<10000x128xf32, #tpu.memory_space<hbm>>) dst(%dma_wait3A_149 : memref<128x128xf32, #tpu.memory_space<vmem>>)
      "tpu.region"() ({
        %run_scoped3A = tpu.sem_alloc : memref<!tpu.dma_semaphore, #tpu.memory_space<semaphore_mem>>
        %dma_start3A_156 = arith.constant 0 : i32
        %dma_start3A_157 = arith.constant 0 : i32
        %dma_start3A_158 = tpu.memref_slice %arg4[%add3A_13, %dma_start3A_156, %dma_start3A_157] : memref<2500x128x128xf32, #tpu.memory_space<hbm>> -> memref<6x128x128xf32, #tpu.memory_space<hbm>>
        %dma_start3A_159 = arith.constant 0 : i32
        %dma_start3A_160 = arith.constant 0 : i32
        %dma_start3A_161 = tpu.memref_slice %arg4[%add3A_13, %dma_start3A_159, %dma_start3A_160] : memref<2500x128x128xf32, #tpu.memory_space<hbm>> -> memref<6x128x128xf32, #tpu.memory_space<hbm>>
        tpu.enqueue_dma source(%arg6 : memref<6x128x128xf32, #tpu.memory_space<vmem>>) target(%dma_start3A_161 : memref<6x128x128xf32, #tpu.memory_space<hbm>>) target_semaphore(%run_scoped3A : memref<!tpu.dma_semaphore, #tpu.memory_space<semaphore_mem>>)
        %dma_wait3A_162 = arith.constant 0 : i32
        %dma_wait3A_163 = arith.constant 0 : i32
        %dma_wait3A_164 = tpu.memref_slice %arg4[%add3A_13, %dma_wait3A_162, %dma_wait3A_163] : memref<2500x128x128xf32, #tpu.memory_space<hbm>> -> memref<6x128x128xf32, #tpu.memory_space<hbm>>
        %dma_wait3A_165 = arith.constant 0 : i32
        %dma_wait3A_166 = arith.constant 0 : i32
        %dma_wait3A_167 = tpu.memref_slice %arg4[%add3A_13, %dma_wait3A_165, %dma_wait3A_166] : memref<2500x128x128xf32, #tpu.memory_space<hbm>> -> memref<6x128x128xf32, #tpu.memory_space<hbm>>
        tpu.wait_dma2 semaphore(%run_scoped3A : memref<!tpu.dma_semaphore, #tpu.memory_space<semaphore_mem>>) src(%arg6 : memref<6x128x128xf32, #tpu.memory_space<vmem>>) dst(%dma_wait3A_167 : memref<6x128x128xf32, #tpu.memory_space<hbm>>)
        tpu.yield
      }) : () -> ()
    }
    %scan3A_7 = arith.constant 13 : i32
    %lt3A = arith.constant 2 : i32
    %lt3A_8 = arith.cmpi slt, %arg1, %lt3A : i32
    %convert_element_type3A = arith.extui %lt3A_8 : i1 to i32
    %cond3A = arith.constant 0 : i32
    %cond3A_9 = arith.cmpi ne, %convert_element_type3A, %cond3A : i32
    scf.if %cond3A_9 {
      %mul3A_10 = arith.constant 1250 : i32
      %mul3A_11 = arith.muli %arg0, %mul3A_10 : i32
      %add3A_12 = arith.constant 1248 : i32
      %add3A_13 = arith.addi %mul3A_11, %add3A_12 : i32
      %add3A_14 = arith.addi %add3A_13, %arg1 : i32
      %run_scoped3A = arith.constant 0 : i32
      "tpu.region"() ({
        %run_scoped3A_38 = tpu.sem_alloc : memref<!tpu.dma_semaphore, #tpu.memory_space<semaphore_mem>>
        %dma_start3A_39 = arith.constant 0 : i32
        %dma_start3A_40 = tpu.memref_slice %arg5[%run_scoped3A, %dma_start3A_39] : memref<6x128xi32, #tpu.memory_space<vmem>> -> memref<1x128xi32, #tpu.memory_space<vmem>>
        %dma_start3A_41 = tpu.memref_squeeze %dma_start3A_40 : memref<1x128xi32, #tpu.memory_space<vmem>> -> memref<128xi32, #tpu.memory_space<vmem>>
        %dma_start3A_42 = arith.constant 0 : i32
        %dma_start3A_43 = tpu.memref_slice %arg3[%add3A_14, %dma_start3A_42] : memref<2500x128xi32, #tpu.memory_space<hbm>> -> memref<1x128xi32, #tpu.memory_space<hbm>>
        %dma_start3A_44 = tpu.memref_squeeze %dma_start3A_43 : memref<1x128xi32, #tpu.memory_space<hbm>> -> memref<128xi32, #tpu.memory_space<hbm>>
        %dma_start3A_45 = arith.constant 0 : i32
        %dma_start3A_46 = tpu.memref_slice %arg5[%run_scoped3A, %dma_start3A_45] : memref<6x128xi32, #tpu.memory_space<vmem>> -> memref<1x128xi32, #tpu.memory_space<vmem>>
        %dma_start3A_47 = tpu.memref_squeeze %dma_start3A_46 : memref<1x128xi32, #tpu.memory_space<vmem>> -> memref<128xi32, #tpu.memory_space<vmem>>
        %dma_start3A_48 = arith.constant 0 : i32
        %dma_start3A_49 = tpu.memref_slice %arg3[%add3A_14, %dma_start3A_48] : memref<2500x128xi32, #tpu.memory_space<hbm>> -> memref<1x128xi32, #tpu.memory_space<hbm>>
        %dma_start3A_50 = tpu.memref_squeeze %dma_start3A_49 : memref<1x128xi32, #tpu.memory_space<hbm>> -> memref<128xi32, #tpu.memory_space<hbm>>
        tpu.enqueue_dma source(%dma_start3A_50 : memref<128xi32, #tpu.memory_space<hbm>>) target(%dma_start3A_47 : memref<128xi32, #tpu.memory_space<vmem>>) target_semaphore(%run_scoped3A_38 : memref<!tpu.dma_semaphore, #tpu.memory_space<semaphore_mem>>)
        %dma_wait3A_51 = arith.constant 0 : i32
        %dma_wait3A_52 = tpu.memref_slice %arg5[%run_scoped3A, %dma_wait3A_51] : memref<6x128xi32, #tpu.memory_space<vmem>> -> memref<1x128xi32, #tpu.memory_space<vmem>>
        %dma_wait3A_53 = tpu.memref_squeeze %dma_wait3A_52 : memref<1x128xi32, #tpu.memory_space<vmem>> -> memref<128xi32, #tpu.memory_space<vmem>>
        %dma_wait3A_54 = arith.constant 0 : i32
        %dma_wait3A_55 = tpu.memref_slice %arg3[%add3A_14, %dma_wait3A_54] : memref<2500x128xi32, #tpu.memory_space<hbm>> -> memref<1x128xi32, #tpu.memory_space<hbm>>
        %dma_wait3A_56 = tpu.memref_squeeze %dma_wait3A_55 : memref<1x128xi32, #tpu.memory_space<hbm>> -> memref<128xi32, #tpu.memory_space<hbm>>
        %dma_wait3A_57 = arith.constant 0 : i32
        %dma_wait3A_58 = tpu.memref_slice %arg5[%run_scoped3A, %dma_wait3A_57] : memref<6x128xi32, #tpu.memory_space<vmem>> -> memref<1x128xi32, #tpu.memory_space<vmem>>
        %dma_wait3A_59 = tpu.memref_squeeze %dma_wait3A_58 : memref<1x128xi32, #tpu.memory_space<vmem>> -> memref<128xi32, #tpu.memory_space<vmem>>
        %dma_wait3A_60 = arith.constant 0 : i32
        %dma_wait3A_61 = tpu.memref_slice %arg3[%add3A_14, %dma_wait3A_60] : memref<2500x128xi32, #tpu.memory_space<hbm>> -> memref<1x128xi32, #tpu.memory_space<hbm>>
        %dma_wait3A_62 = tpu.memref_squeeze %dma_wait3A_61 : memref<1x128xi32, #tpu.memory_space<hbm>> -> memref<128xi32, #tpu.memory_space<hbm>>
        tpu.wait_dma2 semaphore(%run_scoped3A_38 : memref<!tpu.dma_semaphore, #tpu.memory_space<semaphore_mem>>) src(%dma_wait3A_62 : memref<128xi32, #tpu.memory_space<hbm>>) dst(%dma_wait3A_59 : memref<128xi32, #tpu.memory_space<vmem>>)
        tpu.yield
      }) : () -> ()
      %dma_start3A = arith.constant 0 : i32
      %dma_start3A_15 = arith.constant 0 : i32
      %dma_start3A_16 = arith.constant 0 : i32
      %dma_start3A_17 = arith.constant 0 : i32
      %dma_start3A_18 = tpu.memref_slice %arg6[%dma_start3A_15, %dma_start3A_16, %dma_start3A_17] : memref<6x128x128xf32, #tpu.memory_space<vmem>> -> memref<1x128x128xf32, #tpu.memory_space<vmem>>
      %dma_start3A_19 = tpu.memref_squeeze %dma_start3A_18 : memref<1x128x128xf32, #tpu.memory_space<vmem>> -> memref<128x128xf32, #tpu.memory_space<vmem>>
      %dma_start3A_20 = arith.constant 0 : i32
      %dma_start3A_21 = tpu.memref_slice %arg5[%dma_start3A, %dma_start3A_20] : memref<6x128xi32, #tpu.memory_space<vmem>> -> memref<1x128xi32, #tpu.memory_space<vmem>>
      %dma_start3A_22 = tpu.memref_squeeze %dma_start3A_21 : memref<1x128xi32, #tpu.memory_space<vmem>> -> memref<128xi32, #tpu.memory_space<vmem>>
      %dma_start3A_23 = arith.constant 0 : i32
      %dma_start3A_24 = arith.constant 0 : i32
      %dma_start3A_25 = tpu.memref_slice %arg2[%dma_start3A_23, %dma_start3A_24] : memref<10000x128xf32, #tpu.memory_space<hbm>> -> memref<10000x128xf32, #tpu.memory_space<hbm>>
      tpu.enqueue_indirect_dma source(%dma_start3A_25 : memref<10000x128xf32, #tpu.memory_space<hbm>>) target(%dma_start3A_19 : memref<128x128xf32, #tpu.memory_space<vmem>>) offsets(%dma_start3A_22 : memref<128xi32, #tpu.memory_space<vmem>>) semaphore(%arg7 : memref<!tpu.dma_semaphore, #tpu.memory_space<semaphore_mem>>)
      %dma_wait3A = arith.constant 0 : i32
      %dma_wait3A_26 = arith.constant 0 : i32
      %dma_wait3A_27 = arith.constant 0 : i32
      %dma_wait3A_28 = arith.constant 0 : i32
      %dma_wait3A_29 = tpu.memref_slice %arg6[%dma_wait3A_26, %dma_wait3A_27, %dma_wait3A_28] : memref<6x128x128xf32, #tpu.memory_space<vmem>> -> memref<1x128x128xf32, #tpu.memory_space<vmem>>
      %dma_wait3A_30 = tpu.memref_squeeze %dma_wait3A_29 : memref<1x128x128xf32, #tpu.memory_space<vmem>> -> memref<128x128xf32, #tpu.memory_space<vmem>>
      %dma_wait3A_31 = arith.constant 0 : i32
      %dma_wait3A_32 = tpu.memref_slice %arg5[%dma_wait3A, %dma_wait3A_31] : memref<6x128xi32, #tpu.memory_space<vmem>> -> memref<1x128xi32, #tpu.memory_space<vmem>>
      %dma_wait3A_33 = tpu.memref_squeeze %dma_wait3A_32 : memref<1x128xi32, #tpu.memory_space<vmem>> -> memref<128xi32, #tpu.memory_space<vmem>>
      %dma_wait3A_34 = arith.constant 0 : i32
      %dma_wait3A_35 = arith.constant 0 : i32
      %dma_wait3A_36 = tpu.memref_slice %arg2[%dma_wait3A_34, %dma_wait3A_35] : memref<10000x128xf32, #tpu.memory_space<hbm>> -> memref<10000x128xf32, #tpu.memory_space<hbm>>
      tpu.wait_indirect_dma semaphore(%arg7 : memref<!tpu.dma_semaphore, #tpu.memory_space<semaphore_mem>>) src(%dma_wait3A_36 : memref<10000x128xf32, #tpu.memory_space<hbm>>) dst(%dma_wait3A_30 : memref<128x128xf32, #tpu.memory_space<vmem>>)
      %run_scoped3A_37 = arith.constant 0 : i32
      "tpu.region"() ({
        %run_scoped3A_38 = tpu.sem_alloc : memref<!tpu.dma_semaphore, #tpu.memory_space<semaphore_mem>>
        %dma_start3A_39 = arith.constant 0 : i32
        %dma_start3A_40 = arith.constant 0 : i32
        %dma_start3A_41 = tpu.memref_slice %arg6[%run_scoped3A_37, %dma_start3A_39, %dma_start3A_40] : memref<6x128x128xf32, #tpu.memory_space<vmem>> -> memref<1x128x128xf32, #tpu.memory_space<vmem>>
        %dma_start3A_42 = tpu.memref_squeeze %dma_start3A_41 : memref<1x128x128xf32, #tpu.memory_space<vmem>> -> memref<128x128xf32, #tpu.memory_space<vmem>>
        %dma_start3A_43 = arith.constant 0 : i32
        %dma_start3A_44 = arith.constant 0 : i32
        %dma_start3A_45 = tpu.memref_slice %arg4[%add3A_14, %dma_start3A_43, %dma_start3A_44] : memref<2500x128x128xf32, #tpu.memory_space<hbm>> -> memref<1x128x128xf32, #tpu.memory_space<hbm>>
        %dma_start3A_46 = tpu.memref_squeeze %dma_start3A_45 : memref<1x128x128xf32, #tpu.memory_space<hbm>> -> memref<128x128xf32, #tpu.memory_space<hbm>>
        %dma_start3A_47 = arith.constant 0 : i32
        %dma_start3A_48 = arith.constant 0 : i32
        %dma_start3A_49 = tpu.memref_slice %arg4[%add3A_14, %dma_start3A_47, %dma_start3A_48] : memref<2500x128x128xf32, #tpu.memory_space<hbm>> -> memref<1x128x128xf32, #tpu.memory_space<hbm>>
        %dma_start3A_50 = tpu.memref_squeeze %dma_start3A_49 : memref<1x128x128xf32, #tpu.memory_space<hbm>> -> memref<128x128xf32, #tpu.memory_space<hbm>>
        %dma_start3A_51 = arith.constant 0 : i32
        %dma_start3A_52 = arith.constant 0 : i32
        %dma_start3A_53 = tpu.memref_slice %arg6[%run_scoped3A_37, %dma_start3A_51, %dma_start3A_52] : memref<6x128x128xf32, #tpu.memory_space<vmem>> -> memref<1x128x128xf32, #tpu.memory_space<vmem>>
        %dma_start3A_54 = tpu.memref_squeeze %dma_start3A_53 : memref<1x128x128xf32, #tpu.memory_space<vmem>> -> memref<128x128xf32, #tpu.memory_space<vmem>>
        tpu.enqueue_dma source(%dma_start3A_54 : memref<128x128xf32, #tpu.memory_space<vmem>>) target(%dma_start3A_50 : memref<128x128xf32, #tpu.memory_space<hbm>>) target_semaphore(%run_scoped3A_38 : memref<!tpu.dma_semaphore, #tpu.memory_space<semaphore_mem>>)
        %dma_wait3A_55 = arith.constant 0 : i32
        %dma_wait3A_56 = arith.constant 0 : i32
        %dma_wait3A_57 = tpu.memref_slice %arg6[%run_scoped3A_37, %dma_wait3A_55, %dma_wait3A_56] : memref<6x128x128xf32, #tpu.memory_space<vmem>> -> memref<1x128x128xf32, #tpu.memory_space<vmem>>
        %dma_wait3A_58 = tpu.memref_squeeze %dma_wait3A_57 : memref<1x128x128xf32, #tpu.memory_space<vmem>> -> memref<128x128xf32, #tpu.memory_space<vmem>>
        %dma_wait3A_59 = arith.constant 0 : i32
        %dma_wait3A_60 = arith.constant 0 : i32
        %dma_wait3A_61 = tpu.memref_slice %arg4[%add3A_14, %dma_wait3A_59, %dma_wait3A_60] : memref<2500x128x128xf32, #tpu.memory_space<hbm>> -> memref<1x128x128xf32, #tpu.memory_space<hbm>>
        %dma_wait3A_62 = tpu.memref_squeeze %dma_wait3A_61 : memref<1x128x128xf32, #tpu.memory_space<hbm>> -> memref<128x128xf32, #tpu.memory_space<hbm>>
        %dma_wait3A_63 = arith.constant 0 : i32
        %dma_wait3A_64 = arith.constant 0 : i32
        %dma_wait3A_65 = tpu.memref_slice %arg4[%add3A_14, %dma_wait3A_63, %dma_wait3A_64] : memref<2500x128x128xf32, #tpu.memory_space<hbm>> -> memref<1x128x128xf32, #tpu.memory_space<hbm>>
        %dma_wait3A_66 = tpu.memref_squeeze %dma_wait3A_65 : memref<1x128x128xf32, #tpu.memory_space<hbm>> -> memref<128x128xf32, #tpu.memory_space<hbm>>
        %dma_wait3A_67 = arith.constant 0 : i32
        %dma_wait3A_68 = arith.constant 0 : i32
        %dma_wait3A_69 = tpu.memref_slice %arg6[%run_scoped3A_37, %dma_wait3A_67, %dma_wait3A_68] : memref<6x128x128xf32, #tpu.memory_space<vmem>> -> memref<1x128x128xf32, #tpu.memory_space<vmem>>
        %dma_wait3A_70 = tpu.memref_squeeze %dma_wait3A_69 : memref<1x128x128xf32, #tpu.memory_space<vmem>> -> memref<128x128xf32, #tpu.memory_space<vmem>>
        tpu.wait_dma2 semaphore(%run_scoped3A_38 : memref<!tpu.dma_semaphore, #tpu.memory_space<semaphore_mem>>) src(%dma_wait3A_70 : memref<128x128xf32, #tpu.memory_space<vmem>>) dst(%dma_wait3A_66 : memref<128x128xf32, #tpu.memory_space<hbm>>)
        tpu.yield
      }) : () -> ()
    } else {
    }
    return
  }
}

#map = affine_map<(d0, d1) -> (0, 0)>
#map1 = affine_map<(d0, d1) -> (0, 0, 0)>
module attributes {stable_mosaic.version = 14 : i64} {
  func.func @k(%arg0: i32, %arg1: i32, %arg2: memref<10000x64xf32, #tpu.memory_space<hbm>>, %arg3: memref<2500x128xi32, #tpu.memory_space<hbm>>, %arg4: memref<2500x128xi32, #tpu.memory_space<hbm>>, %arg5: memref<10000x64xf32, #tpu.memory_space<hbm>>, %arg6: memref<2x10000x64xf32, #tpu.memory_space<hbm>>, %arg7: memref<10000x64xf32, #tpu.memory_space<vmem_shared>>, %arg8: memref<6x128xi32, #tpu.memory_space<vmem>>, %arg9: memref<6x128xi32, #tpu.memory_space<vmem>>, %arg10: memref<6x128x64xf32, #tpu.memory_space<vmem>>, %arg11: memref<!tpu.dma_semaphore, #tpu.memory_space<semaphore_mem>>, %arg12: memref<!tpu.dma_semaphore, #tpu.memory_space<semaphore_mem>>) attributes {dimension_semantics = [#tpu.dimension_semantics<core_parallel>, #tpu.dimension_semantics<subcore_parallel>], iteration_bounds = array<i64: 2, 16>, scalar_prefetch = 0 : i64, scratch_operands = 6 : i64, tpu.core_type = #tpu.core_type<sc_vector_subcore>, window_params = [{transform_indices = #map}, {transform_indices = #map}, {transform_indices = #map}, {transform_indices = #map}, {transform_indices = #map1}]} {
    %mul3A = arith.constant 1250 : i32
    %mul3A_0 = arith.muli %arg1, %mul3A : i32
    %jit3A = arith.constant 16 : i32
    %div3A = arith.divsi %mul3A_0, %jit3A : i32
    %sign3A = arith.constant 0 : i32
    %sign3A_1 = arith.cmpi sgt, %mul3A_0, %sign3A : i32
    %sign3A_2 = arith.extui %sign3A_1 : i1 to i32
    %sign3A_3 = arith.constant 0 : i32
    %sign3A_4 = arith.cmpi slt, %mul3A_0, %sign3A_3 : i32
    %sign3A_5 = arith.extui %sign3A_4 : i1 to i32
    %sign3A_6 = arith.subi %sign3A_2, %sign3A_5 : i32
    %sign3A_7 = arith.constant 0 : i32
    %sign3A_8 = arith.cmpi sgt, %jit3A, %sign3A_7 : i32
    %sign3A_9 = arith.extui %sign3A_8 : i1 to i32
    %sign3A_10 = arith.constant 0 : i32
    %sign3A_11 = arith.cmpi slt, %jit3A, %sign3A_10 : i32
    %sign3A_12 = arith.extui %sign3A_11 : i1 to i32
    %sign3A_13 = arith.subi %sign3A_9, %sign3A_12 : i32
    %ne3A = arith.cmpi ne, %sign3A_6, %sign3A_13 : i32
    %rem3A = arith.remsi %mul3A_0, %jit3A : i32
    %ne3A_14 = arith.constant 0 : i32
    %ne3A_15 = arith.cmpi ne, %rem3A, %ne3A_14 : i32
    %and3A = arith.andi %ne3A, %ne3A_15 : i1
    %sub3A = arith.constant 1 : i32
    %sub3A_16 = arith.subi %div3A, %sub3A : i32
    %select_n3A = arith.select %and3A, %sub3A_16, %div3A : i32
    %mul3A_17 = arith.constant 8 : i32
    %mul3A_18 = arith.muli %mul3A_17, %select_n3A : i32
    "tpu.region"() ({
      %run_scoped3A = tpu.sem_alloc : memref<!tpu.dma_semaphore, #tpu.memory_space<semaphore_mem>>
      %dma_start3A = arith.constant 0 : i32
      %dma_start3A_31 = tpu.memref_slice %arg7[%mul3A_18, %dma_start3A] : memref<10000x64xf32, #tpu.memory_space<vmem_shared>> -> memref<632x64xf32, #tpu.memory_space<vmem_shared>>
      %dma_start3A_32 = arith.constant 0 : i32
      %dma_start3A_33 = tpu.memref_slice %arg5[%mul3A_18, %dma_start3A_32] : memref<10000x64xf32, #tpu.memory_space<hbm>> -> memref<632x64xf32, #tpu.memory_space<hbm>>
      tpu.enqueue_dma source(%dma_start3A_33 : memref<632x64xf32, #tpu.memory_space<hbm>>) target(%dma_start3A_31 : memref<632x64xf32, #tpu.memory_space<vmem_shared>>) target_semaphore(%run_scoped3A : memref<!tpu.dma_semaphore, #tpu.memory_space<semaphore_mem>>)
      %dma_wait3A = arith.constant 0 : i32
      %dma_wait3A_34 = tpu.memref_slice %arg7[%mul3A_18, %dma_wait3A] : memref<10000x64xf32, #tpu.memory_space<vmem_shared>> -> memref<632x64xf32, #tpu.memory_space<vmem_shared>>
      %dma_wait3A_35 = arith.constant 0 : i32
      %dma_wait3A_36 = tpu.memref_slice %arg5[%mul3A_18, %dma_wait3A_35] : memref<10000x64xf32, #tpu.memory_space<hbm>> -> memref<632x64xf32, #tpu.memory_space<hbm>>
      tpu.wait_dma2 semaphore(%run_scoped3A : memref<!tpu.dma_semaphore, #tpu.memory_space<semaphore_mem>>) src(%dma_wait3A_36 : memref<632x64xf32, #tpu.memory_space<hbm>>) dst(%dma_wait3A_34 : memref<632x64xf32, #tpu.memory_space<vmem_shared>>)
      tpu.yield
    }) : () -> ()
    %barrier3A = arith.constant 0 : index
    tpu.barrier barrier_id(%barrier3A)
    %mul3A_19 = arith.constant 1250 : i32
    %mul3A_20 = arith.muli %arg0, %mul3A_19 : i32
    %mul3A_21 = arith.constant 78 : i32
    %mul3A_22 = arith.muli %arg1, %mul3A_21 : i32
    %add3A = arith.addi %mul3A_20, %mul3A_22 : i32
    %scan3A = arith.constant 0 : i32
    %scan3A_23 = arith.constant 0 : i32
    %scan3A_24 = arith.constant 13 : i32
    %scan3A_25 = arith.addi %scan3A_23, %scan3A_24 : i32
    %scan3A_26 = arith.constant 1 : i32
    scf.for %scan3A_31 = %scan3A_23 to %scan3A_25 step %scan3A_26  : i32 {
      %mul3A_32 = arith.constant 6 : i32
      %mul3A_33 = arith.muli %scan3A_31, %mul3A_32 : i32
      %add3A_34 = arith.addi %add3A, %mul3A_33 : i32
      "tpu.region"() ({
        %run_scoped3A = tpu.sem_alloc : memref<!tpu.dma_semaphore, #tpu.memory_space<semaphore_mem>>
        %dma_start3A_321 = arith.constant 0 : i32
        %dma_start3A_322 = tpu.memref_slice %arg3[%add3A_34, %dma_start3A_321] : memref<2500x128xi32, #tpu.memory_space<hbm>> -> memref<6x128xi32, #tpu.memory_space<hbm>>
        %dma_start3A_323 = arith.constant 0 : i32
        %dma_start3A_324 = tpu.memref_slice %arg3[%add3A_34, %dma_start3A_323] : memref<2500x128xi32, #tpu.memory_space<hbm>> -> memref<6x128xi32, #tpu.memory_space<hbm>>
        tpu.enqueue_dma source(%dma_start3A_324 : memref<6x128xi32, #tpu.memory_space<hbm>>) target(%arg8 : memref<6x128xi32, #tpu.memory_space<vmem>>) target_semaphore(%run_scoped3A : memref<!tpu.dma_semaphore, #tpu.memory_space<semaphore_mem>>)
        %dma_wait3A_325 = arith.constant 0 : i32
        %dma_wait3A_326 = tpu.memref_slice %arg3[%add3A_34, %dma_wait3A_325] : memref<2500x128xi32, #tpu.memory_space<hbm>> -> memref<6x128xi32, #tpu.memory_space<hbm>>
        %dma_wait3A_327 = arith.constant 0 : i32
        %dma_wait3A_328 = tpu.memref_slice %arg3[%add3A_34, %dma_wait3A_327] : memref<2500x128xi32, #tpu.memory_space<hbm>> -> memref<6x128xi32, #tpu.memory_space<hbm>>
        tpu.wait_dma2 semaphore(%run_scoped3A : memref<!tpu.dma_semaphore, #tpu.memory_space<semaphore_mem>>) src(%dma_wait3A_328 : memref<6x128xi32, #tpu.memory_space<hbm>>) dst(%arg8 : memref<6x128xi32, #tpu.memory_space<vmem>>)
        tpu.yield
      }) : () -> ()
      "tpu.region"() ({
        %run_scoped3A = tpu.sem_alloc : memref<!tpu.dma_semaphore, #tpu.memory_space<semaphore_mem>>
        %dma_start3A_321 = arith.constant 0 : i32
        %dma_start3A_322 = tpu.memref_slice %arg4[%add3A_34, %dma_start3A_321] : memref<2500x128xi32, #tpu.memory_space<hbm>> -> memref<6x128xi32, #tpu.memory_space<hbm>>
        %dma_start3A_323 = arith.constant 0 : i32
        %dma_start3A_324 = tpu.memref_slice %arg4[%add3A_34, %dma_start3A_323] : memref<2500x128xi32, #tpu.memory_space<hbm>> -> memref<6x128xi32, #tpu.memory_space<hbm>>
        tpu.enqueue_dma source(%dma_start3A_324 : memref<6x128xi32, #tpu.memory_space<hbm>>) target(%arg9 : memref<6x128xi32, #tpu.memory_space<vmem>>) target_semaphore(%run_scoped3A : memref<!tpu.dma_semaphore, #tpu.memory_space<semaphore_mem>>)
        %dma_wait3A_325 = arith.constant 0 : i32
        %dma_wait3A_326 = tpu.memref_slice %arg4[%add3A_34, %dma_wait3A_325] : memref<2500x128xi32, #tpu.memory_space<hbm>> -> memref<6x128xi32, #tpu.memory_space<hbm>>
        %dma_wait3A_327 = arith.constant 0 : i32
        %dma_wait3A_328 = tpu.memref_slice %arg4[%add3A_34, %dma_wait3A_327] : memref<2500x128xi32, #tpu.memory_space<hbm>> -> memref<6x128xi32, #tpu.memory_space<hbm>>
        tpu.wait_dma2 semaphore(%run_scoped3A : memref<!tpu.dma_semaphore, #tpu.memory_space<semaphore_mem>>) src(%dma_wait3A_328 : memref<6x128xi32, #tpu.memory_space<hbm>>) dst(%arg9 : memref<6x128xi32, #tpu.memory_space<vmem>>)
        tpu.yield
      }) : () -> ()
      %dma_start3A = arith.constant 0 : i32
      %dma_start3A_35 = arith.constant 0 : i32
      %dma_start3A_36 = arith.constant 0 : i32
      %dma_start3A_37 = arith.constant 0 : i32
      %dma_start3A_38 = tpu.memref_slice %arg10[%dma_start3A_35, %dma_start3A_36, %dma_start3A_37] : memref<6x128x64xf32, #tpu.memory_space<vmem>> -> memref<1x128x64xf32, #tpu.memory_space<vmem>>
      %dma_start3A_39 = tpu.memref_squeeze %dma_start3A_38 : memref<1x128x64xf32, #tpu.memory_space<vmem>> -> memref<128x64xf32, #tpu.memory_space<vmem>>
      %dma_start3A_40 = arith.constant 0 : i32
      %dma_start3A_41 = tpu.memref_slice %arg8[%dma_start3A, %dma_start3A_40] : memref<6x128xi32, #tpu.memory_space<vmem>> -> memref<1x128xi32, #tpu.memory_space<vmem>>
      %dma_start3A_42 = tpu.memref_squeeze %dma_start3A_41 : memref<1x128xi32, #tpu.memory_space<vmem>> -> memref<128xi32, #tpu.memory_space<vmem>>
      %dma_start3A_43 = arith.constant 0 : i32
      %dma_start3A_44 = arith.constant 0 : i32
      %dma_start3A_45 = tpu.memref_slice %arg2[%dma_start3A_43, %dma_start3A_44] : memref<10000x64xf32, #tpu.memory_space<hbm>> -> memref<10000x64xf32, #tpu.memory_space<hbm>>
      tpu.enqueue_indirect_dma source(%dma_start3A_45 : memref<10000x64xf32, #tpu.memory_space<hbm>>) target(%dma_start3A_39 : memref<128x64xf32, #tpu.memory_space<vmem>>) offsets(%dma_start3A_42 : memref<128xi32, #tpu.memory_space<vmem>>) semaphore(%arg11 : memref<!tpu.dma_semaphore, #tpu.memory_space<semaphore_mem>>)
      %dma_start3A_46 = arith.constant 1 : i32
      %dma_start3A_47 = arith.constant 1 : i32
      %dma_start3A_48 = arith.constant 0 : i32
      %dma_start3A_49 = arith.constant 0 : i32
      %dma_start3A_50 = tpu.memref_slice %arg10[%dma_start3A_47, %dma_start3A_48, %dma_start3A_49] : memref<6x128x64xf32, #tpu.memory_space<vmem>> -> memref<1x128x64xf32, #tpu.memory_space<vmem>>
      %dma_start3A_51 = tpu.memref_squeeze %dma_start3A_50 : memref<1x128x64xf32, #tpu.memory_space<vmem>> -> memref<128x64xf32, #tpu.memory_space<vmem>>
      %dma_start3A_52 = arith.constant 0 : i32
      %dma_start3A_53 = tpu.memref_slice %arg8[%dma_start3A_46, %dma_start3A_52] : memref<6x128xi32, #tpu.memory_space<vmem>> -> memref<1x128xi32, #tpu.memory_space<vmem>>
      %dma_start3A_54 = tpu.memref_squeeze %dma_start3A_53 : memref<1x128xi32, #tpu.memory_space<vmem>> -> memref<128xi32, #tpu.memory_space<vmem>>
      %dma_start3A_55 = arith.constant 0 : i32
      %dma_start3A_56 = arith.constant 0 : i32
      %dma_start3A_57 = tpu.memref_slice %arg2[%dma_start3A_55, %dma_start3A_56] : memref<10000x64xf32, #tpu.memory_space<hbm>> -> memref<10000x64xf32, #tpu.memory_space<hbm>>
      tpu.enqueue_indirect_dma source(%dma_start3A_57 : memref<10000x64xf32, #tpu.memory_space<hbm>>) target(%dma_start3A_51 : memref<128x64xf32, #tpu.memory_space<vmem>>) offsets(%dma_start3A_54 : memref<128xi32, #tpu.memory_space<vmem>>) semaphore(%arg11 : memref<!tpu.dma_semaphore, #tpu.memory_space<semaphore_mem>>)
      %dma_start3A_58 = arith.constant 2 : i32
      %dma_start3A_59 = arith.constant 2 : i32
      %dma_start3A_60 = arith.constant 0 : i32
      %dma_start3A_61 = arith.constant 0 : i32
      %dma_start3A_62 = tpu.memref_slice %arg10[%dma_start3A_59, %dma_start3A_60, %dma_start3A_61] : memref<6x128x64xf32, #tpu.memory_space<vmem>> -> memref<1x128x64xf32, #tpu.memory_space<vmem>>
      %dma_start3A_63 = tpu.memref_squeeze %dma_start3A_62 : memref<1x128x64xf32, #tpu.memory_space<vmem>> -> memref<128x64xf32, #tpu.memory_space<vmem>>
      %dma_start3A_64 = arith.constant 0 : i32
      %dma_start3A_65 = tpu.memref_slice %arg8[%dma_start3A_58, %dma_start3A_64] : memref<6x128xi32, #tpu.memory_space<vmem>> -> memref<1x128xi32, #tpu.memory_space<vmem>>
      %dma_start3A_66 = tpu.memref_squeeze %dma_start3A_65 : memref<1x128xi32, #tpu.memory_space<vmem>> -> memref<128xi32, #tpu.memory_space<vmem>>
      %dma_start3A_67 = arith.constant 0 : i32
      %dma_start3A_68 = arith.constant 0 : i32
      %dma_start3A_69 = tpu.memref_slice %arg2[%dma_start3A_67, %dma_start3A_68] : memref<10000x64xf32, #tpu.memory_space<hbm>> -> memref<10000x64xf32, #tpu.memory_space<hbm>>
      tpu.enqueue_indirect_dma source(%dma_start3A_69 : memref<10000x64xf32, #tpu.memory_space<hbm>>) target(%dma_start3A_63 : memref<128x64xf32, #tpu.memory_space<vmem>>) offsets(%dma_start3A_66 : memref<128xi32, #tpu.memory_space<vmem>>) semaphore(%arg11 : memref<!tpu.dma_semaphore, #tpu.memory_space<semaphore_mem>>)
      %dma_start3A_70 = arith.constant 3 : i32
      %dma_start3A_71 = arith.constant 3 : i32
      %dma_start3A_72 = arith.constant 0 : i32
      %dma_start3A_73 = arith.constant 0 : i32
      %dma_start3A_74 = tpu.memref_slice %arg10[%dma_start3A_71, %dma_start3A_72, %dma_start3A_73] : memref<6x128x64xf32, #tpu.memory_space<vmem>> -> memref<1x128x64xf32, #tpu.memory_space<vmem>>
      %dma_start3A_75 = tpu.memref_squeeze %dma_start3A_74 : memref<1x128x64xf32, #tpu.memory_space<vmem>> -> memref<128x64xf32, #tpu.memory_space<vmem>>
      %dma_start3A_76 = arith.constant 0 : i32
      %dma_start3A_77 = tpu.memref_slice %arg8[%dma_start3A_70, %dma_start3A_76] : memref<6x128xi32, #tpu.memory_space<vmem>> -> memref<1x128xi32, #tpu.memory_space<vmem>>
      %dma_start3A_78 = tpu.memref_squeeze %dma_start3A_77 : memref<1x128xi32, #tpu.memory_space<vmem>> -> memref<128xi32, #tpu.memory_space<vmem>>
      %dma_start3A_79 = arith.constant 0 : i32
      %dma_start3A_80 = arith.constant 0 : i32
      %dma_start3A_81 = tpu.memref_slice %arg2[%dma_start3A_79, %dma_start3A_80] : memref<10000x64xf32, #tpu.memory_space<hbm>> -> memref<10000x64xf32, #tpu.memory_space<hbm>>
      tpu.enqueue_indirect_dma source(%dma_start3A_81 : memref<10000x64xf32, #tpu.memory_space<hbm>>) target(%dma_start3A_75 : memref<128x64xf32, #tpu.memory_space<vmem>>) offsets(%dma_start3A_78 : memref<128xi32, #tpu.memory_space<vmem>>) semaphore(%arg11 : memref<!tpu.dma_semaphore, #tpu.memory_space<semaphore_mem>>)
      %dma_start3A_82 = arith.constant 4 : i32
      %dma_start3A_83 = arith.constant 4 : i32
      %dma_start3A_84 = arith.constant 0 : i32
      %dma_start3A_85 = arith.constant 0 : i32
      %dma_start3A_86 = tpu.memref_slice %arg10[%dma_start3A_83, %dma_start3A_84, %dma_start3A_85] : memref<6x128x64xf32, #tpu.memory_space<vmem>> -> memref<1x128x64xf32, #tpu.memory_space<vmem>>
      %dma_start3A_87 = tpu.memref_squeeze %dma_start3A_86 : memref<1x128x64xf32, #tpu.memory_space<vmem>> -> memref<128x64xf32, #tpu.memory_space<vmem>>
      %dma_start3A_88 = arith.constant 0 : i32
      %dma_start3A_89 = tpu.memref_slice %arg8[%dma_start3A_82, %dma_start3A_88] : memref<6x128xi32, #tpu.memory_space<vmem>> -> memref<1x128xi32, #tpu.memory_space<vmem>>
      %dma_start3A_90 = tpu.memref_squeeze %dma_start3A_89 : memref<1x128xi32, #tpu.memory_space<vmem>> -> memref<128xi32, #tpu.memory_space<vmem>>
      %dma_start3A_91 = arith.constant 0 : i32
      %dma_start3A_92 = arith.constant 0 : i32
      %dma_start3A_93 = tpu.memref_slice %arg2[%dma_start3A_91, %dma_start3A_92] : memref<10000x64xf32, #tpu.memory_space<hbm>> -> memref<10000x64xf32, #tpu.memory_space<hbm>>
      tpu.enqueue_indirect_dma source(%dma_start3A_93 : memref<10000x64xf32, #tpu.memory_space<hbm>>) target(%dma_start3A_87 : memref<128x64xf32, #tpu.memory_space<vmem>>) offsets(%dma_start3A_90 : memref<128xi32, #tpu.memory_space<vmem>>) semaphore(%arg11 : memref<!tpu.dma_semaphore, #tpu.memory_space<semaphore_mem>>)
      %dma_start3A_94 = arith.constant 5 : i32
      %dma_start3A_95 = arith.constant 5 : i32
      %dma_start3A_96 = arith.constant 0 : i32
      %dma_start3A_97 = arith.constant 0 : i32
      %dma_start3A_98 = tpu.memref_slice %arg10[%dma_start3A_95, %dma_start3A_96, %dma_start3A_97] : memref<6x128x64xf32, #tpu.memory_space<vmem>> -> memref<1x128x64xf32, #tpu.memory_space<vmem>>
      %dma_start3A_99 = tpu.memref_squeeze %dma_start3A_98 : memref<1x128x64xf32, #tpu.memory_space<vmem>> -> memref<128x64xf32, #tpu.memory_space<vmem>>
      %dma_start3A_100 = arith.constant 0 : i32
      %dma_start3A_101 = tpu.memref_slice %arg8[%dma_start3A_94, %dma_start3A_100] : memref<6x128xi32, #tpu.memory_space<vmem>> -> memref<1x128xi32, #tpu.memory_space<vmem>>
      %dma_start3A_102 = tpu.memref_squeeze %dma_start3A_101 : memref<1x128xi32, #tpu.memory_space<vmem>> -> memref<128xi32, #tpu.memory_space<vmem>>
      %dma_start3A_103 = arith.constant 0 : i32
      %dma_start3A_104 = arith.constant 0 : i32
      %dma_start3A_105 = tpu.memref_slice %arg2[%dma_start3A_103, %dma_start3A_104] : memref<10000x64xf32, #tpu.memory_space<hbm>> -> memref<10000x64xf32, #tpu.memory_space<hbm>>
      tpu.enqueue_indirect_dma source(%dma_start3A_105 : memref<10000x64xf32, #tpu.memory_space<hbm>>) target(%dma_start3A_99 : memref<128x64xf32, #tpu.memory_space<vmem>>) offsets(%dma_start3A_102 : memref<128xi32, #tpu.memory_space<vmem>>) semaphore(%arg11 : memref<!tpu.dma_semaphore, #tpu.memory_space<semaphore_mem>>)
      %dma_wait3A = arith.constant 0 : i32
      %dma_wait3A_106 = arith.constant 0 : i32
      %dma_wait3A_107 = arith.constant 0 : i32
      %dma_wait3A_108 = arith.constant 0 : i32
      %dma_wait3A_109 = tpu.memref_slice %arg10[%dma_wait3A_106, %dma_wait3A_107, %dma_wait3A_108] : memref<6x128x64xf32, #tpu.memory_space<vmem>> -> memref<1x128x64xf32, #tpu.memory_space<vmem>>
      %dma_wait3A_110 = tpu.memref_squeeze %dma_wait3A_109 : memref<1x128x64xf32, #tpu.memory_space<vmem>> -> memref<128x64xf32, #tpu.memory_space<vmem>>
      %dma_wait3A_111 = arith.constant 0 : i32
      %dma_wait3A_112 = tpu.memref_slice %arg8[%dma_wait3A, %dma_wait3A_111] : memref<6x128xi32, #tpu.memory_space<vmem>> -> memref<1x128xi32, #tpu.memory_space<vmem>>
      %dma_wait3A_113 = tpu.memref_squeeze %dma_wait3A_112 : memref<1x128xi32, #tpu.memory_space<vmem>> -> memref<128xi32, #tpu.memory_space<vmem>>
      %dma_wait3A_114 = arith.constant 0 : i32
      %dma_wait3A_115 = arith.constant 0 : i32
      %dma_wait3A_116 = tpu.memref_slice %arg2[%dma_wait3A_114, %dma_wait3A_115] : memref<10000x64xf32, #tpu.memory_space<hbm>> -> memref<10000x64xf32, #tpu.memory_space<hbm>>
      tpu.wait_indirect_dma semaphore(%arg11 : memref<!tpu.dma_semaphore, #tpu.memory_space<semaphore_mem>>) src(%dma_wait3A_116 : memref<10000x64xf32, #tpu.memory_space<hbm>>) dst(%dma_wait3A_110 : memref<128x64xf32, #tpu.memory_space<vmem>>)
      %dma_start3A_117 = arith.constant 0 : i32
      %dma_start3A_118 = arith.constant 0 : i32
      %dma_start3A_119 = arith.constant 0 : i32
      %dma_start3A_120 = arith.constant 0 : i32
      %dma_start3A_121 = tpu.memref_slice %arg10[%dma_start3A_117, %dma_start3A_119, %dma_start3A_120] : memref<6x128x64xf32, #tpu.memory_space<vmem>> -> memref<1x128x64xf32, #tpu.memory_space<vmem>>
      %dma_start3A_122 = tpu.memref_squeeze %dma_start3A_121 : memref<1x128x64xf32, #tpu.memory_space<vmem>> -> memref<128x64xf32, #tpu.memory_space<vmem>>
      %dma_start3A_123 = arith.constant 0 : i32
      %dma_start3A_124 = tpu.memref_slice %arg9[%dma_start3A_118, %dma_start3A_123] : memref<6x128xi32, #tpu.memory_space<vmem>> -> memref<1x128xi32, #tpu.memory_space<vmem>>
      %dma_start3A_125 = tpu.memref_squeeze %dma_start3A_124 : memref<1x128xi32, #tpu.memory_space<vmem>> -> memref<128xi32, #tpu.memory_space<vmem>>
      %dma_start3A_126 = arith.constant 0 : i32
      %dma_start3A_127 = arith.constant 0 : i32
      %dma_start3A_128 = tpu.memref_slice %arg7[%dma_start3A_126, %dma_start3A_127] : memref<10000x64xf32, #tpu.memory_space<vmem_shared>> -> memref<10000x64xf32, #tpu.memory_space<vmem_shared>>
      tpu.enqueue_indirect_dma source(%dma_start3A_122 : memref<128x64xf32, #tpu.memory_space<vmem>>) target(%dma_start3A_128 : memref<10000x64xf32, #tpu.memory_space<vmem_shared>>) offsets(%dma_start3A_125 : memref<128xi32, #tpu.memory_space<vmem>>) semaphore(%arg12 : memref<!tpu.dma_semaphore, #tpu.memory_space<semaphore_mem>>) {add = true}
      %dma_wait3A_129 = arith.constant 1 : i32
      %dma_wait3A_130 = arith.constant 1 : i32
      %dma_wait3A_131 = arith.constant 0 : i32
      %dma_wait3A_132 = arith.constant 0 : i32
      %dma_wait3A_133 = tpu.memref_slice %arg10[%dma_wait3A_130, %dma_wait3A_131, %dma_wait3A_132] : memref<6x128x64xf32, #tpu.memory_space<vmem>> -> memref<1x128x64xf32, #tpu.memory_space<vmem>>
      %dma_wait3A_134 = tpu.memref_squeeze %dma_wait3A_133 : memref<1x128x64xf32, #tpu.memory_space<vmem>> -> memref<128x64xf32, #tpu.memory_space<vmem>>
      %dma_wait3A_135 = arith.constant 0 : i32
      %dma_wait3A_136 = tpu.memref_slice %arg8[%dma_wait3A_129, %dma_wait3A_135] : memref<6x128xi32, #tpu.memory_space<vmem>> -> memref<1x128xi32, #tpu.memory_space<vmem>>
      %dma_wait3A_137 = tpu.memref_squeeze %dma_wait3A_136 : memref<1x128xi32, #tpu.memory_space<vmem>> -> memref<128xi32, #tpu.memory_space<vmem>>
      %dma_wait3A_138 = arith.constant 0 : i32
      %dma_wait3A_139 = arith.constant 0 : i32
      %dma_wait3A_140 = tpu.memref_slice %arg2[%dma_wait3A_138, %dma_wait3A_139] : memref<10000x64xf32, #tpu.memory_space<hbm>> -> memref<10000x64xf32, #tpu.memory_space<hbm>>
      tpu.wait_indirect_dma semaphore(%arg11 : memref<!tpu.dma_semaphore, #tpu.memory_space<semaphore_mem>>) src(%dma_wait3A_140 : memref<10000x64xf32, #tpu.memory_space<hbm>>) dst(%dma_wait3A_134 : memref<128x64xf32, #tpu.memory_space<vmem>>)
      %dma_start3A_141 = arith.constant 1 : i32
      %dma_start3A_142 = arith.constant 1 : i32
      %dma_start3A_143 = arith.constant 0 : i32
      %dma_start3A_144 = arith.constant 0 : i32
      %dma_start3A_145 = tpu.memref_slice %arg10[%dma_start3A_141, %dma_start3A_143, %dma_start3A_144] : memref<6x128x64xf32, #tpu.memory_space<vmem>> -> memref<1x128x64xf32, #tpu.memory_space<vmem>>
      %dma_start3A_146 = tpu.memref_squeeze %dma_start3A_145 : memref<1x128x64xf32, #tpu.memory_space<vmem>> -> memref<128x64xf32, #tpu.memory_space<vmem>>
      %dma_start3A_147 = arith.constant 0 : i32
      %dma_start3A_148 = tpu.memref_slice %arg9[%dma_start3A_142, %dma_start3A_147] : memref<6x128xi32, #tpu.memory_space<vmem>> -> memref<1x128xi32, #tpu.memory_space<vmem>>
      %dma_start3A_149 = tpu.memref_squeeze %dma_start3A_148 : memref<1x128xi32, #tpu.memory_space<vmem>> -> memref<128xi32, #tpu.memory_space<vmem>>
      %dma_start3A_150 = arith.constant 0 : i32
      %dma_start3A_151 = arith.constant 0 : i32
      %dma_start3A_152 = tpu.memref_slice %arg7[%dma_start3A_150, %dma_start3A_151] : memref<10000x64xf32, #tpu.memory_space<vmem_shared>> -> memref<10000x64xf32, #tpu.memory_space<vmem_shared>>
      tpu.enqueue_indirect_dma source(%dma_start3A_146 : memref<128x64xf32, #tpu.memory_space<vmem>>) target(%dma_start3A_152 : memref<10000x64xf32, #tpu.memory_space<vmem_shared>>) offsets(%dma_start3A_149 : memref<128xi32, #tpu.memory_space<vmem>>) semaphore(%arg12 : memref<!tpu.dma_semaphore, #tpu.memory_space<semaphore_mem>>) {add = true}
      %dma_wait3A_153 = arith.constant 2 : i32
      %dma_wait3A_154 = arith.constant 2 : i32
      %dma_wait3A_155 = arith.constant 0 : i32
      %dma_wait3A_156 = arith.constant 0 : i32
      %dma_wait3A_157 = tpu.memref_slice %arg10[%dma_wait3A_154, %dma_wait3A_155, %dma_wait3A_156] : memref<6x128x64xf32, #tpu.memory_space<vmem>> -> memref<1x128x64xf32, #tpu.memory_space<vmem>>
      %dma_wait3A_158 = tpu.memref_squeeze %dma_wait3A_157 : memref<1x128x64xf32, #tpu.memory_space<vmem>> -> memref<128x64xf32, #tpu.memory_space<vmem>>
      %dma_wait3A_159 = arith.constant 0 : i32
      %dma_wait3A_160 = tpu.memref_slice %arg8[%dma_wait3A_153, %dma_wait3A_159] : memref<6x128xi32, #tpu.memory_space<vmem>> -> memref<1x128xi32, #tpu.memory_space<vmem>>
      %dma_wait3A_161 = tpu.memref_squeeze %dma_wait3A_160 : memref<1x128xi32, #tpu.memory_space<vmem>> -> memref<128xi32, #tpu.memory_space<vmem>>
      %dma_wait3A_162 = arith.constant 0 : i32
      %dma_wait3A_163 = arith.constant 0 : i32
      %dma_wait3A_164 = tpu.memref_slice %arg2[%dma_wait3A_162, %dma_wait3A_163] : memref<10000x64xf32, #tpu.memory_space<hbm>> -> memref<10000x64xf32, #tpu.memory_space<hbm>>
      tpu.wait_indirect_dma semaphore(%arg11 : memref<!tpu.dma_semaphore, #tpu.memory_space<semaphore_mem>>) src(%dma_wait3A_164 : memref<10000x64xf32, #tpu.memory_space<hbm>>) dst(%dma_wait3A_158 : memref<128x64xf32, #tpu.memory_space<vmem>>)
      %dma_start3A_165 = arith.constant 2 : i32
      %dma_start3A_166 = arith.constant 2 : i32
      %dma_start3A_167 = arith.constant 0 : i32
      %dma_start3A_168 = arith.constant 0 : i32
      %dma_start3A_169 = tpu.memref_slice %arg10[%dma_start3A_165, %dma_start3A_167, %dma_start3A_168] : memref<6x128x64xf32, #tpu.memory_space<vmem>> -> memref<1x128x64xf32, #tpu.memory_space<vmem>>
      %dma_start3A_170 = tpu.memref_squeeze %dma_start3A_169 : memref<1x128x64xf32, #tpu.memory_space<vmem>> -> memref<128x64xf32, #tpu.memory_space<vmem>>
      %dma_start3A_171 = arith.constant 0 : i32
      %dma_start3A_172 = tpu.memref_slice %arg9[%dma_start3A_166, %dma_start3A_171] : memref<6x128xi32, #tpu.memory_space<vmem>> -> memref<1x128xi32, #tpu.memory_space<vmem>>
      %dma_start3A_173 = tpu.memref_squeeze %dma_start3A_172 : memref<1x128xi32, #tpu.memory_space<vmem>> -> memref<128xi32, #tpu.memory_space<vmem>>
      %dma_start3A_174 = arith.constant 0 : i32
      %dma_start3A_175 = arith.constant 0 : i32
      %dma_start3A_176 = tpu.memref_slice %arg7[%dma_start3A_174, %dma_start3A_175] : memref<10000x64xf32, #tpu.memory_space<vmem_shared>> -> memref<10000x64xf32, #tpu.memory_space<vmem_shared>>
      tpu.enqueue_indirect_dma source(%dma_start3A_170 : memref<128x64xf32, #tpu.memory_space<vmem>>) target(%dma_start3A_176 : memref<10000x64xf32, #tpu.memory_space<vmem_shared>>) offsets(%dma_start3A_173 : memref<128xi32, #tpu.memory_space<vmem>>) semaphore(%arg12 : memref<!tpu.dma_semaphore, #tpu.memory_space<semaphore_mem>>) {add = true}
      %dma_wait3A_177 = arith.constant 3 : i32
      %dma_wait3A_178 = arith.constant 3 : i32
      %dma_wait3A_179 = arith.constant 0 : i32
      %dma_wait3A_180 = arith.constant 0 : i32
      %dma_wait3A_181 = tpu.memref_slice %arg10[%dma_wait3A_178, %dma_wait3A_179, %dma_wait3A_180] : memref<6x128x64xf32, #tpu.memory_space<vmem>> -> memref<1x128x64xf32, #tpu.memory_space<vmem>>
      %dma_wait3A_182 = tpu.memref_squeeze %dma_wait3A_181 : memref<1x128x64xf32, #tpu.memory_space<vmem>> -> memref<128x64xf32, #tpu.memory_space<vmem>>
      %dma_wait3A_183 = arith.constant 0 : i32
      %dma_wait3A_184 = tpu.memref_slice %arg8[%dma_wait3A_177, %dma_wait3A_183] : memref<6x128xi32, #tpu.memory_space<vmem>> -> memref<1x128xi32, #tpu.memory_space<vmem>>
      %dma_wait3A_185 = tpu.memref_squeeze %dma_wait3A_184 : memref<1x128xi32, #tpu.memory_space<vmem>> -> memref<128xi32, #tpu.memory_space<vmem>>
      %dma_wait3A_186 = arith.constant 0 : i32
      %dma_wait3A_187 = arith.constant 0 : i32
      %dma_wait3A_188 = tpu.memref_slice %arg2[%dma_wait3A_186, %dma_wait3A_187] : memref<10000x64xf32, #tpu.memory_space<hbm>> -> memref<10000x64xf32, #tpu.memory_space<hbm>>
      tpu.wait_indirect_dma semaphore(%arg11 : memref<!tpu.dma_semaphore, #tpu.memory_space<semaphore_mem>>) src(%dma_wait3A_188 : memref<10000x64xf32, #tpu.memory_space<hbm>>) dst(%dma_wait3A_182 : memref<128x64xf32, #tpu.memory_space<vmem>>)
      %dma_start3A_189 = arith.constant 3 : i32
      %dma_start3A_190 = arith.constant 3 : i32
      %dma_start3A_191 = arith.constant 0 : i32
      %dma_start3A_192 = arith.constant 0 : i32
      %dma_start3A_193 = tpu.memref_slice %arg10[%dma_start3A_189, %dma_start3A_191, %dma_start3A_192] : memref<6x128x64xf32, #tpu.memory_space<vmem>> -> memref<1x128x64xf32, #tpu.memory_space<vmem>>
      %dma_start3A_194 = tpu.memref_squeeze %dma_start3A_193 : memref<1x128x64xf32, #tpu.memory_space<vmem>> -> memref<128x64xf32, #tpu.memory_space<vmem>>
      %dma_start3A_195 = arith.constant 0 : i32
      %dma_start3A_196 = tpu.memref_slice %arg9[%dma_start3A_190, %dma_start3A_195] : memref<6x128xi32, #tpu.memory_space<vmem>> -> memref<1x128xi32, #tpu.memory_space<vmem>>
      %dma_start3A_197 = tpu.memref_squeeze %dma_start3A_196 : memref<1x128xi32, #tpu.memory_space<vmem>> -> memref<128xi32, #tpu.memory_space<vmem>>
      %dma_start3A_198 = arith.constant 0 : i32
      %dma_start3A_199 = arith.constant 0 : i32
      %dma_start3A_200 = tpu.memref_slice %arg7[%dma_start3A_198, %dma_start3A_199] : memref<10000x64xf32, #tpu.memory_space<vmem_shared>> -> memref<10000x64xf32, #tpu.memory_space<vmem_shared>>
      tpu.enqueue_indirect_dma source(%dma_start3A_194 : memref<128x64xf32, #tpu.memory_space<vmem>>) target(%dma_start3A_200 : memref<10000x64xf32, #tpu.memory_space<vmem_shared>>) offsets(%dma_start3A_197 : memref<128xi32, #tpu.memory_space<vmem>>) semaphore(%arg12 : memref<!tpu.dma_semaphore, #tpu.memory_space<semaphore_mem>>) {add = true}
      %dma_wait3A_201 = arith.constant 4 : i32
      %dma_wait3A_202 = arith.constant 4 : i32
      %dma_wait3A_203 = arith.constant 0 : i32
      %dma_wait3A_204 = arith.constant 0 : i32
      %dma_wait3A_205 = tpu.memref_slice %arg10[%dma_wait3A_202, %dma_wait3A_203, %dma_wait3A_204] : memref<6x128x64xf32, #tpu.memory_space<vmem>> -> memref<1x128x64xf32, #tpu.memory_space<vmem>>
      %dma_wait3A_206 = tpu.memref_squeeze %dma_wait3A_205 : memref<1x128x64xf32, #tpu.memory_space<vmem>> -> memref<128x64xf32, #tpu.memory_space<vmem>>
      %dma_wait3A_207 = arith.constant 0 : i32
      %dma_wait3A_208 = tpu.memref_slice %arg8[%dma_wait3A_201, %dma_wait3A_207] : memref<6x128xi32, #tpu.memory_space<vmem>> -> memref<1x128xi32, #tpu.memory_space<vmem>>
      %dma_wait3A_209 = tpu.memref_squeeze %dma_wait3A_208 : memref<1x128xi32, #tpu.memory_space<vmem>> -> memref<128xi32, #tpu.memory_space<vmem>>
      %dma_wait3A_210 = arith.constant 0 : i32
      %dma_wait3A_211 = arith.constant 0 : i32
      %dma_wait3A_212 = tpu.memref_slice %arg2[%dma_wait3A_210, %dma_wait3A_211] : memref<10000x64xf32, #tpu.memory_space<hbm>> -> memref<10000x64xf32, #tpu.memory_space<hbm>>
      tpu.wait_indirect_dma semaphore(%arg11 : memref<!tpu.dma_semaphore, #tpu.memory_space<semaphore_mem>>) src(%dma_wait3A_212 : memref<10000x64xf32, #tpu.memory_space<hbm>>) dst(%dma_wait3A_206 : memref<128x64xf32, #tpu.memory_space<vmem>>)
      %dma_start3A_213 = arith.constant 4 : i32
      %dma_start3A_214 = arith.constant 4 : i32
      %dma_start3A_215 = arith.constant 0 : i32
      %dma_start3A_216 = arith.constant 0 : i32
      %dma_start3A_217 = tpu.memref_slice %arg10[%dma_start3A_213, %dma_start3A_215, %dma_start3A_216] : memref<6x128x64xf32, #tpu.memory_space<vmem>> -> memref<1x128x64xf32, #tpu.memory_space<vmem>>
      %dma_start3A_218 = tpu.memref_squeeze %dma_start3A_217 : memref<1x128x64xf32, #tpu.memory_space<vmem>> -> memref<128x64xf32, #tpu.memory_space<vmem>>
      %dma_start3A_219 = arith.constant 0 : i32
      %dma_start3A_220 = tpu.memref_slice %arg9[%dma_start3A_214, %dma_start3A_219] : memref<6x128xi32, #tpu.memory_space<vmem>> -> memref<1x128xi32, #tpu.memory_space<vmem>>
      %dma_start3A_221 = tpu.memref_squeeze %dma_start3A_220 : memref<1x128xi32, #tpu.memory_space<vmem>> -> memref<128xi32, #tpu.memory_space<vmem>>
      %dma_start3A_222 = arith.constant 0 : i32
      %dma_start3A_223 = arith.constant 0 : i32
      %dma_start3A_224 = tpu.memref_slice %arg7[%dma_start3A_222, %dma_start3A_223] : memref<10000x64xf32, #tpu.memory_space<vmem_shared>> -> memref<10000x64xf32, #tpu.memory_space<vmem_shared>>
      tpu.enqueue_indirect_dma source(%dma_start3A_218 : memref<128x64xf32, #tpu.memory_space<vmem>>) target(%dma_start3A_224 : memref<10000x64xf32, #tpu.memory_space<vmem_shared>>) offsets(%dma_start3A_221 : memref<128xi32, #tpu.memory_space<vmem>>) semaphore(%arg12 : memref<!tpu.dma_semaphore, #tpu.memory_space<semaphore_mem>>) {add = true}
      %dma_wait3A_225 = arith.constant 5 : i32
      %dma_wait3A_226 = arith.constant 5 : i32
      %dma_wait3A_227 = arith.constant 0 : i32
      %dma_wait3A_228 = arith.constant 0 : i32
      %dma_wait3A_229 = tpu.memref_slice %arg10[%dma_wait3A_226, %dma_wait3A_227, %dma_wait3A_228] : memref<6x128x64xf32, #tpu.memory_space<vmem>> -> memref<1x128x64xf32, #tpu.memory_space<vmem>>
      %dma_wait3A_230 = tpu.memref_squeeze %dma_wait3A_229 : memref<1x128x64xf32, #tpu.memory_space<vmem>> -> memref<128x64xf32, #tpu.memory_space<vmem>>
      %dma_wait3A_231 = arith.constant 0 : i32
      %dma_wait3A_232 = tpu.memref_slice %arg8[%dma_wait3A_225, %dma_wait3A_231] : memref<6x128xi32, #tpu.memory_space<vmem>> -> memref<1x128xi32, #tpu.memory_space<vmem>>
      %dma_wait3A_233 = tpu.memref_squeeze %dma_wait3A_232 : memref<1x128xi32, #tpu.memory_space<vmem>> -> memref<128xi32, #tpu.memory_space<vmem>>
      %dma_wait3A_234 = arith.constant 0 : i32
      %dma_wait3A_235 = arith.constant 0 : i32
      %dma_wait3A_236 = tpu.memref_slice %arg2[%dma_wait3A_234, %dma_wait3A_235] : memref<10000x64xf32, #tpu.memory_space<hbm>> -> memref<10000x64xf32, #tpu.memory_space<hbm>>
      tpu.wait_indirect_dma semaphore(%arg11 : memref<!tpu.dma_semaphore, #tpu.memory_space<semaphore_mem>>) src(%dma_wait3A_236 : memref<10000x64xf32, #tpu.memory_space<hbm>>) dst(%dma_wait3A_230 : memref<128x64xf32, #tpu.memory_space<vmem>>)
      %dma_start3A_237 = arith.constant 5 : i32
      %dma_start3A_238 = arith.constant 5 : i32
      %dma_start3A_239 = arith.constant 0 : i32
      %dma_start3A_240 = arith.constant 0 : i32
      %dma_start3A_241 = tpu.memref_slice %arg10[%dma_start3A_237, %dma_start3A_239, %dma_start3A_240] : memref<6x128x64xf32, #tpu.memory_space<vmem>> -> memref<1x128x64xf32, #tpu.memory_space<vmem>>
      %dma_start3A_242 = tpu.memref_squeeze %dma_start3A_241 : memref<1x128x64xf32, #tpu.memory_space<vmem>> -> memref<128x64xf32, #tpu.memory_space<vmem>>
      %dma_start3A_243 = arith.constant 0 : i32
      %dma_start3A_244 = tpu.memref_slice %arg9[%dma_start3A_238, %dma_start3A_243] : memref<6x128xi32, #tpu.memory_space<vmem>> -> memref<1x128xi32, #tpu.memory_space<vmem>>
      %dma_start3A_245 = tpu.memref_squeeze %dma_start3A_244 : memref<1x128xi32, #tpu.memory_space<vmem>> -> memref<128xi32, #tpu.memory_space<vmem>>
      %dma_start3A_246 = arith.constant 0 : i32
      %dma_start3A_247 = arith.constant 0 : i32
      %dma_start3A_248 = tpu.memref_slice %arg7[%dma_start3A_246, %dma_start3A_247] : memref<10000x64xf32, #tpu.memory_space<vmem_shared>> -> memref<10000x64xf32, #tpu.memory_space<vmem_shared>>
      tpu.enqueue_indirect_dma source(%dma_start3A_242 : memref<128x64xf32, #tpu.memory_space<vmem>>) target(%dma_start3A_248 : memref<10000x64xf32, #tpu.memory_space<vmem_shared>>) offsets(%dma_start3A_245 : memref<128xi32, #tpu.memory_space<vmem>>) semaphore(%arg12 : memref<!tpu.dma_semaphore, #tpu.memory_space<semaphore_mem>>) {add = true}
      %dma_wait3A_249 = arith.constant 0 : i32
      %dma_wait3A_250 = arith.constant 0 : i32
      %dma_wait3A_251 = arith.constant 0 : i32
      %dma_wait3A_252 = arith.constant 0 : i32
      %dma_wait3A_253 = tpu.memref_slice %arg10[%dma_wait3A_249, %dma_wait3A_251, %dma_wait3A_252] : memref<6x128x64xf32, #tpu.memory_space<vmem>> -> memref<1x128x64xf32, #tpu.memory_space<vmem>>
      %dma_wait3A_254 = tpu.memref_squeeze %dma_wait3A_253 : memref<1x128x64xf32, #tpu.memory_space<vmem>> -> memref<128x64xf32, #tpu.memory_space<vmem>>
      %dma_wait3A_255 = arith.constant 0 : i32
      %dma_wait3A_256 = tpu.memref_slice %arg9[%dma_wait3A_250, %dma_wait3A_255] : memref<6x128xi32, #tpu.memory_space<vmem>> -> memref<1x128xi32, #tpu.memory_space<vmem>>
      %dma_wait3A_257 = tpu.memref_squeeze %dma_wait3A_256 : memref<1x128xi32, #tpu.memory_space<vmem>> -> memref<128xi32, #tpu.memory_space<vmem>>
      %dma_wait3A_258 = arith.constant 0 : i32
      %dma_wait3A_259 = arith.constant 0 : i32
      %dma_wait3A_260 = tpu.memref_slice %arg7[%dma_wait3A_258, %dma_wait3A_259] : memref<10000x64xf32, #tpu.memory_space<vmem_shared>> -> memref<10000x64xf32, #tpu.memory_space<vmem_shared>>
      tpu.wait_indirect_dma semaphore(%arg12 : memref<!tpu.dma_semaphore, #tpu.memory_space<semaphore_mem>>) src(%dma_wait3A_254 : memref<128x64xf32, #tpu.memory_space<vmem>>) dst(%dma_wait3A_260 : memref<10000x64xf32, #tpu.memory_space<vmem_shared>>)
      %dma_wait3A_261 = arith.constant 1 : i32
      %dma_wait3A_262 = arith.constant 1 : i32
      %dma_wait3A_263 = arith.constant 0 : i32
      %dma_wait3A_264 = arith.constant 0 : i32
      %dma_wait3A_265 = tpu.memref_slice %arg10[%dma_wait3A_261, %dma_wait3A_263, %dma_wait3A_264] : memref<6x128x64xf32, #tpu.memory_space<vmem>> -> memref<1x128x64xf32, #tpu.memory_space<vmem>>
      %dma_wait3A_266 = tpu.memref_squeeze %dma_wait3A_265 : memref<1x128x64xf32, #tpu.memory_space<vmem>> -> memref<128x64xf32, #tpu.memory_space<vmem>>
      %dma_wait3A_267 = arith.constant 0 : i32
      %dma_wait3A_268 = tpu.memref_slice %arg9[%dma_wait3A_262, %dma_wait3A_267] : memref<6x128xi32, #tpu.memory_space<vmem>> -> memref<1x128xi32, #tpu.memory_space<vmem>>
      %dma_wait3A_269 = tpu.memref_squeeze %dma_wait3A_268 : memref<1x128xi32, #tpu.memory_space<vmem>> -> memref<128xi32, #tpu.memory_space<vmem>>
      %dma_wait3A_270 = arith.constant 0 : i32
      %dma_wait3A_271 = arith.constant 0 : i32
      %dma_wait3A_272 = tpu.memref_slice %arg7[%dma_wait3A_270, %dma_wait3A_271] : memref<10000x64xf32, #tpu.memory_space<vmem_shared>> -> memref<10000x64xf32, #tpu.memory_space<vmem_shared>>
      tpu.wait_indirect_dma semaphore(%arg12 : memref<!tpu.dma_semaphore, #tpu.memory_space<semaphore_mem>>) src(%dma_wait3A_266 : memref<128x64xf32, #tpu.memory_space<vmem>>) dst(%dma_wait3A_272 : memref<10000x64xf32, #tpu.memory_space<vmem_shared>>)
      %dma_wait3A_273 = arith.constant 2 : i32
      %dma_wait3A_274 = arith.constant 2 : i32
      %dma_wait3A_275 = arith.constant 0 : i32
      %dma_wait3A_276 = arith.constant 0 : i32
      %dma_wait3A_277 = tpu.memref_slice %arg10[%dma_wait3A_273, %dma_wait3A_275, %dma_wait3A_276] : memref<6x128x64xf32, #tpu.memory_space<vmem>> -> memref<1x128x64xf32, #tpu.memory_space<vmem>>
      %dma_wait3A_278 = tpu.memref_squeeze %dma_wait3A_277 : memref<1x128x64xf32, #tpu.memory_space<vmem>> -> memref<128x64xf32, #tpu.memory_space<vmem>>
      %dma_wait3A_279 = arith.constant 0 : i32
      %dma_wait3A_280 = tpu.memref_slice %arg9[%dma_wait3A_274, %dma_wait3A_279] : memref<6x128xi32, #tpu.memory_space<vmem>> -> memref<1x128xi32, #tpu.memory_space<vmem>>
      %dma_wait3A_281 = tpu.memref_squeeze %dma_wait3A_280 : memref<1x128xi32, #tpu.memory_space<vmem>> -> memref<128xi32, #tpu.memory_space<vmem>>
      %dma_wait3A_282 = arith.constant 0 : i32
      %dma_wait3A_283 = arith.constant 0 : i32
      %dma_wait3A_284 = tpu.memref_slice %arg7[%dma_wait3A_282, %dma_wait3A_283] : memref<10000x64xf32, #tpu.memory_space<vmem_shared>> -> memref<10000x64xf32, #tpu.memory_space<vmem_shared>>
      tpu.wait_indirect_dma semaphore(%arg12 : memref<!tpu.dma_semaphore, #tpu.memory_space<semaphore_mem>>) src(%dma_wait3A_278 : memref<128x64xf32, #tpu.memory_space<vmem>>) dst(%dma_wait3A_284 : memref<10000x64xf32, #tpu.memory_space<vmem_shared>>)
      %dma_wait3A_285 = arith.constant 3 : i32
      %dma_wait3A_286 = arith.constant 3 : i32
      %dma_wait3A_287 = arith.constant 0 : i32
      %dma_wait3A_288 = arith.constant 0 : i32
      %dma_wait3A_289 = tpu.memref_slice %arg10[%dma_wait3A_285, %dma_wait3A_287, %dma_wait3A_288] : memref<6x128x64xf32, #tpu.memory_space<vmem>> -> memref<1x128x64xf32, #tpu.memory_space<vmem>>
      %dma_wait3A_290 = tpu.memref_squeeze %dma_wait3A_289 : memref<1x128x64xf32, #tpu.memory_space<vmem>> -> memref<128x64xf32, #tpu.memory_space<vmem>>
      %dma_wait3A_291 = arith.constant 0 : i32
      %dma_wait3A_292 = tpu.memref_slice %arg9[%dma_wait3A_286, %dma_wait3A_291] : memref<6x128xi32, #tpu.memory_space<vmem>> -> memref<1x128xi32, #tpu.memory_space<vmem>>
      %dma_wait3A_293 = tpu.memref_squeeze %dma_wait3A_292 : memref<1x128xi32, #tpu.memory_space<vmem>> -> memref<128xi32, #tpu.memory_space<vmem>>
      %dma_wait3A_294 = arith.constant 0 : i32
      %dma_wait3A_295 = arith.constant 0 : i32
      %dma_wait3A_296 = tpu.memref_slice %arg7[%dma_wait3A_294, %dma_wait3A_295] : memref<10000x64xf32, #tpu.memory_space<vmem_shared>> -> memref<10000x64xf32, #tpu.memory_space<vmem_shared>>
      tpu.wait_indirect_dma semaphore(%arg12 : memref<!tpu.dma_semaphore, #tpu.memory_space<semaphore_mem>>) src(%dma_wait3A_290 : memref<128x64xf32, #tpu.memory_space<vmem>>) dst(%dma_wait3A_296 : memref<10000x64xf32, #tpu.memory_space<vmem_shared>>)
      %dma_wait3A_297 = arith.constant 4 : i32
      %dma_wait3A_298 = arith.constant 4 : i32
      %dma_wait3A_299 = arith.constant 0 : i32
      %dma_wait3A_300 = arith.constant 0 : i32
      %dma_wait3A_301 = tpu.memref_slice %arg10[%dma_wait3A_297, %dma_wait3A_299, %dma_wait3A_300] : memref<6x128x64xf32, #tpu.memory_space<vmem>> -> memref<1x128x64xf32, #tpu.memory_space<vmem>>
      %dma_wait3A_302 = tpu.memref_squeeze %dma_wait3A_301 : memref<1x128x64xf32, #tpu.memory_space<vmem>> -> memref<128x64xf32, #tpu.memory_space<vmem>>
      %dma_wait3A_303 = arith.constant 0 : i32
      %dma_wait3A_304 = tpu.memref_slice %arg9[%dma_wait3A_298, %dma_wait3A_303] : memref<6x128xi32, #tpu.memory_space<vmem>> -> memref<1x128xi32, #tpu.memory_space<vmem>>
      %dma_wait3A_305 = tpu.memref_squeeze %dma_wait3A_304 : memref<1x128xi32, #tpu.memory_space<vmem>> -> memref<128xi32, #tpu.memory_space<vmem>>
      %dma_wait3A_306 = arith.constant 0 : i32
      %dma_wait3A_307 = arith.constant 0 : i32
      %dma_wait3A_308 = tpu.memref_slice %arg7[%dma_wait3A_306, %dma_wait3A_307] : memref<10000x64xf32, #tpu.memory_space<vmem_shared>> -> memref<10000x64xf32, #tpu.memory_space<vmem_shared>>
      tpu.wait_indirect_dma semaphore(%arg12 : memref<!tpu.dma_semaphore, #tpu.memory_space<semaphore_mem>>) src(%dma_wait3A_302 : memref<128x64xf32, #tpu.memory_space<vmem>>) dst(%dma_wait3A_308 : memref<10000x64xf32, #tpu.memory_space<vmem_shared>>)
      %dma_wait3A_309 = arith.constant 5 : i32
      %dma_wait3A_310 = arith.constant 5 : i32
      %dma_wait3A_311 = arith.constant 0 : i32
      %dma_wait3A_312 = arith.constant 0 : i32
      %dma_wait3A_313 = tpu.memref_slice %arg10[%dma_wait3A_309, %dma_wait3A_311, %dma_wait3A_312] : memref<6x128x64xf32, #tpu.memory_space<vmem>> -> memref<1x128x64xf32, #tpu.memory_space<vmem>>
      %dma_wait3A_314 = tpu.memref_squeeze %dma_wait3A_313 : memref<1x128x64xf32, #tpu.memory_space<vmem>> -> memref<128x64xf32, #tpu.memory_space<vmem>>
      %dma_wait3A_315 = arith.constant 0 : i32
      %dma_wait3A_316 = tpu.memref_slice %arg9[%dma_wait3A_310, %dma_wait3A_315] : memref<6x128xi32, #tpu.memory_space<vmem>> -> memref<1x128xi32, #tpu.memory_space<vmem>>
      %dma_wait3A_317 = tpu.memref_squeeze %dma_wait3A_316 : memref<1x128xi32, #tpu.memory_space<vmem>> -> memref<128xi32, #tpu.memory_space<vmem>>
      %dma_wait3A_318 = arith.constant 0 : i32
      %dma_wait3A_319 = arith.constant 0 : i32
      %dma_wait3A_320 = tpu.memref_slice %arg7[%dma_wait3A_318, %dma_wait3A_319] : memref<10000x64xf32, #tpu.memory_space<vmem_shared>> -> memref<10000x64xf32, #tpu.memory_space<vmem_shared>>
      tpu.wait_indirect_dma semaphore(%arg12 : memref<!tpu.dma_semaphore, #tpu.memory_space<semaphore_mem>>) src(%dma_wait3A_314 : memref<128x64xf32, #tpu.memory_space<vmem>>) dst(%dma_wait3A_320 : memref<10000x64xf32, #tpu.memory_space<vmem_shared>>)
    }
    %scan3A_27 = arith.constant 13 : i32
    %lt3A = arith.constant 2 : i32
    %lt3A_28 = arith.cmpi slt, %arg1, %lt3A : i32
    %convert_element_type3A = arith.extui %lt3A_28 : i1 to i32
    %cond3A = arith.constant 0 : i32
    %cond3A_29 = arith.cmpi ne, %convert_element_type3A, %cond3A : i32
    scf.if %cond3A_29 {
      %mul3A_31 = arith.constant 1250 : i32
      %mul3A_32 = arith.muli %arg0, %mul3A_31 : i32
      %add3A_33 = arith.constant 1248 : i32
      %add3A_34 = arith.addi %mul3A_32, %add3A_33 : i32
      %add3A_35 = arith.addi %add3A_34, %arg1 : i32
      %run_scoped3A = arith.constant 0 : i32
      "tpu.region"() ({
        %run_scoped3A_83 = tpu.sem_alloc : memref<!tpu.dma_semaphore, #tpu.memory_space<semaphore_mem>>
        %dma_start3A_84 = arith.constant 0 : i32
        %dma_start3A_85 = tpu.memref_slice %arg8[%run_scoped3A, %dma_start3A_84] : memref<6x128xi32, #tpu.memory_space<vmem>> -> memref<1x128xi32, #tpu.memory_space<vmem>>
        %dma_start3A_86 = tpu.memref_squeeze %dma_start3A_85 : memref<1x128xi32, #tpu.memory_space<vmem>> -> memref<128xi32, #tpu.memory_space<vmem>>
        %dma_start3A_87 = arith.constant 0 : i32
        %dma_start3A_88 = tpu.memref_slice %arg3[%add3A_35, %dma_start3A_87] : memref<2500x128xi32, #tpu.memory_space<hbm>> -> memref<1x128xi32, #tpu.memory_space<hbm>>
        %dma_start3A_89 = tpu.memref_squeeze %dma_start3A_88 : memref<1x128xi32, #tpu.memory_space<hbm>> -> memref<128xi32, #tpu.memory_space<hbm>>
        %dma_start3A_90 = arith.constant 0 : i32
        %dma_start3A_91 = tpu.memref_slice %arg8[%run_scoped3A, %dma_start3A_90] : memref<6x128xi32, #tpu.memory_space<vmem>> -> memref<1x128xi32, #tpu.memory_space<vmem>>
        %dma_start3A_92 = tpu.memref_squeeze %dma_start3A_91 : memref<1x128xi32, #tpu.memory_space<vmem>> -> memref<128xi32, #tpu.memory_space<vmem>>
        %dma_start3A_93 = arith.constant 0 : i32
        %dma_start3A_94 = tpu.memref_slice %arg3[%add3A_35, %dma_start3A_93] : memref<2500x128xi32, #tpu.memory_space<hbm>> -> memref<1x128xi32, #tpu.memory_space<hbm>>
        %dma_start3A_95 = tpu.memref_squeeze %dma_start3A_94 : memref<1x128xi32, #tpu.memory_space<hbm>> -> memref<128xi32, #tpu.memory_space<hbm>>
        tpu.enqueue_dma source(%dma_start3A_95 : memref<128xi32, #tpu.memory_space<hbm>>) target(%dma_start3A_92 : memref<128xi32, #tpu.memory_space<vmem>>) target_semaphore(%run_scoped3A_83 : memref<!tpu.dma_semaphore, #tpu.memory_space<semaphore_mem>>)
        %dma_wait3A_96 = arith.constant 0 : i32
        %dma_wait3A_97 = tpu.memref_slice %arg8[%run_scoped3A, %dma_wait3A_96] : memref<6x128xi32, #tpu.memory_space<vmem>> -> memref<1x128xi32, #tpu.memory_space<vmem>>
        %dma_wait3A_98 = tpu.memref_squeeze %dma_wait3A_97 : memref<1x128xi32, #tpu.memory_space<vmem>> -> memref<128xi32, #tpu.memory_space<vmem>>
        %dma_wait3A_99 = arith.constant 0 : i32
        %dma_wait3A_100 = tpu.memref_slice %arg3[%add3A_35, %dma_wait3A_99] : memref<2500x128xi32, #tpu.memory_space<hbm>> -> memref<1x128xi32, #tpu.memory_space<hbm>>
        %dma_wait3A_101 = tpu.memref_squeeze %dma_wait3A_100 : memref<1x128xi32, #tpu.memory_space<hbm>> -> memref<128xi32, #tpu.memory_space<hbm>>
        %dma_wait3A_102 = arith.constant 0 : i32
        %dma_wait3A_103 = tpu.memref_slice %arg8[%run_scoped3A, %dma_wait3A_102] : memref<6x128xi32, #tpu.memory_space<vmem>> -> memref<1x128xi32, #tpu.memory_space<vmem>>
        %dma_wait3A_104 = tpu.memref_squeeze %dma_wait3A_103 : memref<1x128xi32, #tpu.memory_space<vmem>> -> memref<128xi32, #tpu.memory_space<vmem>>
        %dma_wait3A_105 = arith.constant 0 : i32
        %dma_wait3A_106 = tpu.memref_slice %arg3[%add3A_35, %dma_wait3A_105] : memref<2500x128xi32, #tpu.memory_space<hbm>> -> memref<1x128xi32, #tpu.memory_space<hbm>>
        %dma_wait3A_107 = tpu.memref_squeeze %dma_wait3A_106 : memref<1x128xi32, #tpu.memory_space<hbm>> -> memref<128xi32, #tpu.memory_space<hbm>>
        tpu.wait_dma2 semaphore(%run_scoped3A_83 : memref<!tpu.dma_semaphore, #tpu.memory_space<semaphore_mem>>) src(%dma_wait3A_107 : memref<128xi32, #tpu.memory_space<hbm>>) dst(%dma_wait3A_104 : memref<128xi32, #tpu.memory_space<vmem>>)
        tpu.yield
      }) : () -> ()
      %run_scoped3A_36 = arith.constant 0 : i32
      "tpu.region"() ({
        %run_scoped3A_83 = tpu.sem_alloc : memref<!tpu.dma_semaphore, #tpu.memory_space<semaphore_mem>>
        %dma_start3A_84 = arith.constant 0 : i32
        %dma_start3A_85 = tpu.memref_slice %arg9[%run_scoped3A_36, %dma_start3A_84] : memref<6x128xi32, #tpu.memory_space<vmem>> -> memref<1x128xi32, #tpu.memory_space<vmem>>
        %dma_start3A_86 = tpu.memref_squeeze %dma_start3A_85 : memref<1x128xi32, #tpu.memory_space<vmem>> -> memref<128xi32, #tpu.memory_space<vmem>>
        %dma_start3A_87 = arith.constant 0 : i32
        %dma_start3A_88 = tpu.memref_slice %arg4[%add3A_35, %dma_start3A_87] : memref<2500x128xi32, #tpu.memory_space<hbm>> -> memref<1x128xi32, #tpu.memory_space<hbm>>
        %dma_start3A_89 = tpu.memref_squeeze %dma_start3A_88 : memref<1x128xi32, #tpu.memory_space<hbm>> -> memref<128xi32, #tpu.memory_space<hbm>>
        %dma_start3A_90 = arith.constant 0 : i32
        %dma_start3A_91 = tpu.memref_slice %arg9[%run_scoped3A_36, %dma_start3A_90] : memref<6x128xi32, #tpu.memory_space<vmem>> -> memref<1x128xi32, #tpu.memory_space<vmem>>
        %dma_start3A_92 = tpu.memref_squeeze %dma_start3A_91 : memref<1x128xi32, #tpu.memory_space<vmem>> -> memref<128xi32, #tpu.memory_space<vmem>>
        %dma_start3A_93 = arith.constant 0 : i32
        %dma_start3A_94 = tpu.memref_slice %arg4[%add3A_35, %dma_start3A_93] : memref<2500x128xi32, #tpu.memory_space<hbm>> -> memref<1x128xi32, #tpu.memory_space<hbm>>
        %dma_start3A_95 = tpu.memref_squeeze %dma_start3A_94 : memref<1x128xi32, #tpu.memory_space<hbm>> -> memref<128xi32, #tpu.memory_space<hbm>>
        tpu.enqueue_dma source(%dma_start3A_95 : memref<128xi32, #tpu.memory_space<hbm>>) target(%dma_start3A_92 : memref<128xi32, #tpu.memory_space<vmem>>) target_semaphore(%run_scoped3A_83 : memref<!tpu.dma_semaphore, #tpu.memory_space<semaphore_mem>>)
        %dma_wait3A_96 = arith.constant 0 : i32
        %dma_wait3A_97 = tpu.memref_slice %arg9[%run_scoped3A_36, %dma_wait3A_96] : memref<6x128xi32, #tpu.memory_space<vmem>> -> memref<1x128xi32, #tpu.memory_space<vmem>>
        %dma_wait3A_98 = tpu.memref_squeeze %dma_wait3A_97 : memref<1x128xi32, #tpu.memory_space<vmem>> -> memref<128xi32, #tpu.memory_space<vmem>>
        %dma_wait3A_99 = arith.constant 0 : i32
        %dma_wait3A_100 = tpu.memref_slice %arg4[%add3A_35, %dma_wait3A_99] : memref<2500x128xi32, #tpu.memory_space<hbm>> -> memref<1x128xi32, #tpu.memory_space<hbm>>
        %dma_wait3A_101 = tpu.memref_squeeze %dma_wait3A_100 : memref<1x128xi32, #tpu.memory_space<hbm>> -> memref<128xi32, #tpu.memory_space<hbm>>
        %dma_wait3A_102 = arith.constant 0 : i32
        %dma_wait3A_103 = tpu.memref_slice %arg9[%run_scoped3A_36, %dma_wait3A_102] : memref<6x128xi32, #tpu.memory_space<vmem>> -> memref<1x128xi32, #tpu.memory_space<vmem>>
        %dma_wait3A_104 = tpu.memref_squeeze %dma_wait3A_103 : memref<1x128xi32, #tpu.memory_space<vmem>> -> memref<128xi32, #tpu.memory_space<vmem>>
        %dma_wait3A_105 = arith.constant 0 : i32
        %dma_wait3A_106 = tpu.memref_slice %arg4[%add3A_35, %dma_wait3A_105] : memref<2500x128xi32, #tpu.memory_space<hbm>> -> memref<1x128xi32, #tpu.memory_space<hbm>>
        %dma_wait3A_107 = tpu.memref_squeeze %dma_wait3A_106 : memref<1x128xi32, #tpu.memory_space<hbm>> -> memref<128xi32, #tpu.memory_space<hbm>>
        tpu.wait_dma2 semaphore(%run_scoped3A_83 : memref<!tpu.dma_semaphore, #tpu.memory_space<semaphore_mem>>) src(%dma_wait3A_107 : memref<128xi32, #tpu.memory_space<hbm>>) dst(%dma_wait3A_104 : memref<128xi32, #tpu.memory_space<vmem>>)
        tpu.yield
      }) : () -> ()
      %dma_start3A = arith.constant 0 : i32
      %dma_start3A_37 = arith.constant 0 : i32
      %dma_start3A_38 = arith.constant 0 : i32
      %dma_start3A_39 = arith.constant 0 : i32
      %dma_start3A_40 = tpu.memref_slice %arg10[%dma_start3A_37, %dma_start3A_38, %dma_start3A_39] : memref<6x128x64xf32, #tpu.memory_space<vmem>> -> memref<1x128x64xf32, #tpu.memory_space<vmem>>
      %dma_start3A_41 = tpu.memref_squeeze %dma_start3A_40 : memref<1x128x64xf32, #tpu.memory_space<vmem>> -> memref<128x64xf32, #tpu.memory_space<vmem>>
      %dma_start3A_42 = arith.constant 0 : i32
      %dma_start3A_43 = tpu.memref_slice %arg8[%dma_start3A, %dma_start3A_42] : memref<6x128xi32, #tpu.memory_space<vmem>> -> memref<1x128xi32, #tpu.memory_space<vmem>>
      %dma_start3A_44 = tpu.memref_squeeze %dma_start3A_43 : memref<1x128xi32, #tpu.memory_space<vmem>> -> memref<128xi32, #tpu.memory_space<vmem>>
      %dma_start3A_45 = arith.constant 0 : i32
      %dma_start3A_46 = arith.constant 0 : i32
      %dma_start3A_47 = tpu.memref_slice %arg2[%dma_start3A_45, %dma_start3A_46] : memref<10000x64xf32, #tpu.memory_space<hbm>> -> memref<10000x64xf32, #tpu.memory_space<hbm>>
      tpu.enqueue_indirect_dma source(%dma_start3A_47 : memref<10000x64xf32, #tpu.memory_space<hbm>>) target(%dma_start3A_41 : memref<128x64xf32, #tpu.memory_space<vmem>>) offsets(%dma_start3A_44 : memref<128xi32, #tpu.memory_space<vmem>>) semaphore(%arg11 : memref<!tpu.dma_semaphore, #tpu.memory_space<semaphore_mem>>)
      %dma_wait3A = arith.constant 0 : i32
      %dma_wait3A_48 = arith.constant 0 : i32
      %dma_wait3A_49 = arith.constant 0 : i32
      %dma_wait3A_50 = arith.constant 0 : i32
      %dma_wait3A_51 = tpu.memref_slice %arg10[%dma_wait3A_48, %dma_wait3A_49, %dma_wait3A_50] : memref<6x128x64xf32, #tpu.memory_space<vmem>> -> memref<1x128x64xf32, #tpu.memory_space<vmem>>
      %dma_wait3A_52 = tpu.memref_squeeze %dma_wait3A_51 : memref<1x128x64xf32, #tpu.memory_space<vmem>> -> memref<128x64xf32, #tpu.memory_space<vmem>>
      %dma_wait3A_53 = arith.constant 0 : i32
      %dma_wait3A_54 = tpu.memref_slice %arg8[%dma_wait3A, %dma_wait3A_53] : memref<6x128xi32, #tpu.memory_space<vmem>> -> memref<1x128xi32, #tpu.memory_space<vmem>>
      %dma_wait3A_55 = tpu.memref_squeeze %dma_wait3A_54 : memref<1x128xi32, #tpu.memory_space<vmem>> -> memref<128xi32, #tpu.memory_space<vmem>>
      %dma_wait3A_56 = arith.constant 0 : i32
      %dma_wait3A_57 = arith.constant 0 : i32
      %dma_wait3A_58 = tpu.memref_slice %arg2[%dma_wait3A_56, %dma_wait3A_57] : memref<10000x64xf32, #tpu.memory_space<hbm>> -> memref<10000x64xf32, #tpu.memory_space<hbm>>
      tpu.wait_indirect_dma semaphore(%arg11 : memref<!tpu.dma_semaphore, #tpu.memory_space<semaphore_mem>>) src(%dma_wait3A_58 : memref<10000x64xf32, #tpu.memory_space<hbm>>) dst(%dma_wait3A_52 : memref<128x64xf32, #tpu.memory_space<vmem>>)
      %dma_start3A_59 = arith.constant 0 : i32
      %dma_start3A_60 = arith.constant 0 : i32
      %dma_start3A_61 = arith.constant 0 : i32
      %dma_start3A_62 = arith.constant 0 : i32
      %dma_start3A_63 = tpu.memref_slice %arg10[%dma_start3A_59, %dma_start3A_61, %dma_start3A_62] : memref<6x128x64xf32, #tpu.memory_space<vmem>> -> memref<1x128x64xf32, #tpu.memory_space<vmem>>
      %dma_start3A_64 = tpu.memref_squeeze %dma_start3A_63 : memref<1x128x64xf32, #tpu.memory_space<vmem>> -> memref<128x64xf32, #tpu.memory_space<vmem>>
      %dma_start3A_65 = arith.constant 0 : i32
      %dma_start3A_66 = tpu.memref_slice %arg9[%dma_start3A_60, %dma_start3A_65] : memref<6x128xi32, #tpu.memory_space<vmem>> -> memref<1x128xi32, #tpu.memory_space<vmem>>
      %dma_start3A_67 = tpu.memref_squeeze %dma_start3A_66 : memref<1x128xi32, #tpu.memory_space<vmem>> -> memref<128xi32, #tpu.memory_space<vmem>>
      %dma_start3A_68 = arith.constant 0 : i32
      %dma_start3A_69 = arith.constant 0 : i32
      %dma_start3A_70 = tpu.memref_slice %arg7[%dma_start3A_68, %dma_start3A_69] : memref<10000x64xf32, #tpu.memory_space<vmem_shared>> -> memref<10000x64xf32, #tpu.memory_space<vmem_shared>>
      tpu.enqueue_indirect_dma source(%dma_start3A_64 : memref<128x64xf32, #tpu.memory_space<vmem>>) target(%dma_start3A_70 : memref<10000x64xf32, #tpu.memory_space<vmem_shared>>) offsets(%dma_start3A_67 : memref<128xi32, #tpu.memory_space<vmem>>) semaphore(%arg12 : memref<!tpu.dma_semaphore, #tpu.memory_space<semaphore_mem>>) {add = true}
      %dma_wait3A_71 = arith.constant 0 : i32
      %dma_wait3A_72 = arith.constant 0 : i32
      %dma_wait3A_73 = arith.constant 0 : i32
      %dma_wait3A_74 = arith.constant 0 : i32
      %dma_wait3A_75 = tpu.memref_slice %arg10[%dma_wait3A_71, %dma_wait3A_73, %dma_wait3A_74] : memref<6x128x64xf32, #tpu.memory_space<vmem>> -> memref<1x128x64xf32, #tpu.memory_space<vmem>>
      %dma_wait3A_76 = tpu.memref_squeeze %dma_wait3A_75 : memref<1x128x64xf32, #tpu.memory_space<vmem>> -> memref<128x64xf32, #tpu.memory_space<vmem>>
      %dma_wait3A_77 = arith.constant 0 : i32
      %dma_wait3A_78 = tpu.memref_slice %arg9[%dma_wait3A_72, %dma_wait3A_77] : memref<6x128xi32, #tpu.memory_space<vmem>> -> memref<1x128xi32, #tpu.memory_space<vmem>>
      %dma_wait3A_79 = tpu.memref_squeeze %dma_wait3A_78 : memref<1x128xi32, #tpu.memory_space<vmem>> -> memref<128xi32, #tpu.memory_space<vmem>>
      %dma_wait3A_80 = arith.constant 0 : i32
      %dma_wait3A_81 = arith.constant 0 : i32
      %dma_wait3A_82 = tpu.memref_slice %arg7[%dma_wait3A_80, %dma_wait3A_81] : memref<10000x64xf32, #tpu.memory_space<vmem_shared>> -> memref<10000x64xf32, #tpu.memory_space<vmem_shared>>
      tpu.wait_indirect_dma semaphore(%arg12 : memref<!tpu.dma_semaphore, #tpu.memory_space<semaphore_mem>>) src(%dma_wait3A_76 : memref<128x64xf32, #tpu.memory_space<vmem>>) dst(%dma_wait3A_82 : memref<10000x64xf32, #tpu.memory_space<vmem_shared>>)
    } else {
    }
    %barrier3A_30 = arith.constant 0 : index
    tpu.barrier barrier_id(%barrier3A_30)
    "tpu.region"() ({
      %run_scoped3A = tpu.sem_alloc : memref<!tpu.dma_semaphore, #tpu.memory_space<semaphore_mem>>
      %dma_start3A = arith.constant 0 : i32
      %dma_start3A_31 = tpu.memref_slice %arg6[%arg0, %mul3A_18, %dma_start3A] : memref<2x10000x64xf32, #tpu.memory_space<hbm>> -> memref<1x632x64xf32, #tpu.memory_space<hbm>>
      %dma_start3A_32 = tpu.memref_squeeze %dma_start3A_31 : memref<1x632x64xf32, #tpu.memory_space<hbm>> -> memref<632x64xf32, #tpu.memory_space<hbm>>
      %dma_start3A_33 = arith.constant 0 : i32
      %dma_start3A_34 = tpu.memref_slice %arg7[%mul3A_18, %dma_start3A_33] : memref<10000x64xf32, #tpu.memory_space<vmem_shared>> -> memref<632x64xf32, #tpu.memory_space<vmem_shared>>
      tpu.enqueue_dma source(%dma_start3A_34 : memref<632x64xf32, #tpu.memory_space<vmem_shared>>) target(%dma_start3A_32 : memref<632x64xf32, #tpu.memory_space<hbm>>) target_semaphore(%run_scoped3A : memref<!tpu.dma_semaphore, #tpu.memory_space<semaphore_mem>>)
      %dma_wait3A = arith.constant 0 : i32
      %dma_wait3A_35 = tpu.memref_slice %arg6[%arg0, %mul3A_18, %dma_wait3A] : memref<2x10000x64xf32, #tpu.memory_space<hbm>> -> memref<1x632x64xf32, #tpu.memory_space<hbm>>
      %dma_wait3A_36 = tpu.memref_squeeze %dma_wait3A_35 : memref<1x632x64xf32, #tpu.memory_space<hbm>> -> memref<632x64xf32, #tpu.memory_space<hbm>>
      %dma_wait3A_37 = arith.constant 0 : i32
      %dma_wait3A_38 = tpu.memref_slice %arg7[%mul3A_18, %dma_wait3A_37] : memref<10000x64xf32, #tpu.memory_space<vmem_shared>> -> memref<632x64xf32, #tpu.memory_space<vmem_shared>>
      tpu.wait_dma2 semaphore(%run_scoped3A : memref<!tpu.dma_semaphore, #tpu.memory_space<semaphore_mem>>) src(%dma_wait3A_38 : memref<632x64xf32, #tpu.memory_space<vmem_shared>>) dst(%dma_wait3A_36 : memref<632x64xf32, #tpu.memory_space<hbm>>)
      tpu.yield
    }) : () -> ()
    return
  }
}

#map = affine_map<(d0, d1) -> (0, 0)>
#map1 = affine_map<(d0, d1) -> (0, 0, 0)>
module attributes {stable_mosaic.version = 14 : i64} {
  func.func @k(%arg0: i32, %arg1: i32, %arg2: memref<10000x64xf32, #tpu.memory_space<hbm>>, %arg3: memref<2500x128xi32, #tpu.memory_space<hbm>>, %arg4: memref<2500x128xi32, #tpu.memory_space<hbm>>, %arg5: memref<10000x64xf32, #tpu.memory_space<hbm>>, %arg6: memref<2x10000x64xf32, #tpu.memory_space<hbm>>, %arg7: memref<10000x64xf32, #tpu.memory_space<vmem_shared>>, %arg8: memref<6x128xi32, #tpu.memory_space<vmem>>, %arg9: memref<6x128xi32, #tpu.memory_space<vmem>>, %arg10: memref<6x128x64xf32, #tpu.memory_space<vmem>>, %arg11: memref<!tpu.dma_semaphore, #tpu.memory_space<semaphore_mem>>, %arg12: memref<!tpu.dma_semaphore, #tpu.memory_space<semaphore_mem>>) attributes {dimension_semantics = [#tpu.dimension_semantics<core_parallel>, #tpu.dimension_semantics<subcore_parallel>], iteration_bounds = array<i64: 2, 16>, scalar_prefetch = 0 : i64, scratch_operands = 6 : i64, tpu.core_type = #tpu.core_type<sc_vector_subcore>, window_params = [{transform_indices = #map}, {transform_indices = #map}, {transform_indices = #map}, {transform_indices = #map}, {transform_indices = #map1}]} {
    %mul3A = arith.constant 1250 : i32
    %mul3A_0 = arith.muli %arg1, %mul3A : i32
    %jit3A = arith.constant 16 : i32
    %div3A = arith.divsi %mul3A_0, %jit3A : i32
    %sign3A = arith.constant 0 : i32
    %sign3A_1 = arith.cmpi sgt, %mul3A_0, %sign3A : i32
    %sign3A_2 = arith.extui %sign3A_1 : i1 to i32
    %sign3A_3 = arith.constant 0 : i32
    %sign3A_4 = arith.cmpi slt, %mul3A_0, %sign3A_3 : i32
    %sign3A_5 = arith.extui %sign3A_4 : i1 to i32
    %sign3A_6 = arith.subi %sign3A_2, %sign3A_5 : i32
    %sign3A_7 = arith.constant 0 : i32
    %sign3A_8 = arith.cmpi sgt, %jit3A, %sign3A_7 : i32
    %sign3A_9 = arith.extui %sign3A_8 : i1 to i32
    %sign3A_10 = arith.constant 0 : i32
    %sign3A_11 = arith.cmpi slt, %jit3A, %sign3A_10 : i32
    %sign3A_12 = arith.extui %sign3A_11 : i1 to i32
    %sign3A_13 = arith.subi %sign3A_9, %sign3A_12 : i32
    %ne3A = arith.cmpi ne, %sign3A_6, %sign3A_13 : i32
    %rem3A = arith.remsi %mul3A_0, %jit3A : i32
    %ne3A_14 = arith.constant 0 : i32
    %ne3A_15 = arith.cmpi ne, %rem3A, %ne3A_14 : i32
    %and3A = arith.andi %ne3A, %ne3A_15 : i1
    %sub3A = arith.constant 1 : i32
    %sub3A_16 = arith.subi %div3A, %sub3A : i32
    %select_n3A = arith.select %and3A, %sub3A_16, %div3A : i32
    %mul3A_17 = arith.constant 8 : i32
    %mul3A_18 = arith.muli %mul3A_17, %select_n3A : i32
    "tpu.region"() ({
      %run_scoped3A = tpu.sem_alloc : memref<!tpu.dma_semaphore, #tpu.memory_space<semaphore_mem>>
      %dma_start3A = arith.constant 0 : i32
      %dma_start3A_31 = tpu.memref_slice %arg7[%mul3A_18, %dma_start3A] : memref<10000x64xf32, #tpu.memory_space<vmem_shared>> -> memref<632x64xf32, #tpu.memory_space<vmem_shared>>
      %dma_start3A_32 = arith.constant 0 : i32
      %dma_start3A_33 = tpu.memref_slice %arg5[%mul3A_18, %dma_start3A_32] : memref<10000x64xf32, #tpu.memory_space<hbm>> -> memref<632x64xf32, #tpu.memory_space<hbm>>
      tpu.enqueue_dma source(%dma_start3A_33 : memref<632x64xf32, #tpu.memory_space<hbm>>) target(%dma_start3A_31 : memref<632x64xf32, #tpu.memory_space<vmem_shared>>) target_semaphore(%run_scoped3A : memref<!tpu.dma_semaphore, #tpu.memory_space<semaphore_mem>>)
      %dma_wait3A = arith.constant 0 : i32
      %dma_wait3A_34 = tpu.memref_slice %arg7[%mul3A_18, %dma_wait3A] : memref<10000x64xf32, #tpu.memory_space<vmem_shared>> -> memref<632x64xf32, #tpu.memory_space<vmem_shared>>
      %dma_wait3A_35 = arith.constant 0 : i32
      %dma_wait3A_36 = tpu.memref_slice %arg5[%mul3A_18, %dma_wait3A_35] : memref<10000x64xf32, #tpu.memory_space<hbm>> -> memref<632x64xf32, #tpu.memory_space<hbm>>
      tpu.wait_dma2 semaphore(%run_scoped3A : memref<!tpu.dma_semaphore, #tpu.memory_space<semaphore_mem>>) src(%dma_wait3A_36 : memref<632x64xf32, #tpu.memory_space<hbm>>) dst(%dma_wait3A_34 : memref<632x64xf32, #tpu.memory_space<vmem_shared>>)
      tpu.yield
    }) : () -> ()
    %barrier3A = arith.constant 0 : index
    tpu.barrier barrier_id(%barrier3A)
    %mul3A_19 = arith.constant 1250 : i32
    %mul3A_20 = arith.muli %arg0, %mul3A_19 : i32
    %mul3A_21 = arith.constant 78 : i32
    %mul3A_22 = arith.muli %arg1, %mul3A_21 : i32
    %add3A = arith.addi %mul3A_20, %mul3A_22 : i32
    %scan3A = arith.constant 0 : i32
    %scan3A_23 = arith.constant 0 : i32
    %scan3A_24 = arith.constant 13 : i32
    %scan3A_25 = arith.addi %scan3A_23, %scan3A_24 : i32
    %scan3A_26 = arith.constant 1 : i32
    scf.for %scan3A_31 = %scan3A_23 to %scan3A_25 step %scan3A_26  : i32 {
      %mul3A_32 = arith.constant 6 : i32
      %mul3A_33 = arith.muli %scan3A_31, %mul3A_32 : i32
      %add3A_34 = arith.addi %add3A, %mul3A_33 : i32
      "tpu.region"() ({
        %run_scoped3A = tpu.sem_alloc : memref<!tpu.dma_semaphore, #tpu.memory_space<semaphore_mem>>
        %dma_start3A_321 = arith.constant 0 : i32
        %dma_start3A_322 = tpu.memref_slice %arg3[%add3A_34, %dma_start3A_321] : memref<2500x128xi32, #tpu.memory_space<hbm>> -> memref<6x128xi32, #tpu.memory_space<hbm>>
        %dma_start3A_323 = arith.constant 0 : i32
        %dma_start3A_324 = tpu.memref_slice %arg3[%add3A_34, %dma_start3A_323] : memref<2500x128xi32, #tpu.memory_space<hbm>> -> memref<6x128xi32, #tpu.memory_space<hbm>>
        tpu.enqueue_dma source(%dma_start3A_324 : memref<6x128xi32, #tpu.memory_space<hbm>>) target(%arg8 : memref<6x128xi32, #tpu.memory_space<vmem>>) target_semaphore(%run_scoped3A : memref<!tpu.dma_semaphore, #tpu.memory_space<semaphore_mem>>)
        %dma_wait3A_325 = arith.constant 0 : i32
        %dma_wait3A_326 = tpu.memref_slice %arg3[%add3A_34, %dma_wait3A_325] : memref<2500x128xi32, #tpu.memory_space<hbm>> -> memref<6x128xi32, #tpu.memory_space<hbm>>
        %dma_wait3A_327 = arith.constant 0 : i32
        %dma_wait3A_328 = tpu.memref_slice %arg3[%add3A_34, %dma_wait3A_327] : memref<2500x128xi32, #tpu.memory_space<hbm>> -> memref<6x128xi32, #tpu.memory_space<hbm>>
        tpu.wait_dma2 semaphore(%run_scoped3A : memref<!tpu.dma_semaphore, #tpu.memory_space<semaphore_mem>>) src(%dma_wait3A_328 : memref<6x128xi32, #tpu.memory_space<hbm>>) dst(%arg8 : memref<6x128xi32, #tpu.memory_space<vmem>>)
        tpu.yield
      }) : () -> ()
      "tpu.region"() ({
        %run_scoped3A = tpu.sem_alloc : memref<!tpu.dma_semaphore, #tpu.memory_space<semaphore_mem>>
        %dma_start3A_321 = arith.constant 0 : i32
        %dma_start3A_322 = tpu.memref_slice %arg4[%add3A_34, %dma_start3A_321] : memref<2500x128xi32, #tpu.memory_space<hbm>> -> memref<6x128xi32, #tpu.memory_space<hbm>>
        %dma_start3A_323 = arith.constant 0 : i32
        %dma_start3A_324 = tpu.memref_slice %arg4[%add3A_34, %dma_start3A_323] : memref<2500x128xi32, #tpu.memory_space<hbm>> -> memref<6x128xi32, #tpu.memory_space<hbm>>
        tpu.enqueue_dma source(%dma_start3A_324 : memref<6x128xi32, #tpu.memory_space<hbm>>) target(%arg9 : memref<6x128xi32, #tpu.memory_space<vmem>>) target_semaphore(%run_scoped3A : memref<!tpu.dma_semaphore, #tpu.memory_space<semaphore_mem>>)
        %dma_wait3A_325 = arith.constant 0 : i32
        %dma_wait3A_326 = tpu.memref_slice %arg4[%add3A_34, %dma_wait3A_325] : memref<2500x128xi32, #tpu.memory_space<hbm>> -> memref<6x128xi32, #tpu.memory_space<hbm>>
        %dma_wait3A_327 = arith.constant 0 : i32
        %dma_wait3A_328 = tpu.memref_slice %arg4[%add3A_34, %dma_wait3A_327] : memref<2500x128xi32, #tpu.memory_space<hbm>> -> memref<6x128xi32, #tpu.memory_space<hbm>>
        tpu.wait_dma2 semaphore(%run_scoped3A : memref<!tpu.dma_semaphore, #tpu.memory_space<semaphore_mem>>) src(%dma_wait3A_328 : memref<6x128xi32, #tpu.memory_space<hbm>>) dst(%arg9 : memref<6x128xi32, #tpu.memory_space<vmem>>)
        tpu.yield
      }) : () -> ()
      %dma_start3A = arith.constant 0 : i32
      %dma_start3A_35 = arith.constant 0 : i32
      %dma_start3A_36 = arith.constant 0 : i32
      %dma_start3A_37 = arith.constant 0 : i32
      %dma_start3A_38 = tpu.memref_slice %arg10[%dma_start3A_35, %dma_start3A_36, %dma_start3A_37] : memref<6x128x64xf32, #tpu.memory_space<vmem>> -> memref<1x128x64xf32, #tpu.memory_space<vmem>>
      %dma_start3A_39 = tpu.memref_squeeze %dma_start3A_38 : memref<1x128x64xf32, #tpu.memory_space<vmem>> -> memref<128x64xf32, #tpu.memory_space<vmem>>
      %dma_start3A_40 = arith.constant 0 : i32
      %dma_start3A_41 = tpu.memref_slice %arg8[%dma_start3A, %dma_start3A_40] : memref<6x128xi32, #tpu.memory_space<vmem>> -> memref<1x128xi32, #tpu.memory_space<vmem>>
      %dma_start3A_42 = tpu.memref_squeeze %dma_start3A_41 : memref<1x128xi32, #tpu.memory_space<vmem>> -> memref<128xi32, #tpu.memory_space<vmem>>
      %dma_start3A_43 = arith.constant 0 : i32
      %dma_start3A_44 = arith.constant 0 : i32
      %dma_start3A_45 = tpu.memref_slice %arg2[%dma_start3A_43, %dma_start3A_44] : memref<10000x64xf32, #tpu.memory_space<hbm>> -> memref<10000x64xf32, #tpu.memory_space<hbm>>
      tpu.enqueue_indirect_dma source(%dma_start3A_45 : memref<10000x64xf32, #tpu.memory_space<hbm>>) target(%dma_start3A_39 : memref<128x64xf32, #tpu.memory_space<vmem>>) offsets(%dma_start3A_42 : memref<128xi32, #tpu.memory_space<vmem>>) semaphore(%arg11 : memref<!tpu.dma_semaphore, #tpu.memory_space<semaphore_mem>>)
      %dma_start3A_46 = arith.constant 1 : i32
      %dma_start3A_47 = arith.constant 1 : i32
      %dma_start3A_48 = arith.constant 0 : i32
      %dma_start3A_49 = arith.constant 0 : i32
      %dma_start3A_50 = tpu.memref_slice %arg10[%dma_start3A_47, %dma_start3A_48, %dma_start3A_49] : memref<6x128x64xf32, #tpu.memory_space<vmem>> -> memref<1x128x64xf32, #tpu.memory_space<vmem>>
      %dma_start3A_51 = tpu.memref_squeeze %dma_start3A_50 : memref<1x128x64xf32, #tpu.memory_space<vmem>> -> memref<128x64xf32, #tpu.memory_space<vmem>>
      %dma_start3A_52 = arith.constant 0 : i32
      %dma_start3A_53 = tpu.memref_slice %arg8[%dma_start3A_46, %dma_start3A_52] : memref<6x128xi32, #tpu.memory_space<vmem>> -> memref<1x128xi32, #tpu.memory_space<vmem>>
      %dma_start3A_54 = tpu.memref_squeeze %dma_start3A_53 : memref<1x128xi32, #tpu.memory_space<vmem>> -> memref<128xi32, #tpu.memory_space<vmem>>
      %dma_start3A_55 = arith.constant 0 : i32
      %dma_start3A_56 = arith.constant 0 : i32
      %dma_start3A_57 = tpu.memref_slice %arg2[%dma_start3A_55, %dma_start3A_56] : memref<10000x64xf32, #tpu.memory_space<hbm>> -> memref<10000x64xf32, #tpu.memory_space<hbm>>
      tpu.enqueue_indirect_dma source(%dma_start3A_57 : memref<10000x64xf32, #tpu.memory_space<hbm>>) target(%dma_start3A_51 : memref<128x64xf32, #tpu.memory_space<vmem>>) offsets(%dma_start3A_54 : memref<128xi32, #tpu.memory_space<vmem>>) semaphore(%arg11 : memref<!tpu.dma_semaphore, #tpu.memory_space<semaphore_mem>>)
      %dma_start3A_58 = arith.constant 2 : i32
      %dma_start3A_59 = arith.constant 2 : i32
      %dma_start3A_60 = arith.constant 0 : i32
      %dma_start3A_61 = arith.constant 0 : i32
      %dma_start3A_62 = tpu.memref_slice %arg10[%dma_start3A_59, %dma_start3A_60, %dma_start3A_61] : memref<6x128x64xf32, #tpu.memory_space<vmem>> -> memref<1x128x64xf32, #tpu.memory_space<vmem>>
      %dma_start3A_63 = tpu.memref_squeeze %dma_start3A_62 : memref<1x128x64xf32, #tpu.memory_space<vmem>> -> memref<128x64xf32, #tpu.memory_space<vmem>>
      %dma_start3A_64 = arith.constant 0 : i32
      %dma_start3A_65 = tpu.memref_slice %arg8[%dma_start3A_58, %dma_start3A_64] : memref<6x128xi32, #tpu.memory_space<vmem>> -> memref<1x128xi32, #tpu.memory_space<vmem>>
      %dma_start3A_66 = tpu.memref_squeeze %dma_start3A_65 : memref<1x128xi32, #tpu.memory_space<vmem>> -> memref<128xi32, #tpu.memory_space<vmem>>
      %dma_start3A_67 = arith.constant 0 : i32
      %dma_start3A_68 = arith.constant 0 : i32
      %dma_start3A_69 = tpu.memref_slice %arg2[%dma_start3A_67, %dma_start3A_68] : memref<10000x64xf32, #tpu.memory_space<hbm>> -> memref<10000x64xf32, #tpu.memory_space<hbm>>
      tpu.enqueue_indirect_dma source(%dma_start3A_69 : memref<10000x64xf32, #tpu.memory_space<hbm>>) target(%dma_start3A_63 : memref<128x64xf32, #tpu.memory_space<vmem>>) offsets(%dma_start3A_66 : memref<128xi32, #tpu.memory_space<vmem>>) semaphore(%arg11 : memref<!tpu.dma_semaphore, #tpu.memory_space<semaphore_mem>>)
      %dma_start3A_70 = arith.constant 3 : i32
      %dma_start3A_71 = arith.constant 3 : i32
      %dma_start3A_72 = arith.constant 0 : i32
      %dma_start3A_73 = arith.constant 0 : i32
      %dma_start3A_74 = tpu.memref_slice %arg10[%dma_start3A_71, %dma_start3A_72, %dma_start3A_73] : memref<6x128x64xf32, #tpu.memory_space<vmem>> -> memref<1x128x64xf32, #tpu.memory_space<vmem>>
      %dma_start3A_75 = tpu.memref_squeeze %dma_start3A_74 : memref<1x128x64xf32, #tpu.memory_space<vmem>> -> memref<128x64xf32, #tpu.memory_space<vmem>>
      %dma_start3A_76 = arith.constant 0 : i32
      %dma_start3A_77 = tpu.memref_slice %arg8[%dma_start3A_70, %dma_start3A_76] : memref<6x128xi32, #tpu.memory_space<vmem>> -> memref<1x128xi32, #tpu.memory_space<vmem>>
      %dma_start3A_78 = tpu.memref_squeeze %dma_start3A_77 : memref<1x128xi32, #tpu.memory_space<vmem>> -> memref<128xi32, #tpu.memory_space<vmem>>
      %dma_start3A_79 = arith.constant 0 : i32
      %dma_start3A_80 = arith.constant 0 : i32
      %dma_start3A_81 = tpu.memref_slice %arg2[%dma_start3A_79, %dma_start3A_80] : memref<10000x64xf32, #tpu.memory_space<hbm>> -> memref<10000x64xf32, #tpu.memory_space<hbm>>
      tpu.enqueue_indirect_dma source(%dma_start3A_81 : memref<10000x64xf32, #tpu.memory_space<hbm>>) target(%dma_start3A_75 : memref<128x64xf32, #tpu.memory_space<vmem>>) offsets(%dma_start3A_78 : memref<128xi32, #tpu.memory_space<vmem>>) semaphore(%arg11 : memref<!tpu.dma_semaphore, #tpu.memory_space<semaphore_mem>>)
      %dma_start3A_82 = arith.constant 4 : i32
      %dma_start3A_83 = arith.constant 4 : i32
      %dma_start3A_84 = arith.constant 0 : i32
      %dma_start3A_85 = arith.constant 0 : i32
      %dma_start3A_86 = tpu.memref_slice %arg10[%dma_start3A_83, %dma_start3A_84, %dma_start3A_85] : memref<6x128x64xf32, #tpu.memory_space<vmem>> -> memref<1x128x64xf32, #tpu.memory_space<vmem>>
      %dma_start3A_87 = tpu.memref_squeeze %dma_start3A_86 : memref<1x128x64xf32, #tpu.memory_space<vmem>> -> memref<128x64xf32, #tpu.memory_space<vmem>>
      %dma_start3A_88 = arith.constant 0 : i32
      %dma_start3A_89 = tpu.memref_slice %arg8[%dma_start3A_82, %dma_start3A_88] : memref<6x128xi32, #tpu.memory_space<vmem>> -> memref<1x128xi32, #tpu.memory_space<vmem>>
      %dma_start3A_90 = tpu.memref_squeeze %dma_start3A_89 : memref<1x128xi32, #tpu.memory_space<vmem>> -> memref<128xi32, #tpu.memory_space<vmem>>
      %dma_start3A_91 = arith.constant 0 : i32
      %dma_start3A_92 = arith.constant 0 : i32
      %dma_start3A_93 = tpu.memref_slice %arg2[%dma_start3A_91, %dma_start3A_92] : memref<10000x64xf32, #tpu.memory_space<hbm>> -> memref<10000x64xf32, #tpu.memory_space<hbm>>
      tpu.enqueue_indirect_dma source(%dma_start3A_93 : memref<10000x64xf32, #tpu.memory_space<hbm>>) target(%dma_start3A_87 : memref<128x64xf32, #tpu.memory_space<vmem>>) offsets(%dma_start3A_90 : memref<128xi32, #tpu.memory_space<vmem>>) semaphore(%arg11 : memref<!tpu.dma_semaphore, #tpu.memory_space<semaphore_mem>>)
      %dma_start3A_94 = arith.constant 5 : i32
      %dma_start3A_95 = arith.constant 5 : i32
      %dma_start3A_96 = arith.constant 0 : i32
      %dma_start3A_97 = arith.constant 0 : i32
      %dma_start3A_98 = tpu.memref_slice %arg10[%dma_start3A_95, %dma_start3A_96, %dma_start3A_97] : memref<6x128x64xf32, #tpu.memory_space<vmem>> -> memref<1x128x64xf32, #tpu.memory_space<vmem>>
      %dma_start3A_99 = tpu.memref_squeeze %dma_start3A_98 : memref<1x128x64xf32, #tpu.memory_space<vmem>> -> memref<128x64xf32, #tpu.memory_space<vmem>>
      %dma_start3A_100 = arith.constant 0 : i32
      %dma_start3A_101 = tpu.memref_slice %arg8[%dma_start3A_94, %dma_start3A_100] : memref<6x128xi32, #tpu.memory_space<vmem>> -> memref<1x128xi32, #tpu.memory_space<vmem>>
      %dma_start3A_102 = tpu.memref_squeeze %dma_start3A_101 : memref<1x128xi32, #tpu.memory_space<vmem>> -> memref<128xi32, #tpu.memory_space<vmem>>
      %dma_start3A_103 = arith.constant 0 : i32
      %dma_start3A_104 = arith.constant 0 : i32
      %dma_start3A_105 = tpu.memref_slice %arg2[%dma_start3A_103, %dma_start3A_104] : memref<10000x64xf32, #tpu.memory_space<hbm>> -> memref<10000x64xf32, #tpu.memory_space<hbm>>
      tpu.enqueue_indirect_dma source(%dma_start3A_105 : memref<10000x64xf32, #tpu.memory_space<hbm>>) target(%dma_start3A_99 : memref<128x64xf32, #tpu.memory_space<vmem>>) offsets(%dma_start3A_102 : memref<128xi32, #tpu.memory_space<vmem>>) semaphore(%arg11 : memref<!tpu.dma_semaphore, #tpu.memory_space<semaphore_mem>>)
      %dma_wait3A = arith.constant 0 : i32
      %dma_wait3A_106 = arith.constant 0 : i32
      %dma_wait3A_107 = arith.constant 0 : i32
      %dma_wait3A_108 = arith.constant 0 : i32
      %dma_wait3A_109 = tpu.memref_slice %arg10[%dma_wait3A_106, %dma_wait3A_107, %dma_wait3A_108] : memref<6x128x64xf32, #tpu.memory_space<vmem>> -> memref<1x128x64xf32, #tpu.memory_space<vmem>>
      %dma_wait3A_110 = tpu.memref_squeeze %dma_wait3A_109 : memref<1x128x64xf32, #tpu.memory_space<vmem>> -> memref<128x64xf32, #tpu.memory_space<vmem>>
      %dma_wait3A_111 = arith.constant 0 : i32
      %dma_wait3A_112 = tpu.memref_slice %arg8[%dma_wait3A, %dma_wait3A_111] : memref<6x128xi32, #tpu.memory_space<vmem>> -> memref<1x128xi32, #tpu.memory_space<vmem>>
      %dma_wait3A_113 = tpu.memref_squeeze %dma_wait3A_112 : memref<1x128xi32, #tpu.memory_space<vmem>> -> memref<128xi32, #tpu.memory_space<vmem>>
      %dma_wait3A_114 = arith.constant 0 : i32
      %dma_wait3A_115 = arith.constant 0 : i32
      %dma_wait3A_116 = tpu.memref_slice %arg2[%dma_wait3A_114, %dma_wait3A_115] : memref<10000x64xf32, #tpu.memory_space<hbm>> -> memref<10000x64xf32, #tpu.memory_space<hbm>>
      tpu.wait_indirect_dma semaphore(%arg11 : memref<!tpu.dma_semaphore, #tpu.memory_space<semaphore_mem>>) src(%dma_wait3A_116 : memref<10000x64xf32, #tpu.memory_space<hbm>>) dst(%dma_wait3A_110 : memref<128x64xf32, #tpu.memory_space<vmem>>)
      %dma_start3A_117 = arith.constant 0 : i32
      %dma_start3A_118 = arith.constant 0 : i32
      %dma_start3A_119 = arith.constant 0 : i32
      %dma_start3A_120 = arith.constant 0 : i32
      %dma_start3A_121 = tpu.memref_slice %arg10[%dma_start3A_117, %dma_start3A_119, %dma_start3A_120] : memref<6x128x64xf32, #tpu.memory_space<vmem>> -> memref<1x128x64xf32, #tpu.memory_space<vmem>>
      %dma_start3A_122 = tpu.memref_squeeze %dma_start3A_121 : memref<1x128x64xf32, #tpu.memory_space<vmem>> -> memref<128x64xf32, #tpu.memory_space<vmem>>
      %dma_start3A_123 = arith.constant 0 : i32
      %dma_start3A_124 = tpu.memref_slice %arg9[%dma_start3A_118, %dma_start3A_123] : memref<6x128xi32, #tpu.memory_space<vmem>> -> memref<1x128xi32, #tpu.memory_space<vmem>>
      %dma_start3A_125 = tpu.memref_squeeze %dma_start3A_124 : memref<1x128xi32, #tpu.memory_space<vmem>> -> memref<128xi32, #tpu.memory_space<vmem>>
      %dma_start3A_126 = arith.constant 0 : i32
      %dma_start3A_127 = arith.constant 0 : i32
      %dma_start3A_128 = tpu.memref_slice %arg7[%dma_start3A_126, %dma_start3A_127] : memref<10000x64xf32, #tpu.memory_space<vmem_shared>> -> memref<10000x64xf32, #tpu.memory_space<vmem_shared>>
      tpu.enqueue_indirect_dma source(%dma_start3A_122 : memref<128x64xf32, #tpu.memory_space<vmem>>) target(%dma_start3A_128 : memref<10000x64xf32, #tpu.memory_space<vmem_shared>>) offsets(%dma_start3A_125 : memref<128xi32, #tpu.memory_space<vmem>>) semaphore(%arg12 : memref<!tpu.dma_semaphore, #tpu.memory_space<semaphore_mem>>) {add = true}
      %dma_wait3A_129 = arith.constant 1 : i32
      %dma_wait3A_130 = arith.constant 1 : i32
      %dma_wait3A_131 = arith.constant 0 : i32
      %dma_wait3A_132 = arith.constant 0 : i32
      %dma_wait3A_133 = tpu.memref_slice %arg10[%dma_wait3A_130, %dma_wait3A_131, %dma_wait3A_132] : memref<6x128x64xf32, #tpu.memory_space<vmem>> -> memref<1x128x64xf32, #tpu.memory_space<vmem>>
      %dma_wait3A_134 = tpu.memref_squeeze %dma_wait3A_133 : memref<1x128x64xf32, #tpu.memory_space<vmem>> -> memref<128x64xf32, #tpu.memory_space<vmem>>
      %dma_wait3A_135 = arith.constant 0 : i32
      %dma_wait3A_136 = tpu.memref_slice %arg8[%dma_wait3A_129, %dma_wait3A_135] : memref<6x128xi32, #tpu.memory_space<vmem>> -> memref<1x128xi32, #tpu.memory_space<vmem>>
      %dma_wait3A_137 = tpu.memref_squeeze %dma_wait3A_136 : memref<1x128xi32, #tpu.memory_space<vmem>> -> memref<128xi32, #tpu.memory_space<vmem>>
      %dma_wait3A_138 = arith.constant 0 : i32
      %dma_wait3A_139 = arith.constant 0 : i32
      %dma_wait3A_140 = tpu.memref_slice %arg2[%dma_wait3A_138, %dma_wait3A_139] : memref<10000x64xf32, #tpu.memory_space<hbm>> -> memref<10000x64xf32, #tpu.memory_space<hbm>>
      tpu.wait_indirect_dma semaphore(%arg11 : memref<!tpu.dma_semaphore, #tpu.memory_space<semaphore_mem>>) src(%dma_wait3A_140 : memref<10000x64xf32, #tpu.memory_space<hbm>>) dst(%dma_wait3A_134 : memref<128x64xf32, #tpu.memory_space<vmem>>)
      %dma_start3A_141 = arith.constant 1 : i32
      %dma_start3A_142 = arith.constant 1 : i32
      %dma_start3A_143 = arith.constant 0 : i32
      %dma_start3A_144 = arith.constant 0 : i32
      %dma_start3A_145 = tpu.memref_slice %arg10[%dma_start3A_141, %dma_start3A_143, %dma_start3A_144] : memref<6x128x64xf32, #tpu.memory_space<vmem>> -> memref<1x128x64xf32, #tpu.memory_space<vmem>>
      %dma_start3A_146 = tpu.memref_squeeze %dma_start3A_145 : memref<1x128x64xf32, #tpu.memory_space<vmem>> -> memref<128x64xf32, #tpu.memory_space<vmem>>
      %dma_start3A_147 = arith.constant 0 : i32
      %dma_start3A_148 = tpu.memref_slice %arg9[%dma_start3A_142, %dma_start3A_147] : memref<6x128xi32, #tpu.memory_space<vmem>> -> memref<1x128xi32, #tpu.memory_space<vmem>>
      %dma_start3A_149 = tpu.memref_squeeze %dma_start3A_148 : memref<1x128xi32, #tpu.memory_space<vmem>> -> memref<128xi32, #tpu.memory_space<vmem>>
      %dma_start3A_150 = arith.constant 0 : i32
      %dma_start3A_151 = arith.constant 0 : i32
      %dma_start3A_152 = tpu.memref_slice %arg7[%dma_start3A_150, %dma_start3A_151] : memref<10000x64xf32, #tpu.memory_space<vmem_shared>> -> memref<10000x64xf32, #tpu.memory_space<vmem_shared>>
      tpu.enqueue_indirect_dma source(%dma_start3A_146 : memref<128x64xf32, #tpu.memory_space<vmem>>) target(%dma_start3A_152 : memref<10000x64xf32, #tpu.memory_space<vmem_shared>>) offsets(%dma_start3A_149 : memref<128xi32, #tpu.memory_space<vmem>>) semaphore(%arg12 : memref<!tpu.dma_semaphore, #tpu.memory_space<semaphore_mem>>) {add = true}
      %dma_wait3A_153 = arith.constant 2 : i32
      %dma_wait3A_154 = arith.constant 2 : i32
      %dma_wait3A_155 = arith.constant 0 : i32
      %dma_wait3A_156 = arith.constant 0 : i32
      %dma_wait3A_157 = tpu.memref_slice %arg10[%dma_wait3A_154, %dma_wait3A_155, %dma_wait3A_156] : memref<6x128x64xf32, #tpu.memory_space<vmem>> -> memref<1x128x64xf32, #tpu.memory_space<vmem>>
      %dma_wait3A_158 = tpu.memref_squeeze %dma_wait3A_157 : memref<1x128x64xf32, #tpu.memory_space<vmem>> -> memref<128x64xf32, #tpu.memory_space<vmem>>
      %dma_wait3A_159 = arith.constant 0 : i32
      %dma_wait3A_160 = tpu.memref_slice %arg8[%dma_wait3A_153, %dma_wait3A_159] : memref<6x128xi32, #tpu.memory_space<vmem>> -> memref<1x128xi32, #tpu.memory_space<vmem>>
      %dma_wait3A_161 = tpu.memref_squeeze %dma_wait3A_160 : memref<1x128xi32, #tpu.memory_space<vmem>> -> memref<128xi32, #tpu.memory_space<vmem>>
      %dma_wait3A_162 = arith.constant 0 : i32
      %dma_wait3A_163 = arith.constant 0 : i32
      %dma_wait3A_164 = tpu.memref_slice %arg2[%dma_wait3A_162, %dma_wait3A_163] : memref<10000x64xf32, #tpu.memory_space<hbm>> -> memref<10000x64xf32, #tpu.memory_space<hbm>>
      tpu.wait_indirect_dma semaphore(%arg11 : memref<!tpu.dma_semaphore, #tpu.memory_space<semaphore_mem>>) src(%dma_wait3A_164 : memref<10000x64xf32, #tpu.memory_space<hbm>>) dst(%dma_wait3A_158 : memref<128x64xf32, #tpu.memory_space<vmem>>)
      %dma_start3A_165 = arith.constant 2 : i32
      %dma_start3A_166 = arith.constant 2 : i32
      %dma_start3A_167 = arith.constant 0 : i32
      %dma_start3A_168 = arith.constant 0 : i32
      %dma_start3A_169 = tpu.memref_slice %arg10[%dma_start3A_165, %dma_start3A_167, %dma_start3A_168] : memref<6x128x64xf32, #tpu.memory_space<vmem>> -> memref<1x128x64xf32, #tpu.memory_space<vmem>>
      %dma_start3A_170 = tpu.memref_squeeze %dma_start3A_169 : memref<1x128x64xf32, #tpu.memory_space<vmem>> -> memref<128x64xf32, #tpu.memory_space<vmem>>
      %dma_start3A_171 = arith.constant 0 : i32
      %dma_start3A_172 = tpu.memref_slice %arg9[%dma_start3A_166, %dma_start3A_171] : memref<6x128xi32, #tpu.memory_space<vmem>> -> memref<1x128xi32, #tpu.memory_space<vmem>>
      %dma_start3A_173 = tpu.memref_squeeze %dma_start3A_172 : memref<1x128xi32, #tpu.memory_space<vmem>> -> memref<128xi32, #tpu.memory_space<vmem>>
      %dma_start3A_174 = arith.constant 0 : i32
      %dma_start3A_175 = arith.constant 0 : i32
      %dma_start3A_176 = tpu.memref_slice %arg7[%dma_start3A_174, %dma_start3A_175] : memref<10000x64xf32, #tpu.memory_space<vmem_shared>> -> memref<10000x64xf32, #tpu.memory_space<vmem_shared>>
      tpu.enqueue_indirect_dma source(%dma_start3A_170 : memref<128x64xf32, #tpu.memory_space<vmem>>) target(%dma_start3A_176 : memref<10000x64xf32, #tpu.memory_space<vmem_shared>>) offsets(%dma_start3A_173 : memref<128xi32, #tpu.memory_space<vmem>>) semaphore(%arg12 : memref<!tpu.dma_semaphore, #tpu.memory_space<semaphore_mem>>) {add = true}
      %dma_wait3A_177 = arith.constant 3 : i32
      %dma_wait3A_178 = arith.constant 3 : i32
      %dma_wait3A_179 = arith.constant 0 : i32
      %dma_wait3A_180 = arith.constant 0 : i32
      %dma_wait3A_181 = tpu.memref_slice %arg10[%dma_wait3A_178, %dma_wait3A_179, %dma_wait3A_180] : memref<6x128x64xf32, #tpu.memory_space<vmem>> -> memref<1x128x64xf32, #tpu.memory_space<vmem>>
      %dma_wait3A_182 = tpu.memref_squeeze %dma_wait3A_181 : memref<1x128x64xf32, #tpu.memory_space<vmem>> -> memref<128x64xf32, #tpu.memory_space<vmem>>
      %dma_wait3A_183 = arith.constant 0 : i32
      %dma_wait3A_184 = tpu.memref_slice %arg8[%dma_wait3A_177, %dma_wait3A_183] : memref<6x128xi32, #tpu.memory_space<vmem>> -> memref<1x128xi32, #tpu.memory_space<vmem>>
      %dma_wait3A_185 = tpu.memref_squeeze %dma_wait3A_184 : memref<1x128xi32, #tpu.memory_space<vmem>> -> memref<128xi32, #tpu.memory_space<vmem>>
      %dma_wait3A_186 = arith.constant 0 : i32
      %dma_wait3A_187 = arith.constant 0 : i32
      %dma_wait3A_188 = tpu.memref_slice %arg2[%dma_wait3A_186, %dma_wait3A_187] : memref<10000x64xf32, #tpu.memory_space<hbm>> -> memref<10000x64xf32, #tpu.memory_space<hbm>>
      tpu.wait_indirect_dma semaphore(%arg11 : memref<!tpu.dma_semaphore, #tpu.memory_space<semaphore_mem>>) src(%dma_wait3A_188 : memref<10000x64xf32, #tpu.memory_space<hbm>>) dst(%dma_wait3A_182 : memref<128x64xf32, #tpu.memory_space<vmem>>)
      %dma_start3A_189 = arith.constant 3 : i32
      %dma_start3A_190 = arith.constant 3 : i32
      %dma_start3A_191 = arith.constant 0 : i32
      %dma_start3A_192 = arith.constant 0 : i32
      %dma_start3A_193 = tpu.memref_slice %arg10[%dma_start3A_189, %dma_start3A_191, %dma_start3A_192] : memref<6x128x64xf32, #tpu.memory_space<vmem>> -> memref<1x128x64xf32, #tpu.memory_space<vmem>>
      %dma_start3A_194 = tpu.memref_squeeze %dma_start3A_193 : memref<1x128x64xf32, #tpu.memory_space<vmem>> -> memref<128x64xf32, #tpu.memory_space<vmem>>
      %dma_start3A_195 = arith.constant 0 : i32
      %dma_start3A_196 = tpu.memref_slice %arg9[%dma_start3A_190, %dma_start3A_195] : memref<6x128xi32, #tpu.memory_space<vmem>> -> memref<1x128xi32, #tpu.memory_space<vmem>>
      %dma_start3A_197 = tpu.memref_squeeze %dma_start3A_196 : memref<1x128xi32, #tpu.memory_space<vmem>> -> memref<128xi32, #tpu.memory_space<vmem>>
      %dma_start3A_198 = arith.constant 0 : i32
      %dma_start3A_199 = arith.constant 0 : i32
      %dma_start3A_200 = tpu.memref_slice %arg7[%dma_start3A_198, %dma_start3A_199] : memref<10000x64xf32, #tpu.memory_space<vmem_shared>> -> memref<10000x64xf32, #tpu.memory_space<vmem_shared>>
      tpu.enqueue_indirect_dma source(%dma_start3A_194 : memref<128x64xf32, #tpu.memory_space<vmem>>) target(%dma_start3A_200 : memref<10000x64xf32, #tpu.memory_space<vmem_shared>>) offsets(%dma_start3A_197 : memref<128xi32, #tpu.memory_space<vmem>>) semaphore(%arg12 : memref<!tpu.dma_semaphore, #tpu.memory_space<semaphore_mem>>) {add = true}
      %dma_wait3A_201 = arith.constant 4 : i32
      %dma_wait3A_202 = arith.constant 4 : i32
      %dma_wait3A_203 = arith.constant 0 : i32
      %dma_wait3A_204 = arith.constant 0 : i32
      %dma_wait3A_205 = tpu.memref_slice %arg10[%dma_wait3A_202, %dma_wait3A_203, %dma_wait3A_204] : memref<6x128x64xf32, #tpu.memory_space<vmem>> -> memref<1x128x64xf32, #tpu.memory_space<vmem>>
      %dma_wait3A_206 = tpu.memref_squeeze %dma_wait3A_205 : memref<1x128x64xf32, #tpu.memory_space<vmem>> -> memref<128x64xf32, #tpu.memory_space<vmem>>
      %dma_wait3A_207 = arith.constant 0 : i32
      %dma_wait3A_208 = tpu.memref_slice %arg8[%dma_wait3A_201, %dma_wait3A_207] : memref<6x128xi32, #tpu.memory_space<vmem>> -> memref<1x128xi32, #tpu.memory_space<vmem>>
      %dma_wait3A_209 = tpu.memref_squeeze %dma_wait3A_208 : memref<1x128xi32, #tpu.memory_space<vmem>> -> memref<128xi32, #tpu.memory_space<vmem>>
      %dma_wait3A_210 = arith.constant 0 : i32
      %dma_wait3A_211 = arith.constant 0 : i32
      %dma_wait3A_212 = tpu.memref_slice %arg2[%dma_wait3A_210, %dma_wait3A_211] : memref<10000x64xf32, #tpu.memory_space<hbm>> -> memref<10000x64xf32, #tpu.memory_space<hbm>>
      tpu.wait_indirect_dma semaphore(%arg11 : memref<!tpu.dma_semaphore, #tpu.memory_space<semaphore_mem>>) src(%dma_wait3A_212 : memref<10000x64xf32, #tpu.memory_space<hbm>>) dst(%dma_wait3A_206 : memref<128x64xf32, #tpu.memory_space<vmem>>)
      %dma_start3A_213 = arith.constant 4 : i32
      %dma_start3A_214 = arith.constant 4 : i32
      %dma_start3A_215 = arith.constant 0 : i32
      %dma_start3A_216 = arith.constant 0 : i32
      %dma_start3A_217 = tpu.memref_slice %arg10[%dma_start3A_213, %dma_start3A_215, %dma_start3A_216] : memref<6x128x64xf32, #tpu.memory_space<vmem>> -> memref<1x128x64xf32, #tpu.memory_space<vmem>>
      %dma_start3A_218 = tpu.memref_squeeze %dma_start3A_217 : memref<1x128x64xf32, #tpu.memory_space<vmem>> -> memref<128x64xf32, #tpu.memory_space<vmem>>
      %dma_start3A_219 = arith.constant 0 : i32
      %dma_start3A_220 = tpu.memref_slice %arg9[%dma_start3A_214, %dma_start3A_219] : memref<6x128xi32, #tpu.memory_space<vmem>> -> memref<1x128xi32, #tpu.memory_space<vmem>>
      %dma_start3A_221 = tpu.memref_squeeze %dma_start3A_220 : memref<1x128xi32, #tpu.memory_space<vmem>> -> memref<128xi32, #tpu.memory_space<vmem>>
      %dma_start3A_222 = arith.constant 0 : i32
      %dma_start3A_223 = arith.constant 0 : i32
      %dma_start3A_224 = tpu.memref_slice %arg7[%dma_start3A_222, %dma_start3A_223] : memref<10000x64xf32, #tpu.memory_space<vmem_shared>> -> memref<10000x64xf32, #tpu.memory_space<vmem_shared>>
      tpu.enqueue_indirect_dma source(%dma_start3A_218 : memref<128x64xf32, #tpu.memory_space<vmem>>) target(%dma_start3A_224 : memref<10000x64xf32, #tpu.memory_space<vmem_shared>>) offsets(%dma_start3A_221 : memref<128xi32, #tpu.memory_space<vmem>>) semaphore(%arg12 : memref<!tpu.dma_semaphore, #tpu.memory_space<semaphore_mem>>) {add = true}
      %dma_wait3A_225 = arith.constant 5 : i32
      %dma_wait3A_226 = arith.constant 5 : i32
      %dma_wait3A_227 = arith.constant 0 : i32
      %dma_wait3A_228 = arith.constant 0 : i32
      %dma_wait3A_229 = tpu.memref_slice %arg10[%dma_wait3A_226, %dma_wait3A_227, %dma_wait3A_228] : memref<6x128x64xf32, #tpu.memory_space<vmem>> -> memref<1x128x64xf32, #tpu.memory_space<vmem>>
      %dma_wait3A_230 = tpu.memref_squeeze %dma_wait3A_229 : memref<1x128x64xf32, #tpu.memory_space<vmem>> -> memref<128x64xf32, #tpu.memory_space<vmem>>
      %dma_wait3A_231 = arith.constant 0 : i32
      %dma_wait3A_232 = tpu.memref_slice %arg8[%dma_wait3A_225, %dma_wait3A_231] : memref<6x128xi32, #tpu.memory_space<vmem>> -> memref<1x128xi32, #tpu.memory_space<vmem>>
      %dma_wait3A_233 = tpu.memref_squeeze %dma_wait3A_232 : memref<1x128xi32, #tpu.memory_space<vmem>> -> memref<128xi32, #tpu.memory_space<vmem>>
      %dma_wait3A_234 = arith.constant 0 : i32
      %dma_wait3A_235 = arith.constant 0 : i32
      %dma_wait3A_236 = tpu.memref_slice %arg2[%dma_wait3A_234, %dma_wait3A_235] : memref<10000x64xf32, #tpu.memory_space<hbm>> -> memref<10000x64xf32, #tpu.memory_space<hbm>>
      tpu.wait_indirect_dma semaphore(%arg11 : memref<!tpu.dma_semaphore, #tpu.memory_space<semaphore_mem>>) src(%dma_wait3A_236 : memref<10000x64xf32, #tpu.memory_space<hbm>>) dst(%dma_wait3A_230 : memref<128x64xf32, #tpu.memory_space<vmem>>)
      %dma_start3A_237 = arith.constant 5 : i32
      %dma_start3A_238 = arith.constant 5 : i32
      %dma_start3A_239 = arith.constant 0 : i32
      %dma_start3A_240 = arith.constant 0 : i32
      %dma_start3A_241 = tpu.memref_slice %arg10[%dma_start3A_237, %dma_start3A_239, %dma_start3A_240] : memref<6x128x64xf32, #tpu.memory_space<vmem>> -> memref<1x128x64xf32, #tpu.memory_space<vmem>>
      %dma_start3A_242 = tpu.memref_squeeze %dma_start3A_241 : memref<1x128x64xf32, #tpu.memory_space<vmem>> -> memref<128x64xf32, #tpu.memory_space<vmem>>
      %dma_start3A_243 = arith.constant 0 : i32
      %dma_start3A_244 = tpu.memref_slice %arg9[%dma_start3A_238, %dma_start3A_243] : memref<6x128xi32, #tpu.memory_space<vmem>> -> memref<1x128xi32, #tpu.memory_space<vmem>>
      %dma_start3A_245 = tpu.memref_squeeze %dma_start3A_244 : memref<1x128xi32, #tpu.memory_space<vmem>> -> memref<128xi32, #tpu.memory_space<vmem>>
      %dma_start3A_246 = arith.constant 0 : i32
      %dma_start3A_247 = arith.constant 0 : i32
      %dma_start3A_248 = tpu.memref_slice %arg7[%dma_start3A_246, %dma_start3A_247] : memref<10000x64xf32, #tpu.memory_space<vmem_shared>> -> memref<10000x64xf32, #tpu.memory_space<vmem_shared>>
      tpu.enqueue_indirect_dma source(%dma_start3A_242 : memref<128x64xf32, #tpu.memory_space<vmem>>) target(%dma_start3A_248 : memref<10000x64xf32, #tpu.memory_space<vmem_shared>>) offsets(%dma_start3A_245 : memref<128xi32, #tpu.memory_space<vmem>>) semaphore(%arg12 : memref<!tpu.dma_semaphore, #tpu.memory_space<semaphore_mem>>) {add = true}
      %dma_wait3A_249 = arith.constant 0 : i32
      %dma_wait3A_250 = arith.constant 0 : i32
      %dma_wait3A_251 = arith.constant 0 : i32
      %dma_wait3A_252 = arith.constant 0 : i32
      %dma_wait3A_253 = tpu.memref_slice %arg10[%dma_wait3A_249, %dma_wait3A_251, %dma_wait3A_252] : memref<6x128x64xf32, #tpu.memory_space<vmem>> -> memref<1x128x64xf32, #tpu.memory_space<vmem>>
      %dma_wait3A_254 = tpu.memref_squeeze %dma_wait3A_253 : memref<1x128x64xf32, #tpu.memory_space<vmem>> -> memref<128x64xf32, #tpu.memory_space<vmem>>
      %dma_wait3A_255 = arith.constant 0 : i32
      %dma_wait3A_256 = tpu.memref_slice %arg9[%dma_wait3A_250, %dma_wait3A_255] : memref<6x128xi32, #tpu.memory_space<vmem>> -> memref<1x128xi32, #tpu.memory_space<vmem>>
      %dma_wait3A_257 = tpu.memref_squeeze %dma_wait3A_256 : memref<1x128xi32, #tpu.memory_space<vmem>> -> memref<128xi32, #tpu.memory_space<vmem>>
      %dma_wait3A_258 = arith.constant 0 : i32
      %dma_wait3A_259 = arith.constant 0 : i32
      %dma_wait3A_260 = tpu.memref_slice %arg7[%dma_wait3A_258, %dma_wait3A_259] : memref<10000x64xf32, #tpu.memory_space<vmem_shared>> -> memref<10000x64xf32, #tpu.memory_space<vmem_shared>>
      tpu.wait_indirect_dma semaphore(%arg12 : memref<!tpu.dma_semaphore, #tpu.memory_space<semaphore_mem>>) src(%dma_wait3A_254 : memref<128x64xf32, #tpu.memory_space<vmem>>) dst(%dma_wait3A_260 : memref<10000x64xf32, #tpu.memory_space<vmem_shared>>)
      %dma_wait3A_261 = arith.constant 1 : i32
      %dma_wait3A_262 = arith.constant 1 : i32
      %dma_wait3A_263 = arith.constant 0 : i32
      %dma_wait3A_264 = arith.constant 0 : i32
      %dma_wait3A_265 = tpu.memref_slice %arg10[%dma_wait3A_261, %dma_wait3A_263, %dma_wait3A_264] : memref<6x128x64xf32, #tpu.memory_space<vmem>> -> memref<1x128x64xf32, #tpu.memory_space<vmem>>
      %dma_wait3A_266 = tpu.memref_squeeze %dma_wait3A_265 : memref<1x128x64xf32, #tpu.memory_space<vmem>> -> memref<128x64xf32, #tpu.memory_space<vmem>>
      %dma_wait3A_267 = arith.constant 0 : i32
      %dma_wait3A_268 = tpu.memref_slice %arg9[%dma_wait3A_262, %dma_wait3A_267] : memref<6x128xi32, #tpu.memory_space<vmem>> -> memref<1x128xi32, #tpu.memory_space<vmem>>
      %dma_wait3A_269 = tpu.memref_squeeze %dma_wait3A_268 : memref<1x128xi32, #tpu.memory_space<vmem>> -> memref<128xi32, #tpu.memory_space<vmem>>
      %dma_wait3A_270 = arith.constant 0 : i32
      %dma_wait3A_271 = arith.constant 0 : i32
      %dma_wait3A_272 = tpu.memref_slice %arg7[%dma_wait3A_270, %dma_wait3A_271] : memref<10000x64xf32, #tpu.memory_space<vmem_shared>> -> memref<10000x64xf32, #tpu.memory_space<vmem_shared>>
      tpu.wait_indirect_dma semaphore(%arg12 : memref<!tpu.dma_semaphore, #tpu.memory_space<semaphore_mem>>) src(%dma_wait3A_266 : memref<128x64xf32, #tpu.memory_space<vmem>>) dst(%dma_wait3A_272 : memref<10000x64xf32, #tpu.memory_space<vmem_shared>>)
      %dma_wait3A_273 = arith.constant 2 : i32
      %dma_wait3A_274 = arith.constant 2 : i32
      %dma_wait3A_275 = arith.constant 0 : i32
      %dma_wait3A_276 = arith.constant 0 : i32
      %dma_wait3A_277 = tpu.memref_slice %arg10[%dma_wait3A_273, %dma_wait3A_275, %dma_wait3A_276] : memref<6x128x64xf32, #tpu.memory_space<vmem>> -> memref<1x128x64xf32, #tpu.memory_space<vmem>>
      %dma_wait3A_278 = tpu.memref_squeeze %dma_wait3A_277 : memref<1x128x64xf32, #tpu.memory_space<vmem>> -> memref<128x64xf32, #tpu.memory_space<vmem>>
      %dma_wait3A_279 = arith.constant 0 : i32
      %dma_wait3A_280 = tpu.memref_slice %arg9[%dma_wait3A_274, %dma_wait3A_279] : memref<6x128xi32, #tpu.memory_space<vmem>> -> memref<1x128xi32, #tpu.memory_space<vmem>>
      %dma_wait3A_281 = tpu.memref_squeeze %dma_wait3A_280 : memref<1x128xi32, #tpu.memory_space<vmem>> -> memref<128xi32, #tpu.memory_space<vmem>>
      %dma_wait3A_282 = arith.constant 0 : i32
      %dma_wait3A_283 = arith.constant 0 : i32
      %dma_wait3A_284 = tpu.memref_slice %arg7[%dma_wait3A_282, %dma_wait3A_283] : memref<10000x64xf32, #tpu.memory_space<vmem_shared>> -> memref<10000x64xf32, #tpu.memory_space<vmem_shared>>
      tpu.wait_indirect_dma semaphore(%arg12 : memref<!tpu.dma_semaphore, #tpu.memory_space<semaphore_mem>>) src(%dma_wait3A_278 : memref<128x64xf32, #tpu.memory_space<vmem>>) dst(%dma_wait3A_284 : memref<10000x64xf32, #tpu.memory_space<vmem_shared>>)
      %dma_wait3A_285 = arith.constant 3 : i32
      %dma_wait3A_286 = arith.constant 3 : i32
      %dma_wait3A_287 = arith.constant 0 : i32
      %dma_wait3A_288 = arith.constant 0 : i32
      %dma_wait3A_289 = tpu.memref_slice %arg10[%dma_wait3A_285, %dma_wait3A_287, %dma_wait3A_288] : memref<6x128x64xf32, #tpu.memory_space<vmem>> -> memref<1x128x64xf32, #tpu.memory_space<vmem>>
      %dma_wait3A_290 = tpu.memref_squeeze %dma_wait3A_289 : memref<1x128x64xf32, #tpu.memory_space<vmem>> -> memref<128x64xf32, #tpu.memory_space<vmem>>
      %dma_wait3A_291 = arith.constant 0 : i32
      %dma_wait3A_292 = tpu.memref_slice %arg9[%dma_wait3A_286, %dma_wait3A_291] : memref<6x128xi32, #tpu.memory_space<vmem>> -> memref<1x128xi32, #tpu.memory_space<vmem>>
      %dma_wait3A_293 = tpu.memref_squeeze %dma_wait3A_292 : memref<1x128xi32, #tpu.memory_space<vmem>> -> memref<128xi32, #tpu.memory_space<vmem>>
      %dma_wait3A_294 = arith.constant 0 : i32
      %dma_wait3A_295 = arith.constant 0 : i32
      %dma_wait3A_296 = tpu.memref_slice %arg7[%dma_wait3A_294, %dma_wait3A_295] : memref<10000x64xf32, #tpu.memory_space<vmem_shared>> -> memref<10000x64xf32, #tpu.memory_space<vmem_shared>>
      tpu.wait_indirect_dma semaphore(%arg12 : memref<!tpu.dma_semaphore, #tpu.memory_space<semaphore_mem>>) src(%dma_wait3A_290 : memref<128x64xf32, #tpu.memory_space<vmem>>) dst(%dma_wait3A_296 : memref<10000x64xf32, #tpu.memory_space<vmem_shared>>)
      %dma_wait3A_297 = arith.constant 4 : i32
      %dma_wait3A_298 = arith.constant 4 : i32
      %dma_wait3A_299 = arith.constant 0 : i32
      %dma_wait3A_300 = arith.constant 0 : i32
      %dma_wait3A_301 = tpu.memref_slice %arg10[%dma_wait3A_297, %dma_wait3A_299, %dma_wait3A_300] : memref<6x128x64xf32, #tpu.memory_space<vmem>> -> memref<1x128x64xf32, #tpu.memory_space<vmem>>
      %dma_wait3A_302 = tpu.memref_squeeze %dma_wait3A_301 : memref<1x128x64xf32, #tpu.memory_space<vmem>> -> memref<128x64xf32, #tpu.memory_space<vmem>>
      %dma_wait3A_303 = arith.constant 0 : i32
      %dma_wait3A_304 = tpu.memref_slice %arg9[%dma_wait3A_298, %dma_wait3A_303] : memref<6x128xi32, #tpu.memory_space<vmem>> -> memref<1x128xi32, #tpu.memory_space<vmem>>
      %dma_wait3A_305 = tpu.memref_squeeze %dma_wait3A_304 : memref<1x128xi32, #tpu.memory_space<vmem>> -> memref<128xi32, #tpu.memory_space<vmem>>
      %dma_wait3A_306 = arith.constant 0 : i32
      %dma_wait3A_307 = arith.constant 0 : i32
      %dma_wait3A_308 = tpu.memref_slice %arg7[%dma_wait3A_306, %dma_wait3A_307] : memref<10000x64xf32, #tpu.memory_space<vmem_shared>> -> memref<10000x64xf32, #tpu.memory_space<vmem_shared>>
      tpu.wait_indirect_dma semaphore(%arg12 : memref<!tpu.dma_semaphore, #tpu.memory_space<semaphore_mem>>) src(%dma_wait3A_302 : memref<128x64xf32, #tpu.memory_space<vmem>>) dst(%dma_wait3A_308 : memref<10000x64xf32, #tpu.memory_space<vmem_shared>>)
      %dma_wait3A_309 = arith.constant 5 : i32
      %dma_wait3A_310 = arith.constant 5 : i32
      %dma_wait3A_311 = arith.constant 0 : i32
      %dma_wait3A_312 = arith.constant 0 : i32
      %dma_wait3A_313 = tpu.memref_slice %arg10[%dma_wait3A_309, %dma_wait3A_311, %dma_wait3A_312] : memref<6x128x64xf32, #tpu.memory_space<vmem>> -> memref<1x128x64xf32, #tpu.memory_space<vmem>>
      %dma_wait3A_314 = tpu.memref_squeeze %dma_wait3A_313 : memref<1x128x64xf32, #tpu.memory_space<vmem>> -> memref<128x64xf32, #tpu.memory_space<vmem>>
      %dma_wait3A_315 = arith.constant 0 : i32
      %dma_wait3A_316 = tpu.memref_slice %arg9[%dma_wait3A_310, %dma_wait3A_315] : memref<6x128xi32, #tpu.memory_space<vmem>> -> memref<1x128xi32, #tpu.memory_space<vmem>>
      %dma_wait3A_317 = tpu.memref_squeeze %dma_wait3A_316 : memref<1x128xi32, #tpu.memory_space<vmem>> -> memref<128xi32, #tpu.memory_space<vmem>>
      %dma_wait3A_318 = arith.constant 0 : i32
      %dma_wait3A_319 = arith.constant 0 : i32
      %dma_wait3A_320 = tpu.memref_slice %arg7[%dma_wait3A_318, %dma_wait3A_319] : memref<10000x64xf32, #tpu.memory_space<vmem_shared>> -> memref<10000x64xf32, #tpu.memory_space<vmem_shared>>
      tpu.wait_indirect_dma semaphore(%arg12 : memref<!tpu.dma_semaphore, #tpu.memory_space<semaphore_mem>>) src(%dma_wait3A_314 : memref<128x64xf32, #tpu.memory_space<vmem>>) dst(%dma_wait3A_320 : memref<10000x64xf32, #tpu.memory_space<vmem_shared>>)
    }
    %scan3A_27 = arith.constant 13 : i32
    %lt3A = arith.constant 2 : i32
    %lt3A_28 = arith.cmpi slt, %arg1, %lt3A : i32
    %convert_element_type3A = arith.extui %lt3A_28 : i1 to i32
    %cond3A = arith.constant 0 : i32
    %cond3A_29 = arith.cmpi ne, %convert_element_type3A, %cond3A : i32
    scf.if %cond3A_29 {
      %mul3A_31 = arith.constant 1250 : i32
      %mul3A_32 = arith.muli %arg0, %mul3A_31 : i32
      %add3A_33 = arith.constant 1248 : i32
      %add3A_34 = arith.addi %mul3A_32, %add3A_33 : i32
      %add3A_35 = arith.addi %add3A_34, %arg1 : i32
      %run_scoped3A = arith.constant 0 : i32
      "tpu.region"() ({
        %run_scoped3A_83 = tpu.sem_alloc : memref<!tpu.dma_semaphore, #tpu.memory_space<semaphore_mem>>
        %dma_start3A_84 = arith.constant 0 : i32
        %dma_start3A_85 = tpu.memref_slice %arg8[%run_scoped3A, %dma_start3A_84] : memref<6x128xi32, #tpu.memory_space<vmem>> -> memref<1x128xi32, #tpu.memory_space<vmem>>
        %dma_start3A_86 = tpu.memref_squeeze %dma_start3A_85 : memref<1x128xi32, #tpu.memory_space<vmem>> -> memref<128xi32, #tpu.memory_space<vmem>>
        %dma_start3A_87 = arith.constant 0 : i32
        %dma_start3A_88 = tpu.memref_slice %arg3[%add3A_35, %dma_start3A_87] : memref<2500x128xi32, #tpu.memory_space<hbm>> -> memref<1x128xi32, #tpu.memory_space<hbm>>
        %dma_start3A_89 = tpu.memref_squeeze %dma_start3A_88 : memref<1x128xi32, #tpu.memory_space<hbm>> -> memref<128xi32, #tpu.memory_space<hbm>>
        %dma_start3A_90 = arith.constant 0 : i32
        %dma_start3A_91 = tpu.memref_slice %arg8[%run_scoped3A, %dma_start3A_90] : memref<6x128xi32, #tpu.memory_space<vmem>> -> memref<1x128xi32, #tpu.memory_space<vmem>>
        %dma_start3A_92 = tpu.memref_squeeze %dma_start3A_91 : memref<1x128xi32, #tpu.memory_space<vmem>> -> memref<128xi32, #tpu.memory_space<vmem>>
        %dma_start3A_93 = arith.constant 0 : i32
        %dma_start3A_94 = tpu.memref_slice %arg3[%add3A_35, %dma_start3A_93] : memref<2500x128xi32, #tpu.memory_space<hbm>> -> memref<1x128xi32, #tpu.memory_space<hbm>>
        %dma_start3A_95 = tpu.memref_squeeze %dma_start3A_94 : memref<1x128xi32, #tpu.memory_space<hbm>> -> memref<128xi32, #tpu.memory_space<hbm>>
        tpu.enqueue_dma source(%dma_start3A_95 : memref<128xi32, #tpu.memory_space<hbm>>) target(%dma_start3A_92 : memref<128xi32, #tpu.memory_space<vmem>>) target_semaphore(%run_scoped3A_83 : memref<!tpu.dma_semaphore, #tpu.memory_space<semaphore_mem>>)
        %dma_wait3A_96 = arith.constant 0 : i32
        %dma_wait3A_97 = tpu.memref_slice %arg8[%run_scoped3A, %dma_wait3A_96] : memref<6x128xi32, #tpu.memory_space<vmem>> -> memref<1x128xi32, #tpu.memory_space<vmem>>
        %dma_wait3A_98 = tpu.memref_squeeze %dma_wait3A_97 : memref<1x128xi32, #tpu.memory_space<vmem>> -> memref<128xi32, #tpu.memory_space<vmem>>
        %dma_wait3A_99 = arith.constant 0 : i32
        %dma_wait3A_100 = tpu.memref_slice %arg3[%add3A_35, %dma_wait3A_99] : memref<2500x128xi32, #tpu.memory_space<hbm>> -> memref<1x128xi32, #tpu.memory_space<hbm>>
        %dma_wait3A_101 = tpu.memref_squeeze %dma_wait3A_100 : memref<1x128xi32, #tpu.memory_space<hbm>> -> memref<128xi32, #tpu.memory_space<hbm>>
        %dma_wait3A_102 = arith.constant 0 : i32
        %dma_wait3A_103 = tpu.memref_slice %arg8[%run_scoped3A, %dma_wait3A_102] : memref<6x128xi32, #tpu.memory_space<vmem>> -> memref<1x128xi32, #tpu.memory_space<vmem>>
        %dma_wait3A_104 = tpu.memref_squeeze %dma_wait3A_103 : memref<1x128xi32, #tpu.memory_space<vmem>> -> memref<128xi32, #tpu.memory_space<vmem>>
        %dma_wait3A_105 = arith.constant 0 : i32
        %dma_wait3A_106 = tpu.memref_slice %arg3[%add3A_35, %dma_wait3A_105] : memref<2500x128xi32, #tpu.memory_space<hbm>> -> memref<1x128xi32, #tpu.memory_space<hbm>>
        %dma_wait3A_107 = tpu.memref_squeeze %dma_wait3A_106 : memref<1x128xi32, #tpu.memory_space<hbm>> -> memref<128xi32, #tpu.memory_space<hbm>>
        tpu.wait_dma2 semaphore(%run_scoped3A_83 : memref<!tpu.dma_semaphore, #tpu.memory_space<semaphore_mem>>) src(%dma_wait3A_107 : memref<128xi32, #tpu.memory_space<hbm>>) dst(%dma_wait3A_104 : memref<128xi32, #tpu.memory_space<vmem>>)
        tpu.yield
      }) : () -> ()
      %run_scoped3A_36 = arith.constant 0 : i32
      "tpu.region"() ({
        %run_scoped3A_83 = tpu.sem_alloc : memref<!tpu.dma_semaphore, #tpu.memory_space<semaphore_mem>>
        %dma_start3A_84 = arith.constant 0 : i32
        %dma_start3A_85 = tpu.memref_slice %arg9[%run_scoped3A_36, %dma_start3A_84] : memref<6x128xi32, #tpu.memory_space<vmem>> -> memref<1x128xi32, #tpu.memory_space<vmem>>
        %dma_start3A_86 = tpu.memref_squeeze %dma_start3A_85 : memref<1x128xi32, #tpu.memory_space<vmem>> -> memref<128xi32, #tpu.memory_space<vmem>>
        %dma_start3A_87 = arith.constant 0 : i32
        %dma_start3A_88 = tpu.memref_slice %arg4[%add3A_35, %dma_start3A_87] : memref<2500x128xi32, #tpu.memory_space<hbm>> -> memref<1x128xi32, #tpu.memory_space<hbm>>
        %dma_start3A_89 = tpu.memref_squeeze %dma_start3A_88 : memref<1x128xi32, #tpu.memory_space<hbm>> -> memref<128xi32, #tpu.memory_space<hbm>>
        %dma_start3A_90 = arith.constant 0 : i32
        %dma_start3A_91 = tpu.memref_slice %arg9[%run_scoped3A_36, %dma_start3A_90] : memref<6x128xi32, #tpu.memory_space<vmem>> -> memref<1x128xi32, #tpu.memory_space<vmem>>
        %dma_start3A_92 = tpu.memref_squeeze %dma_start3A_91 : memref<1x128xi32, #tpu.memory_space<vmem>> -> memref<128xi32, #tpu.memory_space<vmem>>
        %dma_start3A_93 = arith.constant 0 : i32
        %dma_start3A_94 = tpu.memref_slice %arg4[%add3A_35, %dma_start3A_93] : memref<2500x128xi32, #tpu.memory_space<hbm>> -> memref<1x128xi32, #tpu.memory_space<hbm>>
        %dma_start3A_95 = tpu.memref_squeeze %dma_start3A_94 : memref<1x128xi32, #tpu.memory_space<hbm>> -> memref<128xi32, #tpu.memory_space<hbm>>
        tpu.enqueue_dma source(%dma_start3A_95 : memref<128xi32, #tpu.memory_space<hbm>>) target(%dma_start3A_92 : memref<128xi32, #tpu.memory_space<vmem>>) target_semaphore(%run_scoped3A_83 : memref<!tpu.dma_semaphore, #tpu.memory_space<semaphore_mem>>)
        %dma_wait3A_96 = arith.constant 0 : i32
        %dma_wait3A_97 = tpu.memref_slice %arg9[%run_scoped3A_36, %dma_wait3A_96] : memref<6x128xi32, #tpu.memory_space<vmem>> -> memref<1x128xi32, #tpu.memory_space<vmem>>
        %dma_wait3A_98 = tpu.memref_squeeze %dma_wait3A_97 : memref<1x128xi32, #tpu.memory_space<vmem>> -> memref<128xi32, #tpu.memory_space<vmem>>
        %dma_wait3A_99 = arith.constant 0 : i32
        %dma_wait3A_100 = tpu.memref_slice %arg4[%add3A_35, %dma_wait3A_99] : memref<2500x128xi32, #tpu.memory_space<hbm>> -> memref<1x128xi32, #tpu.memory_space<hbm>>
        %dma_wait3A_101 = tpu.memref_squeeze %dma_wait3A_100 : memref<1x128xi32, #tpu.memory_space<hbm>> -> memref<128xi32, #tpu.memory_space<hbm>>
        %dma_wait3A_102 = arith.constant 0 : i32
        %dma_wait3A_103 = tpu.memref_slice %arg9[%run_scoped3A_36, %dma_wait3A_102] : memref<6x128xi32, #tpu.memory_space<vmem>> -> memref<1x128xi32, #tpu.memory_space<vmem>>
        %dma_wait3A_104 = tpu.memref_squeeze %dma_wait3A_103 : memref<1x128xi32, #tpu.memory_space<vmem>> -> memref<128xi32, #tpu.memory_space<vmem>>
        %dma_wait3A_105 = arith.constant 0 : i32
        %dma_wait3A_106 = tpu.memref_slice %arg4[%add3A_35, %dma_wait3A_105] : memref<2500x128xi32, #tpu.memory_space<hbm>> -> memref<1x128xi32, #tpu.memory_space<hbm>>
        %dma_wait3A_107 = tpu.memref_squeeze %dma_wait3A_106 : memref<1x128xi32, #tpu.memory_space<hbm>> -> memref<128xi32, #tpu.memory_space<hbm>>
        tpu.wait_dma2 semaphore(%run_scoped3A_83 : memref<!tpu.dma_semaphore, #tpu.memory_space<semaphore_mem>>) src(%dma_wait3A_107 : memref<128xi32, #tpu.memory_space<hbm>>) dst(%dma_wait3A_104 : memref<128xi32, #tpu.memory_space<vmem>>)
        tpu.yield
      }) : () -> ()
      %dma_start3A = arith.constant 0 : i32
      %dma_start3A_37 = arith.constant 0 : i32
      %dma_start3A_38 = arith.constant 0 : i32
      %dma_start3A_39 = arith.constant 0 : i32
      %dma_start3A_40 = tpu.memref_slice %arg10[%dma_start3A_37, %dma_start3A_38, %dma_start3A_39] : memref<6x128x64xf32, #tpu.memory_space<vmem>> -> memref<1x128x64xf32, #tpu.memory_space<vmem>>
      %dma_start3A_41 = tpu.memref_squeeze %dma_start3A_40 : memref<1x128x64xf32, #tpu.memory_space<vmem>> -> memref<128x64xf32, #tpu.memory_space<vmem>>
      %dma_start3A_42 = arith.constant 0 : i32
      %dma_start3A_43 = tpu.memref_slice %arg8[%dma_start3A, %dma_start3A_42] : memref<6x128xi32, #tpu.memory_space<vmem>> -> memref<1x128xi32, #tpu.memory_space<vmem>>
      %dma_start3A_44 = tpu.memref_squeeze %dma_start3A_43 : memref<1x128xi32, #tpu.memory_space<vmem>> -> memref<128xi32, #tpu.memory_space<vmem>>
      %dma_start3A_45 = arith.constant 0 : i32
      %dma_start3A_46 = arith.constant 0 : i32
      %dma_start3A_47 = tpu.memref_slice %arg2[%dma_start3A_45, %dma_start3A_46] : memref<10000x64xf32, #tpu.memory_space<hbm>> -> memref<10000x64xf32, #tpu.memory_space<hbm>>
      tpu.enqueue_indirect_dma source(%dma_start3A_47 : memref<10000x64xf32, #tpu.memory_space<hbm>>) target(%dma_start3A_41 : memref<128x64xf32, #tpu.memory_space<vmem>>) offsets(%dma_start3A_44 : memref<128xi32, #tpu.memory_space<vmem>>) semaphore(%arg11 : memref<!tpu.dma_semaphore, #tpu.memory_space<semaphore_mem>>)
      %dma_wait3A = arith.constant 0 : i32
      %dma_wait3A_48 = arith.constant 0 : i32
      %dma_wait3A_49 = arith.constant 0 : i32
      %dma_wait3A_50 = arith.constant 0 : i32
      %dma_wait3A_51 = tpu.memref_slice %arg10[%dma_wait3A_48, %dma_wait3A_49, %dma_wait3A_50] : memref<6x128x64xf32, #tpu.memory_space<vmem>> -> memref<1x128x64xf32, #tpu.memory_space<vmem>>
      %dma_wait3A_52 = tpu.memref_squeeze %dma_wait3A_51 : memref<1x128x64xf32, #tpu.memory_space<vmem>> -> memref<128x64xf32, #tpu.memory_space<vmem>>
      %dma_wait3A_53 = arith.constant 0 : i32
      %dma_wait3A_54 = tpu.memref_slice %arg8[%dma_wait3A, %dma_wait3A_53] : memref<6x128xi32, #tpu.memory_space<vmem>> -> memref<1x128xi32, #tpu.memory_space<vmem>>
      %dma_wait3A_55 = tpu.memref_squeeze %dma_wait3A_54 : memref<1x128xi32, #tpu.memory_space<vmem>> -> memref<128xi32, #tpu.memory_space<vmem>>
      %dma_wait3A_56 = arith.constant 0 : i32
      %dma_wait3A_57 = arith.constant 0 : i32
      %dma_wait3A_58 = tpu.memref_slice %arg2[%dma_wait3A_56, %dma_wait3A_57] : memref<10000x64xf32, #tpu.memory_space<hbm>> -> memref<10000x64xf32, #tpu.memory_space<hbm>>
      tpu.wait_indirect_dma semaphore(%arg11 : memref<!tpu.dma_semaphore, #tpu.memory_space<semaphore_mem>>) src(%dma_wait3A_58 : memref<10000x64xf32, #tpu.memory_space<hbm>>) dst(%dma_wait3A_52 : memref<128x64xf32, #tpu.memory_space<vmem>>)
      %dma_start3A_59 = arith.constant 0 : i32
      %dma_start3A_60 = arith.constant 0 : i32
      %dma_start3A_61 = arith.constant 0 : i32
      %dma_start3A_62 = arith.constant 0 : i32
      %dma_start3A_63 = tpu.memref_slice %arg10[%dma_start3A_59, %dma_start3A_61, %dma_start3A_62] : memref<6x128x64xf32, #tpu.memory_space<vmem>> -> memref<1x128x64xf32, #tpu.memory_space<vmem>>
      %dma_start3A_64 = tpu.memref_squeeze %dma_start3A_63 : memref<1x128x64xf32, #tpu.memory_space<vmem>> -> memref<128x64xf32, #tpu.memory_space<vmem>>
      %dma_start3A_65 = arith.constant 0 : i32
      %dma_start3A_66 = tpu.memref_slice %arg9[%dma_start3A_60, %dma_start3A_65] : memref<6x128xi32, #tpu.memory_space<vmem>> -> memref<1x128xi32, #tpu.memory_space<vmem>>
      %dma_start3A_67 = tpu.memref_squeeze %dma_start3A_66 : memref<1x128xi32, #tpu.memory_space<vmem>> -> memref<128xi32, #tpu.memory_space<vmem>>
      %dma_start3A_68 = arith.constant 0 : i32
      %dma_start3A_69 = arith.constant 0 : i32
      %dma_start3A_70 = tpu.memref_slice %arg7[%dma_start3A_68, %dma_start3A_69] : memref<10000x64xf32, #tpu.memory_space<vmem_shared>> -> memref<10000x64xf32, #tpu.memory_space<vmem_shared>>
      tpu.enqueue_indirect_dma source(%dma_start3A_64 : memref<128x64xf32, #tpu.memory_space<vmem>>) target(%dma_start3A_70 : memref<10000x64xf32, #tpu.memory_space<vmem_shared>>) offsets(%dma_start3A_67 : memref<128xi32, #tpu.memory_space<vmem>>) semaphore(%arg12 : memref<!tpu.dma_semaphore, #tpu.memory_space<semaphore_mem>>) {add = true}
      %dma_wait3A_71 = arith.constant 0 : i32
      %dma_wait3A_72 = arith.constant 0 : i32
      %dma_wait3A_73 = arith.constant 0 : i32
      %dma_wait3A_74 = arith.constant 0 : i32
      %dma_wait3A_75 = tpu.memref_slice %arg10[%dma_wait3A_71, %dma_wait3A_73, %dma_wait3A_74] : memref<6x128x64xf32, #tpu.memory_space<vmem>> -> memref<1x128x64xf32, #tpu.memory_space<vmem>>
      %dma_wait3A_76 = tpu.memref_squeeze %dma_wait3A_75 : memref<1x128x64xf32, #tpu.memory_space<vmem>> -> memref<128x64xf32, #tpu.memory_space<vmem>>
      %dma_wait3A_77 = arith.constant 0 : i32
      %dma_wait3A_78 = tpu.memref_slice %arg9[%dma_wait3A_72, %dma_wait3A_77] : memref<6x128xi32, #tpu.memory_space<vmem>> -> memref<1x128xi32, #tpu.memory_space<vmem>>
      %dma_wait3A_79 = tpu.memref_squeeze %dma_wait3A_78 : memref<1x128xi32, #tpu.memory_space<vmem>> -> memref<128xi32, #tpu.memory_space<vmem>>
      %dma_wait3A_80 = arith.constant 0 : i32
      %dma_wait3A_81 = arith.constant 0 : i32
      %dma_wait3A_82 = tpu.memref_slice %arg7[%dma_wait3A_80, %dma_wait3A_81] : memref<10000x64xf32, #tpu.memory_space<vmem_shared>> -> memref<10000x64xf32, #tpu.memory_space<vmem_shared>>
      tpu.wait_indirect_dma semaphore(%arg12 : memref<!tpu.dma_semaphore, #tpu.memory_space<semaphore_mem>>) src(%dma_wait3A_76 : memref<128x64xf32, #tpu.memory_space<vmem>>) dst(%dma_wait3A_82 : memref<10000x64xf32, #tpu.memory_space<vmem_shared>>)
    } else {
    }
    %barrier3A_30 = arith.constant 0 : index
    tpu.barrier barrier_id(%barrier3A_30)
    "tpu.region"() ({
      %run_scoped3A = tpu.sem_alloc : memref<!tpu.dma_semaphore, #tpu.memory_space<semaphore_mem>>
      %dma_start3A = arith.constant 0 : i32
      %dma_start3A_31 = tpu.memref_slice %arg6[%arg0, %mul3A_18, %dma_start3A] : memref<2x10000x64xf32, #tpu.memory_space<hbm>> -> memref<1x632x64xf32, #tpu.memory_space<hbm>>
      %dma_start3A_32 = tpu.memref_squeeze %dma_start3A_31 : memref<1x632x64xf32, #tpu.memory_space<hbm>> -> memref<632x64xf32, #tpu.memory_space<hbm>>
      %dma_start3A_33 = arith.constant 0 : i32
      %dma_start3A_34 = tpu.memref_slice %arg7[%mul3A_18, %dma_start3A_33] : memref<10000x64xf32, #tpu.memory_space<vmem_shared>> -> memref<632x64xf32, #tpu.memory_space<vmem_shared>>
      tpu.enqueue_dma source(%dma_start3A_34 : memref<632x64xf32, #tpu.memory_space<vmem_shared>>) target(%dma_start3A_32 : memref<632x64xf32, #tpu.memory_space<hbm>>) target_semaphore(%run_scoped3A : memref<!tpu.dma_semaphore, #tpu.memory_space<semaphore_mem>>)
      %dma_wait3A = arith.constant 0 : i32
      %dma_wait3A_35 = tpu.memref_slice %arg6[%arg0, %mul3A_18, %dma_wait3A] : memref<2x10000x64xf32, #tpu.memory_space<hbm>> -> memref<1x632x64xf32, #tpu.memory_space<hbm>>
      %dma_wait3A_36 = tpu.memref_squeeze %dma_wait3A_35 : memref<1x632x64xf32, #tpu.memory_space<hbm>> -> memref<632x64xf32, #tpu.memory_space<hbm>>
      %dma_wait3A_37 = arith.constant 0 : i32
      %dma_wait3A_38 = tpu.memref_slice %arg7[%mul3A_18, %dma_wait3A_37] : memref<10000x64xf32, #tpu.memory_space<vmem_shared>> -> memref<632x64xf32, #tpu.memory_space<vmem_shared>>
      tpu.wait_dma2 semaphore(%run_scoped3A : memref<!tpu.dma_semaphore, #tpu.memory_space<semaphore_mem>>) src(%dma_wait3A_38 : memref<632x64xf32, #tpu.memory_space<vmem_shared>>) dst(%dma_wait3A_36 : memref<632x64xf32, #tpu.memory_space<hbm>>)
      tpu.yield
    }) : () -> ()
    return
  }
}

#map = affine_map<(d0, d1) -> (0, 0)>
#map1 = affine_map<(d0, d1) -> (0, 0, 0)>
module attributes {stable_mosaic.version = 14 : i64} {
  func.func @k(%arg0: i32, %arg1: i32, %arg2: memref<10000x64xf32, #tpu.memory_space<hbm>>, %arg3: memref<2500x128xi32, #tpu.memory_space<hbm>>, %arg4: memref<2500x128xi32, #tpu.memory_space<hbm>>, %arg5: memref<10000x64xf32, #tpu.memory_space<hbm>>, %arg6: memref<2x10000x64xf32, #tpu.memory_space<hbm>>, %arg7: memref<10000x64xf32, #tpu.memory_space<vmem_shared>>, %arg8: memref<6x128xi32, #tpu.memory_space<vmem>>, %arg9: memref<6x128xi32, #tpu.memory_space<vmem>>, %arg10: memref<6x128x64xf32, #tpu.memory_space<vmem>>, %arg11: memref<!tpu.dma_semaphore, #tpu.memory_space<semaphore_mem>>, %arg12: memref<!tpu.dma_semaphore, #tpu.memory_space<semaphore_mem>>) attributes {dimension_semantics = [#tpu.dimension_semantics<core_parallel>, #tpu.dimension_semantics<subcore_parallel>], iteration_bounds = array<i64: 2, 16>, scalar_prefetch = 0 : i64, scratch_operands = 6 : i64, tpu.core_type = #tpu.core_type<sc_vector_subcore>, window_params = [{transform_indices = #map}, {transform_indices = #map}, {transform_indices = #map}, {transform_indices = #map}, {transform_indices = #map1}]} {
    %mul3A = arith.constant 1250 : i32
    %mul3A_0 = arith.muli %arg1, %mul3A : i32
    %jit3A = arith.constant 16 : i32
    %div3A = arith.divsi %mul3A_0, %jit3A : i32
    %sign3A = arith.constant 0 : i32
    %sign3A_1 = arith.cmpi sgt, %mul3A_0, %sign3A : i32
    %sign3A_2 = arith.extui %sign3A_1 : i1 to i32
    %sign3A_3 = arith.constant 0 : i32
    %sign3A_4 = arith.cmpi slt, %mul3A_0, %sign3A_3 : i32
    %sign3A_5 = arith.extui %sign3A_4 : i1 to i32
    %sign3A_6 = arith.subi %sign3A_2, %sign3A_5 : i32
    %sign3A_7 = arith.constant 0 : i32
    %sign3A_8 = arith.cmpi sgt, %jit3A, %sign3A_7 : i32
    %sign3A_9 = arith.extui %sign3A_8 : i1 to i32
    %sign3A_10 = arith.constant 0 : i32
    %sign3A_11 = arith.cmpi slt, %jit3A, %sign3A_10 : i32
    %sign3A_12 = arith.extui %sign3A_11 : i1 to i32
    %sign3A_13 = arith.subi %sign3A_9, %sign3A_12 : i32
    %ne3A = arith.cmpi ne, %sign3A_6, %sign3A_13 : i32
    %rem3A = arith.remsi %mul3A_0, %jit3A : i32
    %ne3A_14 = arith.constant 0 : i32
    %ne3A_15 = arith.cmpi ne, %rem3A, %ne3A_14 : i32
    %and3A = arith.andi %ne3A, %ne3A_15 : i1
    %sub3A = arith.constant 1 : i32
    %sub3A_16 = arith.subi %div3A, %sub3A : i32
    %select_n3A = arith.select %and3A, %sub3A_16, %div3A : i32
    %mul3A_17 = arith.constant 8 : i32
    %mul3A_18 = arith.muli %mul3A_17, %select_n3A : i32
    "tpu.region"() ({
      %run_scoped3A = tpu.sem_alloc : memref<!tpu.dma_semaphore, #tpu.memory_space<semaphore_mem>>
      %dma_start3A = arith.constant 0 : i32
      %dma_start3A_31 = tpu.memref_slice %arg7[%mul3A_18, %dma_start3A] : memref<10000x64xf32, #tpu.memory_space<vmem_shared>> -> memref<632x64xf32, #tpu.memory_space<vmem_shared>>
      %dma_start3A_32 = arith.constant 0 : i32
      %dma_start3A_33 = tpu.memref_slice %arg5[%mul3A_18, %dma_start3A_32] : memref<10000x64xf32, #tpu.memory_space<hbm>> -> memref<632x64xf32, #tpu.memory_space<hbm>>
      tpu.enqueue_dma source(%dma_start3A_33 : memref<632x64xf32, #tpu.memory_space<hbm>>) target(%dma_start3A_31 : memref<632x64xf32, #tpu.memory_space<vmem_shared>>) target_semaphore(%run_scoped3A : memref<!tpu.dma_semaphore, #tpu.memory_space<semaphore_mem>>)
      %dma_wait3A = arith.constant 0 : i32
      %dma_wait3A_34 = tpu.memref_slice %arg7[%mul3A_18, %dma_wait3A] : memref<10000x64xf32, #tpu.memory_space<vmem_shared>> -> memref<632x64xf32, #tpu.memory_space<vmem_shared>>
      %dma_wait3A_35 = arith.constant 0 : i32
      %dma_wait3A_36 = tpu.memref_slice %arg5[%mul3A_18, %dma_wait3A_35] : memref<10000x64xf32, #tpu.memory_space<hbm>> -> memref<632x64xf32, #tpu.memory_space<hbm>>
      tpu.wait_dma2 semaphore(%run_scoped3A : memref<!tpu.dma_semaphore, #tpu.memory_space<semaphore_mem>>) src(%dma_wait3A_36 : memref<632x64xf32, #tpu.memory_space<hbm>>) dst(%dma_wait3A_34 : memref<632x64xf32, #tpu.memory_space<vmem_shared>>)
      tpu.yield
    }) : () -> ()
    %barrier3A = arith.constant 0 : index
    tpu.barrier barrier_id(%barrier3A)
    %mul3A_19 = arith.constant 1250 : i32
    %mul3A_20 = arith.muli %arg0, %mul3A_19 : i32
    %mul3A_21 = arith.constant 78 : i32
    %mul3A_22 = arith.muli %arg1, %mul3A_21 : i32
    %add3A = arith.addi %mul3A_20, %mul3A_22 : i32
    %scan3A = arith.constant 0 : i32
    %scan3A_23 = arith.constant 0 : i32
    %scan3A_24 = arith.constant 13 : i32
    %scan3A_25 = arith.addi %scan3A_23, %scan3A_24 : i32
    %scan3A_26 = arith.constant 1 : i32
    scf.for %scan3A_31 = %scan3A_23 to %scan3A_25 step %scan3A_26  : i32 {
      %mul3A_32 = arith.constant 6 : i32
      %mul3A_33 = arith.muli %scan3A_31, %mul3A_32 : i32
      %add3A_34 = arith.addi %add3A, %mul3A_33 : i32
      "tpu.region"() ({
        %run_scoped3A = tpu.sem_alloc : memref<!tpu.dma_semaphore, #tpu.memory_space<semaphore_mem>>
        %dma_start3A_321 = arith.constant 0 : i32
        %dma_start3A_322 = tpu.memref_slice %arg3[%add3A_34, %dma_start3A_321] : memref<2500x128xi32, #tpu.memory_space<hbm>> -> memref<6x128xi32, #tpu.memory_space<hbm>>
        %dma_start3A_323 = arith.constant 0 : i32
        %dma_start3A_324 = tpu.memref_slice %arg3[%add3A_34, %dma_start3A_323] : memref<2500x128xi32, #tpu.memory_space<hbm>> -> memref<6x128xi32, #tpu.memory_space<hbm>>
        tpu.enqueue_dma source(%dma_start3A_324 : memref<6x128xi32, #tpu.memory_space<hbm>>) target(%arg8 : memref<6x128xi32, #tpu.memory_space<vmem>>) target_semaphore(%run_scoped3A : memref<!tpu.dma_semaphore, #tpu.memory_space<semaphore_mem>>)
        %dma_wait3A_325 = arith.constant 0 : i32
        %dma_wait3A_326 = tpu.memref_slice %arg3[%add3A_34, %dma_wait3A_325] : memref<2500x128xi32, #tpu.memory_space<hbm>> -> memref<6x128xi32, #tpu.memory_space<hbm>>
        %dma_wait3A_327 = arith.constant 0 : i32
        %dma_wait3A_328 = tpu.memref_slice %arg3[%add3A_34, %dma_wait3A_327] : memref<2500x128xi32, #tpu.memory_space<hbm>> -> memref<6x128xi32, #tpu.memory_space<hbm>>
        tpu.wait_dma2 semaphore(%run_scoped3A : memref<!tpu.dma_semaphore, #tpu.memory_space<semaphore_mem>>) src(%dma_wait3A_328 : memref<6x128xi32, #tpu.memory_space<hbm>>) dst(%arg8 : memref<6x128xi32, #tpu.memory_space<vmem>>)
        tpu.yield
      }) : () -> ()
      "tpu.region"() ({
        %run_scoped3A = tpu.sem_alloc : memref<!tpu.dma_semaphore, #tpu.memory_space<semaphore_mem>>
        %dma_start3A_321 = arith.constant 0 : i32
        %dma_start3A_322 = tpu.memref_slice %arg4[%add3A_34, %dma_start3A_321] : memref<2500x128xi32, #tpu.memory_space<hbm>> -> memref<6x128xi32, #tpu.memory_space<hbm>>
        %dma_start3A_323 = arith.constant 0 : i32
        %dma_start3A_324 = tpu.memref_slice %arg4[%add3A_34, %dma_start3A_323] : memref<2500x128xi32, #tpu.memory_space<hbm>> -> memref<6x128xi32, #tpu.memory_space<hbm>>
        tpu.enqueue_dma source(%dma_start3A_324 : memref<6x128xi32, #tpu.memory_space<hbm>>) target(%arg9 : memref<6x128xi32, #tpu.memory_space<vmem>>) target_semaphore(%run_scoped3A : memref<!tpu.dma_semaphore, #tpu.memory_space<semaphore_mem>>)
        %dma_wait3A_325 = arith.constant 0 : i32
        %dma_wait3A_326 = tpu.memref_slice %arg4[%add3A_34, %dma_wait3A_325] : memref<2500x128xi32, #tpu.memory_space<hbm>> -> memref<6x128xi32, #tpu.memory_space<hbm>>
        %dma_wait3A_327 = arith.constant 0 : i32
        %dma_wait3A_328 = tpu.memref_slice %arg4[%add3A_34, %dma_wait3A_327] : memref<2500x128xi32, #tpu.memory_space<hbm>> -> memref<6x128xi32, #tpu.memory_space<hbm>>
        tpu.wait_dma2 semaphore(%run_scoped3A : memref<!tpu.dma_semaphore, #tpu.memory_space<semaphore_mem>>) src(%dma_wait3A_328 : memref<6x128xi32, #tpu.memory_space<hbm>>) dst(%arg9 : memref<6x128xi32, #tpu.memory_space<vmem>>)
        tpu.yield
      }) : () -> ()
      %dma_start3A = arith.constant 0 : i32
      %dma_start3A_35 = arith.constant 0 : i32
      %dma_start3A_36 = arith.constant 0 : i32
      %dma_start3A_37 = arith.constant 0 : i32
      %dma_start3A_38 = tpu.memref_slice %arg10[%dma_start3A_35, %dma_start3A_36, %dma_start3A_37] : memref<6x128x64xf32, #tpu.memory_space<vmem>> -> memref<1x128x64xf32, #tpu.memory_space<vmem>>
      %dma_start3A_39 = tpu.memref_squeeze %dma_start3A_38 : memref<1x128x64xf32, #tpu.memory_space<vmem>> -> memref<128x64xf32, #tpu.memory_space<vmem>>
      %dma_start3A_40 = arith.constant 0 : i32
      %dma_start3A_41 = tpu.memref_slice %arg8[%dma_start3A, %dma_start3A_40] : memref<6x128xi32, #tpu.memory_space<vmem>> -> memref<1x128xi32, #tpu.memory_space<vmem>>
      %dma_start3A_42 = tpu.memref_squeeze %dma_start3A_41 : memref<1x128xi32, #tpu.memory_space<vmem>> -> memref<128xi32, #tpu.memory_space<vmem>>
      %dma_start3A_43 = arith.constant 0 : i32
      %dma_start3A_44 = arith.constant 0 : i32
      %dma_start3A_45 = tpu.memref_slice %arg2[%dma_start3A_43, %dma_start3A_44] : memref<10000x64xf32, #tpu.memory_space<hbm>> -> memref<10000x64xf32, #tpu.memory_space<hbm>>
      tpu.enqueue_indirect_dma source(%dma_start3A_45 : memref<10000x64xf32, #tpu.memory_space<hbm>>) target(%dma_start3A_39 : memref<128x64xf32, #tpu.memory_space<vmem>>) offsets(%dma_start3A_42 : memref<128xi32, #tpu.memory_space<vmem>>) semaphore(%arg11 : memref<!tpu.dma_semaphore, #tpu.memory_space<semaphore_mem>>)
      %dma_start3A_46 = arith.constant 1 : i32
      %dma_start3A_47 = arith.constant 1 : i32
      %dma_start3A_48 = arith.constant 0 : i32
      %dma_start3A_49 = arith.constant 0 : i32
      %dma_start3A_50 = tpu.memref_slice %arg10[%dma_start3A_47, %dma_start3A_48, %dma_start3A_49] : memref<6x128x64xf32, #tpu.memory_space<vmem>> -> memref<1x128x64xf32, #tpu.memory_space<vmem>>
      %dma_start3A_51 = tpu.memref_squeeze %dma_start3A_50 : memref<1x128x64xf32, #tpu.memory_space<vmem>> -> memref<128x64xf32, #tpu.memory_space<vmem>>
      %dma_start3A_52 = arith.constant 0 : i32
      %dma_start3A_53 = tpu.memref_slice %arg8[%dma_start3A_46, %dma_start3A_52] : memref<6x128xi32, #tpu.memory_space<vmem>> -> memref<1x128xi32, #tpu.memory_space<vmem>>
      %dma_start3A_54 = tpu.memref_squeeze %dma_start3A_53 : memref<1x128xi32, #tpu.memory_space<vmem>> -> memref<128xi32, #tpu.memory_space<vmem>>
      %dma_start3A_55 = arith.constant 0 : i32
      %dma_start3A_56 = arith.constant 0 : i32
      %dma_start3A_57 = tpu.memref_slice %arg2[%dma_start3A_55, %dma_start3A_56] : memref<10000x64xf32, #tpu.memory_space<hbm>> -> memref<10000x64xf32, #tpu.memory_space<hbm>>
      tpu.enqueue_indirect_dma source(%dma_start3A_57 : memref<10000x64xf32, #tpu.memory_space<hbm>>) target(%dma_start3A_51 : memref<128x64xf32, #tpu.memory_space<vmem>>) offsets(%dma_start3A_54 : memref<128xi32, #tpu.memory_space<vmem>>) semaphore(%arg11 : memref<!tpu.dma_semaphore, #tpu.memory_space<semaphore_mem>>)
      %dma_start3A_58 = arith.constant 2 : i32
      %dma_start3A_59 = arith.constant 2 : i32
      %dma_start3A_60 = arith.constant 0 : i32
      %dma_start3A_61 = arith.constant 0 : i32
      %dma_start3A_62 = tpu.memref_slice %arg10[%dma_start3A_59, %dma_start3A_60, %dma_start3A_61] : memref<6x128x64xf32, #tpu.memory_space<vmem>> -> memref<1x128x64xf32, #tpu.memory_space<vmem>>
      %dma_start3A_63 = tpu.memref_squeeze %dma_start3A_62 : memref<1x128x64xf32, #tpu.memory_space<vmem>> -> memref<128x64xf32, #tpu.memory_space<vmem>>
      %dma_start3A_64 = arith.constant 0 : i32
      %dma_start3A_65 = tpu.memref_slice %arg8[%dma_start3A_58, %dma_start3A_64] : memref<6x128xi32, #tpu.memory_space<vmem>> -> memref<1x128xi32, #tpu.memory_space<vmem>>
      %dma_start3A_66 = tpu.memref_squeeze %dma_start3A_65 : memref<1x128xi32, #tpu.memory_space<vmem>> -> memref<128xi32, #tpu.memory_space<vmem>>
      %dma_start3A_67 = arith.constant 0 : i32
      %dma_start3A_68 = arith.constant 0 : i32
      %dma_start3A_69 = tpu.memref_slice %arg2[%dma_start3A_67, %dma_start3A_68] : memref<10000x64xf32, #tpu.memory_space<hbm>> -> memref<10000x64xf32, #tpu.memory_space<hbm>>
      tpu.enqueue_indirect_dma source(%dma_start3A_69 : memref<10000x64xf32, #tpu.memory_space<hbm>>) target(%dma_start3A_63 : memref<128x64xf32, #tpu.memory_space<vmem>>) offsets(%dma_start3A_66 : memref<128xi32, #tpu.memory_space<vmem>>) semaphore(%arg11 : memref<!tpu.dma_semaphore, #tpu.memory_space<semaphore_mem>>)
      %dma_start3A_70 = arith.constant 3 : i32
      %dma_start3A_71 = arith.constant 3 : i32
      %dma_start3A_72 = arith.constant 0 : i32
      %dma_start3A_73 = arith.constant 0 : i32
      %dma_start3A_74 = tpu.memref_slice %arg10[%dma_start3A_71, %dma_start3A_72, %dma_start3A_73] : memref<6x128x64xf32, #tpu.memory_space<vmem>> -> memref<1x128x64xf32, #tpu.memory_space<vmem>>
      %dma_start3A_75 = tpu.memref_squeeze %dma_start3A_74 : memref<1x128x64xf32, #tpu.memory_space<vmem>> -> memref<128x64xf32, #tpu.memory_space<vmem>>
      %dma_start3A_76 = arith.constant 0 : i32
      %dma_start3A_77 = tpu.memref_slice %arg8[%dma_start3A_70, %dma_start3A_76] : memref<6x128xi32, #tpu.memory_space<vmem>> -> memref<1x128xi32, #tpu.memory_space<vmem>>
      %dma_start3A_78 = tpu.memref_squeeze %dma_start3A_77 : memref<1x128xi32, #tpu.memory_space<vmem>> -> memref<128xi32, #tpu.memory_space<vmem>>
      %dma_start3A_79 = arith.constant 0 : i32
      %dma_start3A_80 = arith.constant 0 : i32
      %dma_start3A_81 = tpu.memref_slice %arg2[%dma_start3A_79, %dma_start3A_80] : memref<10000x64xf32, #tpu.memory_space<hbm>> -> memref<10000x64xf32, #tpu.memory_space<hbm>>
      tpu.enqueue_indirect_dma source(%dma_start3A_81 : memref<10000x64xf32, #tpu.memory_space<hbm>>) target(%dma_start3A_75 : memref<128x64xf32, #tpu.memory_space<vmem>>) offsets(%dma_start3A_78 : memref<128xi32, #tpu.memory_space<vmem>>) semaphore(%arg11 : memref<!tpu.dma_semaphore, #tpu.memory_space<semaphore_mem>>)
      %dma_start3A_82 = arith.constant 4 : i32
      %dma_start3A_83 = arith.constant 4 : i32
      %dma_start3A_84 = arith.constant 0 : i32
      %dma_start3A_85 = arith.constant 0 : i32
      %dma_start3A_86 = tpu.memref_slice %arg10[%dma_start3A_83, %dma_start3A_84, %dma_start3A_85] : memref<6x128x64xf32, #tpu.memory_space<vmem>> -> memref<1x128x64xf32, #tpu.memory_space<vmem>>
      %dma_start3A_87 = tpu.memref_squeeze %dma_start3A_86 : memref<1x128x64xf32, #tpu.memory_space<vmem>> -> memref<128x64xf32, #tpu.memory_space<vmem>>
      %dma_start3A_88 = arith.constant 0 : i32
      %dma_start3A_89 = tpu.memref_slice %arg8[%dma_start3A_82, %dma_start3A_88] : memref<6x128xi32, #tpu.memory_space<vmem>> -> memref<1x128xi32, #tpu.memory_space<vmem>>
      %dma_start3A_90 = tpu.memref_squeeze %dma_start3A_89 : memref<1x128xi32, #tpu.memory_space<vmem>> -> memref<128xi32, #tpu.memory_space<vmem>>
      %dma_start3A_91 = arith.constant 0 : i32
      %dma_start3A_92 = arith.constant 0 : i32
      %dma_start3A_93 = tpu.memref_slice %arg2[%dma_start3A_91, %dma_start3A_92] : memref<10000x64xf32, #tpu.memory_space<hbm>> -> memref<10000x64xf32, #tpu.memory_space<hbm>>
      tpu.enqueue_indirect_dma source(%dma_start3A_93 : memref<10000x64xf32, #tpu.memory_space<hbm>>) target(%dma_start3A_87 : memref<128x64xf32, #tpu.memory_space<vmem>>) offsets(%dma_start3A_90 : memref<128xi32, #tpu.memory_space<vmem>>) semaphore(%arg11 : memref<!tpu.dma_semaphore, #tpu.memory_space<semaphore_mem>>)
      %dma_start3A_94 = arith.constant 5 : i32
      %dma_start3A_95 = arith.constant 5 : i32
      %dma_start3A_96 = arith.constant 0 : i32
      %dma_start3A_97 = arith.constant 0 : i32
      %dma_start3A_98 = tpu.memref_slice %arg10[%dma_start3A_95, %dma_start3A_96, %dma_start3A_97] : memref<6x128x64xf32, #tpu.memory_space<vmem>> -> memref<1x128x64xf32, #tpu.memory_space<vmem>>
      %dma_start3A_99 = tpu.memref_squeeze %dma_start3A_98 : memref<1x128x64xf32, #tpu.memory_space<vmem>> -> memref<128x64xf32, #tpu.memory_space<vmem>>
      %dma_start3A_100 = arith.constant 0 : i32
      %dma_start3A_101 = tpu.memref_slice %arg8[%dma_start3A_94, %dma_start3A_100] : memref<6x128xi32, #tpu.memory_space<vmem>> -> memref<1x128xi32, #tpu.memory_space<vmem>>
      %dma_start3A_102 = tpu.memref_squeeze %dma_start3A_101 : memref<1x128xi32, #tpu.memory_space<vmem>> -> memref<128xi32, #tpu.memory_space<vmem>>
      %dma_start3A_103 = arith.constant 0 : i32
      %dma_start3A_104 = arith.constant 0 : i32
      %dma_start3A_105 = tpu.memref_slice %arg2[%dma_start3A_103, %dma_start3A_104] : memref<10000x64xf32, #tpu.memory_space<hbm>> -> memref<10000x64xf32, #tpu.memory_space<hbm>>
      tpu.enqueue_indirect_dma source(%dma_start3A_105 : memref<10000x64xf32, #tpu.memory_space<hbm>>) target(%dma_start3A_99 : memref<128x64xf32, #tpu.memory_space<vmem>>) offsets(%dma_start3A_102 : memref<128xi32, #tpu.memory_space<vmem>>) semaphore(%arg11 : memref<!tpu.dma_semaphore, #tpu.memory_space<semaphore_mem>>)
      %dma_wait3A = arith.constant 0 : i32
      %dma_wait3A_106 = arith.constant 0 : i32
      %dma_wait3A_107 = arith.constant 0 : i32
      %dma_wait3A_108 = arith.constant 0 : i32
      %dma_wait3A_109 = tpu.memref_slice %arg10[%dma_wait3A_106, %dma_wait3A_107, %dma_wait3A_108] : memref<6x128x64xf32, #tpu.memory_space<vmem>> -> memref<1x128x64xf32, #tpu.memory_space<vmem>>
      %dma_wait3A_110 = tpu.memref_squeeze %dma_wait3A_109 : memref<1x128x64xf32, #tpu.memory_space<vmem>> -> memref<128x64xf32, #tpu.memory_space<vmem>>
      %dma_wait3A_111 = arith.constant 0 : i32
      %dma_wait3A_112 = tpu.memref_slice %arg8[%dma_wait3A, %dma_wait3A_111] : memref<6x128xi32, #tpu.memory_space<vmem>> -> memref<1x128xi32, #tpu.memory_space<vmem>>
      %dma_wait3A_113 = tpu.memref_squeeze %dma_wait3A_112 : memref<1x128xi32, #tpu.memory_space<vmem>> -> memref<128xi32, #tpu.memory_space<vmem>>
      %dma_wait3A_114 = arith.constant 0 : i32
      %dma_wait3A_115 = arith.constant 0 : i32
      %dma_wait3A_116 = tpu.memref_slice %arg2[%dma_wait3A_114, %dma_wait3A_115] : memref<10000x64xf32, #tpu.memory_space<hbm>> -> memref<10000x64xf32, #tpu.memory_space<hbm>>
      tpu.wait_indirect_dma semaphore(%arg11 : memref<!tpu.dma_semaphore, #tpu.memory_space<semaphore_mem>>) src(%dma_wait3A_116 : memref<10000x64xf32, #tpu.memory_space<hbm>>) dst(%dma_wait3A_110 : memref<128x64xf32, #tpu.memory_space<vmem>>)
      %dma_start3A_117 = arith.constant 0 : i32
      %dma_start3A_118 = arith.constant 0 : i32
      %dma_start3A_119 = arith.constant 0 : i32
      %dma_start3A_120 = arith.constant 0 : i32
      %dma_start3A_121 = tpu.memref_slice %arg10[%dma_start3A_117, %dma_start3A_119, %dma_start3A_120] : memref<6x128x64xf32, #tpu.memory_space<vmem>> -> memref<1x128x64xf32, #tpu.memory_space<vmem>>
      %dma_start3A_122 = tpu.memref_squeeze %dma_start3A_121 : memref<1x128x64xf32, #tpu.memory_space<vmem>> -> memref<128x64xf32, #tpu.memory_space<vmem>>
      %dma_start3A_123 = arith.constant 0 : i32
      %dma_start3A_124 = tpu.memref_slice %arg9[%dma_start3A_118, %dma_start3A_123] : memref<6x128xi32, #tpu.memory_space<vmem>> -> memref<1x128xi32, #tpu.memory_space<vmem>>
      %dma_start3A_125 = tpu.memref_squeeze %dma_start3A_124 : memref<1x128xi32, #tpu.memory_space<vmem>> -> memref<128xi32, #tpu.memory_space<vmem>>
      %dma_start3A_126 = arith.constant 0 : i32
      %dma_start3A_127 = arith.constant 0 : i32
      %dma_start3A_128 = tpu.memref_slice %arg7[%dma_start3A_126, %dma_start3A_127] : memref<10000x64xf32, #tpu.memory_space<vmem_shared>> -> memref<10000x64xf32, #tpu.memory_space<vmem_shared>>
      tpu.enqueue_indirect_dma source(%dma_start3A_122 : memref<128x64xf32, #tpu.memory_space<vmem>>) target(%dma_start3A_128 : memref<10000x64xf32, #tpu.memory_space<vmem_shared>>) offsets(%dma_start3A_125 : memref<128xi32, #tpu.memory_space<vmem>>) semaphore(%arg12 : memref<!tpu.dma_semaphore, #tpu.memory_space<semaphore_mem>>) {add = true}
      %dma_wait3A_129 = arith.constant 1 : i32
      %dma_wait3A_130 = arith.constant 1 : i32
      %dma_wait3A_131 = arith.constant 0 : i32
      %dma_wait3A_132 = arith.constant 0 : i32
      %dma_wait3A_133 = tpu.memref_slice %arg10[%dma_wait3A_130, %dma_wait3A_131, %dma_wait3A_132] : memref<6x128x64xf32, #tpu.memory_space<vmem>> -> memref<1x128x64xf32, #tpu.memory_space<vmem>>
      %dma_wait3A_134 = tpu.memref_squeeze %dma_wait3A_133 : memref<1x128x64xf32, #tpu.memory_space<vmem>> -> memref<128x64xf32, #tpu.memory_space<vmem>>
      %dma_wait3A_135 = arith.constant 0 : i32
      %dma_wait3A_136 = tpu.memref_slice %arg8[%dma_wait3A_129, %dma_wait3A_135] : memref<6x128xi32, #tpu.memory_space<vmem>> -> memref<1x128xi32, #tpu.memory_space<vmem>>
      %dma_wait3A_137 = tpu.memref_squeeze %dma_wait3A_136 : memref<1x128xi32, #tpu.memory_space<vmem>> -> memref<128xi32, #tpu.memory_space<vmem>>
      %dma_wait3A_138 = arith.constant 0 : i32
      %dma_wait3A_139 = arith.constant 0 : i32
      %dma_wait3A_140 = tpu.memref_slice %arg2[%dma_wait3A_138, %dma_wait3A_139] : memref<10000x64xf32, #tpu.memory_space<hbm>> -> memref<10000x64xf32, #tpu.memory_space<hbm>>
      tpu.wait_indirect_dma semaphore(%arg11 : memref<!tpu.dma_semaphore, #tpu.memory_space<semaphore_mem>>) src(%dma_wait3A_140 : memref<10000x64xf32, #tpu.memory_space<hbm>>) dst(%dma_wait3A_134 : memref<128x64xf32, #tpu.memory_space<vmem>>)
      %dma_start3A_141 = arith.constant 1 : i32
      %dma_start3A_142 = arith.constant 1 : i32
      %dma_start3A_143 = arith.constant 0 : i32
      %dma_start3A_144 = arith.constant 0 : i32
      %dma_start3A_145 = tpu.memref_slice %arg10[%dma_start3A_141, %dma_start3A_143, %dma_start3A_144] : memref<6x128x64xf32, #tpu.memory_space<vmem>> -> memref<1x128x64xf32, #tpu.memory_space<vmem>>
      %dma_start3A_146 = tpu.memref_squeeze %dma_start3A_145 : memref<1x128x64xf32, #tpu.memory_space<vmem>> -> memref<128x64xf32, #tpu.memory_space<vmem>>
      %dma_start3A_147 = arith.constant 0 : i32
      %dma_start3A_148 = tpu.memref_slice %arg9[%dma_start3A_142, %dma_start3A_147] : memref<6x128xi32, #tpu.memory_space<vmem>> -> memref<1x128xi32, #tpu.memory_space<vmem>>
      %dma_start3A_149 = tpu.memref_squeeze %dma_start3A_148 : memref<1x128xi32, #tpu.memory_space<vmem>> -> memref<128xi32, #tpu.memory_space<vmem>>
      %dma_start3A_150 = arith.constant 0 : i32
      %dma_start3A_151 = arith.constant 0 : i32
      %dma_start3A_152 = tpu.memref_slice %arg7[%dma_start3A_150, %dma_start3A_151] : memref<10000x64xf32, #tpu.memory_space<vmem_shared>> -> memref<10000x64xf32, #tpu.memory_space<vmem_shared>>
      tpu.enqueue_indirect_dma source(%dma_start3A_146 : memref<128x64xf32, #tpu.memory_space<vmem>>) target(%dma_start3A_152 : memref<10000x64xf32, #tpu.memory_space<vmem_shared>>) offsets(%dma_start3A_149 : memref<128xi32, #tpu.memory_space<vmem>>) semaphore(%arg12 : memref<!tpu.dma_semaphore, #tpu.memory_space<semaphore_mem>>) {add = true}
      %dma_wait3A_153 = arith.constant 2 : i32
      %dma_wait3A_154 = arith.constant 2 : i32
      %dma_wait3A_155 = arith.constant 0 : i32
      %dma_wait3A_156 = arith.constant 0 : i32
      %dma_wait3A_157 = tpu.memref_slice %arg10[%dma_wait3A_154, %dma_wait3A_155, %dma_wait3A_156] : memref<6x128x64xf32, #tpu.memory_space<vmem>> -> memref<1x128x64xf32, #tpu.memory_space<vmem>>
      %dma_wait3A_158 = tpu.memref_squeeze %dma_wait3A_157 : memref<1x128x64xf32, #tpu.memory_space<vmem>> -> memref<128x64xf32, #tpu.memory_space<vmem>>
      %dma_wait3A_159 = arith.constant 0 : i32
      %dma_wait3A_160 = tpu.memref_slice %arg8[%dma_wait3A_153, %dma_wait3A_159] : memref<6x128xi32, #tpu.memory_space<vmem>> -> memref<1x128xi32, #tpu.memory_space<vmem>>
      %dma_wait3A_161 = tpu.memref_squeeze %dma_wait3A_160 : memref<1x128xi32, #tpu.memory_space<vmem>> -> memref<128xi32, #tpu.memory_space<vmem>>
      %dma_wait3A_162 = arith.constant 0 : i32
      %dma_wait3A_163 = arith.constant 0 : i32
      %dma_wait3A_164 = tpu.memref_slice %arg2[%dma_wait3A_162, %dma_wait3A_163] : memref<10000x64xf32, #tpu.memory_space<hbm>> -> memref<10000x64xf32, #tpu.memory_space<hbm>>
      tpu.wait_indirect_dma semaphore(%arg11 : memref<!tpu.dma_semaphore, #tpu.memory_space<semaphore_mem>>) src(%dma_wait3A_164 : memref<10000x64xf32, #tpu.memory_space<hbm>>) dst(%dma_wait3A_158 : memref<128x64xf32, #tpu.memory_space<vmem>>)
      %dma_start3A_165 = arith.constant 2 : i32
      %dma_start3A_166 = arith.constant 2 : i32
      %dma_start3A_167 = arith.constant 0 : i32
      %dma_start3A_168 = arith.constant 0 : i32
      %dma_start3A_169 = tpu.memref_slice %arg10[%dma_start3A_165, %dma_start3A_167, %dma_start3A_168] : memref<6x128x64xf32, #tpu.memory_space<vmem>> -> memref<1x128x64xf32, #tpu.memory_space<vmem>>
      %dma_start3A_170 = tpu.memref_squeeze %dma_start3A_169 : memref<1x128x64xf32, #tpu.memory_space<vmem>> -> memref<128x64xf32, #tpu.memory_space<vmem>>
      %dma_start3A_171 = arith.constant 0 : i32
      %dma_start3A_172 = tpu.memref_slice %arg9[%dma_start3A_166, %dma_start3A_171] : memref<6x128xi32, #tpu.memory_space<vmem>> -> memref<1x128xi32, #tpu.memory_space<vmem>>
      %dma_start3A_173 = tpu.memref_squeeze %dma_start3A_172 : memref<1x128xi32, #tpu.memory_space<vmem>> -> memref<128xi32, #tpu.memory_space<vmem>>
      %dma_start3A_174 = arith.constant 0 : i32
      %dma_start3A_175 = arith.constant 0 : i32
      %dma_start3A_176 = tpu.memref_slice %arg7[%dma_start3A_174, %dma_start3A_175] : memref<10000x64xf32, #tpu.memory_space<vmem_shared>> -> memref<10000x64xf32, #tpu.memory_space<vmem_shared>>
      tpu.enqueue_indirect_dma source(%dma_start3A_170 : memref<128x64xf32, #tpu.memory_space<vmem>>) target(%dma_start3A_176 : memref<10000x64xf32, #tpu.memory_space<vmem_shared>>) offsets(%dma_start3A_173 : memref<128xi32, #tpu.memory_space<vmem>>) semaphore(%arg12 : memref<!tpu.dma_semaphore, #tpu.memory_space<semaphore_mem>>) {add = true}
      %dma_wait3A_177 = arith.constant 3 : i32
      %dma_wait3A_178 = arith.constant 3 : i32
      %dma_wait3A_179 = arith.constant 0 : i32
      %dma_wait3A_180 = arith.constant 0 : i32
      %dma_wait3A_181 = tpu.memref_slice %arg10[%dma_wait3A_178, %dma_wait3A_179, %dma_wait3A_180] : memref<6x128x64xf32, #tpu.memory_space<vmem>> -> memref<1x128x64xf32, #tpu.memory_space<vmem>>
      %dma_wait3A_182 = tpu.memref_squeeze %dma_wait3A_181 : memref<1x128x64xf32, #tpu.memory_space<vmem>> -> memref<128x64xf32, #tpu.memory_space<vmem>>
      %dma_wait3A_183 = arith.constant 0 : i32
      %dma_wait3A_184 = tpu.memref_slice %arg8[%dma_wait3A_177, %dma_wait3A_183] : memref<6x128xi32, #tpu.memory_space<vmem>> -> memref<1x128xi32, #tpu.memory_space<vmem>>
      %dma_wait3A_185 = tpu.memref_squeeze %dma_wait3A_184 : memref<1x128xi32, #tpu.memory_space<vmem>> -> memref<128xi32, #tpu.memory_space<vmem>>
      %dma_wait3A_186 = arith.constant 0 : i32
      %dma_wait3A_187 = arith.constant 0 : i32
      %dma_wait3A_188 = tpu.memref_slice %arg2[%dma_wait3A_186, %dma_wait3A_187] : memref<10000x64xf32, #tpu.memory_space<hbm>> -> memref<10000x64xf32, #tpu.memory_space<hbm>>
      tpu.wait_indirect_dma semaphore(%arg11 : memref<!tpu.dma_semaphore, #tpu.memory_space<semaphore_mem>>) src(%dma_wait3A_188 : memref<10000x64xf32, #tpu.memory_space<hbm>>) dst(%dma_wait3A_182 : memref<128x64xf32, #tpu.memory_space<vmem>>)
      %dma_start3A_189 = arith.constant 3 : i32
      %dma_start3A_190 = arith.constant 3 : i32
      %dma_start3A_191 = arith.constant 0 : i32
      %dma_start3A_192 = arith.constant 0 : i32
      %dma_start3A_193 = tpu.memref_slice %arg10[%dma_start3A_189, %dma_start3A_191, %dma_start3A_192] : memref<6x128x64xf32, #tpu.memory_space<vmem>> -> memref<1x128x64xf32, #tpu.memory_space<vmem>>
      %dma_start3A_194 = tpu.memref_squeeze %dma_start3A_193 : memref<1x128x64xf32, #tpu.memory_space<vmem>> -> memref<128x64xf32, #tpu.memory_space<vmem>>
      %dma_start3A_195 = arith.constant 0 : i32
      %dma_start3A_196 = tpu.memref_slice %arg9[%dma_start3A_190, %dma_start3A_195] : memref<6x128xi32, #tpu.memory_space<vmem>> -> memref<1x128xi32, #tpu.memory_space<vmem>>
      %dma_start3A_197 = tpu.memref_squeeze %dma_start3A_196 : memref<1x128xi32, #tpu.memory_space<vmem>> -> memref<128xi32, #tpu.memory_space<vmem>>
      %dma_start3A_198 = arith.constant 0 : i32
      %dma_start3A_199 = arith.constant 0 : i32
      %dma_start3A_200 = tpu.memref_slice %arg7[%dma_start3A_198, %dma_start3A_199] : memref<10000x64xf32, #tpu.memory_space<vmem_shared>> -> memref<10000x64xf32, #tpu.memory_space<vmem_shared>>
      tpu.enqueue_indirect_dma source(%dma_start3A_194 : memref<128x64xf32, #tpu.memory_space<vmem>>) target(%dma_start3A_200 : memref<10000x64xf32, #tpu.memory_space<vmem_shared>>) offsets(%dma_start3A_197 : memref<128xi32, #tpu.memory_space<vmem>>) semaphore(%arg12 : memref<!tpu.dma_semaphore, #tpu.memory_space<semaphore_mem>>) {add = true}
      %dma_wait3A_201 = arith.constant 4 : i32
      %dma_wait3A_202 = arith.constant 4 : i32
      %dma_wait3A_203 = arith.constant 0 : i32
      %dma_wait3A_204 = arith.constant 0 : i32
      %dma_wait3A_205 = tpu.memref_slice %arg10[%dma_wait3A_202, %dma_wait3A_203, %dma_wait3A_204] : memref<6x128x64xf32, #tpu.memory_space<vmem>> -> memref<1x128x64xf32, #tpu.memory_space<vmem>>
      %dma_wait3A_206 = tpu.memref_squeeze %dma_wait3A_205 : memref<1x128x64xf32, #tpu.memory_space<vmem>> -> memref<128x64xf32, #tpu.memory_space<vmem>>
      %dma_wait3A_207 = arith.constant 0 : i32
      %dma_wait3A_208 = tpu.memref_slice %arg8[%dma_wait3A_201, %dma_wait3A_207] : memref<6x128xi32, #tpu.memory_space<vmem>> -> memref<1x128xi32, #tpu.memory_space<vmem>>
      %dma_wait3A_209 = tpu.memref_squeeze %dma_wait3A_208 : memref<1x128xi32, #tpu.memory_space<vmem>> -> memref<128xi32, #tpu.memory_space<vmem>>
      %dma_wait3A_210 = arith.constant 0 : i32
      %dma_wait3A_211 = arith.constant 0 : i32
      %dma_wait3A_212 = tpu.memref_slice %arg2[%dma_wait3A_210, %dma_wait3A_211] : memref<10000x64xf32, #tpu.memory_space<hbm>> -> memref<10000x64xf32, #tpu.memory_space<hbm>>
      tpu.wait_indirect_dma semaphore(%arg11 : memref<!tpu.dma_semaphore, #tpu.memory_space<semaphore_mem>>) src(%dma_wait3A_212 : memref<10000x64xf32, #tpu.memory_space<hbm>>) dst(%dma_wait3A_206 : memref<128x64xf32, #tpu.memory_space<vmem>>)
      %dma_start3A_213 = arith.constant 4 : i32
      %dma_start3A_214 = arith.constant 4 : i32
      %dma_start3A_215 = arith.constant 0 : i32
      %dma_start3A_216 = arith.constant 0 : i32
      %dma_start3A_217 = tpu.memref_slice %arg10[%dma_start3A_213, %dma_start3A_215, %dma_start3A_216] : memref<6x128x64xf32, #tpu.memory_space<vmem>> -> memref<1x128x64xf32, #tpu.memory_space<vmem>>
      %dma_start3A_218 = tpu.memref_squeeze %dma_start3A_217 : memref<1x128x64xf32, #tpu.memory_space<vmem>> -> memref<128x64xf32, #tpu.memory_space<vmem>>
      %dma_start3A_219 = arith.constant 0 : i32
      %dma_start3A_220 = tpu.memref_slice %arg9[%dma_start3A_214, %dma_start3A_219] : memref<6x128xi32, #tpu.memory_space<vmem>> -> memref<1x128xi32, #tpu.memory_space<vmem>>
      %dma_start3A_221 = tpu.memref_squeeze %dma_start3A_220 : memref<1x128xi32, #tpu.memory_space<vmem>> -> memref<128xi32, #tpu.memory_space<vmem>>
      %dma_start3A_222 = arith.constant 0 : i32
      %dma_start3A_223 = arith.constant 0 : i32
      %dma_start3A_224 = tpu.memref_slice %arg7[%dma_start3A_222, %dma_start3A_223] : memref<10000x64xf32, #tpu.memory_space<vmem_shared>> -> memref<10000x64xf32, #tpu.memory_space<vmem_shared>>
      tpu.enqueue_indirect_dma source(%dma_start3A_218 : memref<128x64xf32, #tpu.memory_space<vmem>>) target(%dma_start3A_224 : memref<10000x64xf32, #tpu.memory_space<vmem_shared>>) offsets(%dma_start3A_221 : memref<128xi32, #tpu.memory_space<vmem>>) semaphore(%arg12 : memref<!tpu.dma_semaphore, #tpu.memory_space<semaphore_mem>>) {add = true}
      %dma_wait3A_225 = arith.constant 5 : i32
      %dma_wait3A_226 = arith.constant 5 : i32
      %dma_wait3A_227 = arith.constant 0 : i32
      %dma_wait3A_228 = arith.constant 0 : i32
      %dma_wait3A_229 = tpu.memref_slice %arg10[%dma_wait3A_226, %dma_wait3A_227, %dma_wait3A_228] : memref<6x128x64xf32, #tpu.memory_space<vmem>> -> memref<1x128x64xf32, #tpu.memory_space<vmem>>
      %dma_wait3A_230 = tpu.memref_squeeze %dma_wait3A_229 : memref<1x128x64xf32, #tpu.memory_space<vmem>> -> memref<128x64xf32, #tpu.memory_space<vmem>>
      %dma_wait3A_231 = arith.constant 0 : i32
      %dma_wait3A_232 = tpu.memref_slice %arg8[%dma_wait3A_225, %dma_wait3A_231] : memref<6x128xi32, #tpu.memory_space<vmem>> -> memref<1x128xi32, #tpu.memory_space<vmem>>
      %dma_wait3A_233 = tpu.memref_squeeze %dma_wait3A_232 : memref<1x128xi32, #tpu.memory_space<vmem>> -> memref<128xi32, #tpu.memory_space<vmem>>
      %dma_wait3A_234 = arith.constant 0 : i32
      %dma_wait3A_235 = arith.constant 0 : i32
      %dma_wait3A_236 = tpu.memref_slice %arg2[%dma_wait3A_234, %dma_wait3A_235] : memref<10000x64xf32, #tpu.memory_space<hbm>> -> memref<10000x64xf32, #tpu.memory_space<hbm>>
      tpu.wait_indirect_dma semaphore(%arg11 : memref<!tpu.dma_semaphore, #tpu.memory_space<semaphore_mem>>) src(%dma_wait3A_236 : memref<10000x64xf32, #tpu.memory_space<hbm>>) dst(%dma_wait3A_230 : memref<128x64xf32, #tpu.memory_space<vmem>>)
      %dma_start3A_237 = arith.constant 5 : i32
      %dma_start3A_238 = arith.constant 5 : i32
      %dma_start3A_239 = arith.constant 0 : i32
      %dma_start3A_240 = arith.constant 0 : i32
      %dma_start3A_241 = tpu.memref_slice %arg10[%dma_start3A_237, %dma_start3A_239, %dma_start3A_240] : memref<6x128x64xf32, #tpu.memory_space<vmem>> -> memref<1x128x64xf32, #tpu.memory_space<vmem>>
      %dma_start3A_242 = tpu.memref_squeeze %dma_start3A_241 : memref<1x128x64xf32, #tpu.memory_space<vmem>> -> memref<128x64xf32, #tpu.memory_space<vmem>>
      %dma_start3A_243 = arith.constant 0 : i32
      %dma_start3A_244 = tpu.memref_slice %arg9[%dma_start3A_238, %dma_start3A_243] : memref<6x128xi32, #tpu.memory_space<vmem>> -> memref<1x128xi32, #tpu.memory_space<vmem>>
      %dma_start3A_245 = tpu.memref_squeeze %dma_start3A_244 : memref<1x128xi32, #tpu.memory_space<vmem>> -> memref<128xi32, #tpu.memory_space<vmem>>
      %dma_start3A_246 = arith.constant 0 : i32
      %dma_start3A_247 = arith.constant 0 : i32
      %dma_start3A_248 = tpu.memref_slice %arg7[%dma_start3A_246, %dma_start3A_247] : memref<10000x64xf32, #tpu.memory_space<vmem_shared>> -> memref<10000x64xf32, #tpu.memory_space<vmem_shared>>
      tpu.enqueue_indirect_dma source(%dma_start3A_242 : memref<128x64xf32, #tpu.memory_space<vmem>>) target(%dma_start3A_248 : memref<10000x64xf32, #tpu.memory_space<vmem_shared>>) offsets(%dma_start3A_245 : memref<128xi32, #tpu.memory_space<vmem>>) semaphore(%arg12 : memref<!tpu.dma_semaphore, #tpu.memory_space<semaphore_mem>>) {add = true}
      %dma_wait3A_249 = arith.constant 0 : i32
      %dma_wait3A_250 = arith.constant 0 : i32
      %dma_wait3A_251 = arith.constant 0 : i32
      %dma_wait3A_252 = arith.constant 0 : i32
      %dma_wait3A_253 = tpu.memref_slice %arg10[%dma_wait3A_249, %dma_wait3A_251, %dma_wait3A_252] : memref<6x128x64xf32, #tpu.memory_space<vmem>> -> memref<1x128x64xf32, #tpu.memory_space<vmem>>
      %dma_wait3A_254 = tpu.memref_squeeze %dma_wait3A_253 : memref<1x128x64xf32, #tpu.memory_space<vmem>> -> memref<128x64xf32, #tpu.memory_space<vmem>>
      %dma_wait3A_255 = arith.constant 0 : i32
      %dma_wait3A_256 = tpu.memref_slice %arg9[%dma_wait3A_250, %dma_wait3A_255] : memref<6x128xi32, #tpu.memory_space<vmem>> -> memref<1x128xi32, #tpu.memory_space<vmem>>
      %dma_wait3A_257 = tpu.memref_squeeze %dma_wait3A_256 : memref<1x128xi32, #tpu.memory_space<vmem>> -> memref<128xi32, #tpu.memory_space<vmem>>
      %dma_wait3A_258 = arith.constant 0 : i32
      %dma_wait3A_259 = arith.constant 0 : i32
      %dma_wait3A_260 = tpu.memref_slice %arg7[%dma_wait3A_258, %dma_wait3A_259] : memref<10000x64xf32, #tpu.memory_space<vmem_shared>> -> memref<10000x64xf32, #tpu.memory_space<vmem_shared>>
      tpu.wait_indirect_dma semaphore(%arg12 : memref<!tpu.dma_semaphore, #tpu.memory_space<semaphore_mem>>) src(%dma_wait3A_254 : memref<128x64xf32, #tpu.memory_space<vmem>>) dst(%dma_wait3A_260 : memref<10000x64xf32, #tpu.memory_space<vmem_shared>>)
      %dma_wait3A_261 = arith.constant 1 : i32
      %dma_wait3A_262 = arith.constant 1 : i32
      %dma_wait3A_263 = arith.constant 0 : i32
      %dma_wait3A_264 = arith.constant 0 : i32
      %dma_wait3A_265 = tpu.memref_slice %arg10[%dma_wait3A_261, %dma_wait3A_263, %dma_wait3A_264] : memref<6x128x64xf32, #tpu.memory_space<vmem>> -> memref<1x128x64xf32, #tpu.memory_space<vmem>>
      %dma_wait3A_266 = tpu.memref_squeeze %dma_wait3A_265 : memref<1x128x64xf32, #tpu.memory_space<vmem>> -> memref<128x64xf32, #tpu.memory_space<vmem>>
      %dma_wait3A_267 = arith.constant 0 : i32
      %dma_wait3A_268 = tpu.memref_slice %arg9[%dma_wait3A_262, %dma_wait3A_267] : memref<6x128xi32, #tpu.memory_space<vmem>> -> memref<1x128xi32, #tpu.memory_space<vmem>>
      %dma_wait3A_269 = tpu.memref_squeeze %dma_wait3A_268 : memref<1x128xi32, #tpu.memory_space<vmem>> -> memref<128xi32, #tpu.memory_space<vmem>>
      %dma_wait3A_270 = arith.constant 0 : i32
      %dma_wait3A_271 = arith.constant 0 : i32
      %dma_wait3A_272 = tpu.memref_slice %arg7[%dma_wait3A_270, %dma_wait3A_271] : memref<10000x64xf32, #tpu.memory_space<vmem_shared>> -> memref<10000x64xf32, #tpu.memory_space<vmem_shared>>
      tpu.wait_indirect_dma semaphore(%arg12 : memref<!tpu.dma_semaphore, #tpu.memory_space<semaphore_mem>>) src(%dma_wait3A_266 : memref<128x64xf32, #tpu.memory_space<vmem>>) dst(%dma_wait3A_272 : memref<10000x64xf32, #tpu.memory_space<vmem_shared>>)
      %dma_wait3A_273 = arith.constant 2 : i32
      %dma_wait3A_274 = arith.constant 2 : i32
      %dma_wait3A_275 = arith.constant 0 : i32
      %dma_wait3A_276 = arith.constant 0 : i32
      %dma_wait3A_277 = tpu.memref_slice %arg10[%dma_wait3A_273, %dma_wait3A_275, %dma_wait3A_276] : memref<6x128x64xf32, #tpu.memory_space<vmem>> -> memref<1x128x64xf32, #tpu.memory_space<vmem>>
      %dma_wait3A_278 = tpu.memref_squeeze %dma_wait3A_277 : memref<1x128x64xf32, #tpu.memory_space<vmem>> -> memref<128x64xf32, #tpu.memory_space<vmem>>
      %dma_wait3A_279 = arith.constant 0 : i32
      %dma_wait3A_280 = tpu.memref_slice %arg9[%dma_wait3A_274, %dma_wait3A_279] : memref<6x128xi32, #tpu.memory_space<vmem>> -> memref<1x128xi32, #tpu.memory_space<vmem>>
      %dma_wait3A_281 = tpu.memref_squeeze %dma_wait3A_280 : memref<1x128xi32, #tpu.memory_space<vmem>> -> memref<128xi32, #tpu.memory_space<vmem>>
      %dma_wait3A_282 = arith.constant 0 : i32
      %dma_wait3A_283 = arith.constant 0 : i32
      %dma_wait3A_284 = tpu.memref_slice %arg7[%dma_wait3A_282, %dma_wait3A_283] : memref<10000x64xf32, #tpu.memory_space<vmem_shared>> -> memref<10000x64xf32, #tpu.memory_space<vmem_shared>>
      tpu.wait_indirect_dma semaphore(%arg12 : memref<!tpu.dma_semaphore, #tpu.memory_space<semaphore_mem>>) src(%dma_wait3A_278 : memref<128x64xf32, #tpu.memory_space<vmem>>) dst(%dma_wait3A_284 : memref<10000x64xf32, #tpu.memory_space<vmem_shared>>)
      %dma_wait3A_285 = arith.constant 3 : i32
      %dma_wait3A_286 = arith.constant 3 : i32
      %dma_wait3A_287 = arith.constant 0 : i32
      %dma_wait3A_288 = arith.constant 0 : i32
      %dma_wait3A_289 = tpu.memref_slice %arg10[%dma_wait3A_285, %dma_wait3A_287, %dma_wait3A_288] : memref<6x128x64xf32, #tpu.memory_space<vmem>> -> memref<1x128x64xf32, #tpu.memory_space<vmem>>
      %dma_wait3A_290 = tpu.memref_squeeze %dma_wait3A_289 : memref<1x128x64xf32, #tpu.memory_space<vmem>> -> memref<128x64xf32, #tpu.memory_space<vmem>>
      %dma_wait3A_291 = arith.constant 0 : i32
      %dma_wait3A_292 = tpu.memref_slice %arg9[%dma_wait3A_286, %dma_wait3A_291] : memref<6x128xi32, #tpu.memory_space<vmem>> -> memref<1x128xi32, #tpu.memory_space<vmem>>
      %dma_wait3A_293 = tpu.memref_squeeze %dma_wait3A_292 : memref<1x128xi32, #tpu.memory_space<vmem>> -> memref<128xi32, #tpu.memory_space<vmem>>
      %dma_wait3A_294 = arith.constant 0 : i32
      %dma_wait3A_295 = arith.constant 0 : i32
      %dma_wait3A_296 = tpu.memref_slice %arg7[%dma_wait3A_294, %dma_wait3A_295] : memref<10000x64xf32, #tpu.memory_space<vmem_shared>> -> memref<10000x64xf32, #tpu.memory_space<vmem_shared>>
      tpu.wait_indirect_dma semaphore(%arg12 : memref<!tpu.dma_semaphore, #tpu.memory_space<semaphore_mem>>) src(%dma_wait3A_290 : memref<128x64xf32, #tpu.memory_space<vmem>>) dst(%dma_wait3A_296 : memref<10000x64xf32, #tpu.memory_space<vmem_shared>>)
      %dma_wait3A_297 = arith.constant 4 : i32
      %dma_wait3A_298 = arith.constant 4 : i32
      %dma_wait3A_299 = arith.constant 0 : i32
      %dma_wait3A_300 = arith.constant 0 : i32
      %dma_wait3A_301 = tpu.memref_slice %arg10[%dma_wait3A_297, %dma_wait3A_299, %dma_wait3A_300] : memref<6x128x64xf32, #tpu.memory_space<vmem>> -> memref<1x128x64xf32, #tpu.memory_space<vmem>>
      %dma_wait3A_302 = tpu.memref_squeeze %dma_wait3A_301 : memref<1x128x64xf32, #tpu.memory_space<vmem>> -> memref<128x64xf32, #tpu.memory_space<vmem>>
      %dma_wait3A_303 = arith.constant 0 : i32
      %dma_wait3A_304 = tpu.memref_slice %arg9[%dma_wait3A_298, %dma_wait3A_303] : memref<6x128xi32, #tpu.memory_space<vmem>> -> memref<1x128xi32, #tpu.memory_space<vmem>>
      %dma_wait3A_305 = tpu.memref_squeeze %dma_wait3A_304 : memref<1x128xi32, #tpu.memory_space<vmem>> -> memref<128xi32, #tpu.memory_space<vmem>>
      %dma_wait3A_306 = arith.constant 0 : i32
      %dma_wait3A_307 = arith.constant 0 : i32
      %dma_wait3A_308 = tpu.memref_slice %arg7[%dma_wait3A_306, %dma_wait3A_307] : memref<10000x64xf32, #tpu.memory_space<vmem_shared>> -> memref<10000x64xf32, #tpu.memory_space<vmem_shared>>
      tpu.wait_indirect_dma semaphore(%arg12 : memref<!tpu.dma_semaphore, #tpu.memory_space<semaphore_mem>>) src(%dma_wait3A_302 : memref<128x64xf32, #tpu.memory_space<vmem>>) dst(%dma_wait3A_308 : memref<10000x64xf32, #tpu.memory_space<vmem_shared>>)
      %dma_wait3A_309 = arith.constant 5 : i32
      %dma_wait3A_310 = arith.constant 5 : i32
      %dma_wait3A_311 = arith.constant 0 : i32
      %dma_wait3A_312 = arith.constant 0 : i32
      %dma_wait3A_313 = tpu.memref_slice %arg10[%dma_wait3A_309, %dma_wait3A_311, %dma_wait3A_312] : memref<6x128x64xf32, #tpu.memory_space<vmem>> -> memref<1x128x64xf32, #tpu.memory_space<vmem>>
      %dma_wait3A_314 = tpu.memref_squeeze %dma_wait3A_313 : memref<1x128x64xf32, #tpu.memory_space<vmem>> -> memref<128x64xf32, #tpu.memory_space<vmem>>
      %dma_wait3A_315 = arith.constant 0 : i32
      %dma_wait3A_316 = tpu.memref_slice %arg9[%dma_wait3A_310, %dma_wait3A_315] : memref<6x128xi32, #tpu.memory_space<vmem>> -> memref<1x128xi32, #tpu.memory_space<vmem>>
      %dma_wait3A_317 = tpu.memref_squeeze %dma_wait3A_316 : memref<1x128xi32, #tpu.memory_space<vmem>> -> memref<128xi32, #tpu.memory_space<vmem>>
      %dma_wait3A_318 = arith.constant 0 : i32
      %dma_wait3A_319 = arith.constant 0 : i32
      %dma_wait3A_320 = tpu.memref_slice %arg7[%dma_wait3A_318, %dma_wait3A_319] : memref<10000x64xf32, #tpu.memory_space<vmem_shared>> -> memref<10000x64xf32, #tpu.memory_space<vmem_shared>>
      tpu.wait_indirect_dma semaphore(%arg12 : memref<!tpu.dma_semaphore, #tpu.memory_space<semaphore_mem>>) src(%dma_wait3A_314 : memref<128x64xf32, #tpu.memory_space<vmem>>) dst(%dma_wait3A_320 : memref<10000x64xf32, #tpu.memory_space<vmem_shared>>)
    }
    %scan3A_27 = arith.constant 13 : i32
    %lt3A = arith.constant 2 : i32
    %lt3A_28 = arith.cmpi slt, %arg1, %lt3A : i32
    %convert_element_type3A = arith.extui %lt3A_28 : i1 to i32
    %cond3A = arith.constant 0 : i32
    %cond3A_29 = arith.cmpi ne, %convert_element_type3A, %cond3A : i32
    scf.if %cond3A_29 {
      %mul3A_31 = arith.constant 1250 : i32
      %mul3A_32 = arith.muli %arg0, %mul3A_31 : i32
      %add3A_33 = arith.constant 1248 : i32
      %add3A_34 = arith.addi %mul3A_32, %add3A_33 : i32
      %add3A_35 = arith.addi %add3A_34, %arg1 : i32
      %run_scoped3A = arith.constant 0 : i32
      "tpu.region"() ({
        %run_scoped3A_83 = tpu.sem_alloc : memref<!tpu.dma_semaphore, #tpu.memory_space<semaphore_mem>>
        %dma_start3A_84 = arith.constant 0 : i32
        %dma_start3A_85 = tpu.memref_slice %arg8[%run_scoped3A, %dma_start3A_84] : memref<6x128xi32, #tpu.memory_space<vmem>> -> memref<1x128xi32, #tpu.memory_space<vmem>>
        %dma_start3A_86 = tpu.memref_squeeze %dma_start3A_85 : memref<1x128xi32, #tpu.memory_space<vmem>> -> memref<128xi32, #tpu.memory_space<vmem>>
        %dma_start3A_87 = arith.constant 0 : i32
        %dma_start3A_88 = tpu.memref_slice %arg3[%add3A_35, %dma_start3A_87] : memref<2500x128xi32, #tpu.memory_space<hbm>> -> memref<1x128xi32, #tpu.memory_space<hbm>>
        %dma_start3A_89 = tpu.memref_squeeze %dma_start3A_88 : memref<1x128xi32, #tpu.memory_space<hbm>> -> memref<128xi32, #tpu.memory_space<hbm>>
        %dma_start3A_90 = arith.constant 0 : i32
        %dma_start3A_91 = tpu.memref_slice %arg8[%run_scoped3A, %dma_start3A_90] : memref<6x128xi32, #tpu.memory_space<vmem>> -> memref<1x128xi32, #tpu.memory_space<vmem>>
        %dma_start3A_92 = tpu.memref_squeeze %dma_start3A_91 : memref<1x128xi32, #tpu.memory_space<vmem>> -> memref<128xi32, #tpu.memory_space<vmem>>
        %dma_start3A_93 = arith.constant 0 : i32
        %dma_start3A_94 = tpu.memref_slice %arg3[%add3A_35, %dma_start3A_93] : memref<2500x128xi32, #tpu.memory_space<hbm>> -> memref<1x128xi32, #tpu.memory_space<hbm>>
        %dma_start3A_95 = tpu.memref_squeeze %dma_start3A_94 : memref<1x128xi32, #tpu.memory_space<hbm>> -> memref<128xi32, #tpu.memory_space<hbm>>
        tpu.enqueue_dma source(%dma_start3A_95 : memref<128xi32, #tpu.memory_space<hbm>>) target(%dma_start3A_92 : memref<128xi32, #tpu.memory_space<vmem>>) target_semaphore(%run_scoped3A_83 : memref<!tpu.dma_semaphore, #tpu.memory_space<semaphore_mem>>)
        %dma_wait3A_96 = arith.constant 0 : i32
        %dma_wait3A_97 = tpu.memref_slice %arg8[%run_scoped3A, %dma_wait3A_96] : memref<6x128xi32, #tpu.memory_space<vmem>> -> memref<1x128xi32, #tpu.memory_space<vmem>>
        %dma_wait3A_98 = tpu.memref_squeeze %dma_wait3A_97 : memref<1x128xi32, #tpu.memory_space<vmem>> -> memref<128xi32, #tpu.memory_space<vmem>>
        %dma_wait3A_99 = arith.constant 0 : i32
        %dma_wait3A_100 = tpu.memref_slice %arg3[%add3A_35, %dma_wait3A_99] : memref<2500x128xi32, #tpu.memory_space<hbm>> -> memref<1x128xi32, #tpu.memory_space<hbm>>
        %dma_wait3A_101 = tpu.memref_squeeze %dma_wait3A_100 : memref<1x128xi32, #tpu.memory_space<hbm>> -> memref<128xi32, #tpu.memory_space<hbm>>
        %dma_wait3A_102 = arith.constant 0 : i32
        %dma_wait3A_103 = tpu.memref_slice %arg8[%run_scoped3A, %dma_wait3A_102] : memref<6x128xi32, #tpu.memory_space<vmem>> -> memref<1x128xi32, #tpu.memory_space<vmem>>
        %dma_wait3A_104 = tpu.memref_squeeze %dma_wait3A_103 : memref<1x128xi32, #tpu.memory_space<vmem>> -> memref<128xi32, #tpu.memory_space<vmem>>
        %dma_wait3A_105 = arith.constant 0 : i32
        %dma_wait3A_106 = tpu.memref_slice %arg3[%add3A_35, %dma_wait3A_105] : memref<2500x128xi32, #tpu.memory_space<hbm>> -> memref<1x128xi32, #tpu.memory_space<hbm>>
        %dma_wait3A_107 = tpu.memref_squeeze %dma_wait3A_106 : memref<1x128xi32, #tpu.memory_space<hbm>> -> memref<128xi32, #tpu.memory_space<hbm>>
        tpu.wait_dma2 semaphore(%run_scoped3A_83 : memref<!tpu.dma_semaphore, #tpu.memory_space<semaphore_mem>>) src(%dma_wait3A_107 : memref<128xi32, #tpu.memory_space<hbm>>) dst(%dma_wait3A_104 : memref<128xi32, #tpu.memory_space<vmem>>)
        tpu.yield
      }) : () -> ()
      %run_scoped3A_36 = arith.constant 0 : i32
      "tpu.region"() ({
        %run_scoped3A_83 = tpu.sem_alloc : memref<!tpu.dma_semaphore, #tpu.memory_space<semaphore_mem>>
        %dma_start3A_84 = arith.constant 0 : i32
        %dma_start3A_85 = tpu.memref_slice %arg9[%run_scoped3A_36, %dma_start3A_84] : memref<6x128xi32, #tpu.memory_space<vmem>> -> memref<1x128xi32, #tpu.memory_space<vmem>>
        %dma_start3A_86 = tpu.memref_squeeze %dma_start3A_85 : memref<1x128xi32, #tpu.memory_space<vmem>> -> memref<128xi32, #tpu.memory_space<vmem>>
        %dma_start3A_87 = arith.constant 0 : i32
        %dma_start3A_88 = tpu.memref_slice %arg4[%add3A_35, %dma_start3A_87] : memref<2500x128xi32, #tpu.memory_space<hbm>> -> memref<1x128xi32, #tpu.memory_space<hbm>>
        %dma_start3A_89 = tpu.memref_squeeze %dma_start3A_88 : memref<1x128xi32, #tpu.memory_space<hbm>> -> memref<128xi32, #tpu.memory_space<hbm>>
        %dma_start3A_90 = arith.constant 0 : i32
        %dma_start3A_91 = tpu.memref_slice %arg9[%run_scoped3A_36, %dma_start3A_90] : memref<6x128xi32, #tpu.memory_space<vmem>> -> memref<1x128xi32, #tpu.memory_space<vmem>>
        %dma_start3A_92 = tpu.memref_squeeze %dma_start3A_91 : memref<1x128xi32, #tpu.memory_space<vmem>> -> memref<128xi32, #tpu.memory_space<vmem>>
        %dma_start3A_93 = arith.constant 0 : i32
        %dma_start3A_94 = tpu.memref_slice %arg4[%add3A_35, %dma_start3A_93] : memref<2500x128xi32, #tpu.memory_space<hbm>> -> memref<1x128xi32, #tpu.memory_space<hbm>>
        %dma_start3A_95 = tpu.memref_squeeze %dma_start3A_94 : memref<1x128xi32, #tpu.memory_space<hbm>> -> memref<128xi32, #tpu.memory_space<hbm>>
        tpu.enqueue_dma source(%dma_start3A_95 : memref<128xi32, #tpu.memory_space<hbm>>) target(%dma_start3A_92 : memref<128xi32, #tpu.memory_space<vmem>>) target_semaphore(%run_scoped3A_83 : memref<!tpu.dma_semaphore, #tpu.memory_space<semaphore_mem>>)
        %dma_wait3A_96 = arith.constant 0 : i32
        %dma_wait3A_97 = tpu.memref_slice %arg9[%run_scoped3A_36, %dma_wait3A_96] : memref<6x128xi32, #tpu.memory_space<vmem>> -> memref<1x128xi32, #tpu.memory_space<vmem>>
        %dma_wait3A_98 = tpu.memref_squeeze %dma_wait3A_97 : memref<1x128xi32, #tpu.memory_space<vmem>> -> memref<128xi32, #tpu.memory_space<vmem>>
        %dma_wait3A_99 = arith.constant 0 : i32
        %dma_wait3A_100 = tpu.memref_slice %arg4[%add3A_35, %dma_wait3A_99] : memref<2500x128xi32, #tpu.memory_space<hbm>> -> memref<1x128xi32, #tpu.memory_space<hbm>>
        %dma_wait3A_101 = tpu.memref_squeeze %dma_wait3A_100 : memref<1x128xi32, #tpu.memory_space<hbm>> -> memref<128xi32, #tpu.memory_space<hbm>>
        %dma_wait3A_102 = arith.constant 0 : i32
        %dma_wait3A_103 = tpu.memref_slice %arg9[%run_scoped3A_36, %dma_wait3A_102] : memref<6x128xi32, #tpu.memory_space<vmem>> -> memref<1x128xi32, #tpu.memory_space<vmem>>
        %dma_wait3A_104 = tpu.memref_squeeze %dma_wait3A_103 : memref<1x128xi32, #tpu.memory_space<vmem>> -> memref<128xi32, #tpu.memory_space<vmem>>
        %dma_wait3A_105 = arith.constant 0 : i32
        %dma_wait3A_106 = tpu.memref_slice %arg4[%add3A_35, %dma_wait3A_105] : memref<2500x128xi32, #tpu.memory_space<hbm>> -> memref<1x128xi32, #tpu.memory_space<hbm>>
        %dma_wait3A_107 = tpu.memref_squeeze %dma_wait3A_106 : memref<1x128xi32, #tpu.memory_space<hbm>> -> memref<128xi32, #tpu.memory_space<hbm>>
        tpu.wait_dma2 semaphore(%run_scoped3A_83 : memref<!tpu.dma_semaphore, #tpu.memory_space<semaphore_mem>>) src(%dma_wait3A_107 : memref<128xi32, #tpu.memory_space<hbm>>) dst(%dma_wait3A_104 : memref<128xi32, #tpu.memory_space<vmem>>)
        tpu.yield
      }) : () -> ()
      %dma_start3A = arith.constant 0 : i32
      %dma_start3A_37 = arith.constant 0 : i32
      %dma_start3A_38 = arith.constant 0 : i32
      %dma_start3A_39 = arith.constant 0 : i32
      %dma_start3A_40 = tpu.memref_slice %arg10[%dma_start3A_37, %dma_start3A_38, %dma_start3A_39] : memref<6x128x64xf32, #tpu.memory_space<vmem>> -> memref<1x128x64xf32, #tpu.memory_space<vmem>>
      %dma_start3A_41 = tpu.memref_squeeze %dma_start3A_40 : memref<1x128x64xf32, #tpu.memory_space<vmem>> -> memref<128x64xf32, #tpu.memory_space<vmem>>
      %dma_start3A_42 = arith.constant 0 : i32
      %dma_start3A_43 = tpu.memref_slice %arg8[%dma_start3A, %dma_start3A_42] : memref<6x128xi32, #tpu.memory_space<vmem>> -> memref<1x128xi32, #tpu.memory_space<vmem>>
      %dma_start3A_44 = tpu.memref_squeeze %dma_start3A_43 : memref<1x128xi32, #tpu.memory_space<vmem>> -> memref<128xi32, #tpu.memory_space<vmem>>
      %dma_start3A_45 = arith.constant 0 : i32
      %dma_start3A_46 = arith.constant 0 : i32
      %dma_start3A_47 = tpu.memref_slice %arg2[%dma_start3A_45, %dma_start3A_46] : memref<10000x64xf32, #tpu.memory_space<hbm>> -> memref<10000x64xf32, #tpu.memory_space<hbm>>
      tpu.enqueue_indirect_dma source(%dma_start3A_47 : memref<10000x64xf32, #tpu.memory_space<hbm>>) target(%dma_start3A_41 : memref<128x64xf32, #tpu.memory_space<vmem>>) offsets(%dma_start3A_44 : memref<128xi32, #tpu.memory_space<vmem>>) semaphore(%arg11 : memref<!tpu.dma_semaphore, #tpu.memory_space<semaphore_mem>>)
      %dma_wait3A = arith.constant 0 : i32
      %dma_wait3A_48 = arith.constant 0 : i32
      %dma_wait3A_49 = arith.constant 0 : i32
      %dma_wait3A_50 = arith.constant 0 : i32
      %dma_wait3A_51 = tpu.memref_slice %arg10[%dma_wait3A_48, %dma_wait3A_49, %dma_wait3A_50] : memref<6x128x64xf32, #tpu.memory_space<vmem>> -> memref<1x128x64xf32, #tpu.memory_space<vmem>>
      %dma_wait3A_52 = tpu.memref_squeeze %dma_wait3A_51 : memref<1x128x64xf32, #tpu.memory_space<vmem>> -> memref<128x64xf32, #tpu.memory_space<vmem>>
      %dma_wait3A_53 = arith.constant 0 : i32
      %dma_wait3A_54 = tpu.memref_slice %arg8[%dma_wait3A, %dma_wait3A_53] : memref<6x128xi32, #tpu.memory_space<vmem>> -> memref<1x128xi32, #tpu.memory_space<vmem>>
      %dma_wait3A_55 = tpu.memref_squeeze %dma_wait3A_54 : memref<1x128xi32, #tpu.memory_space<vmem>> -> memref<128xi32, #tpu.memory_space<vmem>>
      %dma_wait3A_56 = arith.constant 0 : i32
      %dma_wait3A_57 = arith.constant 0 : i32
      %dma_wait3A_58 = tpu.memref_slice %arg2[%dma_wait3A_56, %dma_wait3A_57] : memref<10000x64xf32, #tpu.memory_space<hbm>> -> memref<10000x64xf32, #tpu.memory_space<hbm>>
      tpu.wait_indirect_dma semaphore(%arg11 : memref<!tpu.dma_semaphore, #tpu.memory_space<semaphore_mem>>) src(%dma_wait3A_58 : memref<10000x64xf32, #tpu.memory_space<hbm>>) dst(%dma_wait3A_52 : memref<128x64xf32, #tpu.memory_space<vmem>>)
      %dma_start3A_59 = arith.constant 0 : i32
      %dma_start3A_60 = arith.constant 0 : i32
      %dma_start3A_61 = arith.constant 0 : i32
      %dma_start3A_62 = arith.constant 0 : i32
      %dma_start3A_63 = tpu.memref_slice %arg10[%dma_start3A_59, %dma_start3A_61, %dma_start3A_62] : memref<6x128x64xf32, #tpu.memory_space<vmem>> -> memref<1x128x64xf32, #tpu.memory_space<vmem>>
      %dma_start3A_64 = tpu.memref_squeeze %dma_start3A_63 : memref<1x128x64xf32, #tpu.memory_space<vmem>> -> memref<128x64xf32, #tpu.memory_space<vmem>>
      %dma_start3A_65 = arith.constant 0 : i32
      %dma_start3A_66 = tpu.memref_slice %arg9[%dma_start3A_60, %dma_start3A_65] : memref<6x128xi32, #tpu.memory_space<vmem>> -> memref<1x128xi32, #tpu.memory_space<vmem>>
      %dma_start3A_67 = tpu.memref_squeeze %dma_start3A_66 : memref<1x128xi32, #tpu.memory_space<vmem>> -> memref<128xi32, #tpu.memory_space<vmem>>
      %dma_start3A_68 = arith.constant 0 : i32
      %dma_start3A_69 = arith.constant 0 : i32
      %dma_start3A_70 = tpu.memref_slice %arg7[%dma_start3A_68, %dma_start3A_69] : memref<10000x64xf32, #tpu.memory_space<vmem_shared>> -> memref<10000x64xf32, #tpu.memory_space<vmem_shared>>
      tpu.enqueue_indirect_dma source(%dma_start3A_64 : memref<128x64xf32, #tpu.memory_space<vmem>>) target(%dma_start3A_70 : memref<10000x64xf32, #tpu.memory_space<vmem_shared>>) offsets(%dma_start3A_67 : memref<128xi32, #tpu.memory_space<vmem>>) semaphore(%arg12 : memref<!tpu.dma_semaphore, #tpu.memory_space<semaphore_mem>>) {add = true}
      %dma_wait3A_71 = arith.constant 0 : i32
      %dma_wait3A_72 = arith.constant 0 : i32
      %dma_wait3A_73 = arith.constant 0 : i32
      %dma_wait3A_74 = arith.constant 0 : i32
      %dma_wait3A_75 = tpu.memref_slice %arg10[%dma_wait3A_71, %dma_wait3A_73, %dma_wait3A_74] : memref<6x128x64xf32, #tpu.memory_space<vmem>> -> memref<1x128x64xf32, #tpu.memory_space<vmem>>
      %dma_wait3A_76 = tpu.memref_squeeze %dma_wait3A_75 : memref<1x128x64xf32, #tpu.memory_space<vmem>> -> memref<128x64xf32, #tpu.memory_space<vmem>>
      %dma_wait3A_77 = arith.constant 0 : i32
      %dma_wait3A_78 = tpu.memref_slice %arg9[%dma_wait3A_72, %dma_wait3A_77] : memref<6x128xi32, #tpu.memory_space<vmem>> -> memref<1x128xi32, #tpu.memory_space<vmem>>
      %dma_wait3A_79 = tpu.memref_squeeze %dma_wait3A_78 : memref<1x128xi32, #tpu.memory_space<vmem>> -> memref<128xi32, #tpu.memory_space<vmem>>
      %dma_wait3A_80 = arith.constant 0 : i32
      %dma_wait3A_81 = arith.constant 0 : i32
      %dma_wait3A_82 = tpu.memref_slice %arg7[%dma_wait3A_80, %dma_wait3A_81] : memref<10000x64xf32, #tpu.memory_space<vmem_shared>> -> memref<10000x64xf32, #tpu.memory_space<vmem_shared>>
      tpu.wait_indirect_dma semaphore(%arg12 : memref<!tpu.dma_semaphore, #tpu.memory_space<semaphore_mem>>) src(%dma_wait3A_76 : memref<128x64xf32, #tpu.memory_space<vmem>>) dst(%dma_wait3A_82 : memref<10000x64xf32, #tpu.memory_space<vmem_shared>>)
    } else {
    }
    %barrier3A_30 = arith.constant 0 : index
    tpu.barrier barrier_id(%barrier3A_30)
    "tpu.region"() ({
      %run_scoped3A = tpu.sem_alloc : memref<!tpu.dma_semaphore, #tpu.memory_space<semaphore_mem>>
      %dma_start3A = arith.constant 0 : i32
      %dma_start3A_31 = tpu.memref_slice %arg6[%arg0, %mul3A_18, %dma_start3A] : memref<2x10000x64xf32, #tpu.memory_space<hbm>> -> memref<1x632x64xf32, #tpu.memory_space<hbm>>
      %dma_start3A_32 = tpu.memref_squeeze %dma_start3A_31 : memref<1x632x64xf32, #tpu.memory_space<hbm>> -> memref<632x64xf32, #tpu.memory_space<hbm>>
      %dma_start3A_33 = arith.constant 0 : i32
      %dma_start3A_34 = tpu.memref_slice %arg7[%mul3A_18, %dma_start3A_33] : memref<10000x64xf32, #tpu.memory_space<vmem_shared>> -> memref<632x64xf32, #tpu.memory_space<vmem_shared>>
      tpu.enqueue_dma source(%dma_start3A_34 : memref<632x64xf32, #tpu.memory_space<vmem_shared>>) target(%dma_start3A_32 : memref<632x64xf32, #tpu.memory_space<hbm>>) target_semaphore(%run_scoped3A : memref<!tpu.dma_semaphore, #tpu.memory_space<semaphore_mem>>)
      %dma_wait3A = arith.constant 0 : i32
      %dma_wait3A_35 = tpu.memref_slice %arg6[%arg0, %mul3A_18, %dma_wait3A] : memref<2x10000x64xf32, #tpu.memory_space<hbm>> -> memref<1x632x64xf32, #tpu.memory_space<hbm>>
      %dma_wait3A_36 = tpu.memref_squeeze %dma_wait3A_35 : memref<1x632x64xf32, #tpu.memory_space<hbm>> -> memref<632x64xf32, #tpu.memory_space<hbm>>
      %dma_wait3A_37 = arith.constant 0 : i32
      %dma_wait3A_38 = tpu.memref_slice %arg7[%mul3A_18, %dma_wait3A_37] : memref<10000x64xf32, #tpu.memory_space<vmem_shared>> -> memref<632x64xf32, #tpu.memory_space<vmem_shared>>
      tpu.wait_dma2 semaphore(%run_scoped3A : memref<!tpu.dma_semaphore, #tpu.memory_space<semaphore_mem>>) src(%dma_wait3A_38 : memref<632x64xf32, #tpu.memory_space<vmem_shared>>) dst(%dma_wait3A_36 : memref<632x64xf32, #tpu.memory_space<hbm>>)
      tpu.yield
    }) : () -> ()
    return
  }
}

module attributes {stable_mosaic.version = 14 : i64} {
  func.func @_layer_body(%arg0: memref<10000x64xf32, #tpu.memory_space<vmem>>, %arg1: memref<2x10000x64xf32, #tpu.memory_space<vmem>>, %arg2: memref<64x64xf32, #tpu.memory_space<vmem>>, %arg3: memref<1x64xf32, #tpu.memory_space<vmem>>, %arg4: memref<64x64xf32, #tpu.memory_space<vmem>>, %arg5: memref<1x64xf32, #tpu.memory_space<vmem>>, %arg6: memref<1x64xf32, #tpu.memory_space<vmem>>, %arg7: memref<1x64xf32, #tpu.memory_space<vmem>>, %arg8: memref<10000x64xf32, #tpu.memory_space<vmem>>) attributes {dimension_semantics = [], scalar_prefetch = 0 : i64, scratch_operands = 0 : i64, tpu.core_type = #tpu.core_type<tc>} {
    %get3A = arith.constant 0 : index
    %get3A_0 = arith.constant 0 : index
    %get3A_1 = vector.load %arg0[%get3A, %get3A_0] : memref<10000x64xf32, #tpu.memory_space<vmem>>, vector<10000x64xf32>
    %get3A_2 = arith.constant 0 : index
    %get3A_3 = arith.constant 0 : index
    %get3A_4 = arith.constant 0 : index
    %get3A_5 = vector.load %arg1[%get3A_2, %get3A_3, %get3A_4] : memref<2x10000x64xf32, #tpu.memory_space<vmem>>, vector<1x10000x64xf32>
    %get3A_6 = vector.shape_cast %get3A_5 : vector<1x10000x64xf32> to vector<10000x64xf32>
    %add3A = arith.addf %get3A_1, %get3A_6 : vector<10000x64xf32>
    %get3A_7 = arith.constant 1 : index
    %get3A_8 = arith.constant 0 : index
    %get3A_9 = arith.constant 0 : index
    %get3A_10 = vector.load %arg1[%get3A_7, %get3A_8, %get3A_9] : memref<2x10000x64xf32, #tpu.memory_space<vmem>>, vector<1x10000x64xf32>
    %get3A_11 = vector.shape_cast %get3A_10 : vector<1x10000x64xf32> to vector<10000x64xf32>
    %add3A_12 = arith.addf %add3A, %get3A_11 : vector<10000x64xf32>
    %get3A_13 = arith.constant 0 : index
    %get3A_14 = arith.constant 0 : index
    %get3A_15 = vector.load %arg2[%get3A_13, %get3A_14] : memref<64x64xf32, #tpu.memory_space<vmem>>, vector<64x64xf32>
    %dot_general3A = arith.constant dense<0.000000e+00> : vector<10000x64xf32>
    %dot_general3A_16 = tpu.matmul %add3A_12, %get3A_15, %dot_general3A {dimension_numbers = #tpu.dot_dimension_numbers<[1], [0], [0], [1], [0, 0, 1, 1], [], []>, transpose_lhs_hint = false} : vector<10000x64xf32>, vector<64x64xf32>, vector<10000x64xf32> -> vector<10000x64xf32>
    %get3A_17 = arith.constant 0 : index
    %get3A_18 = arith.constant 0 : index
    %get3A_19 = vector.load %arg3[%get3A_17, %get3A_18] : memref<1x64xf32, #tpu.memory_space<vmem>>, vector<1x64xf32>
    %add3A_20 = vector.broadcast %get3A_19 : vector<1x64xf32> to vector<10000x64xf32>
    %add3A_21 = arith.addf %dot_general3A_16, %add3A_20 : vector<10000x64xf32>
    %max3A = arith.constant 0.000000e+00 : f32
    %max3A_22 = vector.broadcast %max3A : f32 to vector<10000x64xf32>
    %max3A_23 = arith.maximumf %add3A_21, %max3A_22 : vector<10000x64xf32>
    %get3A_24 = arith.constant 0 : index
    %get3A_25 = arith.constant 0 : index
    %get3A_26 = vector.load %arg4[%get3A_24, %get3A_25] : memref<64x64xf32, #tpu.memory_space<vmem>>, vector<64x64xf32>
    %dot_general3A_27 = arith.constant dense<0.000000e+00> : vector<10000x64xf32>
    %dot_general3A_28 = tpu.matmul %max3A_23, %get3A_26, %dot_general3A_27 {dimension_numbers = #tpu.dot_dimension_numbers<[1], [0], [0], [1], [0, 0, 1, 1], [], []>, transpose_lhs_hint = false} : vector<10000x64xf32>, vector<64x64xf32>, vector<10000x64xf32> -> vector<10000x64xf32>
    %get3A_29 = arith.constant 0 : index
    %get3A_30 = arith.constant 0 : index
    %get3A_31 = vector.load %arg5[%get3A_29, %get3A_30] : memref<1x64xf32, #tpu.memory_space<vmem>>, vector<1x64xf32>
    %add3A_32 = vector.broadcast %get3A_31 : vector<1x64xf32> to vector<10000x64xf32>
    %add3A_33 = arith.addf %dot_general3A_28, %add3A_32 : vector<10000x64xf32>
    %reduce_sum3A = arith.constant dense<0.000000e+00> : vector<64xf32>
    %reduce_sum3A_34 = vector.multi_reduction <add>, %add3A_33, %reduce_sum3A [0] : vector<10000x64xf32> to vector<64xf32>
    %broadcast_in_dim3A = vector.shape_cast %reduce_sum3A_34 : vector<64xf32> to vector<1x64xf32>
    %div3A = arith.constant 1.000000e+04 : f32
    %div3A_35 = vector.broadcast %div3A : f32 to vector<1x64xf32>
    %div3A_36 = arith.divf %broadcast_in_dim3A, %div3A_35 : vector<1x64xf32>
    %sub3A = vector.broadcast %div3A_36 : vector<1x64xf32> to vector<10000x64xf32>
    %sub3A_37 = arith.subf %add3A_33, %sub3A : vector<10000x64xf32>
    %mul3A = arith.mulf %sub3A_37, %sub3A_37 : vector<10000x64xf32>
    %reduce_sum3A_38 = arith.constant dense<0.000000e+00> : vector<64xf32>
    %reduce_sum3A_39 = vector.multi_reduction <add>, %mul3A, %reduce_sum3A_38 [0] : vector<10000x64xf32> to vector<64xf32>
    %broadcast_in_dim3A_40 = vector.shape_cast %reduce_sum3A_39 : vector<64xf32> to vector<1x64xf32>
    %div3A_41 = arith.constant 1.000000e+04 : f32
    %div3A_42 = vector.broadcast %div3A_41 : f32 to vector<1x64xf32>
    %div3A_43 = arith.divf %broadcast_in_dim3A_40, %div3A_42 : vector<1x64xf32>
    %add3A_44 = arith.constant 9.99999974E-6 : f32
    %add3A_45 = vector.broadcast %add3A_44 : f32 to vector<1x64xf32>
    %add3A_46 = arith.addf %div3A_43, %add3A_45 : vector<1x64xf32>
    %sqrt3A = math.sqrt %add3A_46 : vector<1x64xf32>
    %div3A_47 = vector.broadcast %sqrt3A : vector<1x64xf32> to vector<10000x64xf32>
    %div3A_48 = arith.divf %sub3A_37, %div3A_47 : vector<10000x64xf32>
    %get3A_49 = arith.constant 0 : index
    %get3A_50 = arith.constant 0 : index
    %get3A_51 = vector.load %arg6[%get3A_49, %get3A_50] : memref<1x64xf32, #tpu.memory_space<vmem>>, vector<1x64xf32>
    %mul3A_52 = vector.broadcast %get3A_51 : vector<1x64xf32> to vector<10000x64xf32>
    %mul3A_53 = arith.mulf %div3A_48, %mul3A_52 : vector<10000x64xf32>
    %get3A_54 = arith.constant 0 : index
    %get3A_55 = arith.constant 0 : index
    %get3A_56 = vector.load %arg7[%get3A_54, %get3A_55] : memref<1x64xf32, #tpu.memory_space<vmem>>, vector<1x64xf32>
    %add3A_57 = vector.broadcast %get3A_56 : vector<1x64xf32> to vector<10000x64xf32>
    %add3A_58 = arith.addf %mul3A_53, %add3A_57 : vector<10000x64xf32>
    %max3A_59 = arith.constant 0.000000e+00 : f32
    %max3A_60 = vector.broadcast %max3A_59 : f32 to vector<10000x64xf32>
    %max3A_61 = arith.maximumf %add3A_58, %max3A_60 : vector<10000x64xf32>
    %swap3A = arith.constant 0 : index
    %swap3A_62 = arith.constant 0 : index
    %swap3A_63 = vector.load %arg8[%swap3A, %swap3A_62] : memref<10000x64xf32, #tpu.memory_space<vmem>>, vector<10000x64xf32>
    tpu.vector_store %arg8[%swap3A, %swap3A_62], %max3A_61 {strides = array<i32>} : memref<10000x64xf32, #tpu.memory_space<vmem>>, vector<10000x64xf32>,
    return
  }
}

</mosaic_0001>

<sc_bundles>
// kernel: kernel.12.cloned.1.call-start
scs
__scs_entry_jumppad:
0x0: {  	(pc) =	sbr.rel $0x88, $3  }
0x1: {  	(tag) =	ssettag $0x0;
	lr =	simm.s32 $0x1  }
0x2: {  	[smem:$0x3F93] =	sst lr;
	_ =	strace $0xD0000000  }
0x3: {  	_ = 	snop  }
0x4: {  	_ = 	snop  }
0x5: {  	_ = 	snop  }
0x6: {  	_ = 	snop  }
0x7: {  	_ = 	snop  }
__scs_overlays_trampoline_lowered:
0x8: {  	[smem:$0x3FA2] =	sst s0  }
0x9: {  	[smem:$0x3FA3] =	sst s1  }
0xa: {  	[smem:$0x3FA4] =	sst s2  }
0xb: {  	[smem:$0x3FA5] =	sst s3  }
0xc: {  	[smem:$0x3FA6] =	sst s4  }
0xd: {  	[smem:$0x3FA7] =	sst s5  }
0xe: {  	[smem:$0x3FA8] =	sst s6  }
0xf: {  	[smem:$0x3FA9] =	sst s7  }
0x10: {  	[smem:$0x3FAA] =	sst s8  }
0x11: {  	[smem:$0x3FAB] =	sst s9;
	s0 =	simm.s32 @!p0 $0x0  }
0x12: {  	s1 =	sld [smem:$0x3F91];
	s0 =	simm.s32 @p0 $0x1  }
0x13: {  	[smem:$0x3FAC] =	sst s0;
	s0 =	simm.s32 @!p1 $0x0  }
0x14: {  	s2 =	sld [smem:$0x3F90];
	s0 =	simm.s32 @p1 $0x1  }
0x15: {  	[smem:$0x3FAD] =	sst s0;
	s0 =	simm.s32 @!p2 $0x0  }
0x16: {  	s3 =	sld [smem:$0x3FDB];
	s0 =	simm.s32 @p2 $0x1  }
0x17: {  	s4 =	simm.s32 $0x1BF5;
	[smem:$0x3FAF] =	sst s0  }
0x18: {  	s0 =	sld [smem:$0x3F92];
	_ =	swait.ge [sflag:s4], $0x0  }
0x19: {  	s7 =	sld [smem:$0x3F93]  }
0x1a: {  	s8 =	sadd.s32 $0xFFFFE003, lr  }
0x1b: {  	s9 =	sadd.s32 $0xFFFFFEF7, lr;
	s5 =	simm.s32 $0xFFFFFFFF;
	p2 =	slt.u32 s8, $0xFFFFF086  }
0x1c: {  	p1 =	slt.u32 s9, $0xF7A;
	s5 =	simm.s32 @!p2 $0x0  }
0x1d: {  	s5 =	simm.s32 @p1 $0x1;
	p0 =	seq.s32 s7, s2  }
0x1e: {  	s7 =	smul.u32 @!p0 $0xF7A, s2;
	p2 =	seq.s32 @!p0 s5, $0x0  }
0x1f: {  	s9 =	smul.u32 $0xF7A, s1;
	s8 =	simm.s32 @!p0 $0x1BF5;
	p2 =	por !p2, p0  }
0x20: {  	[sflag:s8] =	ssyncset.s32 @!p0 $0xFFFFF086;
	s6 =	sadd.s32 @!p0 s3, s7;
	s7 =	simm.s32 @!p0 $0x108  }
0x21: {  	s3 =	sadd.s32 s3, s9;
	s6 =	sadd.s32 @!p0 $0x88, s6;
	s7 =	simm.s32 @p2 $0x1082  }
0x22: {  	[simem:s7], [sflag:s8] =	dma.local @!p0 [hbm:s6], $0xF7A  }
0x23: {  	s9 =	sor.u32 $0xD0000000, s2;
	s6 =	simm.s32 $0x108;
	_ =	swait.ge @!p0 [sflag:s8], $0x0  }
0x24: {  	s3 =	sadd.s32 $0x88, s3;
	s6 =	simm.s32 @!p1 $0x1082;
	[sflag:s4] =	ssyncset.s32 $0xFFFFF086  }
0x25: {  	[simem:s6], [sflag:s4] =	dma.local [hbm:s3], $0xF7A  }
0x26: {  	[smem:$0x3F93] =	sst s1;
	(tag) =	ssettag s2;
	_ =	strace s9  }
0x27: {  	s1 =	sld [smem:$0x3FA3]  }
0x28: {  	s2 =	sld [smem:$0x3FA4]  }
0x29: {  	s4 =	sld [smem:$0x3FA6]  }
0x2a: {  	p0 =	seq.s32 s5, $0x0;
	s5 =	sld [smem:$0x3FA7]  }
0x2b: {  	s6 =	sld [smem:$0x3FA8]  }
0x2c: {  	s7 =	sld [smem:$0x3FA9]  }
0x2d: {  	s3 =	simm.s32 $0x108;
	s8 =	sld [smem:$0x3FAA]  }
0x2e: {  	s3 =	simm.s32 @!p0 $0x1082;
	s9 =	sld [smem:$0x3FAB]  }
0x2f: {  	lr =	sadd.s32 s0, s3;
	s0 =	sld [smem:$0x3FA2]  }
0x30: {  	s3 =	sld [smem:$0x3FA5]  }
0x31: {  	[smem:$0x3FAE] =	sst s10  }
0x32: {  	s10 =	sld [smem:$0x3FAC];
	_ =	sdelay $0x3  }
0x33: {  	p0 =	seq.s32 s10, $0x1;
	s10 =	sld [smem:$0x3FAE];
	_ =	sdelay $0x3  }
0x34: {  	[smem:$0x3FAE] =	sst s10  }
0x35: {  	s10 =	sld [smem:$0x3FAD];
	_ =	sdelay $0x3  }
0x36: {  	p1 =	seq.s32 s10, $0x1;
	s10 =	sld [smem:$0x3FAE];
	_ =	sdelay $0x3  }
0x37: {  	[smem:$0x3FAE] =	sst s10  }
0x38: {  	s10 =	sld [smem:$0x3FAF]  }
0x39: {  	_ = 	snop;
	(pc) =	sbr.ind lr, $3  }
0x3a: {  	_ = 	snop  }
0x3b: {  	_ = 	snop  }
0x3c: {  	p2 =	seq.s32 s10, $0x1;
	s10 =	sld [smem:$0x3FAE]  }
0x3d: {  	_ =	shalt  }
0x3e: {  	_ =	shalt  }
0x3f: {  	_ =	shalt  }
0x40: {  	_ =	shalt  }
0x41: {  	_ =	shalt  }
0x42: {  	_ =	shalt  }
0x43: {  	_ =	shalt  }
0x44: {  	_ =	shalt  }
0x45: {  	_ =	shalt  }
0x46: {  	_ =	shalt  }
0x47: {  	_ =	shalt  }
0x48: {  	_ =	shalt  }
0x49: {  	_ =	shalt  }
0x4a: {  	_ =	shalt  }
0x4b: {  	_ =	shalt  }
0x4c: {  	_ =	shalt  }
0x4d: {  	_ =	shalt  }
0x4e: {  	_ =	shalt  }
0x4f: {  	_ =	shalt  }
0x50: {  	_ =	shalt  }
0x51: {  	_ =	shalt  }
0x52: {  	_ =	shalt  }
0x53: {  	_ =	shalt  }
0x54: {  	_ =	shalt  }
0x55: {  	_ =	shalt  }
0x56: {  	_ =	shalt  }
0x57: {  	_ =	shalt  }
0x58: {  	_ =	shalt  }
0x59: {  	_ =	shalt  }
0x5a: {  	_ =	shalt  }
0x5b: {  	_ =	shalt  }
0x5c: {  	_ =	shalt  }
0x5d: {  	_ =	shalt  }
0x5e: {  	_ =	shalt  }
0x5f: {  	_ =	shalt  }
0x60: {  	_ =	shalt  }
0x61: {  	_ =	shalt  }
0x62: {  	_ =	shalt  }
0x63: {  	_ =	shalt  }
0x64: {  	_ =	shalt  }
0x65: {  	_ =	shalt  }
0x66: {  	_ =	shalt  }
0x67: {  	_ =	shalt  }
0x68: {  	_ =	shalt  }
0x69: {  	_ =	shalt  }
0x6a: {  	_ =	shalt  }
0x6b: {  	_ =	shalt  }
0x6c: {  	_ =	shalt  }
0x6d: {  	_ =	shalt  }
0x6e: {  	_ =	shalt  }
0x6f: {  	_ =	shalt  }
0x70: {  	_ =	shalt  }
0x71: {  	_ =	shalt  }
0x72: {  	_ =	shalt  }
0x73: {  	_ =	shalt  }
0x74: {  	_ =	shalt  }
0x75: {  	_ =	shalt  }
0x76: {  	_ =	shalt  }
0x77: {  	_ =	shalt  }
0x78: {  	_ =	shalt  }
0x79: {  	_ =	shalt  }
0x7a: {  	_ =	shalt  }
0x7b: {  	_ =	shalt  }
0x7c: {  	_ =	shalt  }
0x7d: {  	_ =	shalt  }
0x7e: {  	_ =	shalt  }
0x7f: {  	_ =	shalt  }
0x80: {  	_ =	shalt  }
0x81: {  	_ =	shalt  }
0x82: {  	_ =	shalt  }
0x83: {  	_ =	shalt  }
0x84: {  	_ =	shalt  }
0x85: {  	_ =	shalt  }
0x86: {  	_ =	shalt  }
0x87: {  	_ =	shalt  }
.Lfunc_end0:
.L_simem_size_0:
called_computation.2_lowered:
.L_overlay_start_0:
0x88: {  	s2 =	sld [smem:$0x3FD9]  }
0x89: {  	s3 =	sld [smem:$0x3FFE];
	_ =	sdelay $0x1  }
0x8a: {  	s1 =	srdreg.scid  }
0x8b: {  	s0 =	sand.u32 $0x1, s1  }
0x8c: {  	s17 =	sshll.u32 s0, $0xA;
	s2 =	sadd.s32 s3, s2  }
0x8d: {  	s2 =	sadd.s32 s2, s17  }
0x8e: {  	[smem:$0x3FBA] =	sst s2  }
0x8f: {  	_ = 	snop  }
0x90: {  	s2 =	sld [smem:$0x3FD0];
	(tm) =	ssettm $0x1  }
0x91: {  	s18 =	sld [smem:$0x3FFB];
	_ =	sdelay $0x3  }
0x92: {  	_ =	strace s18  }
0x93: {  	s3 =	sld [smem:$0x3FFC];
	_ =	sdelay $0x3  }
0x94: {  	_ =	strace s3  }
0x95: {  	s3 =	sld [smem:$0x3FFD];
	_ =	sdelay $0x3  }
0x96: {  	_ =	strace s3  }
0x97: {  	_ =	strace $0x8FFFFFFF  }
0x98: {  	s19 =	sld [smem:$0x3FDB];
	_ =	sdelay $0x1  }
0x99: {  	s4 =	simm.s32 $_scs_section_size  }
0x9a: {  	s5 =	simm.s32 $_size__tile_overlayer_lowered;
	s6 =	simm.s32 $_tile_overlayer_lowered  }
0x9b: {  	s22 =	simm.s32 $0x1BFF;
	s21 =	sshll.u32 s6, $0x1;
	s3 =	sadd.s32 s4, s19  }
0x9c: {  	s7 =	simm.s32 $0x0;
	s20 =	sshll.u32 s5, $0x1;
	s5 =	sadd.s32 s21, s3  }
0x9d: {  	[timem:s7], [sflag:s22] =	dma.local [hbm:s5], s20  }
0x9e: {  	_ =	swait.ge [sflag:s22], s20  }
0x9f: {  	s4 =	ssub.s32 $0x0, s20;
	[sflag:s22] =	ssyncset.done $0x0  }
0xa0: {  	[sflag:s22] =	ssyncadd.s32 s4;
	_ =	sdelay $0x1  }
0xa1: {  	s23 =	simm.s32 $0x1B8B  }
0xa2: {  	_ =	swait.ge [sflag:s23], $0x1  }
0xa3: {  	[sflag:s23] =	ssyncset.done $0x0  }
0xa4: {  	s25 =	simm.s32 $0x1B8E;
	s24 =	sld [smem:$0x3FFE];
	[sflag:s23] =	ssyncadd.s32 $0xFFFFFFFF  }
0xa5: {  	s26 =	simm.s32 $execute0_lowered;
	[smem:$0x3FD2] =	sst s25  }
0xa6: {  	s5 =	sshll.u32 s26, $0x1;
	_ =	strace $0x8000004C;
	[dreg:$0x1] =	wrdreg $0xFFFFFFFF  }
0xa7: {  	s28 =	simm.s32 $_size_execute0_lowered;
	s3 =	sadd.s32 s3, s5;
	[dreg:$0x0] =	wrdreg $0x0  }
0xa8: {  	s5 =	sshll.u32 s28, $0x1;
	[dreg:$0x2] =	wrdreg s3  }
0xa9: {  	[dreg:$0x3] =	wrdreg s5  }
0xaa: {  	[dreg:$0x4] =	wrdreg $0xC0  }
0xab: {  	_ =	task [dreg:s7], $0x5FFFF  }
0xac: {  	[dreg:$0x1] =	wrdreg $0xFFFFFFFF  }
0xad: {  	[dreg:$0x0] =	wrdreg $0x60  }
0xae: {  	[dreg:$0x2] =	wrdreg s2  }
0xaf: {  	[dreg:$0x3] =	wrdreg s24  }
0xb0: {  	[dreg:$0x4] =	wrdreg $0x0  }
0xb1: {  	[dreg:$0x5] =	wrdreg $0x9  }
0xb2: {  	_ =	task.clear_ibuf [dreg:s7], $0x6FFFF;
	_ =	strace $0x9000004C  }
0xb3: {  	s29 =	simm.s32 $0x9;
	_ =	strace $0x8000004E  }
0xb4: {  	_ =	swait.ge [sflag:s29], $0x1  }
0xb5: {  	[sflag:s29] =	ssyncadd.s32 $0xFFFFFFFF  }
0xb6: {  	_ =	strace $0x9000004E  }
0xb7: {  	_ =	sfence  }
0xb8: {  	s30 =	sld [smem:$0x0];
	_ =	sdelay $0x2  }
0xb9: {  	s31 =	sshll.u32 s1, $0xD;
	s1 =	sshrl.u32 s1, $0x2  }
0xba: {  	s3 =	sand.u32 $0x4000, s31;
	s1 =	sadd.s32 s1, s30  }
0xbb: {  	s0 =	sor.u32 s3, s0;
	s1 =	sshll.u32 s1, $0x11  }
0xbc: {  	s0 =	sor.u32 s1, s0  }
0xbd: {  	s0 =	sadd.s32 $0x8F2B, s0  }
0xbe: {  	[sflag:s0] =	ssyncadd.remote.s32 $0x1  }
0xbf: {  	_ =	sfence.sel $0xFFFF  }
0xc0: {  	[dreg:$0x0] =	wrdreg $0xFFFFFFFF;
	(pc) =	sbr.abs _section_cstart, $3  }
0xc1: {  	[dreg:$0x1] =	wrdreg $0xFFFFFFFF  }
0xc2: {  	_ =	task.clear_ibuf [dreg:s7], $0x2FFFF;
	_ =	strace $0x9FFFFFFF  }
0xc3: {  	(tm) =	ssettm $0x7FFFFFFF  }
tec
execute0_lowered:
.L_overlay_start_1:
0x0: {  	(tag) =	ssettag $0x1  }
0x1: {  	s2 =	rddreg [dreg:$0x0]  }
0x2: {  	s0 =	rddreg [dreg:$0x1]  }
0x3: {  	s3 =	rddreg [dreg:$0x2];
	s26 =	stileid.u32  }
0x4: {  	s4 =	simm.s32 $0x0;
	s5 =	srdreg.scid;
	s13 =	simm.s32 $0x3  }
0x5: {  	s14 =	simm.s32 $0x9C40;
	s15 =	simm.s32 $0x9F40;
	s16 =	simm.s32 $0x80  }
0x6: {  	s17 =	simm.s32 $0xA240;
	s18 =	simm.s32 $0x9CC0;
	s28 =	simm.s32 $0x14240  }
0x7: {  	s29 =	simm.s32 $0x1;
	s30 =	simm.s32 $0x9FC0;
	s31 =	simm.s32 $0xA040  }
0x8: {  	s1 =	smul.u32 $0x9C40, s26;
	[smem:$0x7FF] =	sst s4;
	s5 =	sand.u32 $0x1, s5  }
0x9: {  	s7 =	sadd.s32 $0x31A00, s0;
	s8 =	sadd.s32 $0x27C00, s0;
	s24 =	smul.u32 $0x4E0, s26  }
0xa: {  	s22 =	sshll.u32 s26, $0x6;
	p0 =	sgt.u32 s26, $0x1;
	s6 =	smul.u32 $0x9C400, s5  }
0xb: {  	_ =	strace $0x8000004D;
	s10 =	ssub.s32 $0x2, s5;
	s11 =	smul.u32 $0x4E2, s5  }
0xc: {  	s5 =	smul.u32 $0x4E20, s5;
	s1 =	sand.u32 $0xFFE00, s1;
	s12 =	sshrl.u32 s10, $0x1  }
0xd: {  	s9 =	sshrl.u32 s1, $0x3;
	s6 =	sadd.s32 s6, s1;
	s19 =	ssub.s32 s10, s12  }
0xe: {  	s20 =	sadd.s32 s26, s11;
	s1 =	sadd.s32 s1, s3;
	s12 =	sor.u32 $0x1C03, s22  }
0xf: {  	s25 =	sadd.s32 s5, s8;
	s5 =	sadd.s32 s5, s7;
	s22 =	simm.s32 $0x9DC0  }
0x10: {  	s26 =	simm.s32 $0x9EC0;
	s9 =	sadd.s32 s9, s0;
	s6 =	sshrl.u32 s6, $0x3  }
0x11: {  	s21 =	sshll.u32 s20, $0x4;
	s11 =	sadd.s32 s24, s5;
	s20 =	simm.s32 $0x9D40  }
0x12: {  	s5 =	simm.s32 $0xA1C0;
	[dreg:$0x6] =	wrdreg s12;
	s0 =	sadd.s32 s6, s0  }
0x13: {  	s9 =	sadd.s32 $0xA00, s9;
	s6 =	smax.u32 s19, $0x1;
	s19 =	simm.s32 $0xC240  }
0x14: {  	[dreg:$0x5] =	wrdreg s9;
	s9 =	sadd.s32 $0x4E00, s21;
	s0 =	sadd.s32 $0x3B800, s0  }
0x15: {  	[dreg:$0xa] =	wrdreg s6;
	s21 =	simm.s32 $0xE240;
	s23 =	sadd.s32 s7, s9  }
0x16: {  	s9 =	sadd.s32 s8, s9;
	[dreg:$0x9] =	wrdreg s0;
	s0 =	sadd.s32 s24, s25  }
0x17: {  	s8 =	sshrl.u32 s1, $0x3;
	s24 =	simm.s32 $0x9E40;
	[dreg:$0x7] =	wrdreg s23  }
0x18: {  	s25 =	simm.s32 $0x12240;
	s1 =	simm.s32 $0xA140;
	[dreg:$0x8] =	wrdreg s9  }
0x19: {  	s7 =	simm.s32 $0x2;
	[dreg:$0x4] =	wrdreg s0;
	s23 =	simm.s32 $0x10240  }
0x1a: {  	s0 =	simm.s32 $0xA0C0;
	s9 =	simm.s32 $0x0;
	[dreg:$0xb] =	wrdreg s8  }
.LBB2_1:
0x1b: {  	[dreg:$0xc] =	wrdreg s9  }
0x1c: {  	s6 =	rddreg [dreg:$0x5]  }
0x1d: {  	[spmem:s8], [sflag:s12] =	dma.local [hbm:s6], $0x13C0  }
0x1e: {  	_ =	swait.ge [sflag:s13], $0x13C0  }
0x1f: {  	[sflag:s13] =	ssyncset.done $0x0  }
0x20: {  	[sflag:s13] =	ssyncadd.s32 $0xFFFFEC40  }
0x21: {  	s10 =	sadd.s32 $0x0, s11;
	[bflag:$0x0] =	sbarrier.arrive $0xFFFF  }
0x22: {  	[tilespmem:s14], [sflag:$0x3] =	stream.linear.gather [hbm4b:s10+s4], $0x300, $0x38;
	[tilespmem:$0x16240] =	vst v63  }
0x23: {  	_ =	swait.ge [sflag:s13], $0x300  }
0x24: {  	s12 =	rddreg [dreg:$0x4];
	[sflag:s13] =	ssyncset.done $0x0  }
0x25: {  	[sflag:s13] =	ssyncadd.s32 $0xFFFFFD00;
	s6 =	sadd.s32 $0x0, s12  }
0x26: {  	[tilespmem:s15], [sflag:$0x3] =	stream.linear.gather [hbm4b:s6+s4], $0x300, $0x38;
	[tilespmem:$0x16240] =	vst v63  }
0x27: {  	_ =	swait.ge [sflag:s13], $0x300  }
0x28: {  	[sflag:s13] =	ssyncset.done $0x0  }
0x29: {  	[sflag:s13] =	ssyncadd.s32 $0xFFFFFD00  }
0x2a: {  	[tilespmem:s17], [sflag:$0x1] =	stream.indirect.gather [hbm4b:s2+s16], $0x40, s14, s16, $0xb8;
	[tilespmem:$0x16240] =	vst v63  }
0x2b: {  	_ = 	snop  }
0x2c: {  	[tilespmem:s19], [sflag:$0x1] =	stream.indirect.gather [hbm4b:s2+s16], $0x40, s18, s16, $0xb8;
	[tilespmem:$0x16240] =	vst v63  }
0x2d: {  	_ = 	snop  }
0x2e: {  	[tilespmem:s21], [sflag:$0x1] =	stream.indirect.gather [hbm4b:s2+s16], $0x40, s20, s16, $0xb8;
	[tilespmem:$0x16240] =	vst v63  }
0x2f: {  	_ = 	snop  }
0x30: {  	[tilespmem:s23], [sflag:$0x1] =	stream.indirect.gather [hbm4b:s2+s16], $0x40, s22, s16, $0xb8;
	[tilespmem:$0x16240] =	vst v63  }
0x31: {  	_ = 	snop  }
0x32: {  	[tilespmem:s25], [sflag:$0x1] =	stream.indirect.gather [hbm4b:s2+s16], $0x40, s24, s16, $0xb8;
	[tilespmem:$0x16240] =	vst v63  }
0x33: {  	_ = 	snop  }
0x34: {  	[tilespmem:s28], [sflag:$0x1] =	stream.indirect.gather [hbm4b:s2+s16], $0x40, s26, s16, $0xb8;
	[tilespmem:$0x16240] =	vst v63  }
0x35: {  	_ =	swait.ge [sflag:s29], $0x2000  }
0x36: {  	[sflag:s29] =	ssyncset.done $0x0  }
0x37: {  	[sflag:s29] =	ssyncadd.s32 $0xFFFFE000  }
0x38: {  	[spmem:s3] =	stream.indirect.scatter.add.f32 [tilespmem:s17], [sflag:$0x2], $0x40, s15, s16, $0xb8;
	[tilespmem:$0x16240] =	vst v63  }
0x39: {  	_ =	swait.ge [sflag:s29], $0x2000  }
0x3a: {  	[sflag:s29] =	ssyncset.done $0x0  }
0x3b: {  	[sflag:s29] =	ssyncadd.s32 $0xFFFFE000  }
0x3c: {  	[spmem:s3] =	stream.indirect.scatter.add.f32 [tilespmem:s19], [sflag:$0x2], $0x40, s30, s16, $0xb8;
	[tilespmem:$0x16240] =	vst v63  }
0x3d: {  	_ =	swait.ge [sflag:s29], $0x2000  }
0x3e: {  	[sflag:s29] =	ssyncset.done $0x0  }
0x3f: {  	[sflag:s29] =	ssyncadd.s32 $0xFFFFE000  }
0x40: {  	[spmem:s3] =	stream.indirect.scatter.add.f32 [tilespmem:s21], [sflag:$0x2], $0x40, s31, s16, $0xb8;
	[tilespmem:$0x16240] =	vst v63  }
0x41: {  	_ =	swait.ge [sflag:s29], $0x2000  }
0x42: {  	[sflag:s29] =	ssyncset.done $0x0  }
0x43: {  	[sflag:s29] =	ssyncadd.s32 $0xFFFFE000  }
0x44: {  	[spmem:s3] =	stream.indirect.scatter.add.f32 [tilespmem:s23], [sflag:$0x2], $0x40, s0, s16, $0xb8;
	[tilespmem:$0x16240] =	vst v63  }
0x45: {  	_ =	swait.ge [sflag:s29], $0x2000  }
0x46: {  	[sflag:s29] =	ssyncset.done $0x0  }
0x47: {  	[sflag:s29] =	ssyncadd.s32 $0xFFFFE000  }
0x48: {  	[spmem:s3] =	stream.indirect.scatter.add.f32 [tilespmem:s25], [sflag:$0x2], $0x40, s1, s16, $0xb8;
	[tilespmem:$0x16240] =	vst v63  }
0x49: {  	_ =	swait.ge [sflag:s29], $0x2000  }
0x4a: {  	[sflag:s29] =	ssyncset.done $0x0  }
0x4b: {  	[sflag:s29] =	ssyncadd.s32 $0xFFFFE000  }
0x4c: {  	[spmem:s3] =	stream.indirect.scatter.add.f32 [tilespmem:s28], [sflag:$0x2], $0x40, s5, s16, $0xb8;
	[tilespmem:$0x16240] =	vst v63  }
0x4d: {  	_ =	swait.ge [sflag:s7], $0x2000  }
0x4e: {  	[sflag:s7] =	ssyncset.done $0x0  }
0x4f: {  	[sflag:s7] =	ssyncadd.s32 $0xFFFFE000  }
0x50: {  	_ =	swait.ge [sflag:s7], $0x2000  }
0x51: {  	[sflag:s7] =	ssyncset.done $0x0  }
0x52: {  	[sflag:s7] =	ssyncadd.s32 $0xFFFFE000  }
0x53: {  	_ =	swait.ge [sflag:s7], $0x2000  }
0x54: {  	[sflag:s7] =	ssyncset.done $0x0  }
0x55: {  	[sflag:s7] =	ssyncadd.s32 $0xFFFFE000  }
0x56: {  	_ =	swait.ge [sflag:s7], $0x2000  }
0x57: {  	[sflag:s7] =	ssyncset.done $0x0  }
0x58: {  	[sflag:s7] =	ssyncadd.s32 $0xFFFFE000  }
0x59: {  	_ =	swait.ge [sflag:s7], $0x2000  }
0x5a: {  	[sflag:s7] =	ssyncset.done $0x0  }
0x5b: {  	[sflag:s7] =	ssyncadd.s32 $0xFFFFE000  }
0x5c: {  	_ =	swait.ge [sflag:s7], $0x2000  }
0x5d: {  	s9 =	simm.s32 $0x60;
	s10 =	simm.s32 $0xC0;
	[sflag:s7] =	ssyncset.done $0x0  }
.LBB2_2:
0x5e: {  	s12 =	sadd.s32 s9, s11;
	[sflag:s7] =	ssyncadd.s32 $0xFFFFE000  }
0x5f: {  	[tilespmem:s14], [sflag:$0x3] =	stream.linear.gather [hbm4b:s12+s4], $0x300, $0x38;
	[tilespmem:$0x16240] =	vst v63  }
0x60: {  	s8 =	smov.u32 s10;
	_ =	swait.ge [sflag:s13], $0x300  }
0x61: {  	s6 =	sadd.s32 $0x60, s10;
	s12 =	rddreg [dreg:$0x4];
	[sflag:s13] =	ssyncset.done $0x0  }
0x62: {  	p1 =	sne.s32 s10, $0x480;
	[sflag:s13] =	ssyncadd.s32 $0xFFFFFD00;
	s10 =	sadd.s32 s9, s12  }
0x63: {  	[tilespmem:s15], [sflag:$0x3] =	stream.linear.gather [hbm4b:s10+s4], $0x300, $0x38;
	[tilespmem:$0x16240] =	vst v63  }
0x64: {  	_ =	swait.ge [sflag:s13], $0x300  }
0x65: {  	[sflag:s13] =	ssyncset.done $0x0  }
0x66: {  	[sflag:s13] =	ssyncadd.s32 $0xFFFFFD00  }
0x67: {  	[tilespmem:s17], [sflag:$0x1] =	stream.indirect.gather [hbm4b:s2+s16], $0x40, s14, s16, $0xb8;
	[tilespmem:$0x16240] =	vst v63  }
0x68: {  	_ = 	snop  }
0x69: {  	[tilespmem:s19], [sflag:$0x1] =	stream.indirect.gather [hbm4b:s2+s16], $0x40, s18, s16, $0xb8;
	[tilespmem:$0x16240] =	vst v63  }
0x6a: {  	_ = 	snop  }
0x6b: {  	[tilespmem:s21], [sflag:$0x1] =	stream.indirect.gather [hbm4b:s2+s16], $0x40, s20, s16, $0xb8;
	[tilespmem:$0x16240] =	vst v63  }
0x6c: {  	_ = 	snop  }
0x6d: {  	[tilespmem:s23], [sflag:$0x1] =	stream.indirect.gather [hbm4b:s2+s16], $0x40, s22, s16, $0xb8;
	[tilespmem:$0x16240] =	vst v63  }
0x6e: {  	_ = 	snop  }
0x6f: {  	[tilespmem:s25], [sflag:$0x1] =	stream.indirect.gather [hbm4b:s2+s16], $0x40, s24, s16, $0xb8;
	[tilespmem:$0x16240] =	vst v63  }
0x70: {  	_ = 	snop  }
0x71: {  	[tilespmem:s28], [sflag:$0x1] =	stream.indirect.gather [hbm4b:s2+s16], $0x40, s26, s16, $0xb8;
	[tilespmem:$0x16240] =	vst v63  }
0x72: {  	_ =	swait.ge [sflag:s29], $0x2000  }
0x73: {  	[sflag:s29] =	ssyncset.done $0x0  }
0x74: {  	[sflag:s29] =	ssyncadd.s32 $0xFFFFE000  }
0x75: {  	[spmem:s3] =	stream.indirect.scatter.add.f32 [tilespmem:s17], [sflag:$0x2], $0x40, s15, s16, $0xb8;
	[tilespmem:$0x16240] =	vst v63  }
0x76: {  	_ =	swait.ge [sflag:s29], $0x2000  }
0x77: {  	[sflag:s29] =	ssyncset.done $0x0  }
0x78: {  	[sflag:s29] =	ssyncadd.s32 $0xFFFFE000  }
0x79: {  	[spmem:s3] =	stream.indirect.scatter.add.f32 [tilespmem:s19], [sflag:$0x2], $0x40, s30, s16, $0xb8;
	[tilespmem:$0x16240] =	vst v63  }
0x7a: {  	_ =	swait.ge [sflag:s29], $0x2000  }
0x7b: {  	[sflag:s29] =	ssyncset.done $0x0  }
0x7c: {  	[sflag:s29] =	ssyncadd.s32 $0xFFFFE000  }
0x7d: {  	[spmem:s3] =	stream.indirect.scatter.add.f32 [tilespmem:s21], [sflag:$0x2], $0x40, s31, s16, $0xb8;
	[tilespmem:$0x16240] =	vst v63  }
0x7e: {  	_ =	swait.ge [sflag:s29], $0x2000  }
0x7f: {  	[sflag:s29] =	ssyncset.done $0x0  }
0x80: {  	[sflag:s29] =	ssyncadd.s32 $0xFFFFE000  }
0x81: {  	[spmem:s3] =	stream.indirect.scatter.add.f32 [tilespmem:s23], [sflag:$0x2], $0x40, s0, s16, $0xb8;
	[tilespmem:$0x16240] =	vst v63  }
0x82: {  	_ =	swait.ge [sflag:s29], $0x2000  }
0x83: {  	[sflag:s29] =	ssyncset.done $0x0  }
0x84: {  	[sflag:s29] =	ssyncadd.s32 $0xFFFFE000  }
0x85: {  	[spmem:s3] =	stream.indirect.scatter.add.f32 [tilespmem:s25], [sflag:$0x2], $0x40, s1, s16, $0xb8;
	[tilespmem:$0x16240] =	vst v63  }
0x86: {  	_ =	swait.ge [sflag:s29], $0x2000  }
0x87: {  	[sflag:s29] =	ssyncset.done $0x0  }
0x88: {  	[sflag:s29] =	ssyncadd.s32 $0xFFFFE000  }
0x89: {  	[spmem:s3] =	stream.indirect.scatter.add.f32 [tilespmem:s28], [sflag:$0x2], $0x40, s5, s16, $0xb8;
	[tilespmem:$0x16240] =	vst v63  }
0x8a: {  	_ =	swait.ge [sflag:s7], $0x2000  }
0x8b: {  	[sflag:s7] =	ssyncset.done $0x0  }
0x8c: {  	[sflag:s7] =	ssyncadd.s32 $0xFFFFE000  }
0x8d: {  	_ =	swait.ge [sflag:s7], $0x2000  }
0x8e: {  	[sflag:s7] =	ssyncset.done $0x0  }
0x8f: {  	[sflag:s7] =	ssyncadd.s32 $0xFFFFE000  }
0x90: {  	_ =	swait.ge [sflag:s7], $0x2000  }
0x91: {  	[sflag:s7] =	ssyncset.done $0x0  }
0x92: {  	[sflag:s7] =	ssyncadd.s32 $0xFFFFE000  }
0x93: {  	_ =	swait.ge [sflag:s7], $0x2000  }
0x94: {  	[sflag:s7] =	ssyncset.done $0x0  }
0x95: {  	[sflag:s7] =	ssyncadd.s32 $0xFFFFE000  }
.Ltmp0:
0x96: {  	_ =	swait.ge [sflag:s7], $0x2000;
	(pc) =	sbr.rel @p1 .LBB2_2-.Ltmp0, $4  }
0x97: {  	[sflag:s7] =	ssyncset.done $0x0  }
0x98: {  	[sflag:s7] =	ssyncadd.s32 $0xFFFFE000  }
0x99: {  	_ =	swait.ge [sflag:s7], $0x2000  }
0x9a: {  	s9 =	smov.u32 s8;
	s10 =	smov.u32 s6;
	[sflag:s7] =	ssyncset.done $0x0  }
0x9b: {  	s6 =	sadd.s32 s9, s11;
	[sflag:s7] =	ssyncadd.s32 $0xFFFFE000  }
0x9c: {  	[tilespmem:s14], [sflag:$0x3] =	stream.linear.gather [hbm4b:s6+s4], $0x300, $0x38;
	[tilespmem:$0x16240] =	vst v63  }
0x9d: {  	_ =	swait.ge [sflag:s13], $0x300  }
0x9e: {  	s8 =	rddreg [dreg:$0x4];
	[sflag:s13] =	ssyncset.done $0x0  }
0x9f: {  	[sflag:s13] =	ssyncadd.s32 $0xFFFFFD00;
	s6 =	sadd.s32 s9, s8  }
0xa0: {  	[tilespmem:s15], [sflag:$0x3] =	stream.linear.gather [hbm4b:s6+s4], $0x300, $0x38;
	[tilespmem:$0x16240] =	vst v63  }
0xa1: {  	_ =	swait.ge [sflag:s13], $0x300  }
0xa2: {  	[sflag:s13] =	ssyncset.done $0x0  }
0xa3: {  	[sflag:s13] =	ssyncadd.s32 $0xFFFFFD00  }
0xa4: {  	[tilespmem:s17], [sflag:$0x1] =	stream.indirect.gather [hbm4b:s2+s16], $0x40, s14, s16, $0xb8;
	[tilespmem:$0x16240] =	vst v63  }
0xa5: {  	_ = 	snop  }
0xa6: {  	[tilespmem:s19], [sflag:$0x1] =	stream.indirect.gather [hbm4b:s2+s16], $0x40, s18, s16, $0xb8;
	[tilespmem:$0x16240] =	vst v63  }
0xa7: {  	_ = 	snop  }
0xa8: {  	[tilespmem:s21], [sflag:$0x1] =	stream.indirect.gather [hbm4b:s2+s16], $0x40, s20, s16, $0xb8;
	[tilespmem:$0x16240] =	vst v63  }
0xa9: {  	_ = 	snop  }
0xaa: {  	[tilespmem:s23], [sflag:$0x1] =	stream.indirect.gather [hbm4b:s2+s16], $0x40, s22, s16, $0xb8;
	[tilespmem:$0x16240] =	vst v63  }
0xab: {  	_ = 	snop  }
0xac: {  	[tilespmem:s25], [sflag:$0x1] =	stream.indirect.gather [hbm4b:s2+s16], $0x40, s24, s16, $0xb8;
	[tilespmem:$0x16240] =	vst v63  }
0xad: {  	_ = 	snop  }
0xae: {  	[tilespmem:s28], [sflag:$0x1] =	stream.indirect.gather [hbm4b:s2+s16], $0x40, s26, s16, $0xb8;
	[tilespmem:$0x16240] =	vst v63  }
0xaf: {  	_ =	swait.ge [sflag:s29], $0x2000  }
0xb0: {  	[sflag:s29] =	ssyncset.done $0x0  }
0xb1: {  	[sflag:s29] =	ssyncadd.s32 $0xFFFFE000  }
0xb2: {  	[spmem:s3] =	stream.indirect.scatter.add.f32 [tilespmem:s17], [sflag:$0x2], $0x40, s15, s16, $0xb8;
	[tilespmem:$0x16240] =	vst v63  }
0xb3: {  	_ =	swait.ge [sflag:s29], $0x2000  }
0xb4: {  	[sflag:s29] =	ssyncset.done $0x0  }
0xb5: {  	[sflag:s29] =	ssyncadd.s32 $0xFFFFE000  }
0xb6: {  	[spmem:s3] =	stream.indirect.scatter.add.f32 [tilespmem:s19], [sflag:$0x2], $0x40, s30, s16, $0xb8;
	[tilespmem:$0x16240] =	vst v63  }
0xb7: {  	_ =	swait.ge [sflag:s29], $0x2000  }
0xb8: {  	[sflag:s29] =	ssyncset.done $0x0  }
0xb9: {  	[sflag:s29] =	ssyncadd.s32 $0xFFFFE000  }
0xba: {  	[spmem:s3] =	stream.indirect.scatter.add.f32 [tilespmem:s21], [sflag:$0x2], $0x40, s31, s16, $0xb8;
	[tilespmem:$0x16240] =	vst v63  }
0xbb: {  	_ =	swait.ge [sflag:s29], $0x2000  }
0xbc: {  	[sflag:s29] =	ssyncset.done $0x0  }
0xbd: {  	[sflag:s29] =	ssyncadd.s32 $0xFFFFE000  }
0xbe: {  	[spmem:s3] =	stream.indirect.scatter.add.f32 [tilespmem:s23], [sflag:$0x2], $0x40, s0, s16, $0xb8;
	[tilespmem:$0x16240] =	vst v63  }
0xbf: {  	_ =	swait.ge [sflag:s29], $0x2000  }
0xc0: {  	[sflag:s29] =	ssyncset.done $0x0  }
0xc1: {  	[sflag:s29] =	ssyncadd.s32 $0xFFFFE000  }
0xc2: {  	[spmem:s3] =	stream.indirect.scatter.add.f32 [tilespmem:s25], [sflag:$0x2], $0x40, s1, s16, $0xb8;
	[tilespmem:$0x16240] =	vst v63  }
0xc3: {  	_ =	swait.ge [sflag:s29], $0x2000  }
0xc4: {  	[sflag:s29] =	ssyncset.done $0x0  }
0xc5: {  	[sflag:s29] =	ssyncadd.s32 $0xFFFFE000  }
0xc6: {  	[spmem:s3] =	stream.indirect.scatter.add.f32 [tilespmem:s28], [sflag:$0x2], $0x40, s5, s16, $0xb8;
	[tilespmem:$0x16240] =	vst v63  }
0xc7: {  	_ =	swait.ge [sflag:s7], $0x2000  }
0xc8: {  	[sflag:s7] =	ssyncset.done $0x0  }
0xc9: {  	[sflag:s7] =	ssyncadd.s32 $0xFFFFE000  }
0xca: {  	_ =	swait.ge [sflag:s7], $0x2000  }
0xcb: {  	[sflag:s7] =	ssyncset.done $0x0  }
0xcc: {  	[sflag:s7] =	ssyncadd.s32 $0xFFFFE000  }
0xcd: {  	_ =	swait.ge [sflag:s7], $0x2000  }
0xce: {  	[sflag:s7] =	ssyncset.done $0x0  }
0xcf: {  	[sflag:s7] =	ssyncadd.s32 $0xFFFFE000  }
0xd0: {  	_ =	swait.ge [sflag:s7], $0x2000  }
0xd1: {  	[sflag:s7] =	ssyncset.done $0x0  }
0xd2: {  	[sflag:s7] =	ssyncadd.s32 $0xFFFFE000  }
0xd3: {  	_ =	swait.ge [sflag:s7], $0x2000  }
0xd4: {  	[sflag:s7] =	ssyncset.done $0x0  }
0xd5: {  	[sflag:s7] =	ssyncadd.s32 $0xFFFFE000  }
0xd6: {  	_ =	swait.ge [sflag:s7], $0x2000  }
0xd7: {  	s8 =	simm.s32 @!p0 $0x9C40;
	[sflag:s7] =	ssyncset.done $0x0  }
0xd8: {  	s6 =	simm.s32 @!p0 $0x0;
	s9 =	rddreg [dreg:$0x7];
	[sflag:s7] =	ssyncadd.s32 $0xFFFFE000  }
0xd9: {  	[tilespmem:s8], [sflag:$0x3] =	stream.linear.gather @!p0 [hbm4b:s9+s6], $0x80, $0x38;
	[tilespmem:$0x16240] =	vst v63  }
0xda: {  	s9 =	simm.s32 @!p0 $0x3  }
0xdb: {  	_ =	swait.ge @!p0 [sflag:s9], $0x80  }
0xdc: {  	[sflag:s9] =	ssyncset.done @!p0 $0x0  }
0xdd: {  	s10 =	simm.s32 @!p0 $0x9F40;
	s12 =	rddreg [dreg:$0x8];
	[sflag:s9] =	ssyncadd.s32 @!p0 $0xFFFFFF80  }
0xde: {  	[tilespmem:s10], [sflag:$0x3] =	stream.linear.gather @!p0 [hbm4b:s12+s6], $0x80, $0x38;
	[tilespmem:$0x16240] =	vst v63  }
0xdf: {  	_ =	swait.ge @!p0 [sflag:s9], $0x80  }
0xe0: {  	[sflag:s9] =	ssyncset.done @!p0 $0x0  }
0xe1: {  	s6 =	simm.s32 @!p0 $0x80;
	[sflag:s9] =	ssyncadd.s32 @!p0 $0xFFFFFF80;
	s9 =	simm.s32 @!p0 $0xA240  }
0xe2: {  	[tilespmem:s9], [sflag:$0x1] =	stream.indirect.gather @!p0 [hbm4b:s2+s6], $0x40, s8, s6, $0xb8;
	[tilespmem:$0x16240] =	vst v63  }
0xe3: {  	s8 =	simm.s32 @!p0 $0x1  }
0xe4: {  	_ =	swait.ge @!p0 [sflag:s8], $0x2000  }
0xe5: {  	[sflag:s8] =	ssyncset.done @!p0 $0x0  }
0xe6: {  	[sflag:s8] =	ssyncadd.s32 @!p0 $0xFFFFE000  }
0xe7: {  	[spmem:s3] =	stream.indirect.scatter.add.f32 @!p0 [tilespmem:s9], [sflag:$0x2], $0x40, s10, s6, $0xb8;
	[tilespmem:$0x16240] =	vst v63  }
0xe8: {  	s6 =	simm.s32 @!p0 $0x2  }
0xe9: {  	_ =	swait.ge @!p0 [sflag:s6], $0x2000  }
0xea: {  	[sflag:s6] =	ssyncset.done @!p0 $0x0  }
0xeb: {  	[sflag:s6] =	ssyncadd.s32 @!p0 $0xFFFFE000  }
0xec: {  	[bflag:$0x0] =	sbarrier.arrive $0xFFFF  }
0xed: {  	s12 =	rddreg [dreg:$0x6]  }
0xee: {  	s10 =	rddreg [dreg:$0x9]  }
0xef: {  	s8 =	rddreg [dreg:$0xb]  }
0xf0: {  	[hbm:s10], [sflag:s12] =	dma.local [spmem:s8], $0x13C0  }
0xf1: {  	_ =	swait.ge [sflag:s13], $0x13C0  }
0xf2: {  	s6 =	rddreg [dreg:$0xc]  }
0xf3: {  	s10 =	rddreg [dreg:$0xa];
	s9 =	sadd.s32 $0x1, s6  }
0xf4: {  	p1 =	sne.s32 s9, s10  }
.Ltmp1:
0xf5: {  	_ = 	snop;
	(pc) =	sbr.rel @p1 .LBB2_1-.Ltmp1, $3  }
0xf6: {  	_ =	sdelay $0x1  }
0xf7: {  	[sflag:s13] =	ssyncset.done $0x0  }
0xf8: {  	[sflag:s13] =	ssyncadd.s32 $0xFFFFEC40  }
0xf9: {  	_ =	sfence.sel $0x180000  }
0xfa: {  	[bflag:$0x0] =	sbarrier.arrive $0xFFFF  }
0xfb: {  	_ =	strace $0x9000004D  }
0xfc: {  	s0 =	stileid.u32;
	[bflag:$0x2] =	sbarrier.arrive $0xFFFF  }
0xfd: {  	p0 =	sne.s32 s0, $0x0;
	s0 =	rddreg [dreg:$0x3]  }
0xfe: {  	s0 =	sadd.s32 @!p0 $0x100000, s0  }
0xff: {  	[sflag:s0] =	ssyncadd.tile.s32 @!p0 $0x1;
	_ =	shalt  }
.Lfunc_end2:
_tile_overlayer_lowered:
.L_overlay_start_2:
0x100: {  	(tag) =	ssettag $0x2  }
0x101: {  	s0 =	rddreg [dreg:$0x0];
	s2 =	stileid.u32  }
0x102: {  	s1 =	rddreg [dreg:$0x1];
	p0 =	sne.s32 s2, $0x0  }
0x103: {  	s3 =	rddreg [dreg:$0x2];
	[bflag:$0x3] =	sbarrier.arrive $0xFFFF;
	s2 =	simm.s32 @!p0 $0x1C03  }
0x104: {  	[timem:s3], [sflag:s2] =	dma.local @!p0 [hbm:s0], s1  }
0x105: {  	s0 =	simm.s32 @!p0 $0x3  }
0x106: {  	_ =	swait.ge @!p0 [sflag:s0], s1  }
0x107: {  	s1 =	ssub.s32 @!p0 $0x0, s1;
	[sflag:s0] =	ssyncset.done @!p0 $0x0  }
0x108: {  	[sflag:s0] =	ssyncadd.s32 @!p0 s1  }
0x109: {  	[bflag:$0x3] =	sbarrier.arrive $0xFFFF  }
0x10a: {  	_ =	shalt  }

// kernel: kernel.15.cloned.1.call-start
scs
__scs_entry_jumppad:
0x0: {  	(pc) =	sbr.rel $0x88, $3  }
0x1: {  	(tag) =	ssettag $0x0;
	lr =	simm.s32 $0x1  }
0x2: {  	[smem:$0x3F93] =	sst lr;
	_ =	strace $0xD0000000  }
0x3: {  	_ = 	snop  }
0x4: {  	_ = 	snop  }
0x5: {  	_ = 	snop  }
0x6: {  	_ = 	snop  }
0x7: {  	_ = 	snop  }
__scs_overlays_trampoline_lowered:
0x8: {  	[smem:$0x3FA2] =	sst s0  }
0x9: {  	[smem:$0x3FA3] =	sst s1  }
0xa: {  	[smem:$0x3FA4] =	sst s2  }
0xb: {  	[smem:$0x3FA5] =	sst s3  }
0xc: {  	[smem:$0x3FA6] =	sst s4  }
0xd: {  	[smem:$0x3FA7] =	sst s5  }
0xe: {  	[smem:$0x3FA8] =	sst s6  }
0xf: {  	[smem:$0x3FA9] =	sst s7  }
0x10: {  	[smem:$0x3FAA] =	sst s8  }
0x11: {  	[smem:$0x3FAB] =	sst s9;
	s0 =	simm.s32 @!p0 $0x0  }
0x12: {  	s1 =	sld [smem:$0x3F91];
	s0 =	simm.s32 @p0 $0x1  }
0x13: {  	[smem:$0x3FAC] =	sst s0;
	s0 =	simm.s32 @!p1 $0x0  }
0x14: {  	s2 =	sld [smem:$0x3F90];
	s0 =	simm.s32 @p1 $0x1  }
0x15: {  	[smem:$0x3FAD] =	sst s0;
	s0 =	simm.s32 @!p2 $0x0  }
0x16: {  	s3 =	sld [smem:$0x3FDB];
	s0 =	simm.s32 @p2 $0x1  }
0x17: {  	s4 =	simm.s32 $0x1BF5;
	[smem:$0x3FAF] =	sst s0  }
0x18: {  	s0 =	sld [smem:$0x3F92];
	_ =	swait.ge [sflag:s4], $0x0  }
0x19: {  	s7 =	sld [smem:$0x3F93]  }
0x1a: {  	s8 =	sadd.s32 $0xFFFFE003, lr  }
0x1b: {  	s9 =	sadd.s32 $0xFFFFFEF7, lr;
	s5 =	simm.s32 $0xFFFFFFFF;
	p2 =	slt.u32 s8, $0xFFFFF086  }
0x1c: {  	p1 =	slt.u32 s9, $0xF7A;
	s5 =	simm.s32 @!p2 $0x0  }
0x1d: {  	s5 =	simm.s32 @p1 $0x1;
	p0 =	seq.s32 s7, s2  }
0x1e: {  	s7 =	smul.u32 @!p0 $0xF7A, s2;
	p2 =	seq.s32 @!p0 s5, $0x0  }
0x1f: {  	s9 =	smul.u32 $0xF7A, s1;
	s8 =	simm.s32 @!p0 $0x1BF5;
	p2 =	por !p2, p0  }
0x20: {  	[sflag:s8] =	ssyncset.s32 @!p0 $0xFFFFF086;
	s6 =	sadd.s32 @!p0 s3, s7;
	s7 =	simm.s32 @!p0 $0x108  }
0x21: {  	s3 =	sadd.s32 s3, s9;
	s6 =	sadd.s32 @!p0 $0x88, s6;
	s7 =	simm.s32 @p2 $0x1082  }
0x22: {  	[simem:s7], [sflag:s8] =	dma.local @!p0 [hbm:s6], $0xF7A  }
0x23: {  	s9 =	sor.u32 $0xD0000000, s2;
	s6 =	simm.s32 $0x108;
	_ =	swait.ge @!p0 [sflag:s8], $0x0  }
0x24: {  	s3 =	sadd.s32 $0x88, s3;
	s6 =	simm.s32 @!p1 $0x1082;
	[sflag:s4] =	ssyncset.s32 $0xFFFFF086  }
0x25: {  	[simem:s6], [sflag:s4] =	dma.local [hbm:s3], $0xF7A  }
0x26: {  	[smem:$0x3F93] =	sst s1;
	(tag) =	ssettag s2;
	_ =	strace s9  }
0x27: {  	s1 =	sld [smem:$0x3FA3]  }
0x28: {  	s2 =	sld [smem:$0x3FA4]  }
0x29: {  	s4 =	sld [smem:$0x3FA6]  }
0x2a: {  	p0 =	seq.s32 s5, $0x0;
	s5 =	sld [smem:$0x3FA7]  }
0x2b: {  	s6 =	sld [smem:$0x3FA8]  }
0x2c: {  	s7 =	sld [smem:$0x3FA9]  }
0x2d: {  	s3 =	simm.s32 $0x108;
	s8 =	sld [smem:$0x3FAA]  }
0x2e: {  	s3 =	simm.s32 @!p0 $0x1082;
	s9 =	sld [smem:$0x3FAB]  }
0x2f: {  	lr =	sadd.s32 s0, s3;
	s0 =	sld [smem:$0x3FA2]  }
0x30: {  	s3 =	sld [smem:$0x3FA5]  }
0x31: {  	[smem:$0x3FAE] =	sst s10  }
0x32: {  	s10 =	sld [smem:$0x3FAC];
	_ =	sdelay $0x3  }
0x33: {  	p0 =	seq.s32 s10, $0x1;
	s10 =	sld [smem:$0x3FAE];
	_ =	sdelay $0x3  }
0x34: {  	[smem:$0x3FAE] =	sst s10  }
0x35: {  	s10 =	sld [smem:$0x3FAD];
	_ =	sdelay $0x3  }
0x36: {  	p1 =	seq.s32 s10, $0x1;
	s10 =	sld [smem:$0x3FAE];
	_ =	sdelay $0x3  }
0x37: {  	[smem:$0x3FAE] =	sst s10  }
0x38: {  	s10 =	sld [smem:$0x3FAF]  }
0x39: {  	_ = 	snop;
	(pc) =	sbr.ind lr, $3  }
0x3a: {  	_ = 	snop  }
0x3b: {  	_ = 	snop  }
0x3c: {  	p2 =	seq.s32 s10, $0x1;
	s10 =	sld [smem:$0x3FAE]  }
0x3d: {  	_ =	shalt  }
0x3e: {  	_ =	shalt  }
0x3f: {  	_ =	shalt  }
0x40: {  	_ =	shalt  }
0x41: {  	_ =	shalt  }
0x42: {  	_ =	shalt  }
0x43: {  	_ =	shalt  }
0x44: {  	_ =	shalt  }
0x45: {  	_ =	shalt  }
0x46: {  	_ =	shalt  }
0x47: {  	_ =	shalt  }
0x48: {  	_ =	shalt  }
0x49: {  	_ =	shalt  }
0x4a: {  	_ =	shalt  }
0x4b: {  	_ =	shalt  }
0x4c: {  	_ =	shalt  }
0x4d: {  	_ =	shalt  }
0x4e: {  	_ =	shalt  }
0x4f: {  	_ =	shalt  }
0x50: {  	_ =	shalt  }
0x51: {  	_ =	shalt  }
0x52: {  	_ =	shalt  }
0x53: {  	_ =	shalt  }
0x54: {  	_ =	shalt  }
0x55: {  	_ =	shalt  }
0x56: {  	_ =	shalt  }
0x57: {  	_ =	shalt  }
0x58: {  	_ =	shalt  }
0x59: {  	_ =	shalt  }
0x5a: {  	_ =	shalt  }
0x5b: {  	_ =	shalt  }
0x5c: {  	_ =	shalt  }
0x5d: {  	_ =	shalt  }
0x5e: {  	_ =	shalt  }
0x5f: {  	_ =	shalt  }
0x60: {  	_ =	shalt  }
0x61: {  	_ =	shalt  }
0x62: {  	_ =	shalt  }
0x63: {  	_ =	shalt  }
0x64: {  	_ =	shalt  }
0x65: {  	_ =	shalt  }
0x66: {  	_ =	shalt  }
0x67: {  	_ =	shalt  }
0x68: {  	_ =	shalt  }
0x69: {  	_ =	shalt  }
0x6a: {  	_ =	shalt  }
0x6b: {  	_ =	shalt  }
0x6c: {  	_ =	shalt  }
0x6d: {  	_ =	shalt  }
0x6e: {  	_ =	shalt  }
0x6f: {  	_ =	shalt  }
0x70: {  	_ =	shalt  }
0x71: {  	_ =	shalt  }
0x72: {  	_ =	shalt  }
0x73: {  	_ =	shalt  }
0x74: {  	_ =	shalt  }
0x75: {  	_ =	shalt  }
0x76: {  	_ =	shalt  }
0x77: {  	_ =	shalt  }
0x78: {  	_ =	shalt  }
0x79: {  	_ =	shalt  }
0x7a: {  	_ =	shalt  }
0x7b: {  	_ =	shalt  }
0x7c: {  	_ =	shalt  }
0x7d: {  	_ =	shalt  }
0x7e: {  	_ =	shalt  }
0x7f: {  	_ =	shalt  }
0x80: {  	_ =	shalt  }
0x81: {  	_ =	shalt  }
0x82: {  	_ =	shalt  }
0x83: {  	_ =	shalt  }
0x84: {  	_ =	shalt  }
0x85: {  	_ =	shalt  }
0x86: {  	_ =	shalt  }
0x87: {  	_ =	shalt  }
.Lfunc_end0:
.L_simem_size_0:
called_computation.3_lowered:
.L_overlay_start_0:
0x88: {  	s2 =	sld [smem:$0x3FD9]  }
0x89: {  	s3 =	sld [smem:$0x3FFE];
	_ =	sdelay $0x1  }
0x8a: {  	s1 =	srdreg.scid  }
0x8b: {  	s0 =	sand.u32 $0x1, s1  }
0x8c: {  	s17 =	sshll.u32 s0, $0xA;
	s2 =	sadd.s32 s3, s2  }
0x8d: {  	s2 =	sadd.s32 s2, s17  }
0x8e: {  	[smem:$0x3FBA] =	sst s2  }
0x8f: {  	_ = 	snop  }
0x90: {  	s2 =	sld [smem:$0x3FD0];
	(tm) =	ssettm $0x1  }
0x91: {  	s18 =	sld [smem:$0x3FFB];
	_ =	sdelay $0x3  }
0x92: {  	_ =	strace s18  }
0x93: {  	s3 =	sld [smem:$0x3FFC];
	_ =	sdelay $0x3  }
0x94: {  	_ =	strace s3  }
0x95: {  	s3 =	sld [smem:$0x3FFD];
	_ =	sdelay $0x3  }
0x96: {  	_ =	strace s3  }
0x97: {  	_ =	strace $0x8FFFFFFF  }
0x98: {  	s19 =	sld [smem:$0x3FDB];
	_ =	sdelay $0x1  }
0x99: {  	s4 =	simm.s32 $_scs_section_size  }
0x9a: {  	s5 =	simm.s32 $_size__tile_overlayer_lowered;
	s6 =	simm.s32 $_tile_overlayer_lowered  }
0x9b: {  	s22 =	simm.s32 $0x1BFF;
	s21 =	sshll.u32 s6, $0x1;
	s3 =	sadd.s32 s4, s19  }
0x9c: {  	s7 =	simm.s32 $0x0;
	s20 =	sshll.u32 s5, $0x1;
	s5 =	sadd.s32 s21, s3  }
0x9d: {  	[timem:s7], [sflag:s22] =	dma.local [hbm:s5], s20  }
0x9e: {  	_ =	swait.ge [sflag:s22], s20  }
0x9f: {  	s4 =	ssub.s32 $0x0, s20;
	[sflag:s22] =	ssyncset.done $0x0  }
0xa0: {  	[sflag:s22] =	ssyncadd.s32 s4;
	_ =	sdelay $0x1  }
0xa1: {  	s23 =	simm.s32 $0x1B8B  }
0xa2: {  	_ =	swait.ge [sflag:s23], $0x1  }
0xa3: {  	[sflag:s23] =	ssyncset.done $0x0  }
0xa4: {  	s25 =	simm.s32 $0x1B8E;
	s24 =	sld [smem:$0x3FFE];
	[sflag:s23] =	ssyncadd.s32 $0xFFFFFFFF  }
0xa5: {  	s26 =	simm.s32 $execute0_lowered;
	[smem:$0x3FD2] =	sst s25  }
0xa6: {  	s5 =	sshll.u32 s26, $0x1;
	_ =	strace $0x8000004F;
	[dreg:$0x1] =	wrdreg $0xFFFFFFFF  }
0xa7: {  	s28 =	simm.s32 $_size_execute0_lowered;
	s3 =	sadd.s32 s3, s5;
	[dreg:$0x0] =	wrdreg $0x0  }
0xa8: {  	s5 =	sshll.u32 s28, $0x1;
	[dreg:$0x2] =	wrdreg s3  }
0xa9: {  	[dreg:$0x3] =	wrdreg s5  }
0xaa: {  	[dreg:$0x4] =	wrdreg $0xC0  }
0xab: {  	_ =	task [dreg:s7], $0x5FFFF  }
0xac: {  	[dreg:$0x1] =	wrdreg $0xFFFFFFFF  }
0xad: {  	[dreg:$0x0] =	wrdreg $0x60  }
0xae: {  	[dreg:$0x2] =	wrdreg s2  }
0xaf: {  	[dreg:$0x3] =	wrdreg s24  }
0xb0: {  	[dreg:$0x4] =	wrdreg $0x0  }
0xb1: {  	[dreg:$0x5] =	wrdreg $0x9  }
0xb2: {  	_ =	task.clear_ibuf [dreg:s7], $0x6FFFF;
	_ =	strace $0x9000004F  }
0xb3: {  	s29 =	simm.s32 $0x9;
	_ =	strace $0x80000051  }
0xb4: {  	_ =	swait.ge [sflag:s29], $0x1  }
0xb5: {  	[sflag:s29] =	ssyncadd.s32 $0xFFFFFFFF  }
0xb6: {  	_ =	strace $0x90000051  }
0xb7: {  	_ =	sfence  }
0xb8: {  	s30 =	sld [smem:$0x0];
	_ =	sdelay $0x2  }
0xb9: {  	s31 =	sshll.u32 s1, $0xD;
	s1 =	sshrl.u32 s1, $0x2  }
0xba: {  	s3 =	sand.u32 $0x4000, s31;
	s1 =	sadd.s32 s1, s30  }
0xbb: {  	s0 =	sor.u32 s3, s0;
	s1 =	sshll.u32 s1, $0x11  }
0xbc: {  	s0 =	sor.u32 s1, s0  }
0xbd: {  	s0 =	sadd.s32 $0x8F2B, s0  }
0xbe: {  	[sflag:s0] =	ssyncadd.remote.s32 $0x1  }
0xbf: {  	_ =	sfence.sel $0xFFFF  }
0xc0: {  	[dreg:$0x0] =	wrdreg $0xFFFFFFFF;
	(pc) =	sbr.abs _section_cstart, $3  }
0xc1: {  	[dreg:$0x1] =	wrdreg $0xFFFFFFFF  }
0xc2: {  	_ =	task.clear_ibuf [dreg:s7], $0x2FFFF;
	_ =	strace $0x9FFFFFFF  }
0xc3: {  	(tm) =	ssettm $0x7FFFFFFF  }
tec
execute0_lowered:
.L_overlay_start_1:
0x0: {  	(tag) =	ssettag $0x1  }
0x1: {  	s2 =	rddreg [dreg:$0x0]  }
0x2: {  	s0 =	rddreg [dreg:$0x1]  }
0x3: {  	s3 =	rddreg [dreg:$0x2];
	s26 =	stileid.u32  }
0x4: {  	s4 =	simm.s32 $0x0;
	s5 =	srdreg.scid;
	s13 =	simm.s32 $0x3  }
0x5: {  	s14 =	simm.s32 $0x9C40;
	s15 =	simm.s32 $0x9F40;
	s16 =	simm.s32 $0x80  }
0x6: {  	s17 =	simm.s32 $0xA240;
	s18 =	simm.s32 $0x9CC0;
	s28 =	simm.s32 $0x14240  }
0x7: {  	s29 =	simm.s32 $0x1;
	s30 =	simm.s32 $0x9FC0;
	s31 =	simm.s32 $0xA040  }
0x8: {  	s1 =	smul.u32 $0x9C40, s26;
	[smem:$0x7FF] =	sst s4;
	s5 =	sand.u32 $0x1, s5  }
0x9: {  	s7 =	sadd.s32 $0x31A00, s0;
	s8 =	sadd.s32 $0x27C00, s0;
	s24 =	smul.u32 $0x4E0, s26  }
0xa: {  	s22 =	sshll.u32 s26, $0x6;
	p0 =	sgt.u32 s26, $0x1;
	s6 =	smul.u32 $0x9C400, s5  }
0xb: {  	_ =	strace $0x80000050;
	s10 =	ssub.s32 $0x2, s5;
	s11 =	smul.u32 $0x4E2, s5  }
0xc: {  	s5 =	smul.u32 $0x4E20, s5;
	s1 =	sand.u32 $0xFFE00, s1;
	s12 =	sshrl.u32 s10, $0x1  }
0xd: {  	s9 =	sshrl.u32 s1, $0x3;
	s6 =	sadd.s32 s6, s1;
	s19 =	ssub.s32 s10, s12  }
0xe: {  	s20 =	sadd.s32 s26, s11;
	s1 =	sadd.s32 s1, s3;
	s12 =	sor.u32 $0x1C03, s22  }
0xf: {  	s25 =	sadd.s32 s5, s8;
	s5 =	sadd.s32 s5, s7;
	s22 =	simm.s32 $0x9DC0  }
0x10: {  	s26 =	simm.s32 $0x9EC0;
	s9 =	sadd.s32 s9, s0;
	s6 =	sshrl.u32 s6, $0x3  }
0x11: {  	s21 =	sshll.u32 s20, $0x4;
	s11 =	sadd.s32 s24, s5;
	s20 =	simm.s32 $0x9D40  }
0x12: {  	s5 =	simm.s32 $0xA1C0;
	[dreg:$0x6] =	wrdreg s12;
	s0 =	sadd.s32 s6, s0  }
0x13: {  	s9 =	sadd.s32 $0xA00, s9;
	s6 =	smax.u32 s19, $0x1;
	s19 =	simm.s32 $0xC240  }
0x14: {  	[dreg:$0x5] =	wrdreg s9;
	s9 =	sadd.s32 $0x4E00, s21;
	s0 =	sadd.s32 $0x3B800, s0  }
0x15: {  	[dreg:$0xa] =	wrdreg s6;
	s21 =	simm.s32 $0xE240;
	s23 =	sadd.s32 s7, s9  }
0x16: {  	s9 =	sadd.s32 s8, s9;
	[dreg:$0x9] =	wrdreg s0;
	s0 =	sadd.s32 s24, s25  }
0x17: {  	s8 =	sshrl.u32 s1, $0x3;
	s24 =	simm.s32 $0x9E40;
	[dreg:$0x7] =	wrdreg s23  }
0x18: {  	s25 =	simm.s32 $0x12240;
	s1 =	simm.s32 $0xA140;
	[dreg:$0x8] =	wrdreg s9  }
0x19: {  	s7 =	simm.s32 $0x2;
	[dreg:$0x4] =	wrdreg s0;
	s23 =	simm.s32 $0x10240  }
0x1a: {  	s0 =	simm.s32 $0xA0C0;
	s9 =	simm.s32 $0x0;
	[dreg:$0xb] =	wrdreg s8  }
.LBB2_1:
0x1b: {  	[dreg:$0xc] =	wrdreg s9  }
0x1c: {  	s6 =	rddreg [dreg:$0x5]  }
0x1d: {  	[spmem:s8], [sflag:s12] =	dma.local [hbm:s6], $0x13C0  }
0x1e: {  	_ =	swait.ge [sflag:s13], $0x13C0  }
0x1f: {  	[sflag:s13] =	ssyncset.done $0x0  }
0x20: {  	[sflag:s13] =	ssyncadd.s32 $0xFFFFEC40  }
0x21: {  	s10 =	sadd.s32 $0x0, s11;
	[bflag:$0x0] =	sbarrier.arrive $0xFFFF  }
0x22: {  	[tilespmem:s14], [sflag:$0x3] =	stream.linear.gather [hbm4b:s10+s4], $0x300, $0x38;
	[tilespmem:$0x16240] =	vst v63  }
0x23: {  	_ =	swait.ge [sflag:s13], $0x300  }
0x24: {  	s12 =	rddreg [dreg:$0x4];
	[sflag:s13] =	ssyncset.done $0x0  }
0x25: {  	[sflag:s13] =	ssyncadd.s32 $0xFFFFFD00;
	s6 =	sadd.s32 $0x0, s12  }
0x26: {  	[tilespmem:s15], [sflag:$0x3] =	stream.linear.gather [hbm4b:s6+s4], $0x300, $0x38;
	[tilespmem:$0x16240] =	vst v63  }
0x27: {  	_ =	swait.ge [sflag:s13], $0x300  }
0x28: {  	[sflag:s13] =	ssyncset.done $0x0  }
0x29: {  	[sflag:s13] =	ssyncadd.s32 $0xFFFFFD00  }
0x2a: {  	[tilespmem:s17], [sflag:$0x1] =	stream.indirect.gather [hbm4b:s2+s16], $0x40, s14, s16, $0xb8;
	[tilespmem:$0x16240] =	vst v63  }
0x2b: {  	_ = 	snop  }
0x2c: {  	[tilespmem:s19], [sflag:$0x1] =	stream.indirect.gather [hbm4b:s2+s16], $0x40, s18, s16, $0xb8;
	[tilespmem:$0x16240] =	vst v63  }
0x2d: {  	_ = 	snop  }
0x2e: {  	[tilespmem:s21], [sflag:$0x1] =	stream.indirect.gather [hbm4b:s2+s16], $0x40, s20, s16, $0xb8;
	[tilespmem:$0x16240] =	vst v63  }
0x2f: {  	_ = 	snop  }
0x30: {  	[tilespmem:s23], [sflag:$0x1] =	stream.indirect.gather [hbm4b:s2+s16], $0x40, s22, s16, $0xb8;
	[tilespmem:$0x16240] =	vst v63  }
0x31: {  	_ = 	snop  }
0x32: {  	[tilespmem:s25], [sflag:$0x1] =	stream.indirect.gather [hbm4b:s2+s16], $0x40, s24, s16, $0xb8;
	[tilespmem:$0x16240] =	vst v63  }
0x33: {  	_ = 	snop  }
0x34: {  	[tilespmem:s28], [sflag:$0x1] =	stream.indirect.gather [hbm4b:s2+s16], $0x40, s26, s16, $0xb8;
	[tilespmem:$0x16240] =	vst v63  }
0x35: {  	_ =	swait.ge [sflag:s29], $0x2000  }
0x36: {  	[sflag:s29] =	ssyncset.done $0x0  }
0x37: {  	[sflag:s29] =	ssyncadd.s32 $0xFFFFE000  }
0x38: {  	[spmem:s3] =	stream.indirect.scatter.add.f32 [tilespmem:s17], [sflag:$0x2], $0x40, s15, s16, $0xb8;
	[tilespmem:$0x16240] =	vst v63  }
0x39: {  	_ =	swait.ge [sflag:s29], $0x2000  }
0x3a: {  	[sflag:s29] =	ssyncset.done $0x0  }
0x3b: {  	[sflag:s29] =	ssyncadd.s32 $0xFFFFE000  }
0x3c: {  	[spmem:s3] =	stream.indirect.scatter.add.f32 [tilespmem:s19], [sflag:$0x2], $0x40, s30, s16, $0xb8;
	[tilespmem:$0x16240] =	vst v63  }
0x3d: {  	_ =	swait.ge [sflag:s29], $0x2000  }
0x3e: {  	[sflag:s29] =	ssyncset.done $0x0  }
0x3f: {  	[sflag:s29] =	ssyncadd.s32 $0xFFFFE000  }
0x40: {  	[spmem:s3] =	stream.indirect.scatter.add.f32 [tilespmem:s21], [sflag:$0x2], $0x40, s31, s16, $0xb8;
	[tilespmem:$0x16240] =	vst v63  }
0x41: {  	_ =	swait.ge [sflag:s29], $0x2000  }
0x42: {  	[sflag:s29] =	ssyncset.done $0x0  }
0x43: {  	[sflag:s29] =	ssyncadd.s32 $0xFFFFE000  }
0x44: {  	[spmem:s3] =	stream.indirect.scatter.add.f32 [tilespmem:s23], [sflag:$0x2], $0x40, s0, s16, $0xb8;
	[tilespmem:$0x16240] =	vst v63  }
0x45: {  	_ =	swait.ge [sflag:s29], $0x2000  }
0x46: {  	[sflag:s29] =	ssyncset.done $0x0  }
0x47: {  	[sflag:s29] =	ssyncadd.s32 $0xFFFFE000  }
0x48: {  	[spmem:s3] =	stream.indirect.scatter.add.f32 [tilespmem:s25], [sflag:$0x2], $0x40, s1, s16, $0xb8;
	[tilespmem:$0x16240] =	vst v63  }
0x49: {  	_ =	swait.ge [sflag:s29], $0x2000  }
0x4a: {  	[sflag:s29] =	ssyncset.done $0x0  }
0x4b: {  	[sflag:s29] =	ssyncadd.s32 $0xFFFFE000  }
0x4c: {  	[spmem:s3] =	stream.indirect.scatter.add.f32 [tilespmem:s28], [sflag:$0x2], $0x40, s5, s16, $0xb8;
	[tilespmem:$0x16240] =	vst v63  }
0x4d: {  	_ =	swait.ge [sflag:s7], $0x2000  }
0x4e: {  	[sflag:s7] =	ssyncset.done $0x0  }
0x4f: {  	[sflag:s7] =	ssyncadd.s32 $0xFFFFE000  }
0x50: {  	_ =	swait.ge [sflag:s7], $0x2000  }
0x51: {  	[sflag:s7] =	ssyncset.done $0x0  }
0x52: {  	[sflag:s7] =	ssyncadd.s32 $0xFFFFE000  }
0x53: {  	_ =	swait.ge [sflag:s7], $0x2000  }
0x54: {  	[sflag:s7] =	ssyncset.done $0x0  }
0x55: {  	[sflag:s7] =	ssyncadd.s32 $0xFFFFE000  }
0x56: {  	_ =	swait.ge [sflag:s7], $0x2000  }
0x57: {  	[sflag:s7] =	ssyncset.done $0x0  }
0x58: {  	[sflag:s7] =	ssyncadd.s32 $0xFFFFE000  }
0x59: {  	_ =	swait.ge [sflag:s7], $0x2000  }
0x5a: {  	[sflag:s7] =	ssyncset.done $0x0  }
0x5b: {  	[sflag:s7] =	ssyncadd.s32 $0xFFFFE000  }
0x5c: {  	_ =	swait.ge [sflag:s7], $0x2000  }
0x5d: {  	s9 =	simm.s32 $0x60;
	s10 =	simm.s32 $0xC0;
	[sflag:s7] =	ssyncset.done $0x0  }
.LBB2_2:
0x5e: {  	s12 =	sadd.s32 s9, s11;
	[sflag:s7] =	ssyncadd.s32 $0xFFFFE000  }
0x5f: {  	[tilespmem:s14], [sflag:$0x3] =	stream.linear.gather [hbm4b:s12+s4], $0x300, $0x38;
	[tilespmem:$0x16240] =	vst v63  }
0x60: {  	s8 =	smov.u32 s10;
	_ =	swait.ge [sflag:s13], $0x300  }
0x61: {  	s6 =	sadd.s32 $0x60, s10;
	s12 =	rddreg [dreg:$0x4];
	[sflag:s13] =	ssyncset.done $0x0  }
0x62: {  	p1 =	sne.s32 s10, $0x480;
	[sflag:s13] =	ssyncadd.s32 $0xFFFFFD00;
	s10 =	sadd.s32 s9, s12  }
0x63: {  	[tilespmem:s15], [sflag:$0x3] =	stream.linear.gather [hbm4b:s10+s4], $0x300, $0x38;
	[tilespmem:$0x16240] =	vst v63  }
0x64: {  	_ =	swait.ge [sflag:s13], $0x300  }
0x65: {  	[sflag:s13] =	ssyncset.done $0x0  }
0x66: {  	[sflag:s13] =	ssyncadd.s32 $0xFFFFFD00  }
0x67: {  	[tilespmem:s17], [sflag:$0x1] =	stream.indirect.gather [hbm4b:s2+s16], $0x40, s14, s16, $0xb8;
	[tilespmem:$0x16240] =	vst v63  }
0x68: {  	_ = 	snop  }
0x69: {  	[tilespmem:s19], [sflag:$0x1] =	stream.indirect.gather [hbm4b:s2+s16], $0x40, s18, s16, $0xb8;
	[tilespmem:$0x16240] =	vst v63  }
0x6a: {  	_ = 	snop  }
0x6b: {  	[tilespmem:s21], [sflag:$0x1] =	stream.indirect.gather [hbm4b:s2+s16], $0x40, s20, s16, $0xb8;
	[tilespmem:$0x16240] =	vst v63  }
0x6c: {  	_ = 	snop  }
0x6d: {  	[tilespmem:s23], [sflag:$0x1] =	stream.indirect.gather [hbm4b:s2+s16], $0x40, s22, s16, $0xb8;
	[tilespmem:$0x16240] =	vst v63  }
0x6e: {  	_ = 	snop  }
0x6f: {  	[tilespmem:s25], [sflag:$0x1] =	stream.indirect.gather [hbm4b:s2+s16], $0x40, s24, s16, $0xb8;
	[tilespmem:$0x16240] =	vst v63  }
0x70: {  	_ = 	snop  }
0x71: {  	[tilespmem:s28], [sflag:$0x1] =	stream.indirect.gather [hbm4b:s2+s16], $0x40, s26, s16, $0xb8;
	[tilespmem:$0x16240] =	vst v63  }
0x72: {  	_ =	swait.ge [sflag:s29], $0x2000  }
0x73: {  	[sflag:s29] =	ssyncset.done $0x0  }
0x74: {  	[sflag:s29] =	ssyncadd.s32 $0xFFFFE000  }
0x75: {  	[spmem:s3] =	stream.indirect.scatter.add.f32 [tilespmem:s17], [sflag:$0x2], $0x40, s15, s16, $0xb8;
	[tilespmem:$0x16240] =	vst v63  }
0x76: {  	_ =	swait.ge [sflag:s29], $0x2000  }
0x77: {  	[sflag:s29] =	ssyncset.done $0x0  }
0x78: {  	[sflag:s29] =	ssyncadd.s32 $0xFFFFE000  }
0x79: {  	[spmem:s3] =	stream.indirect.scatter.add.f32 [tilespmem:s19], [sflag:$0x2], $0x40, s30, s16, $0xb8;
	[tilespmem:$0x16240] =	vst v63  }
0x7a: {  	_ =	swait.ge [sflag:s29], $0x2000  }
0x7b: {  	[sflag:s29] =	ssyncset.done $0x0  }
0x7c: {  	[sflag:s29] =	ssyncadd.s32 $0xFFFFE000  }
0x7d: {  	[spmem:s3] =	stream.indirect.scatter.add.f32 [tilespmem:s21], [sflag:$0x2], $0x40, s31, s16, $0xb8;
	[tilespmem:$0x16240] =	vst v63  }
0x7e: {  	_ =	swait.ge [sflag:s29], $0x2000  }
0x7f: {  	[sflag:s29] =	ssyncset.done $0x0  }
0x80: {  	[sflag:s29] =	ssyncadd.s32 $0xFFFFE000  }
0x81: {  	[spmem:s3] =	stream.indirect.scatter.add.f32 [tilespmem:s23], [sflag:$0x2], $0x40, s0, s16, $0xb8;
	[tilespmem:$0x16240] =	vst v63  }
0x82: {  	_ =	swait.ge [sflag:s29], $0x2000  }
0x83: {  	[sflag:s29] =	ssyncset.done $0x0  }
0x84: {  	[sflag:s29] =	ssyncadd.s32 $0xFFFFE000  }
0x85: {  	[spmem:s3] =	stream.indirect.scatter.add.f32 [tilespmem:s25], [sflag:$0x2], $0x40, s1, s16, $0xb8;
	[tilespmem:$0x16240] =	vst v63  }
0x86: {  	_ =	swait.ge [sflag:s29], $0x2000  }
0x87: {  	[sflag:s29] =	ssyncset.done $0x0  }
0x88: {  	[sflag:s29] =	ssyncadd.s32 $0xFFFFE000  }
0x89: {  	[spmem:s3] =	stream.indirect.scatter.add.f32 [tilespmem:s28], [sflag:$0x2], $0x40, s5, s16, $0xb8;
	[tilespmem:$0x16240] =	vst v63  }
0x8a: {  	_ =	swait.ge [sflag:s7], $0x2000  }
0x8b: {  	[sflag:s7] =	ssyncset.done $0x0  }
0x8c: {  	[sflag:s7] =	ssyncadd.s32 $0xFFFFE000  }
0x8d: {  	_ =	swait.ge [sflag:s7], $0x2000  }
0x8e: {  	[sflag:s7] =	ssyncset.done $0x0  }
0x8f: {  	[sflag:s7] =	ssyncadd.s32 $0xFFFFE000  }
0x90: {  	_ =	swait.ge [sflag:s7], $0x2000  }
0x91: {  	[sflag:s7] =	ssyncset.done $0x0  }
0x92: {  	[sflag:s7] =	ssyncadd.s32 $0xFFFFE000  }
0x93: {  	_ =	swait.ge [sflag:s7], $0x2000  }
0x94: {  	[sflag:s7] =	ssyncset.done $0x0  }
0x95: {  	[sflag:s7] =	ssyncadd.s32 $0xFFFFE000  }
.Ltmp0:
0x96: {  	_ =	swait.ge [sflag:s7], $0x2000;
	(pc) =	sbr.rel @p1 .LBB2_2-.Ltmp0, $4  }
0x97: {  	[sflag:s7] =	ssyncset.done $0x0  }
0x98: {  	[sflag:s7] =	ssyncadd.s32 $0xFFFFE000  }
0x99: {  	_ =	swait.ge [sflag:s7], $0x2000  }
0x9a: {  	s9 =	smov.u32 s8;
	s10 =	smov.u32 s6;
	[sflag:s7] =	ssyncset.done $0x0  }
0x9b: {  	s6 =	sadd.s32 s9, s11;
	[sflag:s7] =	ssyncadd.s32 $0xFFFFE000  }
0x9c: {  	[tilespmem:s14], [sflag:$0x3] =	stream.linear.gather [hbm4b:s6+s4], $0x300, $0x38;
	[tilespmem:$0x16240] =	vst v63  }
0x9d: {  	_ =	swait.ge [sflag:s13], $0x300  }
0x9e: {  	s8 =	rddreg [dreg:$0x4];
	[sflag:s13] =	ssyncset.done $0x0  }
0x9f: {  	[sflag:s13] =	ssyncadd.s32 $0xFFFFFD00;
	s6 =	sadd.s32 s9, s8  }
0xa0: {  	[tilespmem:s15], [sflag:$0x3] =	stream.linear.gather [hbm4b:s6+s4], $0x300, $0x38;
	[tilespmem:$0x16240] =	vst v63  }
0xa1: {  	_ =	swait.ge [sflag:s13], $0x300  }
0xa2: {  	[sflag:s13] =	ssyncset.done $0x0  }
0xa3: {  	[sflag:s13] =	ssyncadd.s32 $0xFFFFFD00  }
0xa4: {  	[tilespmem:s17], [sflag:$0x1] =	stream.indirect.gather [hbm4b:s2+s16], $0x40, s14, s16, $0xb8;
	[tilespmem:$0x16240] =	vst v63  }
0xa5: {  	_ = 	snop  }
0xa6: {  	[tilespmem:s19], [sflag:$0x1] =	stream.indirect.gather [hbm4b:s2+s16], $0x40, s18, s16, $0xb8;
	[tilespmem:$0x16240] =	vst v63  }
0xa7: {  	_ = 	snop  }
0xa8: {  	[tilespmem:s21], [sflag:$0x1] =	stream.indirect.gather [hbm4b:s2+s16], $0x40, s20, s16, $0xb8;
	[tilespmem:$0x16240] =	vst v63  }
0xa9: {  	_ = 	snop  }
0xaa: {  	[tilespmem:s23], [sflag:$0x1] =	stream.indirect.gather [hbm4b:s2+s16], $0x40, s22, s16, $0xb8;
	[tilespmem:$0x16240] =	vst v63  }
0xab: {  	_ = 	snop  }
0xac: {  	[tilespmem:s25], [sflag:$0x1] =	stream.indirect.gather [hbm4b:s2+s16], $0x40, s24, s16, $0xb8;
	[tilespmem:$0x16240] =	vst v63  }
0xad: {  	_ = 	snop  }
0xae: {  	[tilespmem:s28], [sflag:$0x1] =	stream.indirect.gather [hbm4b:s2+s16], $0x40, s26, s16, $0xb8;
	[tilespmem:$0x16240] =	vst v63  }
0xaf: {  	_ =	swait.ge [sflag:s29], $0x2000  }
0xb0: {  	[sflag:s29] =	ssyncset.done $0x0  }
0xb1: {  	[sflag:s29] =	ssyncadd.s32 $0xFFFFE000  }
0xb2: {  	[spmem:s3] =	stream.indirect.scatter.add.f32 [tilespmem:s17], [sflag:$0x2], $0x40, s15, s16, $0xb8;
	[tilespmem:$0x16240] =	vst v63  }
0xb3: {  	_ =	swait.ge [sflag:s29], $0x2000  }
0xb4: {  	[sflag:s29] =	ssyncset.done $0x0  }
0xb5: {  	[sflag:s29] =	ssyncadd.s32 $0xFFFFE000  }
0xb6: {  	[spmem:s3] =	stream.indirect.scatter.add.f32 [tilespmem:s19], [sflag:$0x2], $0x40, s30, s16, $0xb8;
	[tilespmem:$0x16240] =	vst v63  }
0xb7: {  	_ =	swait.ge [sflag:s29], $0x2000  }
0xb8: {  	[sflag:s29] =	ssyncset.done $0x0  }
0xb9: {  	[sflag:s29] =	ssyncadd.s32 $0xFFFFE000  }
0xba: {  	[spmem:s3] =	stream.indirect.scatter.add.f32 [tilespmem:s21], [sflag:$0x2], $0x40, s31, s16, $0xb8;
	[tilespmem:$0x16240] =	vst v63  }
0xbb: {  	_ =	swait.ge [sflag:s29], $0x2000  }
0xbc: {  	[sflag:s29] =	ssyncset.done $0x0  }
0xbd: {  	[sflag:s29] =	ssyncadd.s32 $0xFFFFE000  }
0xbe: {  	[spmem:s3] =	stream.indirect.scatter.add.f32 [tilespmem:s23], [sflag:$0x2], $0x40, s0, s16, $0xb8;
	[tilespmem:$0x16240] =	vst v63  }
0xbf: {  	_ =	swait.ge [sflag:s29], $0x2000  }
0xc0: {  	[sflag:s29] =	ssyncset.done $0x0  }
0xc1: {  	[sflag:s29] =	ssyncadd.s32 $0xFFFFE000  }
0xc2: {  	[spmem:s3] =	stream.indirect.scatter.add.f32 [tilespmem:s25], [sflag:$0x2], $0x40, s1, s16, $0xb8;
	[tilespmem:$0x16240] =	vst v63  }
0xc3: {  	_ =	swait.ge [sflag:s29], $0x2000  }
0xc4: {  	[sflag:s29] =	ssyncset.done $0x0  }
0xc5: {  	[sflag:s29] =	ssyncadd.s32 $0xFFFFE000  }
0xc6: {  	[spmem:s3] =	stream.indirect.scatter.add.f32 [tilespmem:s28], [sflag:$0x2], $0x40, s5, s16, $0xb8;
	[tilespmem:$0x16240] =	vst v63  }
0xc7: {  	_ =	swait.ge [sflag:s7], $0x2000  }
0xc8: {  	[sflag:s7] =	ssyncset.done $0x0  }
0xc9: {  	[sflag:s7] =	ssyncadd.s32 $0xFFFFE000  }
0xca: {  	_ =	swait.ge [sflag:s7], $0x2000  }
0xcb: {  	[sflag:s7] =	ssyncset.done $0x0  }
0xcc: {  	[sflag:s7] =	ssyncadd.s32 $0xFFFFE000  }
0xcd: {  	_ =	swait.ge [sflag:s7], $0x2000  }
0xce: {  	[sflag:s7] =	ssyncset.done $0x0  }
0xcf: {  	[sflag:s7] =	ssyncadd.s32 $0xFFFFE000  }
0xd0: {  	_ =	swait.ge [sflag:s7], $0x2000  }
0xd1: {  	[sflag:s7] =	ssyncset.done $0x0  }
0xd2: {  	[sflag:s7] =	ssyncadd.s32 $0xFFFFE000  }
0xd3: {  	_ =	swait.ge [sflag:s7], $0x2000  }
0xd4: {  	[sflag:s7] =	ssyncset.done $0x0  }
0xd5: {  	[sflag:s7] =	ssyncadd.s32 $0xFFFFE000  }
0xd6: {  	_ =	swait.ge [sflag:s7], $0x2000  }
0xd7: {  	s8 =	simm.s32 @!p0 $0x9C40;
	[sflag:s7] =	ssyncset.done $0x0  }
0xd8: {  	s6 =	simm.s32 @!p0 $0x0;
	s9 =	rddreg [dreg:$0x7];
	[sflag:s7] =	ssyncadd.s32 $0xFFFFE000  }
0xd9: {  	[tilespmem:s8], [sflag:$0x3] =	stream.linear.gather @!p0 [hbm4b:s9+s6], $0x80, $0x38;
	[tilespmem:$0x16240] =	vst v63  }
0xda: {  	s9 =	simm.s32 @!p0 $0x3  }
0xdb: {  	_ =	swait.ge @!p0 [sflag:s9], $0x80  }
0xdc: {  	[sflag:s9] =	ssyncset.done @!p0 $0x0  }
0xdd: {  	s10 =	simm.s32 @!p0 $0x9F40;
	s12 =	rddreg [dreg:$0x8];
	[sflag:s9] =	ssyncadd.s32 @!p0 $0xFFFFFF80  }
0xde: {  	[tilespmem:s10], [sflag:$0x3] =	stream.linear.gather @!p0 [hbm4b:s12+s6], $0x80, $0x38;
	[tilespmem:$0x16240] =	vst v63  }
0xdf: {  	_ =	swait.ge @!p0 [sflag:s9], $0x80  }
0xe0: {  	[sflag:s9] =	ssyncset.done @!p0 $0x0  }
0xe1: {  	s6 =	simm.s32 @!p0 $0x80;
	[sflag:s9] =	ssyncadd.s32 @!p0 $0xFFFFFF80;
	s9 =	simm.s32 @!p0 $0xA240  }
0xe2: {  	[tilespmem:s9], [sflag:$0x1] =	stream.indirect.gather @!p0 [hbm4b:s2+s6], $0x40, s8, s6, $0xb8;
	[tilespmem:$0x16240] =	vst v63  }
0xe3: {  	s8 =	simm.s32 @!p0 $0x1  }
0xe4: {  	_ =	swait.ge @!p0 [sflag:s8], $0x2000  }
0xe5: {  	[sflag:s8] =	ssyncset.done @!p0 $0x0  }
0xe6: {  	[sflag:s8] =	ssyncadd.s32 @!p0 $0xFFFFE000  }
0xe7: {  	[spmem:s3] =	stream.indirect.scatter.add.f32 @!p0 [tilespmem:s9], [sflag:$0x2], $0x40, s10, s6, $0xb8;
	[tilespmem:$0x16240] =	vst v63  }
0xe8: {  	s6 =	simm.s32 @!p0 $0x2  }
0xe9: {  	_ =	swait.ge @!p0 [sflag:s6], $0x2000  }
0xea: {  	[sflag:s6] =	ssyncset.done @!p0 $0x0  }
0xeb: {  	[sflag:s6] =	ssyncadd.s32 @!p0 $0xFFFFE000  }
0xec: {  	[bflag:$0x0] =	sbarrier.arrive $0xFFFF  }
0xed: {  	s12 =	rddreg [dreg:$0x6]  }
0xee: {  	s10 =	rddreg [dreg:$0x9]  }
0xef: {  	s8 =	rddreg [dreg:$0xb]  }
0xf0: {  	[hbm:s10], [sflag:s12] =	dma.local [spmem:s8], $0x13C0  }
0xf1: {  	_ =	swait.ge [sflag:s13], $0x13C0  }
0xf2: {  	s6 =	rddreg [dreg:$0xc]  }
0xf3: {  	s10 =	rddreg [dreg:$0xa];
	s9 =	sadd.s32 $0x1, s6  }
0xf4: {  	p1 =	sne.s32 s9, s10  }
.Ltmp1:
0xf5: {  	_ = 	snop;
	(pc) =	sbr.rel @p1 .LBB2_1-.Ltmp1, $3  }
0xf6: {  	_ =	sdelay $0x1  }
0xf7: {  	[sflag:s13] =	ssyncset.done $0x0  }
0xf8: {  	[sflag:s13] =	ssyncadd.s32 $0xFFFFEC40  }
0xf9: {  	_ =	sfence.sel $0x180000  }
0xfa: {  	[bflag:$0x0] =	sbarrier.arrive $0xFFFF  }
0xfb: {  	_ =	strace $0x90000050  }
0xfc: {  	s0 =	stileid.u32;
	[bflag:$0x2] =	sbarrier.arrive $0xFFFF  }
0xfd: {  	p0 =	sne.s32 s0, $0x0;
	s0 =	rddreg [dreg:$0x3]  }
0xfe: {  	s0 =	sadd.s32 @!p0 $0x100000, s0  }
0xff: {  	[sflag:s0] =	ssyncadd.tile.s32 @!p0 $0x1;
	_ =	shalt  }
.Lfunc_end2:
_tile_overlayer_lowered:
.L_overlay_start_2:
0x100: {  	(tag) =	ssettag $0x2  }
0x101: {  	s0 =	rddreg [dreg:$0x0];
	s2 =	stileid.u32  }
0x102: {  	s1 =	rddreg [dreg:$0x1];
	p0 =	sne.s32 s2, $0x0  }
0x103: {  	s3 =	rddreg [dreg:$0x2];
	[bflag:$0x3] =	sbarrier.arrive $0xFFFF;
	s2 =	simm.s32 @!p0 $0x1C03  }
0x104: {  	[timem:s3], [sflag:s2] =	dma.local @!p0 [hbm:s0], s1  }
0x105: {  	s0 =	simm.s32 @!p0 $0x3  }
0x106: {  	_ =	swait.ge @!p0 [sflag:s0], s1  }
0x107: {  	s1 =	ssub.s32 @!p0 $0x0, s1;
	[sflag:s0] =	ssyncset.done @!p0 $0x0  }
0x108: {  	[sflag:s0] =	ssyncadd.s32 @!p0 s1  }
0x109: {  	[bflag:$0x3] =	sbarrier.arrive $0xFFFF  }
0x10a: {  	_ =	shalt  }

// kernel: kernel.18.cloned.1.call-start
scs
__scs_entry_jumppad:
0x0: {  	(pc) =	sbr.rel $0x88, $3  }
0x1: {  	(tag) =	ssettag $0x0;
	lr =	simm.s32 $0x1  }
0x2: {  	[smem:$0x3F93] =	sst lr;
	_ =	strace $0xD0000000  }
0x3: {  	_ = 	snop  }
0x4: {  	_ = 	snop  }
0x5: {  	_ = 	snop  }
0x6: {  	_ = 	snop  }
0x7: {  	_ = 	snop  }
__scs_overlays_trampoline_lowered:
0x8: {  	[smem:$0x3FA2] =	sst s0  }
0x9: {  	[smem:$0x3FA3] =	sst s1  }
0xa: {  	[smem:$0x3FA4] =	sst s2  }
0xb: {  	[smem:$0x3FA5] =	sst s3  }
0xc: {  	[smem:$0x3FA6] =	sst s4  }
0xd: {  	[smem:$0x3FA7] =	sst s5  }
0xe: {  	[smem:$0x3FA8] =	sst s6  }
0xf: {  	[smem:$0x3FA9] =	sst s7  }
0x10: {  	[smem:$0x3FAA] =	sst s8  }
0x11: {  	[smem:$0x3FAB] =	sst s9;
	s0 =	simm.s32 @!p0 $0x0  }
0x12: {  	s1 =	sld [smem:$0x3F91];
	s0 =	simm.s32 @p0 $0x1  }
0x13: {  	[smem:$0x3FAC] =	sst s0;
	s0 =	simm.s32 @!p1 $0x0  }
0x14: {  	s2 =	sld [smem:$0x3F90];
	s0 =	simm.s32 @p1 $0x1  }
0x15: {  	[smem:$0x3FAD] =	sst s0;
	s0 =	simm.s32 @!p2 $0x0  }
0x16: {  	s3 =	sld [smem:$0x3FDB];
	s0 =	simm.s32 @p2 $0x1  }
0x17: {  	s4 =	simm.s32 $0x1BF5;
	[smem:$0x3FAF] =	sst s0  }
0x18: {  	s0 =	sld [smem:$0x3F92];
	_ =	swait.ge [sflag:s4], $0x0  }
0x19: {  	s7 =	sld [smem:$0x3F93]  }
0x1a: {  	s8 =	sadd.s32 $0xFFFFE003, lr  }
0x1b: {  	s9 =	sadd.s32 $0xFFFFFEF7, lr;
	s5 =	simm.s32 $0xFFFFFFFF;
	p2 =	slt.u32 s8, $0xFFFFF086  }
0x1c: {  	p1 =	slt.u32 s9, $0xF7A;
	s5 =	simm.s32 @!p2 $0x0  }
0x1d: {  	s5 =	simm.s32 @p1 $0x1;
	p0 =	seq.s32 s7, s2  }
0x1e: {  	s7 =	smul.u32 @!p0 $0xF7A, s2;
	p2 =	seq.s32 @!p0 s5, $0x0  }
0x1f: {  	s9 =	smul.u32 $0xF7A, s1;
	s8 =	simm.s32 @!p0 $0x1BF5;
	p2 =	por !p2, p0  }
0x20: {  	[sflag:s8] =	ssyncset.s32 @!p0 $0xFFFFF086;
	s6 =	sadd.s32 @!p0 s3, s7;
	s7 =	simm.s32 @!p0 $0x108  }
0x21: {  	s3 =	sadd.s32 s3, s9;
	s6 =	sadd.s32 @!p0 $0x88, s6;
	s7 =	simm.s32 @p2 $0x1082  }
0x22: {  	[simem:s7], [sflag:s8] =	dma.local @!p0 [hbm:s6], $0xF7A  }
0x23: {  	s9 =	sor.u32 $0xD0000000, s2;
	s6 =	simm.s32 $0x108;
	_ =	swait.ge @!p0 [sflag:s8], $0x0  }
0x24: {  	s3 =	sadd.s32 $0x88, s3;
	s6 =	simm.s32 @!p1 $0x1082;
	[sflag:s4] =	ssyncset.s32 $0xFFFFF086  }
0x25: {  	[simem:s6], [sflag:s4] =	dma.local [hbm:s3], $0xF7A  }
0x26: {  	[smem:$0x3F93] =	sst s1;
	(tag) =	ssettag s2;
	_ =	strace s9  }
0x27: {  	s1 =	sld [smem:$0x3FA3]  }
0x28: {  	s2 =	sld [smem:$0x3FA4]  }
0x29: {  	s4 =	sld [smem:$0x3FA6]  }
0x2a: {  	p0 =	seq.s32 s5, $0x0;
	s5 =	sld [smem:$0x3FA7]  }
0x2b: {  	s6 =	sld [smem:$0x3FA8]  }
0x2c: {  	s7 =	sld [smem:$0x3FA9]  }
0x2d: {  	s3 =	simm.s32 $0x108;
	s8 =	sld [smem:$0x3FAA]  }
0x2e: {  	s3 =	simm.s32 @!p0 $0x1082;
	s9 =	sld [smem:$0x3FAB]  }
0x2f: {  	lr =	sadd.s32 s0, s3;
	s0 =	sld [smem:$0x3FA2]  }
0x30: {  	s3 =	sld [smem:$0x3FA5]  }
0x31: {  	[smem:$0x3FAE] =	sst s10  }
0x32: {  	s10 =	sld [smem:$0x3FAC];
	_ =	sdelay $0x3  }
0x33: {  	p0 =	seq.s32 s10, $0x1;
	s10 =	sld [smem:$0x3FAE];
	_ =	sdelay $0x3  }
0x34: {  	[smem:$0x3FAE] =	sst s10  }
0x35: {  	s10 =	sld [smem:$0x3FAD];
	_ =	sdelay $0x3  }
0x36: {  	p1 =	seq.s32 s10, $0x1;
	s10 =	sld [smem:$0x3FAE];
	_ =	sdelay $0x3  }
0x37: {  	[smem:$0x3FAE] =	sst s10  }
0x38: {  	s10 =	sld [smem:$0x3FAF]  }
0x39: {  	_ = 	snop;
	(pc) =	sbr.ind lr, $3  }
0x3a: {  	_ = 	snop  }
0x3b: {  	_ = 	snop  }
0x3c: {  	p2 =	seq.s32 s10, $0x1;
	s10 =	sld [smem:$0x3FAE]  }
0x3d: {  	_ =	shalt  }
0x3e: {  	_ =	shalt  }
0x3f: {  	_ =	shalt  }
0x40: {  	_ =	shalt  }
0x41: {  	_ =	shalt  }
0x42: {  	_ =	shalt  }
0x43: {  	_ =	shalt  }
0x44: {  	_ =	shalt  }
0x45: {  	_ =	shalt  }
0x46: {  	_ =	shalt  }
0x47: {  	_ =	shalt  }
0x48: {  	_ =	shalt  }
0x49: {  	_ =	shalt  }
0x4a: {  	_ =	shalt  }
0x4b: {  	_ =	shalt  }
0x4c: {  	_ =	shalt  }
0x4d: {  	_ =	shalt  }
0x4e: {  	_ =	shalt  }
0x4f: {  	_ =	shalt  }
0x50: {  	_ =	shalt  }
0x51: {  	_ =	shalt  }
0x52: {  	_ =	shalt  }
0x53: {  	_ =	shalt  }
0x54: {  	_ =	shalt  }
0x55: {  	_ =	shalt  }
0x56: {  	_ =	shalt  }
0x57: {  	_ =	shalt  }
0x58: {  	_ =	shalt  }
0x59: {  	_ =	shalt  }
0x5a: {  	_ =	shalt  }
0x5b: {  	_ =	shalt  }
0x5c: {  	_ =	shalt  }
0x5d: {  	_ =	shalt  }
0x5e: {  	_ =	shalt  }
0x5f: {  	_ =	shalt  }
0x60: {  	_ =	shalt  }
0x61: {  	_ =	shalt  }
0x62: {  	_ =	shalt  }
0x63: {  	_ =	shalt  }
0x64: {  	_ =	shalt  }
0x65: {  	_ =	shalt  }
0x66: {  	_ =	shalt  }
0x67: {  	_ =	shalt  }
0x68: {  	_ =	shalt  }
0x69: {  	_ =	shalt  }
0x6a: {  	_ =	shalt  }
0x6b: {  	_ =	shalt  }
0x6c: {  	_ =	shalt  }
0x6d: {  	_ =	shalt  }
0x6e: {  	_ =	shalt  }
0x6f: {  	_ =	shalt  }
0x70: {  	_ =	shalt  }
0x71: {  	_ =	shalt  }
0x72: {  	_ =	shalt  }
0x73: {  	_ =	shalt  }
0x74: {  	_ =	shalt  }
0x75: {  	_ =	shalt  }
0x76: {  	_ =	shalt  }
0x77: {  	_ =	shalt  }
0x78: {  	_ =	shalt  }
0x79: {  	_ =	shalt  }
0x7a: {  	_ =	shalt  }
0x7b: {  	_ =	shalt  }
0x7c: {  	_ =	shalt  }
0x7d: {  	_ =	shalt  }
0x7e: {  	_ =	shalt  }
0x7f: {  	_ =	shalt  }
0x80: {  	_ =	shalt  }
0x81: {  	_ =	shalt  }
0x82: {  	_ =	shalt  }
0x83: {  	_ =	shalt  }
0x84: {  	_ =	shalt  }
0x85: {  	_ =	shalt  }
0x86: {  	_ =	shalt  }
0x87: {  	_ =	shalt  }
.Lfunc_end0:
.L_simem_size_0:
called_computation.4_lowered:
.L_overlay_start_0:
0x88: {  	s2 =	sld [smem:$0x3FD9]  }
0x89: {  	s3 =	sld [smem:$0x3FFE];
	_ =	sdelay $0x1  }
0x8a: {  	s1 =	srdreg.scid  }
0x8b: {  	s0 =	sand.u32 $0x1, s1  }
0x8c: {  	s17 =	sshll.u32 s0, $0xA;
	s2 =	sadd.s32 s3, s2  }
0x8d: {  	s2 =	sadd.s32 s2, s17  }
0x8e: {  	[smem:$0x3FBA] =	sst s2  }
0x8f: {  	_ = 	snop  }
0x90: {  	s2 =	sld [smem:$0x3FD0];
	(tm) =	ssettm $0x1  }
0x91: {  	s18 =	sld [smem:$0x3FFB];
	_ =	sdelay $0x3  }
0x92: {  	_ =	strace s18  }
0x93: {  	s3 =	sld [smem:$0x3FFC];
	_ =	sdelay $0x3  }
0x94: {  	_ =	strace s3  }
0x95: {  	s3 =	sld [smem:$0x3FFD];
	_ =	sdelay $0x3  }
0x96: {  	_ =	strace s3  }
0x97: {  	_ =	strace $0x8FFFFFFF  }
0x98: {  	s19 =	sld [smem:$0x3FDB];
	_ =	sdelay $0x1  }
0x99: {  	s4 =	simm.s32 $_scs_section_size  }
0x9a: {  	s5 =	simm.s32 $_size__tile_overlayer_lowered;
	s6 =	simm.s32 $_tile_overlayer_lowered  }
0x9b: {  	s22 =	simm.s32 $0x1BFF;
	s21 =	sshll.u32 s6, $0x1;
	s3 =	sadd.s32 s4, s19  }
0x9c: {  	s7 =	simm.s32 $0x0;
	s20 =	sshll.u32 s5, $0x1;
	s5 =	sadd.s32 s21, s3  }
0x9d: {  	[timem:s7], [sflag:s22] =	dma.local [hbm:s5], s20  }
0x9e: {  	_ =	swait.ge [sflag:s22], s20  }
0x9f: {  	s4 =	ssub.s32 $0x0, s20;
	[sflag:s22] =	ssyncset.done $0x0  }
0xa0: {  	[sflag:s22] =	ssyncadd.s32 s4;
	_ =	sdelay $0x1  }
0xa1: {  	s23 =	simm.s32 $0x1B8B  }
0xa2: {  	_ =	swait.ge [sflag:s23], $0x1  }
0xa3: {  	[sflag:s23] =	ssyncset.done $0x0  }
0xa4: {  	s25 =	simm.s32 $0x1B8E;
	s24 =	sld [smem:$0x3FFE];
	[sflag:s23] =	ssyncadd.s32 $0xFFFFFFFF  }
0xa5: {  	s26 =	simm.s32 $execute0_lowered;
	[smem:$0x3FD2] =	sst s25  }
0xa6: {  	s5 =	sshll.u32 s26, $0x1;
	_ =	strace $0x80000052;
	[dreg:$0x1] =	wrdreg $0xFFFFFFFF  }
0xa7: {  	s28 =	simm.s32 $_size_execute0_lowered;
	s3 =	sadd.s32 s3, s5;
	[dreg:$0x0] =	wrdreg $0x0  }
0xa8: {  	s5 =	sshll.u32 s28, $0x1;
	[dreg:$0x2] =	wrdreg s3  }
0xa9: {  	[dreg:$0x3] =	wrdreg s5  }
0xaa: {  	[dreg:$0x4] =	wrdreg $0xC0  }
0xab: {  	_ =	task [dreg:s7], $0x5FFFF  }
0xac: {  	[dreg:$0x1] =	wrdreg $0xFFFFFFFF  }
0xad: {  	[dreg:$0x0] =	wrdreg $0x60  }
0xae: {  	[dreg:$0x2] =	wrdreg s2  }
0xaf: {  	[dreg:$0x3] =	wrdreg s24  }
0xb0: {  	[dreg:$0x4] =	wrdreg $0x0  }
0xb1: {  	[dreg:$0x5] =	wrdreg $0x9  }
0xb2: {  	_ =	task.clear_ibuf [dreg:s7], $0x6FFFF;
	_ =	strace $0x90000052  }
0xb3: {  	s29 =	simm.s32 $0x9;
	_ =	strace $0x80000054  }
0xb4: {  	_ =	swait.ge [sflag:s29], $0x1  }
0xb5: {  	[sflag:s29] =	ssyncadd.s32 $0xFFFFFFFF  }
0xb6: {  	_ =	strace $0x90000054  }
0xb7: {  	_ =	sfence  }
0xb8: {  	s30 =	sld [smem:$0x0];
	_ =	sdelay $0x2  }
0xb9: {  	s31 =	sshll.u32 s1, $0xD;
	s1 =	sshrl.u32 s1, $0x2  }
0xba: {  	s3 =	sand.u32 $0x4000, s31;
	s1 =	sadd.s32 s1, s30  }
0xbb: {  	s0 =	sor.u32 s3, s0;
	s1 =	sshll.u32 s1, $0x11  }
0xbc: {  	s0 =	sor.u32 s1, s0  }
0xbd: {  	s0 =	sadd.s32 $0x8F2B, s0  }
0xbe: {  	[sflag:s0] =	ssyncadd.remote.s32 $0x1  }
0xbf: {  	_ =	sfence.sel $0xFFFF  }
0xc0: {  	[dreg:$0x0] =	wrdreg $0xFFFFFFFF;
	(pc) =	sbr.abs _section_cstart, $3  }
0xc1: {  	[dreg:$0x1] =	wrdreg $0xFFFFFFFF  }
0xc2: {  	_ =	task.clear_ibuf [dreg:s7], $0x2FFFF;
	_ =	strace $0x9FFFFFFF  }
0xc3: {  	(tm) =	ssettm $0x7FFFFFFF  }
tec
execute0_lowered:
.L_overlay_start_1:
0x0: {  	(tag) =	ssettag $0x1  }
0x1: {  	s2 =	rddreg [dreg:$0x0]  }
0x2: {  	s0 =	rddreg [dreg:$0x1]  }
0x3: {  	s3 =	rddreg [dreg:$0x2];
	s26 =	stileid.u32  }
0x4: {  	s4 =	simm.s32 $0x0;
	s5 =	srdreg.scid;
	s13 =	simm.s32 $0x3  }
0x5: {  	s14 =	simm.s32 $0x9C40;
	s15 =	simm.s32 $0x9F40;
	s16 =	simm.s32 $0x80  }
0x6: {  	s17 =	simm.s32 $0xA240;
	s18 =	simm.s32 $0x9CC0;
	s28 =	simm.s32 $0x14240  }
0x7: {  	s29 =	simm.s32 $0x1;
	s30 =	simm.s32 $0x9FC0;
	s31 =	simm.s32 $0xA040  }
0x8: {  	s1 =	smul.u32 $0x9C40, s26;
	[smem:$0x7FF] =	sst s4;
	s5 =	sand.u32 $0x1, s5  }
0x9: {  	s7 =	sadd.s32 $0x31A00, s0;
	s8 =	sadd.s32 $0x27C00, s0;
	s24 =	smul.u32 $0x4E0, s26  }
0xa: {  	s22 =	sshll.u32 s26, $0x6;
	p0 =	sgt.u32 s26, $0x1;
	s6 =	smul.u32 $0x9C400, s5  }
0xb: {  	_ =	strace $0x80000053;
	s10 =	ssub.s32 $0x2, s5;
	s11 =	smul.u32 $0x4E2, s5  }
0xc: {  	s5 =	smul.u32 $0x4E20, s5;
	s1 =	sand.u32 $0xFFE00, s1;
	s12 =	sshrl.u32 s10, $0x1  }
0xd: {  	s9 =	sshrl.u32 s1, $0x3;
	s6 =	sadd.s32 s6, s1;
	s19 =	ssub.s32 s10, s12  }
0xe: {  	s20 =	sadd.s32 s26, s11;
	s1 =	sadd.s32 s1, s3;
	s12 =	sor.u32 $0x1C03, s22  }
0xf: {  	s25 =	sadd.s32 s5, s8;
	s5 =	sadd.s32 s5, s7;
	s22 =	simm.s32 $0x9DC0  }
0x10: {  	s26 =	simm.s32 $0x9EC0;
	s9 =	sadd.s32 s9, s0;
	s6 =	sshrl.u32 s6, $0x3  }
0x11: {  	s21 =	sshll.u32 s20, $0x4;
	s11 =	sadd.s32 s24, s5;
	s20 =	simm.s32 $0x9D40  }
0x12: {  	s5 =	simm.s32 $0xA1C0;
	[dreg:$0x6] =	wrdreg s12;
	s0 =	sadd.s32 s6, s0  }
0x13: {  	s9 =	sadd.s32 $0xA00, s9;
	s6 =	smax.u32 s19, $0x1;
	s19 =	simm.s32 $0xC240  }
0x14: {  	[dreg:$0x5] =	wrdreg s9;
	s9 =	sadd.s32 $0x4E00, s21;
	s0 =	sadd.s32 $0x3B800, s0  }
0x15: {  	[dreg:$0xa] =	wrdreg s6;
	s21 =	simm.s32 $0xE240;
	s23 =	sadd.s32 s7, s9  }
0x16: {  	s9 =	sadd.s32 s8, s9;
	[dreg:$0x9] =	wrdreg s0;
	s0 =	sadd.s32 s24, s25  }
0x17: {  	s8 =	sshrl.u32 s1, $0x3;
	s24 =	simm.s32 $0x9E40;
	[dreg:$0x7] =	wrdreg s23  }
0x18: {  	s25 =	simm.s32 $0x12240;
	s1 =	simm.s32 $0xA140;
	[dreg:$0x8] =	wrdreg s9  }
0x19: {  	s7 =	simm.s32 $0x2;
	[dreg:$0x4] =	wrdreg s0;
	s23 =	simm.s32 $0x10240  }
0x1a: {  	s0 =	simm.s32 $0xA0C0;
	s9 =	simm.s32 $0x0;
	[dreg:$0xb] =	wrdreg s8  }
.LBB2_1:
0x1b: {  	[dreg:$0xc] =	wrdreg s9  }
0x1c: {  	s6 =	rddreg [dreg:$0x5]  }
0x1d: {  	[spmem:s8], [sflag:s12] =	dma.local [hbm:s6], $0x13C0  }
0x1e: {  	_ =	swait.ge [sflag:s13], $0x13C0  }
0x1f: {  	[sflag:s13] =	ssyncset.done $0x0  }
0x20: {  	[sflag:s13] =	ssyncadd.s32 $0xFFFFEC40  }
0x21: {  	s10 =	sadd.s32 $0x0, s11;
	[bflag:$0x0] =	sbarrier.arrive $0xFFFF  }
0x22: {  	[tilespmem:s14], [sflag:$0x3] =	stream.linear.gather [hbm4b:s10+s4], $0x300, $0x38;
	[tilespmem:$0x16240] =	vst v63  }
0x23: {  	_ =	swait.ge [sflag:s13], $0x300  }
0x24: {  	s12 =	rddreg [dreg:$0x4];
	[sflag:s13] =	ssyncset.done $0x0  }
0x25: {  	[sflag:s13] =	ssyncadd.s32 $0xFFFFFD00;
	s6 =	sadd.s32 $0x0, s12  }
0x26: {  	[tilespmem:s15], [sflag:$0x3] =	stream.linear.gather [hbm4b:s6+s4], $0x300, $0x38;
	[tilespmem:$0x16240] =	vst v63  }
0x27: {  	_ =	swait.ge [sflag:s13], $0x300  }
0x28: {  	[sflag:s13] =	ssyncset.done $0x0  }
0x29: {  	[sflag:s13] =	ssyncadd.s32 $0xFFFFFD00  }
0x2a: {  	[tilespmem:s17], [sflag:$0x1] =	stream.indirect.gather [hbm4b:s2+s16], $0x40, s14, s16, $0xb8;
	[tilespmem:$0x16240] =	vst v63  }
0x2b: {  	_ = 	snop  }
0x2c: {  	[tilespmem:s19], [sflag:$0x1] =	stream.indirect.gather [hbm4b:s2+s16], $0x40, s18, s16, $0xb8;
	[tilespmem:$0x16240] =	vst v63  }
0x2d: {  	_ = 	snop  }
0x2e: {  	[tilespmem:s21], [sflag:$0x1] =	stream.indirect.gather [hbm4b:s2+s16], $0x40, s20, s16, $0xb8;
	[tilespmem:$0x16240] =	vst v63  }
0x2f: {  	_ = 	snop  }
0x30: {  	[tilespmem:s23], [sflag:$0x1] =	stream.indirect.gather [hbm4b:s2+s16], $0x40, s22, s16, $0xb8;
	[tilespmem:$0x16240] =	vst v63  }
0x31: {  	_ = 	snop  }
0x32: {  	[tilespmem:s25], [sflag:$0x1] =	stream.indirect.gather [hbm4b:s2+s16], $0x40, s24, s16, $0xb8;
	[tilespmem:$0x16240] =	vst v63  }
0x33: {  	_ = 	snop  }
0x34: {  	[tilespmem:s28], [sflag:$0x1] =	stream.indirect.gather [hbm4b:s2+s16], $0x40, s26, s16, $0xb8;
	[tilespmem:$0x16240] =	vst v63  }
0x35: {  	_ =	swait.ge [sflag:s29], $0x2000  }
0x36: {  	[sflag:s29] =	ssyncset.done $0x0  }
0x37: {  	[sflag:s29] =	ssyncadd.s32 $0xFFFFE000  }
0x38: {  	[spmem:s3] =	stream.indirect.scatter.add.f32 [tilespmem:s17], [sflag:$0x2], $0x40, s15, s16, $0xb8;
	[tilespmem:$0x16240] =	vst v63  }
0x39: {  	_ =	swait.ge [sflag:s29], $0x2000  }
0x3a: {  	[sflag:s29] =	ssyncset.done $0x0  }
0x3b: {  	[sflag:s29] =	ssyncadd.s32 $0xFFFFE000  }
0x3c: {  	[spmem:s3] =	stream.indirect.scatter.add.f32 [tilespmem:s19], [sflag:$0x2], $0x40, s30, s16, $0xb8;
	[tilespmem:$0x16240] =	vst v63  }
0x3d: {  	_ =	swait.ge [sflag:s29], $0x2000  }
0x3e: {  	[sflag:s29] =	ssyncset.done $0x0  }
0x3f: {  	[sflag:s29] =	ssyncadd.s32 $0xFFFFE000  }
0x40: {  	[spmem:s3] =	stream.indirect.scatter.add.f32 [tilespmem:s21], [sflag:$0x2], $0x40, s31, s16, $0xb8;
	[tilespmem:$0x16240] =	vst v63  }
0x41: {  	_ =	swait.ge [sflag:s29], $0x2000  }
0x42: {  	[sflag:s29] =	ssyncset.done $0x0  }
0x43: {  	[sflag:s29] =	ssyncadd.s32 $0xFFFFE000  }
0x44: {  	[spmem:s3] =	stream.indirect.scatter.add.f32 [tilespmem:s23], [sflag:$0x2], $0x40, s0, s16, $0xb8;
	[tilespmem:$0x16240] =	vst v63  }
0x45: {  	_ =	swait.ge [sflag:s29], $0x2000  }
0x46: {  	[sflag:s29] =	ssyncset.done $0x0  }
0x47: {  	[sflag:s29] =	ssyncadd.s32 $0xFFFFE000  }
0x48: {  	[spmem:s3] =	stream.indirect.scatter.add.f32 [tilespmem:s25], [sflag:$0x2], $0x40, s1, s16, $0xb8;
	[tilespmem:$0x16240] =	vst v63  }
0x49: {  	_ =	swait.ge [sflag:s29], $0x2000  }
0x4a: {  	[sflag:s29] =	ssyncset.done $0x0  }
0x4b: {  	[sflag:s29] =	ssyncadd.s32 $0xFFFFE000  }
0x4c: {  	[spmem:s3] =	stream.indirect.scatter.add.f32 [tilespmem:s28], [sflag:$0x2], $0x40, s5, s16, $0xb8;
	[tilespmem:$0x16240] =	vst v63  }
0x4d: {  	_ =	swait.ge [sflag:s7], $0x2000  }
0x4e: {  	[sflag:s7] =	ssyncset.done $0x0  }
0x4f: {  	[sflag:s7] =	ssyncadd.s32 $0xFFFFE000  }
0x50: {  	_ =	swait.ge [sflag:s7], $0x2000  }
0x51: {  	[sflag:s7] =	ssyncset.done $0x0  }
0x52: {  	[sflag:s7] =	ssyncadd.s32 $0xFFFFE000  }
0x53: {  	_ =	swait.ge [sflag:s7], $0x2000  }
0x54: {  	[sflag:s7] =	ssyncset.done $0x0  }
0x55: {  	[sflag:s7] =	ssyncadd.s32 $0xFFFFE000  }
0x56: {  	_ =	swait.ge [sflag:s7], $0x2000  }
0x57: {  	[sflag:s7] =	ssyncset.done $0x0  }
0x58: {  	[sflag:s7] =	ssyncadd.s32 $0xFFFFE000  }
0x59: {  	_ =	swait.ge [sflag:s7], $0x2000  }
0x5a: {  	[sflag:s7] =	ssyncset.done $0x0  }
0x5b: {  	[sflag:s7] =	ssyncadd.s32 $0xFFFFE000  }
0x5c: {  	_ =	swait.ge [sflag:s7], $0x2000  }
0x5d: {  	s9 =	simm.s32 $0x60;
	s10 =	simm.s32 $0xC0;
	[sflag:s7] =	ssyncset.done $0x0  }
.LBB2_2:
0x5e: {  	s12 =	sadd.s32 s9, s11;
	[sflag:s7] =	ssyncadd.s32 $0xFFFFE000  }
0x5f: {  	[tilespmem:s14], [sflag:$0x3] =	stream.linear.gather [hbm4b:s12+s4], $0x300, $0x38;
	[tilespmem:$0x16240] =	vst v63  }
0x60: {  	s8 =	smov.u32 s10;
	_ =	swait.ge [sflag:s13], $0x300  }
0x61: {  	s6 =	sadd.s32 $0x60, s10;
	s12 =	rddreg [dreg:$0x4];
	[sflag:s13] =	ssyncset.done $0x0  }
0x62: {  	p1 =	sne.s32 s10, $0x480;
	[sflag:s13] =	ssyncadd.s32 $0xFFFFFD00;
	s10 =	sadd.s32 s9, s12  }
0x63: {  	[tilespmem:s15], [sflag:$0x3] =	stream.linear.gather [hbm4b:s10+s4], $0x300, $0x38;
	[tilespmem:$0x16240] =	vst v63  }
0x64: {  	_ =	swait.ge [sflag:s13], $0x300  }
0x65: {  	[sflag:s13] =	ssyncset.done $0x0  }
0x66: {  	[sflag:s13] =	ssyncadd.s32 $0xFFFFFD00  }
0x67: {  	[tilespmem:s17], [sflag:$0x1] =	stream.indirect.gather [hbm4b:s2+s16], $0x40, s14, s16, $0xb8;
	[tilespmem:$0x16240] =	vst v63  }
0x68: {  	_ = 	snop  }
0x69: {  	[tilespmem:s19], [sflag:$0x1] =	stream.indirect.gather [hbm4b:s2+s16], $0x40, s18, s16, $0xb8;
	[tilespmem:$0x16240] =	vst v63  }
0x6a: {  	_ = 	snop  }
0x6b: {  	[tilespmem:s21], [sflag:$0x1] =	stream.indirect.gather [hbm4b:s2+s16], $0x40, s20, s16, $0xb8;
	[tilespmem:$0x16240] =	vst v63  }
0x6c: {  	_ = 	snop  }
0x6d: {  	[tilespmem:s23], [sflag:$0x1] =	stream.indirect.gather [hbm4b:s2+s16], $0x40, s22, s16, $0xb8;
	[tilespmem:$0x16240] =	vst v63  }
0x6e: {  	_ = 	snop  }
0x6f: {  	[tilespmem:s25], [sflag:$0x1] =	stream.indirect.gather [hbm4b:s2+s16], $0x40, s24, s16, $0xb8;
	[tilespmem:$0x16240] =	vst v63  }
0x70: {  	_ = 	snop  }
0x71: {  	[tilespmem:s28], [sflag:$0x1] =	stream.indirect.gather [hbm4b:s2+s16], $0x40, s26, s16, $0xb8;
	[tilespmem:$0x16240] =	vst v63  }
0x72: {  	_ =	swait.ge [sflag:s29], $0x2000  }
0x73: {  	[sflag:s29] =	ssyncset.done $0x0  }
0x74: {  	[sflag:s29] =	ssyncadd.s32 $0xFFFFE000  }
0x75: {  	[spmem:s3] =	stream.indirect.scatter.add.f32 [tilespmem:s17], [sflag:$0x2], $0x40, s15, s16, $0xb8;
	[tilespmem:$0x16240] =	vst v63  }
0x76: {  	_ =	swait.ge [sflag:s29], $0x2000  }
0x77: {  	[sflag:s29] =	ssyncset.done $0x0  }
0x78: {  	[sflag:s29] =	ssyncadd.s32 $0xFFFFE000  }
0x79: {  	[spmem:s3] =	stream.indirect.scatter.add.f32 [tilespmem:s19], [sflag:$0x2], $0x40, s30, s16, $0xb8;
	[tilespmem:$0x16240] =	vst v63  }
0x7a: {  	_ =	swait.ge [sflag:s29], $0x2000  }
0x7b: {  	[sflag:s29] =	ssyncset.done $0x0  }
0x7c: {  	[sflag:s29] =	ssyncadd.s32 $0xFFFFE000  }
0x7d: {  	[spmem:s3] =	stream.indirect.scatter.add.f32 [tilespmem:s21], [sflag:$0x2], $0x40, s31, s16, $0xb8;
	[tilespmem:$0x16240] =	vst v63  }
0x7e: {  	_ =	swait.ge [sflag:s29], $0x2000  }
0x7f: {  	[sflag:s29] =	ssyncset.done $0x0  }
0x80: {  	[sflag:s29] =	ssyncadd.s32 $0xFFFFE000  }
0x81: {  	[spmem:s3] =	stream.indirect.scatter.add.f32 [tilespmem:s23], [sflag:$0x2], $0x40, s0, s16, $0xb8;
	[tilespmem:$0x16240] =	vst v63  }
0x82: {  	_ =	swait.ge [sflag:s29], $0x2000  }
0x83: {  	[sflag:s29] =	ssyncset.done $0x0  }
0x84: {  	[sflag:s29] =	ssyncadd.s32 $0xFFFFE000  }
0x85: {  	[spmem:s3] =	stream.indirect.scatter.add.f32 [tilespmem:s25], [sflag:$0x2], $0x40, s1, s16, $0xb8;
	[tilespmem:$0x16240] =	vst v63  }
0x86: {  	_ =	swait.ge [sflag:s29], $0x2000  }
0x87: {  	[sflag:s29] =	ssyncset.done $0x0  }
0x88: {  	[sflag:s29] =	ssyncadd.s32 $0xFFFFE000  }
0x89: {  	[spmem:s3] =	stream.indirect.scatter.add.f32 [tilespmem:s28], [sflag:$0x2], $0x40, s5, s16, $0xb8;
	[tilespmem:$0x16240] =	vst v63  }
0x8a: {  	_ =	swait.ge [sflag:s7], $0x2000  }
0x8b: {  	[sflag:s7] =	ssyncset.done $0x0  }
0x8c: {  	[sflag:s7] =	ssyncadd.s32 $0xFFFFE000  }
0x8d: {  	_ =	swait.ge [sflag:s7], $0x2000  }
0x8e: {  	[sflag:s7] =	ssyncset.done $0x0  }
0x8f: {  	[sflag:s7] =	ssyncadd.s32 $0xFFFFE000  }
0x90: {  	_ =	swait.ge [sflag:s7], $0x2000  }
0x91: {  	[sflag:s7] =	ssyncset.done $0x0  }
0x92: {  	[sflag:s7] =	ssyncadd.s32 $0xFFFFE000  }
0x93: {  	_ =	swait.ge [sflag:s7], $0x2000  }
0x94: {  	[sflag:s7] =	ssyncset.done $0x0  }
0x95: {  	[sflag:s7] =	ssyncadd.s32 $0xFFFFE000  }
.Ltmp0:
0x96: {  	_ =	swait.ge [sflag:s7], $0x2000;
	(pc) =	sbr.rel @p1 .LBB2_2-.Ltmp0, $4  }
0x97: {  	[sflag:s7] =	ssyncset.done $0x0  }
0x98: {  	[sflag:s7] =	ssyncadd.s32 $0xFFFFE000  }
0x99: {  	_ =	swait.ge [sflag:s7], $0x2000  }
0x9a: {  	s9 =	smov.u32 s8;
	s10 =	smov.u32 s6;
	[sflag:s7] =	ssyncset.done $0x0  }
0x9b: {  	s6 =	sadd.s32 s9, s11;
	[sflag:s7] =	ssyncadd.s32 $0xFFFFE000  }
0x9c: {  	[tilespmem:s14], [sflag:$0x3] =	stream.linear.gather [hbm4b:s6+s4], $0x300, $0x38;
	[tilespmem:$0x16240] =	vst v63  }
0x9d: {  	_ =	swait.ge [sflag:s13], $0x300  }
0x9e: {  	s8 =	rddreg [dreg:$0x4];
	[sflag:s13] =	ssyncset.done $0x0  }
0x9f: {  	[sflag:s13] =	ssyncadd.s32 $0xFFFFFD00;
	s6 =	sadd.s32 s9, s8  }
0xa0: {  	[tilespmem:s15], [sflag:$0x3] =	stream.linear.gather [hbm4b:s6+s4], $0x300, $0x38;
	[tilespmem:$0x16240] =	vst v63  }
0xa1: {  	_ =	swait.ge [sflag:s13], $0x300  }
0xa2: {  	[sflag:s13] =	ssyncset.done $0x0  }
0xa3: {  	[sflag:s13] =	ssyncadd.s32 $0xFFFFFD00  }
0xa4: {  	[tilespmem:s17], [sflag:$0x1] =	stream.indirect.gather [hbm4b:s2+s16], $0x40, s14, s16, $0xb8;
	[tilespmem:$0x16240] =	vst v63  }
0xa5: {  	_ = 	snop  }
0xa6: {  	[tilespmem:s19], [sflag:$0x1] =	stream.indirect.gather [hbm4b:s2+s16], $0x40, s18, s16, $0xb8;
	[tilespmem:$0x16240] =	vst v63  }
0xa7: {  	_ = 	snop  }
0xa8: {  	[tilespmem:s21], [sflag:$0x1] =	stream.indirect.gather [hbm4b:s2+s16], $0x40, s20, s16, $0xb8;
	[tilespmem:$0x16240] =	vst v63  }
0xa9: {  	_ = 	snop  }
0xaa: {  	[tilespmem:s23], [sflag:$0x1] =	stream.indirect.gather [hbm4b:s2+s16], $0x40, s22, s16, $0xb8;
	[tilespmem:$0x16240] =	vst v63  }
0xab: {  	_ = 	snop  }
0xac: {  	[tilespmem:s25], [sflag:$0x1] =	stream.indirect.gather [hbm4b:s2+s16], $0x40, s24, s16, $0xb8;
	[tilespmem:$0x16240] =	vst v63  }
0xad: {  	_ = 	snop  }
0xae: {  	[tilespmem:s28], [sflag:$0x1] =	stream.indirect.gather [hbm4b:s2+s16], $0x40, s26, s16, $0xb8;
	[tilespmem:$0x16240] =	vst v63  }
0xaf: {  	_ =	swait.ge [sflag:s29], $0x2000  }
0xb0: {  	[sflag:s29] =	ssyncset.done $0x0  }
0xb1: {  	[sflag:s29] =	ssyncadd.s32 $0xFFFFE000  }
0xb2: {  	[spmem:s3] =	stream.indirect.scatter.add.f32 [tilespmem:s17], [sflag:$0x2], $0x40, s15, s16, $0xb8;
	[tilespmem:$0x16240] =	vst v63  }
0xb3: {  	_ =	swait.ge [sflag:s29], $0x2000  }
0xb4: {  	[sflag:s29] =	ssyncset.done $0x0  }
0xb5: {  	[sflag:s29] =	ssyncadd.s32 $0xFFFFE000  }
0xb6: {  	[spmem:s3] =	stream.indirect.scatter.add.f32 [tilespmem:s19], [sflag:$0x2], $0x40, s30, s16, $0xb8;
	[tilespmem:$0x16240] =	vst v63  }
0xb7: {  	_ =	swait.ge [sflag:s29], $0x2000  }
0xb8: {  	[sflag:s29] =	ssyncset.done $0x0  }
0xb9: {  	[sflag:s29] =	ssyncadd.s32 $0xFFFFE000  }
0xba: {  	[spmem:s3] =	stream.indirect.scatter.add.f32 [tilespmem:s21], [sflag:$0x2], $0x40, s31, s16, $0xb8;
	[tilespmem:$0x16240] =	vst v63  }
0xbb: {  	_ =	swait.ge [sflag:s29], $0x2000  }
0xbc: {  	[sflag:s29] =	ssyncset.done $0x0  }
0xbd: {  	[sflag:s29] =	ssyncadd.s32 $0xFFFFE000  }
0xbe: {  	[spmem:s3] =	stream.indirect.scatter.add.f32 [tilespmem:s23], [sflag:$0x2], $0x40, s0, s16, $0xb8;
	[tilespmem:$0x16240] =	vst v63  }
0xbf: {  	_ =	swait.ge [sflag:s29], $0x2000  }
0xc0: {  	[sflag:s29] =	ssyncset.done $0x0  }
0xc1: {  	[sflag:s29] =	ssyncadd.s32 $0xFFFFE000  }
0xc2: {  	[spmem:s3] =	stream.indirect.scatter.add.f32 [tilespmem:s25], [sflag:$0x2], $0x40, s1, s16, $0xb8;
	[tilespmem:$0x16240] =	vst v63  }
0xc3: {  	_ =	swait.ge [sflag:s29], $0x2000  }
0xc4: {  	[sflag:s29] =	ssyncset.done $0x0  }
0xc5: {  	[sflag:s29] =	ssyncadd.s32 $0xFFFFE000  }
0xc6: {  	[spmem:s3] =	stream.indirect.scatter.add.f32 [tilespmem:s28], [sflag:$0x2], $0x40, s5, s16, $0xb8;
	[tilespmem:$0x16240] =	vst v63  }
0xc7: {  	_ =	swait.ge [sflag:s7], $0x2000  }
0xc8: {  	[sflag:s7] =	ssyncset.done $0x0  }
0xc9: {  	[sflag:s7] =	ssyncadd.s32 $0xFFFFE000  }
0xca: {  	_ =	swait.ge [sflag:s7], $0x2000  }
0xcb: {  	[sflag:s7] =	ssyncset.done $0x0  }
0xcc: {  	[sflag:s7] =	ssyncadd.s32 $0xFFFFE000  }
0xcd: {  	_ =	swait.ge [sflag:s7], $0x2000  }
0xce: {  	[sflag:s7] =	ssyncset.done $0x0  }
0xcf: {  	[sflag:s7] =	ssyncadd.s32 $0xFFFFE000  }
0xd0: {  	_ =	swait.ge [sflag:s7], $0x2000  }
0xd1: {  	[sflag:s7] =	ssyncset.done $0x0  }
0xd2: {  	[sflag:s7] =	ssyncadd.s32 $0xFFFFE000  }
0xd3: {  	_ =	swait.ge [sflag:s7], $0x2000  }
0xd4: {  	[sflag:s7] =	ssyncset.done $0x0  }
0xd5: {  	[sflag:s7] =	ssyncadd.s32 $0xFFFFE000  }
0xd6: {  	_ =	swait.ge [sflag:s7], $0x2000  }
0xd7: {  	s8 =	simm.s32 @!p0 $0x9C40;
	[sflag:s7] =	ssyncset.done $0x0  }
0xd8: {  	s6 =	simm.s32 @!p0 $0x0;
	s9 =	rddreg [dreg:$0x7];
	[sflag:s7] =	ssyncadd.s32 $0xFFFFE000  }
0xd9: {  	[tilespmem:s8], [sflag:$0x3] =	stream.linear.gather @!p0 [hbm4b:s9+s6], $0x80, $0x38;
	[tilespmem:$0x16240] =	vst v63  }
0xda: {  	s9 =	simm.s32 @!p0 $0x3  }
0xdb: {  	_ =	swait.ge @!p0 [sflag:s9], $0x80  }
0xdc: {  	[sflag:s9] =	ssyncset.done @!p0 $0x0  }
0xdd: {  	s10 =	simm.s32 @!p0 $0x9F40;
	s12 =	rddreg [dreg:$0x8];
	[sflag:s9] =	ssyncadd.s32 @!p0 $0xFFFFFF80  }
0xde: {  	[tilespmem:s10], [sflag:$0x3] =	stream.linear.gather @!p0 [hbm4b:s12+s6], $0x80, $0x38;
	[tilespmem:$0x16240] =	vst v63  }
0xdf: {  	_ =	swait.ge @!p0 [sflag:s9], $0x80  }
0xe0: {  	[sflag:s9] =	ssyncset.done @!p0 $0x0  }
0xe1: {  	s6 =	simm.s32 @!p0 $0x80;
	[sflag:s9] =	ssyncadd.s32 @!p0 $0xFFFFFF80;
	s9 =	simm.s32 @!p0 $0xA240  }
0xe2: {  	[tilespmem:s9], [sflag:$0x1] =	stream.indirect.gather @!p0 [hbm4b:s2+s6], $0x40, s8, s6, $0xb8;
	[tilespmem:$0x16240] =	vst v63  }
0xe3: {  	s8 =	simm.s32 @!p0 $0x1  }
0xe4: {  	_ =	swait.ge @!p0 [sflag:s8], $0x2000  }
0xe5: {  	[sflag:s8] =	ssyncset.done @!p0 $0x0  }
0xe6: {  	[sflag:s8] =	ssyncadd.s32 @!p0 $0xFFFFE000  }
0xe7: {  	[spmem:s3] =	stream.indirect.scatter.add.f32 @!p0 [tilespmem:s9], [sflag:$0x2], $0x40, s10, s6, $0xb8;
	[tilespmem:$0x16240] =	vst v63  }
0xe8: {  	s6 =	simm.s32 @!p0 $0x2  }
0xe9: {  	_ =	swait.ge @!p0 [sflag:s6], $0x2000  }
0xea: {  	[sflag:s6] =	ssyncset.done @!p0 $0x0  }
0xeb: {  	[sflag:s6] =	ssyncadd.s32 @!p0 $0xFFFFE000  }
0xec: {  	[bflag:$0x0] =	sbarrier.arrive $0xFFFF  }
0xed: {  	s12 =	rddreg [dreg:$0x6]  }
0xee: {  	s10 =	rddreg [dreg:$0x9]  }
0xef: {  	s8 =	rddreg [dreg:$0xb]  }
0xf0: {  	[hbm:s10], [sflag:s12] =	dma.local [spmem:s8], $0x13C0  }
0xf1: {  	_ =	swait.ge [sflag:s13], $0x13C0  }
0xf2: {  	s6 =	rddreg [dreg:$0xc]  }
0xf3: {  	s10 =	rddreg [dreg:$0xa];
	s9 =	sadd.s32 $0x1, s6  }
0xf4: {  	p1 =	sne.s32 s9, s10  }
.Ltmp1:
0xf5: {  	_ = 	snop;
	(pc) =	sbr.rel @p1 .LBB2_1-.Ltmp1, $3  }
0xf6: {  	_ =	sdelay $0x1  }
0xf7: {  	[sflag:s13] =	ssyncset.done $0x0  }
0xf8: {  	[sflag:s13] =	ssyncadd.s32 $0xFFFFEC40  }
0xf9: {  	_ =	sfence.sel $0x180000  }
0xfa: {  	[bflag:$0x0] =	sbarrier.arrive $0xFFFF  }
0xfb: {  	_ =	strace $0x90000053  }
0xfc: {  	s0 =	stileid.u32;
	[bflag:$0x2] =	sbarrier.arrive $0xFFFF  }
0xfd: {  	p0 =	sne.s32 s0, $0x0;
	s0 =	rddreg [dreg:$0x3]  }
0xfe: {  	s0 =	sadd.s32 @!p0 $0x100000, s0  }
0xff: {  	[sflag:s0] =	ssyncadd.tile.s32 @!p0 $0x1;
	_ =	shalt  }
.Lfunc_end2:
_tile_overlayer_lowered:
.L_overlay_start_2:
0x100: {  	(tag) =	ssettag $0x2  }
0x101: {  	s0 =	rddreg [dreg:$0x0];
	s2 =	stileid.u32  }
0x102: {  	s1 =	rddreg [dreg:$0x1];
	p0 =	sne.s32 s2, $0x0  }
0x103: {  	s3 =	rddreg [dreg:$0x2];
	[bflag:$0x3] =	sbarrier.arrive $0xFFFF;
	s2 =	simm.s32 @!p0 $0x1C03  }
0x104: {  	[timem:s3], [sflag:s2] =	dma.local @!p0 [hbm:s0], s1  }
0x105: {  	s0 =	simm.s32 @!p0 $0x3  }
0x106: {  	_ =	swait.ge @!p0 [sflag:s0], s1  }
0x107: {  	s1 =	ssub.s32 @!p0 $0x0, s1;
	[sflag:s0] =	ssyncset.done @!p0 $0x0  }
0x108: {  	[sflag:s0] =	ssyncadd.s32 @!p0 s1  }
0x109: {  	[bflag:$0x3] =	sbarrier.arrive $0xFFFF  }
0x10a: {  	_ =	shalt  }

// kernel: kernel.9.cloned.1.call-start
scs
__scs_entry_jumppad:
0x0: {  	(pc) =	sbr.rel $0x88, $3  }
0x1: {  	(tag) =	ssettag $0x0;
	lr =	simm.s32 $0x1  }
0x2: {  	[smem:$0x3F93] =	sst lr;
	_ =	strace $0xD0000000  }
0x3: {  	_ = 	snop  }
0x4: {  	_ = 	snop  }
0x5: {  	_ = 	snop  }
0x6: {  	_ = 	snop  }
0x7: {  	_ = 	snop  }
__scs_overlays_trampoline_lowered:
0x8: {  	[smem:$0x3FA2] =	sst s0  }
0x9: {  	[smem:$0x3FA3] =	sst s1  }
0xa: {  	[smem:$0x3FA4] =	sst s2  }
0xb: {  	[smem:$0x3FA5] =	sst s3  }
0xc: {  	[smem:$0x3FA6] =	sst s4  }
0xd: {  	[smem:$0x3FA7] =	sst s5  }
0xe: {  	[smem:$0x3FA8] =	sst s6  }
0xf: {  	[smem:$0x3FA9] =	sst s7  }
0x10: {  	[smem:$0x3FAA] =	sst s8  }
0x11: {  	[smem:$0x3FAB] =	sst s9;
	s0 =	simm.s32 @!p0 $0x0  }
0x12: {  	s1 =	sld [smem:$0x3F91];
	s0 =	simm.s32 @p0 $0x1  }
0x13: {  	[smem:$0x3FAC] =	sst s0;
	s0 =	simm.s32 @!p1 $0x0  }
0x14: {  	s2 =	sld [smem:$0x3F90];
	s0 =	simm.s32 @p1 $0x1  }
0x15: {  	[smem:$0x3FAD] =	sst s0;
	s0 =	simm.s32 @!p2 $0x0  }
0x16: {  	s3 =	sld [smem:$0x3FDB];
	s0 =	simm.s32 @p2 $0x1  }
0x17: {  	s4 =	simm.s32 $0x1BF5;
	[smem:$0x3FAF] =	sst s0  }
0x18: {  	s0 =	sld [smem:$0x3F92];
	_ =	swait.ge [sflag:s4], $0x0  }
0x19: {  	s7 =	sld [smem:$0x3F93]  }
0x1a: {  	s8 =	sadd.s32 $0xFFFFE003, lr  }
0x1b: {  	s9 =	sadd.s32 $0xFFFFFEF7, lr;
	s5 =	simm.s32 $0xFFFFFFFF;
	p2 =	slt.u32 s8, $0xFFFFF086  }
0x1c: {  	p1 =	slt.u32 s9, $0xF7A;
	s5 =	simm.s32 @!p2 $0x0  }
0x1d: {  	s5 =	simm.s32 @p1 $0x1;
	p0 =	seq.s32 s7, s2  }
0x1e: {  	s7 =	smul.u32 @!p0 $0xF7A, s2;
	p2 =	seq.s32 @!p0 s5, $0x0  }
0x1f: {  	s9 =	smul.u32 $0xF7A, s1;
	s8 =	simm.s32 @!p0 $0x1BF5;
	p2 =	por !p2, p0  }
0x20: {  	[sflag:s8] =	ssyncset.s32 @!p0 $0xFFFFF086;
	s6 =	sadd.s32 @!p0 s3, s7;
	s7 =	simm.s32 @!p0 $0x108  }
0x21: {  	s3 =	sadd.s32 s3, s9;
	s6 =	sadd.s32 @!p0 $0x88, s6;
	s7 =	simm.s32 @p2 $0x1082  }
0x22: {  	[simem:s7], [sflag:s8] =	dma.local @!p0 [hbm:s6], $0xF7A  }
0x23: {  	s9 =	sor.u32 $0xD0000000, s2;
	s6 =	simm.s32 $0x108;
	_ =	swait.ge @!p0 [sflag:s8], $0x0  }
0x24: {  	s3 =	sadd.s32 $0x88, s3;
	s6 =	simm.s32 @!p1 $0x1082;
	[sflag:s4] =	ssyncset.s32 $0xFFFFF086  }
0x25: {  	[simem:s6], [sflag:s4] =	dma.local [hbm:s3], $0xF7A  }
0x26: {  	[smem:$0x3F93] =	sst s1;
	(tag) =	ssettag s2;
	_ =	strace s9  }
0x27: {  	s1 =	sld [smem:$0x3FA3]  }
0x28: {  	s2 =	sld [smem:$0x3FA4]  }
0x29: {  	s4 =	sld [smem:$0x3FA6]  }
0x2a: {  	p0 =	seq.s32 s5, $0x0;
	s5 =	sld [smem:$0x3FA7]  }
0x2b: {  	s6 =	sld [smem:$0x3FA8]  }
0x2c: {  	s7 =	sld [smem:$0x3FA9]  }
0x2d: {  	s3 =	simm.s32 $0x108;
	s8 =	sld [smem:$0x3FAA]  }
0x2e: {  	s3 =	simm.s32 @!p0 $0x1082;
	s9 =	sld [smem:$0x3FAB]  }
0x2f: {  	lr =	sadd.s32 s0, s3;
	s0 =	sld [smem:$0x3FA2]  }
0x30: {  	s3 =	sld [smem:$0x3FA5]  }
0x31: {  	[smem:$0x3FAE] =	sst s10  }
0x32: {  	s10 =	sld [smem:$0x3FAC];
	_ =	sdelay $0x3  }
0x33: {  	p0 =	seq.s32 s10, $0x1;
	s10 =	sld [smem:$0x3FAE];
	_ =	sdelay $0x3  }
0x34: {  	[smem:$0x3FAE] =	sst s10  }
0x35: {  	s10 =	sld [smem:$0x3FAD];
	_ =	sdelay $0x3  }
0x36: {  	p1 =	seq.s32 s10, $0x1;
	s10 =	sld [smem:$0x3FAE];
	_ =	sdelay $0x3  }
0x37: {  	[smem:$0x3FAE] =	sst s10  }
0x38: {  	s10 =	sld [smem:$0x3FAF]  }
0x39: {  	_ = 	snop;
	(pc) =	sbr.ind lr, $3  }
0x3a: {  	_ = 	snop  }
0x3b: {  	_ = 	snop  }
0x3c: {  	p2 =	seq.s32 s10, $0x1;
	s10 =	sld [smem:$0x3FAE]  }
0x3d: {  	_ =	shalt  }
0x3e: {  	_ =	shalt  }
0x3f: {  	_ =	shalt  }
0x40: {  	_ =	shalt  }
0x41: {  	_ =	shalt  }
0x42: {  	_ =	shalt  }
0x43: {  	_ =	shalt  }
0x44: {  	_ =	shalt  }
0x45: {  	_ =	shalt  }
0x46: {  	_ =	shalt  }
0x47: {  	_ =	shalt  }
0x48: {  	_ =	shalt  }
0x49: {  	_ =	shalt  }
0x4a: {  	_ =	shalt  }
0x4b: {  	_ =	shalt  }
0x4c: {  	_ =	shalt  }
0x4d: {  	_ =	shalt  }
0x4e: {  	_ =	shalt  }
0x4f: {  	_ =	shalt  }
0x50: {  	_ =	shalt  }
0x51: {  	_ =	shalt  }
0x52: {  	_ =	shalt  }
0x53: {  	_ =	shalt  }
0x54: {  	_ =	shalt  }
0x55: {  	_ =	shalt  }
0x56: {  	_ =	shalt  }
0x57: {  	_ =	shalt  }
0x58: {  	_ =	shalt  }
0x59: {  	_ =	shalt  }
0x5a: {  	_ =	shalt  }
0x5b: {  	_ =	shalt  }
0x5c: {  	_ =	shalt  }
0x5d: {  	_ =	shalt  }
0x5e: {  	_ =	shalt  }
0x5f: {  	_ =	shalt  }
0x60: {  	_ =	shalt  }
0x61: {  	_ =	shalt  }
0x62: {  	_ =	shalt  }
0x63: {  	_ =	shalt  }
0x64: {  	_ =	shalt  }
0x65: {  	_ =	shalt  }
0x66: {  	_ =	shalt  }
0x67: {  	_ =	shalt  }
0x68: {  	_ =	shalt  }
0x69: {  	_ =	shalt  }
0x6a: {  	_ =	shalt  }
0x6b: {  	_ =	shalt  }
0x6c: {  	_ =	shalt  }
0x6d: {  	_ =	shalt  }
0x6e: {  	_ =	shalt  }
0x6f: {  	_ =	shalt  }
0x70: {  	_ =	shalt  }
0x71: {  	_ =	shalt  }
0x72: {  	_ =	shalt  }
0x73: {  	_ =	shalt  }
0x74: {  	_ =	shalt  }
0x75: {  	_ =	shalt  }
0x76: {  	_ =	shalt  }
0x77: {  	_ =	shalt  }
0x78: {  	_ =	shalt  }
0x79: {  	_ =	shalt  }
0x7a: {  	_ =	shalt  }
0x7b: {  	_ =	shalt  }
0x7c: {  	_ =	shalt  }
0x7d: {  	_ =	shalt  }
0x7e: {  	_ =	shalt  }
0x7f: {  	_ =	shalt  }
0x80: {  	_ =	shalt  }
0x81: {  	_ =	shalt  }
0x82: {  	_ =	shalt  }
0x83: {  	_ =	shalt  }
0x84: {  	_ =	shalt  }
0x85: {  	_ =	shalt  }
0x86: {  	_ =	shalt  }
0x87: {  	_ =	shalt  }
.Lfunc_end0:
.L_simem_size_0:
called_computation.1_lowered:
.L_overlay_start_0:
0x88: {  	s2 =	sld [smem:$0x3FD9]  }
0x89: {  	s3 =	sld [smem:$0x3FFE];
	_ =	sdelay $0x1  }
0x8a: {  	s1 =	srdreg.scid  }
0x8b: {  	s0 =	sand.u32 $0x1, s1  }
0x8c: {  	s16 =	sshll.u32 s0, $0xA;
	s2 =	sadd.s32 s3, s2  }
0x8d: {  	s2 =	sadd.s32 s2, s16  }
0x8e: {  	[smem:$0x3FBA] =	sst s2  }
0x8f: {  	_ = 	snop  }
0x90: {  	(tm) =	ssettm $0x1  }
0x91: {  	s17 =	sld [smem:$0x3FFB];
	_ =	sdelay $0x3  }
0x92: {  	_ =	strace s17  }
0x93: {  	s2 =	sld [smem:$0x3FFC];
	_ =	sdelay $0x3  }
0x94: {  	_ =	strace s2  }
0x95: {  	s2 =	sld [smem:$0x3FFD];
	_ =	sdelay $0x3  }
0x96: {  	_ =	strace s2  }
0x97: {  	_ =	strace $0x8FFFFFFF  }
0x98: {  	s18 =	sld [smem:$0x3FDB];
	_ =	sdelay $0x1  }
0x99: {  	s19 =	simm.s32 $_scs_section_size  }
0x9a: {  	s4 =	simm.s32 $_size__tile_overlayer_lowered;
	s5 =	simm.s32 $_tile_overlayer_lowered  }
0x9b: {  	s22 =	simm.s32 $0x1BFF;
	s21 =	sshll.u32 s5, $0x1;
	s2 =	sadd.s32 s19, s18  }
0x9c: {  	s6 =	simm.s32 $0x0;
	s20 =	sshll.u32 s4, $0x1;
	s4 =	sadd.s32 s21, s2  }
0x9d: {  	[timem:s6], [sflag:s22] =	dma.local [hbm:s4], s20  }
0x9e: {  	_ =	swait.ge [sflag:s22], s20  }
0x9f: {  	s3 =	ssub.s32 $0x0, s20;
	[sflag:s22] =	ssyncset.done $0x0  }
0xa0: {  	[sflag:s22] =	ssyncadd.s32 s3;
	_ =	sdelay $0x1  }
0xa1: {  	s23 =	simm.s32 $0x1B8B  }
0xa2: {  	_ =	swait.ge [sflag:s23], $0x1  }
0xa3: {  	[sflag:s23] =	ssyncset.done $0x0  }
0xa4: {  	s25 =	simm.s32 $0x1B8E;
	s24 =	sld [smem:$0x3FFE];
	[sflag:s23] =	ssyncadd.s32 $0xFFFFFFFF  }
0xa5: {  	s26 =	simm.s32 $execute0_lowered;
	[smem:$0x3FD2] =	sst s25  }
0xa6: {  	s4 =	sshll.u32 s26, $0x1;
	_ =	strace $0x80000046;
	[dreg:$0x1] =	wrdreg $0xFFFFFFFF  }
0xa7: {  	s28 =	simm.s32 $_size_execute0_lowered;
	s2 =	sadd.s32 s2, s4;
	[dreg:$0x0] =	wrdreg $0x0  }
0xa8: {  	s4 =	sshll.u32 s28, $0x1;
	[dreg:$0x2] =	wrdreg s2  }
0xa9: {  	[dreg:$0x3] =	wrdreg s4  }
0xaa: {  	[dreg:$0x4] =	wrdreg $0xC0  }
0xab: {  	_ =	task [dreg:s6], $0x5FFFF  }
0xac: {  	[dreg:$0x1] =	wrdreg $0xFFFFFFFF  }
0xad: {  	[dreg:$0x0] =	wrdreg $0x60  }
0xae: {  	[dreg:$0x2] =	wrdreg s24  }
0xaf: {  	[dreg:$0x3] =	wrdreg $0x9  }
0xb0: {  	_ =	task.clear_ibuf [dreg:s6], $0x4FFFF;
	_ =	strace $0x90000046  }
0xb1: {  	s29 =	simm.s32 $0x9;
	_ =	strace $0x80000048  }
0xb2: {  	_ =	swait.ge [sflag:s29], $0x1  }
0xb3: {  	[sflag:s29] =	ssyncadd.s32 $0xFFFFFFFF  }
0xb4: {  	_ =	strace $0x90000048  }
0xb5: {  	_ =	sfence  }
0xb6: {  	s30 =	sld [smem:$0x0];
	_ =	sdelay $0x2  }
0xb7: {  	s31 =	sshll.u32 s1, $0xD;
	s1 =	sshrl.u32 s1, $0x2  }
0xb8: {  	s3 =	sand.u32 $0x4000, s31;
	s1 =	sadd.s32 s1, s30  }
0xb9: {  	s0 =	sor.u32 s3, s0;
	s1 =	sshll.u32 s1, $0x11  }
0xba: {  	s0 =	sor.u32 s1, s0  }
0xbb: {  	s0 =	sadd.s32 $0x8F2B, s0  }
0xbc: {  	[sflag:s0] =	ssyncadd.remote.s32 $0x1  }
0xbd: {  	_ =	sfence.sel $0xFFFF  }
0xbe: {  	[dreg:$0x0] =	wrdreg $0xFFFFFFFF;
	(pc) =	sbr.abs _section_cstart, $3  }
0xbf: {  	[dreg:$0x1] =	wrdreg $0xFFFFFFFF  }
0xc0: {  	_ =	task.clear_ibuf [dreg:s6], $0x2FFFF;
	_ =	strace $0x9FFFFFFF  }
0xc1: {  	(tm) =	ssettm $0x7FFFFFFF  }
tec
execute0_lowered:
.L_overlay_start_1:
0x0: {  	(tag) =	ssettag $0x1  }
0x1: {  	s2 =	rddreg [dreg:$0x0]  }
0x2: {  	s0 =	rddreg [dreg:$0x1];
	s1 =	simm.s32 $0x0  }
0x3: {  	s3 =	srdreg.scid;
	s13 =	simm.s32 $0x100;
	s14 =	simm.s32 $0x8300  }
0x4: {  	s15 =	simm.s32 $0x180;
	s16 =	simm.s32 $0xC300;
	s17 =	simm.s32 $0x200  }
0x5: {  	s18 =	simm.s32 $0x10300;
	s19 =	simm.s32 $0x280;
	s4 =	sand.u32 $0x1, s3  }
0x6: {  	s3 =	sadd.s32 $0xA00, s2;
	s6 =	sadd.s32 $0x31A00, s2;
	s5 =	smul.u32 $0x4E2, s4  }
0x7: {  	s7 =	sadd.s32 $0x3B800, s2;
	s2 =	stileid.u32;
	s9 =	smul.u32 $0x271000, s4  }
0x8: {  	s20 =	simm.s32 $0x14300;
	s21 =	simm.s32 $0x1;
	s11 =	smul.u32 $0x27000, s2  }
0x9: {  	s22 =	simm.s32 $0x0;
	[smem:$0x7FF] =	sst s1;
	s12 =	smul.u32 $0x4E20, s4  }
0xa: {  	_ =	strace $0x80000047;
	s8 =	ssub.s32 $0x2, s4;
	s30 =	smul.u32 $0x4E0, s2  }
0xb: {  	p0 =	sgt.u32 s2, $0x1;
	s10 =	sshrl.u32 s8, $0x1;
	s5 =	sadd.s32 s2, s5  }
0xc: {  	s8 =	ssub.s32 s8, s10;
	s31 =	sadd.s32 s12, s6;
	s5 =	sadd.s32 $0x4E0, s5  }
0xd: {  	s10 =	simm.s32 $0x80;
	s29 =	sshll.u32 s5, $0x4;
	s5 =	sshll.u32 s5, $0xB  }
0xe: {  	s12 =	simm.s32 $0x4300;
	s4 =	sadd.s32 s6, s29;
	s5 =	sadd.s32 s7, s5  }
0xf: {  	s7 =	sadd.s32 s9, s7;
	s6 =	smax.u32 s8, $0x1;
	s8 =	sadd.s32 s30, s31  }
0x10: {  	s9 =	simm.s32 $0x2;
	s7 =	sadd.s32 s11, s7;
	s11 =	simm.s32 $0x300  }
.LBB2_1:
0x11: {  	s23 =	sadd.s32 $0x0, s8  }
0x12: {  	[tilespmem:s1], [sflag:$0x2] =	stream.linear.gather [hbm4b:s23+s1], $0x300, $0x38;
	[tilespmem:$0x18300] =	vst v63  }
0x13: {  	_ =	swait.ge [sflag:s9], $0x300  }
0x14: {  	[sflag:s9] =	ssyncset.done $0x0  }
0x15: {  	[sflag:s9] =	ssyncadd.s32 $0xFFFFFD00  }
0x16: {  	[tilespmem:s11], [sflag:$0x1] =	stream.indirect.gather [hbm4b:s3+s10], $0x80, s1, s10, $0xb8;
	[tilespmem:$0x18300] =	vst v63  }
0x17: {  	_ = 	snop  }
0x18: {  	[tilespmem:s12], [sflag:$0x1] =	stream.indirect.gather [hbm4b:s3+s10], $0x80, s10, s10, $0xb8;
	[tilespmem:$0x18300] =	vst v63  }
0x19: {  	_ = 	snop  }
0x1a: {  	[tilespmem:s14], [sflag:$0x1] =	stream.indirect.gather [hbm4b:s3+s10], $0x80, s13, s10, $0xb8;
	[tilespmem:$0x18300] =	vst v63  }
0x1b: {  	_ = 	snop  }
0x1c: {  	[tilespmem:s16], [sflag:$0x1] =	stream.indirect.gather [hbm4b:s3+s10], $0x80, s15, s10, $0xb8;
	[tilespmem:$0x18300] =	vst v63  }
0x1d: {  	_ = 	snop  }
0x1e: {  	[tilespmem:s18], [sflag:$0x1] =	stream.indirect.gather [hbm4b:s3+s10], $0x80, s17, s10, $0xb8;
	[tilespmem:$0x18300] =	vst v63  }
0x1f: {  	_ = 	snop  }
0x20: {  	[tilespmem:s20], [sflag:$0x1] =	stream.indirect.gather [hbm4b:s3+s10], $0x80, s19, s10, $0xb8;
	[tilespmem:$0x18300] =	vst v63  }
0x21: {  	_ =	swait.ge [sflag:s21], $0x4000  }
0x22: {  	[sflag:s21] =	ssyncset.done $0x0  }
0x23: {  	[sflag:s21] =	ssyncadd.s32 $0xFFFFC000  }
0x24: {  	_ =	swait.ge [sflag:s21], $0x4000  }
0x25: {  	[sflag:s21] =	ssyncset.done $0x0  }
0x26: {  	[sflag:s21] =	ssyncadd.s32 $0xFFFFC000  }
0x27: {  	_ =	swait.ge [sflag:s21], $0x4000  }
0x28: {  	[sflag:s21] =	ssyncset.done $0x0  }
0x29: {  	[sflag:s21] =	ssyncadd.s32 $0xFFFFC000  }
0x2a: {  	_ =	swait.ge [sflag:s21], $0x4000  }
0x2b: {  	[sflag:s21] =	ssyncset.done $0x0  }
0x2c: {  	[sflag:s21] =	ssyncadd.s32 $0xFFFFC000  }
0x2d: {  	_ =	swait.ge [sflag:s21], $0x4000  }
0x2e: {  	[sflag:s21] =	ssyncset.done $0x0  }
0x2f: {  	[sflag:s21] =	ssyncadd.s32 $0xFFFFC000  }
0x30: {  	_ =	swait.ge [sflag:s21], $0x4000  }
0x31: {  	[sflag:s21] =	ssyncset.done $0x0  }
0x32: {  	[sflag:s21] =	ssyncadd.s32 $0xFFFFC000  }
0x33: {  	[hbm4b:s7+s1] =	stream.linear.scatter [tilespmem:s11], [sflag:$0x2], $0x18000, $0x38;
	[tilespmem:$0x18300] =	vst v63  }
0x34: {  	s24 =	simm.s32 $0x60;
	_ =	swait.ge [sflag:s9], $0x18000  }
0x35: {  	s26 =	simm.s32 $0xC0;
	s23 =	sadd.s32 $0x3000, s7;
	[sflag:s9] =	ssyncset.done $0x0  }
.LBB2_2:
0x36: {  	s28 =	sadd.s32 s24, s8  }
0x37: {  	[sflag:s9] =	ssyncadd.s32 $0xFFFE8000;
	s24 =	smov.u32 s26;
	s25 =	sadd.s32 $0x60, s26  }
0x38: {  	[tilespmem:s1], [sflag:$0x2] =	stream.linear.gather [hbm4b:s28+s1], $0x300, $0x38;
	[tilespmem:$0x18300] =	vst v63  }
0x39: {  	p1 =	sne.s32 s26, $0x480;
	_ =	swait.ge [sflag:s9], $0x300  }
0x3a: {  	[sflag:s9] =	ssyncset.done $0x0  }
0x3b: {  	[sflag:s9] =	ssyncadd.s32 $0xFFFFFD00  }
0x3c: {  	[tilespmem:s11], [sflag:$0x1] =	stream.indirect.gather [hbm4b:s3+s10], $0x80, s1, s10, $0xb8;
	[tilespmem:$0x18300] =	vst v63  }
0x3d: {  	_ = 	snop  }
0x3e: {  	[tilespmem:s12], [sflag:$0x1] =	stream.indirect.gather [hbm4b:s3+s10], $0x80, s10, s10, $0xb8;
	[tilespmem:$0x18300] =	vst v63  }
0x3f: {  	_ = 	snop  }
0x40: {  	[tilespmem:s14], [sflag:$0x1] =	stream.indirect.gather [hbm4b:s3+s10], $0x80, s13, s10, $0xb8;
	[tilespmem:$0x18300] =	vst v63  }
0x41: {  	_ = 	snop  }
0x42: {  	[tilespmem:s16], [sflag:$0x1] =	stream.indirect.gather [hbm4b:s3+s10], $0x80, s15, s10, $0xb8;
	[tilespmem:$0x18300] =	vst v63  }
0x43: {  	_ = 	snop  }
0x44: {  	[tilespmem:s18], [sflag:$0x1] =	stream.indirect.gather [hbm4b:s3+s10], $0x80, s17, s10, $0xb8;
	[tilespmem:$0x18300] =	vst v63  }
0x45: {  	_ = 	snop  }
0x46: {  	[tilespmem:s20], [sflag:$0x1] =	stream.indirect.gather [hbm4b:s3+s10], $0x80, s19, s10, $0xb8;
	[tilespmem:$0x18300] =	vst v63  }
0x47: {  	_ =	swait.ge [sflag:s21], $0x4000  }
0x48: {  	[sflag:s21] =	ssyncset.done $0x0  }
0x49: {  	[sflag:s21] =	ssyncadd.s32 $0xFFFFC000  }
0x4a: {  	_ =	swait.ge [sflag:s21], $0x4000  }
0x4b: {  	[sflag:s21] =	ssyncset.done $0x0  }
0x4c: {  	[sflag:s21] =	ssyncadd.s32 $0xFFFFC000  }
0x4d: {  	_ =	swait.ge [sflag:s21], $0x4000  }
0x4e: {  	[sflag:s21] =	ssyncset.done $0x0  }
0x4f: {  	[sflag:s21] =	ssyncadd.s32 $0xFFFFC000  }
0x50: {  	_ =	swait.ge [sflag:s21], $0x4000  }
0x51: {  	[sflag:s21] =	ssyncset.done $0x0  }
0x52: {  	[sflag:s21] =	ssyncadd.s32 $0xFFFFC000  }
0x53: {  	_ =	swait.ge [sflag:s21], $0x4000  }
0x54: {  	[sflag:s21] =	ssyncset.done $0x0  }
0x55: {  	[sflag:s21] =	ssyncadd.s32 $0xFFFFC000  }
0x56: {  	_ =	swait.ge [sflag:s21], $0x4000  }
.Ltmp0:
0x57: {  	[sflag:s21] =	ssyncset.done $0x0;
	(pc) =	sbr.rel @p1 .LBB2_2-.Ltmp0, $4  }
0x58: {  	[sflag:s21] =	ssyncadd.s32 $0xFFFFC000  }
0x59: {  	[hbm4b:s23+s1] =	stream.linear.scatter [tilespmem:s11], [sflag:$0x2], $0x18000, $0x38;
	[tilespmem:$0x18300] =	vst v63  }
0x5a: {  	_ =	swait.ge [sflag:s9], $0x18000  }
0x5b: {  	s26 =	smov.u32 s25;
	s23 =	sadd.s32 $0x3000, s23;
	[sflag:s9] =	ssyncset.done $0x0  }
0x5c: {  	s24 =	sadd.s32 s24, s8;
	[sflag:s9] =	ssyncadd.s32 $0xFFFE8000  }
0x5d: {  	[tilespmem:s1], [sflag:$0x2] =	stream.linear.gather [hbm4b:s24+s1], $0x300, $0x38;
	[tilespmem:$0x18300] =	vst v63  }
0x5e: {  	_ =	swait.ge [sflag:s9], $0x300  }
0x5f: {  	[sflag:s9] =	ssyncset.done $0x0  }
0x60: {  	[sflag:s9] =	ssyncadd.s32 $0xFFFFFD00  }
0x61: {  	[tilespmem:s11], [sflag:$0x1] =	stream.indirect.gather [hbm4b:s3+s10], $0x80, s1, s10, $0xb8;
	[tilespmem:$0x18300] =	vst v63  }
0x62: {  	_ = 	snop  }
0x63: {  	[tilespmem:s12], [sflag:$0x1] =	stream.indirect.gather [hbm4b:s3+s10], $0x80, s10, s10, $0xb8;
	[tilespmem:$0x18300] =	vst v63  }
0x64: {  	_ = 	snop  }
0x65: {  	[tilespmem:s14], [sflag:$0x1] =	stream.indirect.gather [hbm4b:s3+s10], $0x80, s13, s10, $0xb8;
	[tilespmem:$0x18300] =	vst v63  }
0x66: {  	_ = 	snop  }
0x67: {  	[tilespmem:s16], [sflag:$0x1] =	stream.indirect.gather [hbm4b:s3+s10], $0x80, s15, s10, $0xb8;
	[tilespmem:$0x18300] =	vst v63  }
0x68: {  	_ = 	snop  }
0x69: {  	[tilespmem:s18], [sflag:$0x1] =	stream.indirect.gather [hbm4b:s3+s10], $0x80, s17, s10, $0xb8;
	[tilespmem:$0x18300] =	vst v63  }
0x6a: {  	_ = 	snop  }
0x6b: {  	[tilespmem:s20], [sflag:$0x1] =	stream.indirect.gather [hbm4b:s3+s10], $0x80, s19, s10, $0xb8;
	[tilespmem:$0x18300] =	vst v63  }
0x6c: {  	_ =	swait.ge [sflag:s21], $0x4000  }
0x6d: {  	[sflag:s21] =	ssyncset.done $0x0  }
0x6e: {  	[sflag:s21] =	ssyncadd.s32 $0xFFFFC000  }
0x6f: {  	_ =	swait.ge [sflag:s21], $0x4000  }
0x70: {  	[sflag:s21] =	ssyncset.done $0x0  }
0x71: {  	[sflag:s21] =	ssyncadd.s32 $0xFFFFC000  }
0x72: {  	_ =	swait.ge [sflag:s21], $0x4000  }
0x73: {  	[sflag:s21] =	ssyncset.done $0x0  }
0x74: {  	[sflag:s21] =	ssyncadd.s32 $0xFFFFC000  }
0x75: {  	_ =	swait.ge [sflag:s21], $0x4000  }
0x76: {  	[sflag:s21] =	ssyncset.done $0x0  }
0x77: {  	[sflag:s21] =	ssyncadd.s32 $0xFFFFC000  }
0x78: {  	_ =	swait.ge [sflag:s21], $0x4000  }
0x79: {  	[sflag:s21] =	ssyncset.done $0x0  }
0x7a: {  	[sflag:s21] =	ssyncadd.s32 $0xFFFFC000  }
0x7b: {  	_ =	swait.ge [sflag:s21], $0x4000  }
0x7c: {  	[sflag:s21] =	ssyncset.done $0x0  }
0x7d: {  	[sflag:s21] =	ssyncadd.s32 $0xFFFFC000  }
0x7e: {  	[hbm4b:s23+s1] =	stream.linear.scatter [tilespmem:s11], [sflag:$0x2], $0x18000, $0x38;
	[tilespmem:$0x18300] =	vst v63  }
0x7f: {  	_ =	swait.ge [sflag:s9], $0x18000  }
0x80: {  	[sflag:s9] =	ssyncset.done $0x0  }
0x81: {  	s24 =	simm.s32 @!p0 $0x2;
	s23 =	simm.s32 @!p0 $0x0;
	[sflag:s9] =	ssyncadd.s32 $0xFFFE8000  }
0x82: {  	[tilespmem:s23], [sflag:$0x2] =	stream.linear.gather @!p0 [hbm4b:s4+s23], $0x80, $0x38;
	[tilespmem:$0x18300] =	vst v63  }
0x83: {  	_ =	swait.ge @!p0 [sflag:s24], $0x80  }
0x84: {  	[sflag:s24] =	ssyncset.done @!p0 $0x0  }
0x85: {  	s25 =	simm.s32 @!p0 $0x80;
	s26 =	simm.s32 @!p0 $0x300;
	[sflag:s24] =	ssyncadd.s32 @!p0 $0xFFFFFF80  }
0x86: {  	[tilespmem:s26], [sflag:$0x1] =	stream.indirect.gather @!p0 [hbm4b:s3+s25], $0x80, s23, s25, $0xb8;
	[tilespmem:$0x18300] =	vst v63  }
0x87: {  	s25 =	simm.s32 @!p0 $0x1  }
0x88: {  	s22 =	sadd.s32 $0x1, s22;
	_ =	swait.ge @!p0 [sflag:s25], $0x4000  }
0x89: {  	p1 =	sne.s32 s22, s6;
	[sflag:s25] =	ssyncset.done @!p0 $0x0  }
.Ltmp1:
0x8a: {  	[sflag:s25] =	ssyncadd.s32 @!p0 $0xFFFFC000;
	(pc) =	sbr.rel @p1 .LBB2_1-.Ltmp1, $4  }
0x8b: {  	[hbm4b:s5+s23] =	stream.linear.scatter @!p0 [tilespmem:s26], [sflag:$0x2], $0x4000, $0x38;
	[tilespmem:$0x18300] =	vst v63  }
0x8c: {  	_ =	swait.ge @!p0 [sflag:s24], $0x4000  }
0x8d: {  	[sflag:s24] =	ssyncset.done @!p0 $0x0  }
0x8e: {  	[sflag:s24] =	ssyncadd.s32 @!p0 $0xFFFFC000  }
0x8f: {  	_ =	sfence.sel $0x180000  }
0x90: {  	[bflag:$0x0] =	sbarrier.arrive $0xFFFF  }
0x91: {  	p0 =	sne.s32 s2, $0x0;
	_ =	strace $0x90000047  }
0x92: {  	s0 =	sadd.s32 @!p0 $0x100000, s0;
	[bflag:$0x2] =	sbarrier.arrive $0xFFFF  }
0x93: {  	[sflag:s0] =	ssyncadd.tile.s32 @!p0 $0x1;
	_ =	shalt  }
.Lfunc_end2:
_tile_overlayer_lowered:
.L_overlay_start_2:
0x94: {  	(tag) =	ssettag $0x2  }
0x95: {  	s0 =	rddreg [dreg:$0x0];
	s2 =	stileid.u32  }
0x96: {  	s1 =	rddreg [dreg:$0x1];
	p0 =	sne.s32 s2, $0x0  }
0x97: {  	s3 =	rddreg [dreg:$0x2];
	[bflag:$0x3] =	sbarrier.arrive $0xFFFF;
	s2 =	simm.s32 @!p0 $0x1C02  }
0x98: {  	[timem:s3], [sflag:s2] =	dma.local @!p0 [hbm:s0], s1  }
0x99: {  	s0 =	simm.s32 @!p0 $0x2  }
0x9a: {  	_ =	swait.ge @!p0 [sflag:s0], s1  }
0x9b: {  	s1 =	ssub.s32 @!p0 $0x0, s1;
	[sflag:s0] =	ssyncset.done @!p0 $0x0  }
0x9c: {  	[sflag:s0] =	ssyncadd.s32 @!p0 s1  }
0x9d: {  	[bflag:$0x3] =	sbarrier.arrive $0xFFFF  }
0x9e: {  	_ =	shalt  }

// kernel: scatter_offload_async_start
scs
__scs_entry_jumppad:
0x0: {  	(pc) =	sbr.rel $0x88, $3  }
0x1: {  	(tag) =	ssettag $0x0;
	lr =	simm.s32 $0x1  }
0x2: {  	[smem:$0x3F93] =	sst lr;
	_ =	strace $0xD0000000  }
0x3: {  	_ = 	snop  }
0x4: {  	_ = 	snop  }
0x5: {  	_ = 	snop  }
0x6: {  	_ = 	snop  }
0x7: {  	_ = 	snop  }
__scs_overlays_trampoline_lowered:
0x8: {  	[smem:$0x3FA2] =	sst s0  }
0x9: {  	[smem:$0x3FA3] =	sst s1  }
0xa: {  	[smem:$0x3FA4] =	sst s2  }
0xb: {  	[smem:$0x3FA5] =	sst s3  }
0xc: {  	[smem:$0x3FA6] =	sst s4  }
0xd: {  	[smem:$0x3FA7] =	sst s5  }
0xe: {  	[smem:$0x3FA8] =	sst s6  }
0xf: {  	[smem:$0x3FA9] =	sst s7  }
0x10: {  	[smem:$0x3FAA] =	sst s8  }
0x11: {  	[smem:$0x3FAB] =	sst s9;
	s0 =	simm.s32 @!p0 $0x0  }
0x12: {  	s1 =	sld [smem:$0x3F91];
	s0 =	simm.s32 @p0 $0x1  }
0x13: {  	[smem:$0x3FAC] =	sst s0;
	s0 =	simm.s32 @!p1 $0x0  }
0x14: {  	s2 =	sld [smem:$0x3F90];
	s0 =	simm.s32 @p1 $0x1  }
0x15: {  	[smem:$0x3FAD] =	sst s0;
	s0 =	simm.s32 @!p2 $0x0  }
0x16: {  	s3 =	sld [smem:$0x3FDB];
	s0 =	simm.s32 @p2 $0x1  }
0x17: {  	s4 =	simm.s32 $0x1BF5;
	[smem:$0x3FAF] =	sst s0  }
0x18: {  	s0 =	sld [smem:$0x3F92];
	_ =	swait.ge [sflag:s4], $0x0  }
0x19: {  	s7 =	sld [smem:$0x3F93]  }
0x1a: {  	s8 =	sadd.s32 $0xFFFFE003, lr  }
0x1b: {  	s9 =	sadd.s32 $0xFFFFFEF7, lr;
	s5 =	simm.s32 $0xFFFFFFFF;
	p2 =	slt.u32 s8, $0xFFFFF086  }
0x1c: {  	p1 =	slt.u32 s9, $0xF7A;
	s5 =	simm.s32 @!p2 $0x0  }
0x1d: {  	s5 =	simm.s32 @p1 $0x1;
	p0 =	seq.s32 s7, s2  }
0x1e: {  	s7 =	smul.u32 @!p0 $0xF7A, s2;
	p2 =	seq.s32 @!p0 s5, $0x0  }
0x1f: {  	s9 =	smul.u32 $0xF7A, s1;
	s8 =	simm.s32 @!p0 $0x1BF5;
	p2 =	por !p2, p0  }
0x20: {  	[sflag:s8] =	ssyncset.s32 @!p0 $0xFFFFF086;
	s6 =	sadd.s32 @!p0 s3, s7;
	s7 =	simm.s32 @!p0 $0x108  }
0x21: {  	s3 =	sadd.s32 s3, s9;
	s6 =	sadd.s32 @!p0 $0x88, s6;
	s7 =	simm.s32 @p2 $0x1082  }
0x22: {  	[simem:s7], [sflag:s8] =	dma.local @!p0 [hbm:s6], $0xF7A  }
0x23: {  	s9 =	sor.u32 $0xD0000000, s2;
	s6 =	simm.s32 $0x108;
	_ =	swait.ge @!p0 [sflag:s8], $0x0  }
0x24: {  	s3 =	sadd.s32 $0x88, s3;
	s6 =	simm.s32 @!p1 $0x1082;
	[sflag:s4] =	ssyncset.s32 $0xFFFFF086  }
0x25: {  	[simem:s6], [sflag:s4] =	dma.local [hbm:s3], $0xF7A  }
0x26: {  	[smem:$0x3F93] =	sst s1;
	(tag) =	ssettag s2;
	_ =	strace s9  }
0x27: {  	s1 =	sld [smem:$0x3FA3]  }
0x28: {  	s2 =	sld [smem:$0x3FA4]  }
0x29: {  	s4 =	sld [smem:$0x3FA6]  }
0x2a: {  	p0 =	seq.s32 s5, $0x0;
	s5 =	sld [smem:$0x3FA7]  }
0x2b: {  	s6 =	sld [smem:$0x3FA8]  }
0x2c: {  	s7 =	sld [smem:$0x3FA9]  }
0x2d: {  	s3 =	simm.s32 $0x108;
	s8 =	sld [smem:$0x3FAA]  }
0x2e: {  	s3 =	simm.s32 @!p0 $0x1082;
	s9 =	sld [smem:$0x3FAB]  }
0x2f: {  	lr =	sadd.s32 s0, s3;
	s0 =	sld [smem:$0x3FA2]  }
0x30: {  	s3 =	sld [smem:$0x3FA5]  }
0x31: {  	[smem:$0x3FAE] =	sst s10  }
0x32: {  	s10 =	sld [smem:$0x3FAC];
	_ =	sdelay $0x3  }
0x33: {  	p0 =	seq.s32 s10, $0x1;
	s10 =	sld [smem:$0x3FAE];
	_ =	sdelay $0x3  }
0x34: {  	[smem:$0x3FAE] =	sst s10  }
0x35: {  	s10 =	sld [smem:$0x3FAD];
	_ =	sdelay $0x3  }
0x36: {  	p1 =	seq.s32 s10, $0x1;
	s10 =	sld [smem:$0x3FAE];
	_ =	sdelay $0x3  }
0x37: {  	[smem:$0x3FAE] =	sst s10  }
0x38: {  	s10 =	sld [smem:$0x3FAF]  }
0x39: {  	_ = 	snop;
	(pc) =	sbr.ind lr, $3  }
0x3a: {  	_ = 	snop  }
0x3b: {  	_ = 	snop  }
0x3c: {  	p2 =	seq.s32 s10, $0x1;
	s10 =	sld [smem:$0x3FAE]  }
0x3d: {  	_ =	shalt  }
0x3e: {  	_ =	shalt  }
0x3f: {  	_ =	shalt  }
0x40: {  	_ =	shalt  }
0x41: {  	_ =	shalt  }
0x42: {  	_ =	shalt  }
0x43: {  	_ =	shalt  }
0x44: {  	_ =	shalt  }
0x45: {  	_ =	shalt  }
0x46: {  	_ =	shalt  }
0x47: {  	_ =	shalt  }
0x48: {  	_ =	shalt  }
0x49: {  	_ =	shalt  }
0x4a: {  	_ =	shalt  }
0x4b: {  	_ =	shalt  }
0x4c: {  	_ =	shalt  }
0x4d: {  	_ =	shalt  }
0x4e: {  	_ =	shalt  }
0x4f: {  	_ =	shalt  }
0x50: {  	_ =	shalt  }
0x51: {  	_ =	shalt  }
0x52: {  	_ =	shalt  }
0x53: {  	_ =	shalt  }
0x54: {  	_ =	shalt  }
0x55: {  	_ =	shalt  }
0x56: {  	_ =	shalt  }
0x57: {  	_ =	shalt  }
0x58: {  	_ =	shalt  }
0x59: {  	_ =	shalt  }
0x5a: {  	_ =	shalt  }
0x5b: {  	_ =	shalt  }
0x5c: {  	_ =	shalt  }
0x5d: {  	_ =	shalt  }
0x5e: {  	_ =	shalt  }
0x5f: {  	_ =	shalt  }
0x60: {  	_ =	shalt  }
0x61: {  	_ =	shalt  }
0x62: {  	_ =	shalt  }
0x63: {  	_ =	shalt  }
0x64: {  	_ =	shalt  }
0x65: {  	_ =	shalt  }
0x66: {  	_ =	shalt  }
0x67: {  	_ =	shalt  }
0x68: {  	_ =	shalt  }
0x69: {  	_ =	shalt  }
0x6a: {  	_ =	shalt  }
0x6b: {  	_ =	shalt  }
0x6c: {  	_ =	shalt  }
0x6d: {  	_ =	shalt  }
0x6e: {  	_ =	shalt  }
0x6f: {  	_ =	shalt  }
0x70: {  	_ =	shalt  }
0x71: {  	_ =	shalt  }
0x72: {  	_ =	shalt  }
0x73: {  	_ =	shalt  }
0x74: {  	_ =	shalt  }
0x75: {  	_ =	shalt  }
0x76: {  	_ =	shalt  }
0x77: {  	_ =	shalt  }
0x78: {  	_ =	shalt  }
0x79: {  	_ =	shalt  }
0x7a: {  	_ =	shalt  }
0x7b: {  	_ =	shalt  }
0x7c: {  	_ =	shalt  }
0x7d: {  	_ =	shalt  }
0x7e: {  	_ =	shalt  }
0x7f: {  	_ =	shalt  }
0x80: {  	_ =	shalt  }
0x81: {  	_ =	shalt  }
0x82: {  	_ =	shalt  }
0x83: {  	_ =	shalt  }
0x84: {  	_ =	shalt  }
0x85: {  	_ =	shalt  }
0x86: {  	_ =	shalt  }
0x87: {  	_ =	shalt  }
.Lfunc_end0:
.L_simem_size_0:
called_computation_lowered:
.L_overlay_start_0:
0x88: {  	s2 =	sld [smem:$0x3FD9]  }
0x89: {  	s3 =	sld [smem:$0x3FFE];
	_ =	sdelay $0x1  }
0x8a: {  	s1 =	srdreg.scid  }
0x8b: {  	s0 =	sand.u32 $0x1, s1  }
0x8c: {  	s16 =	sshll.u32 s0, $0xA;
	s2 =	sadd.s32 s3, s2  }
0x8d: {  	s2 =	sadd.s32 s2, s16  }
0x8e: {  	[smem:$0x3FBA] =	sst s2  }
0x8f: {  	_ = 	snop  }
0x90: {  	s2 =	sld [smem:$0x3FD0];
	(tm) =	ssettm $0x1  }
0x91: {  	s17 =	sld [smem:$0x3FFB];
	_ =	sdelay $0x3  }
0x92: {  	_ =	strace s17  }
0x93: {  	s3 =	sld [smem:$0x3FFC];
	_ =	sdelay $0x3  }
0x94: {  	_ =	strace s3  }
0x95: {  	s3 =	sld [smem:$0x3FFD];
	_ =	sdelay $0x3  }
0x96: {  	_ =	strace s3  }
0x97: {  	_ =	strace $0x8FFFFFFF  }
0x98: {  	s18 =	sld [smem:$0x3FDB];
	_ =	sdelay $0x1  }
0x99: {  	s4 =	simm.s32 $_scs_section_size  }
0x9a: {  	s5 =	simm.s32 $_size__tile_overlayer_lowered;
	s6 =	simm.s32 $_tile_overlayer_lowered  }
0x9b: {  	s21 =	simm.s32 $0x1BFF;
	s20 =	sshll.u32 s6, $0x1;
	s3 =	sadd.s32 s4, s18  }
0x9c: {  	s7 =	simm.s32 $0x0;
	s19 =	sshll.u32 s5, $0x1;
	s5 =	sadd.s32 s20, s3  }
0x9d: {  	[timem:s7], [sflag:s21] =	dma.local [hbm:s5], s19  }
0x9e: {  	_ =	swait.ge [sflag:s21], s19  }
0x9f: {  	s4 =	ssub.s32 $0x0, s19;
	[sflag:s21] =	ssyncset.done $0x0  }
0xa0: {  	[sflag:s21] =	ssyncadd.s32 s4;
	_ =	sdelay $0x1  }
0xa1: {  	s22 =	simm.s32 $0x1B8B  }
0xa2: {  	_ =	swait.ge [sflag:s22], $0x1  }
0xa3: {  	[sflag:s22] =	ssyncset.done $0x0  }
0xa4: {  	s23 =	sld [smem:$0x3FFE];
	[sflag:s22] =	ssyncadd.s32 $0xFFFFFFFF  }
0xa5: {  	s25 =	simm.s32 $0x1B8E;
	s24 =	sld [smem:$0x0]  }
0xa6: {  	s26 =	simm.s32 $execute0_lowered;
	[smem:$0x3FD2] =	sst s25  }
0xa7: {  	s6 =	sshll.u32 s26, $0x1;
	_ =	strace $0x80000049;
	[dreg:$0x1] =	wrdreg $0xFFFFFFFF  }
0xa8: {  	s28 =	simm.s32 $_size_execute0_lowered;
	s3 =	sadd.s32 s3, s6;
	[dreg:$0x0] =	wrdreg $0x0  }
0xa9: {  	s6 =	sshll.u32 s28, $0x1;
	[dreg:$0x2] =	wrdreg s3  }
0xaa: {  	[dreg:$0x3] =	wrdreg s6  }
0xab: {  	[dreg:$0x4] =	wrdreg $0xC0  }
0xac: {  	_ =	task [dreg:s7], $0x5FFFF  }
0xad: {  	[dreg:$0x1] =	wrdreg $0xFFFFFFFF  }
0xae: {  	[dreg:$0x0] =	wrdreg $0x60  }
0xaf: {  	[dreg:$0x2] =	wrdreg s23  }
0xb0: {  	[dreg:$0x3] =	wrdreg s2  }
0xb1: {  	[dreg:$0x4] =	wrdreg s1  }
0xb2: {  	[dreg:$0x5] =	wrdreg s24  }
0xb3: {  	[dreg:$0x6] =	wrdreg $0x9  }
0xb4: {  	_ =	task.clear_ibuf [dreg:s7], $0x7FFFF;
	_ =	strace $0x90000049  }
0xb5: {  	s29 =	simm.s32 $0x9;
	_ =	strace $0x8000004B  }
0xb6: {  	_ =	swait.ge [sflag:s29], $0x1  }
0xb7: {  	[sflag:s29] =	ssyncadd.s32 $0xFFFFFFFF  }
0xb8: {  	_ =	strace $0x9000004B  }
0xb9: {  	_ =	sfence  }
0xba: {  	s30 =	sld [smem:$0x0];
	_ =	sdelay $0x2  }
0xbb: {  	s31 =	sshll.u32 s1, $0xD;
	s1 =	sshrl.u32 s1, $0x2  }
0xbc: {  	s3 =	sand.u32 $0x4000, s31;
	s1 =	sadd.s32 s1, s30  }
0xbd: {  	s0 =	sor.u32 s3, s0;
	s1 =	sshll.u32 s1, $0x11  }
0xbe: {  	s0 =	sor.u32 s1, s0  }
0xbf: {  	s0 =	sadd.s32 $0x8F2B, s0  }
0xc0: {  	[sflag:s0] =	ssyncadd.remote.s32 $0x1  }
0xc1: {  	_ =	sfence.sel $0xFFFF  }
0xc2: {  	[dreg:$0x0] =	wrdreg $0xFFFFFFFF;
	(pc) =	sbr.abs _section_cstart, $3  }
0xc3: {  	[dreg:$0x1] =	wrdreg $0xFFFFFFFF  }
0xc4: {  	_ =	task.clear_ibuf [dreg:s7], $0x2FFFF;
	_ =	strace $0x9FFFFFFF  }
0xc5: {  	(tm) =	ssettm $0x7FFFFFFF  }
tec
execute0_lowered:
.L_overlay_start_1:
0x0: {  	(tag) =	ssettag $0x1  }
0x1: {  	s2 =	rddreg [dreg:$0x0]  }
0x2: {  	s15 =	rddreg [dreg:$0x1]  }
0x3: {  	s3 =	rddreg [dreg:$0x2];
	_ =	strace $0x8000004A;
	s0 =	simm.s32 $0x1  }
0x4: {  	v0 =	vimm.s32 $0x0;
	[sflag:s0] =	ssyncpa.u1 $0x0;
	s0 =	simm.s32 $0x108  }
0x5: {  	[tilespmem:s0+$0x70] =	vst v0  }
0x6: {  	[tilespmem:s0+$0x60] =	vst v0  }
0x7: {  	[tilespmem:s0+$0x50] =	vst v0  }
0x8: {  	[tilespmem:s0+$0x40] =	vst v0  }
0x9: {  	[tilespmem:s0+$0x30] =	vst v0  }
0xa: {  	s1 =	sadd.s32 $0xA00, s2;
	s6 =	sadd.s32 $0x3B800, s2;
	[tilespmem:s0+$0x20] =	vst v0  }
0xb: {  	s14 =	sadd.s32 $0x51D800, s2;
	s5 =	sand.u32 $0x1, s3;
	s3 =	simm.s32 $0x40;
	[tilespmem:s0+$0x10] =	vst v0  }
.LBB2_1:
0xc: {  	s3 =	sadd.s32 $0x40, s3;
	[tilespmem:s0+$0x0] =	vst v0;
	s0 =	sadd.s32 $0x80, s0  }
0xd: {  	p0 =	slt.u32 s3, $0x3C40;
	[tilespmem:s0+$0x70] =	vst v0  }
0xe: {  	[tilespmem:s0+$0x60] =	vst v0  }
.Ltmp0:
0xf: {  	[tilespmem:s0+$0x50] =	vst v0;
	(pc) =	sbr.rel @p0 .LBB2_1-.Ltmp0, $4  }
0x10: {  	[tilespmem:s0+$0x40] =	vst v0  }
0x11: {  	[tilespmem:s0+$0x30] =	vst v0  }
0x12: {  	[tilespmem:s0+$0x20] =	vst v0  }
0x13: {  	[tilespmem:s0+$0x10] =	vst v0  }
0x14: {  	s9 =	stileid.u32  }
0x15: {  	s2 =	smul.u32 $0x29, s9  }
0x16: {  	s3 =	smin.u32 s9, $0xB  }
0x17: {  	s2 =	sadd.s32 s3, s2  }
0x18: {  	p0 =	slt.u32 s9, $0xB;
	s7 =	smul.u32 $0xF0, s2;
	s2 =	simm.s32 $0x2760  }
0x19: {  	s2 =	simm.s32 @!p0 $0x2670  }
0x1a: {  	s2 =	sadd.s32 s2, s7  }
0x1b: {  	s8 =	smin.u32 s2, $0x27100  }
0x1c: {  	s2 =	ssub.s32 s8, s7  }
0x1d: {  	p0 =	sgt.s32 s2, $0x0  }
0x1e: {  	s29 =	simm.s32 $0x2;
	s10 =	simm.s32 $0x9;
	s2 =	simm.s32 @!p0 $0x0  }
0x1f: {  	s4 =	simm.s32 $0xA;
	s11 =	simm.s32 $0xB;
	s28 =	smulhi.u32 $0x88888889, s2  }
0x20: {  	[dreg:$0x5] =	wrdreg s5;
	s31 =	smul.u32 $0x4E20, s5;
	s12 =	simm.s32 $0x1  }
0x21: {  	s22 =	simm.s32 $0x0;
	s18 =	simm.s32 $0xC;
	s30 =	sshrl.u32 s28, $0x7  }
0x22: {  	s20 =	simm.s32 $0x0;
	s21 =	simm.s32 $0x0;
	s3 =	smul.u32 $0xF0, s30  }
.Ltmp1:
0x23: {  	[tilespmem:s0+$0x0] =	vst v0;
	v0 =	vimm.s32 $0xFFFFFFFF;
	[sflag:s29] =	ssyncpa.u1 $0x0;
	s16 =	sshll.u32 s9, $0x8;
	(pc) =	sbr.rel .LBB2_3-.Ltmp1, $4  }
0x24: {  	[tilespmem:$0xF208] =	vst v0;
	[sflag:s10] =	ssyncpa.u1 $0x0;
	p0 =	sne.s32 s2, s3;
	s2 =	simm.s32 $0x1  }
0x25: {  	s14 =	sadd.s32 s31, s14;
	[sflag:s4] =	ssyncpa.u1 $0x0;
	s2 =	simm.s32 @!p0 $0x0  }
0x26: {  	s15 =	sadd.s32 s31, s15;
	[sflag:s11] =	ssyncpa.u1 $0x0;
	s13 =	sadd.s32 s2, s30  }
0x27: {  	v0 =	vlaneseq.u32;
	s19 =	smov.u32 s7;
	p0 =	por $0x0, $0x0;
	s17 =	sadd.s32 $0x1, s13  }
.LBB2_18:
0x28: {  	s0 =	sshrl.u32 s31, $0x2  }
.LBB2_20:
0x29: {  	_ =	swait.ge [sflag:s18], s0  }
0x2a: {  	s31 =	ssub.s32 $0x0, s0;
	v1 =	vmov s24;
	vm0 =	veq.s32 v0, $0x0;
	[sflag:s18] =	ssyncset.done $0x0  }
0x2b: {  	vm15 =	veq.s32 v0, $0x2;
	v1 =	vsel vm0, s30, v1;
	[sflag:s18] =	ssyncadd.s32 s31  }
0x2c: {  	v1 =	vsel vm15, s22, v1;
	[sflag:s18] =	ssyncpa.u1 $0x1  }
0x2d: {  	[tilespmem:$0xF208] =	vst v1  }
.LBB2_21:
0x2e: {  	s0 =	sadd.s32 $0xF0, s19  }
0x2f: {  	s2 =	smov.u32 s7;
	p1 =	slt.s32 s0, s8  }
0x30: {  	s2 =	smov.u32 @p1 s0;
	p1 =	sne.s32 s21, s17  }
.Ltmp2:
0x31: {  	_ = 	snop;
	(pc) =	sbr.rel @!p1 .LBB2_22-.Ltmp2, $3  }
0x32: {  	_ =	sdelay $0x1  }
0x33: {  	s22 =	smov.u32 s20;
	s31 =	sadd.s32 $0x1, s21;
	s20 =	smov.u32 s19  }
0x34: {  	p0 =	por !p0, !p0;
	s21 =	smov.u32 s31;
	s19 =	smov.u32 s2  }
.LBB2_3:
0x35: {  	p1 =	sge.u32 s21, s13  }
0x36: {  	s0 =	smulhi.u32 @!p1 $0xAAAAAAAB, s21  }
0x37: {  	s2 =	smov.u32 s19;
	p2 =	sgt.s32 @!p1 s19, $0x27010  }
0x38: {  	s3 =	sshra.s32 @!p1 s19, $0x1F;
	p2 =	por !p2, p1;
	s0 =	sshrl.u32 @!p1 s0, $0x1  }
0x39: {  	s3 =	sand.u32 @!p1 s3, s19;
	s2 =	simm.s32 @p2 $0x27010;
	s0 =	smul.u32 @!p1 $0x3, s0  }
0x3a: {  	s2 =	ssub.s32 @!p1 s2, s3  }
0x3b: {  	s2 =	sadd.s32 @!p1 $0xFFFD8FF0, s2;
	s0 =	ssub.s32 @!p1 s21, s0  }
0x3c: {  	s3 =	sshll.u32 @!p1 s2, $0x2;
	p2 =	sgt.s32 @!p1 s2, $0xEF;
	s0 =	smul.u32 @!p1 $0x3C0, s0  }
0x3d: {  	s4 =	sand.u32 @!p1 $0x7, s19;
	s2 =	ssub.s32 @!p1 $0x3C0, s3;
	p2 =	por !p2, p1  }
0x3e: {  	s3 =	sshrl.u32 @!p1 s19, $0x3;
	s2 =	sshrl.u32 @!p1 s2, $0x2;
	s0 =	sshrl.u32 @!p1 s0, $0x2  }
0x3f: {  	s3 =	sadd.s32 @!p1 s3, s14;
	s2 =	simm.s32 @!p2 $0x0;
	s0 =	sadd.s32 @!p1 $0x10248, s0  }
0x40: {  	[tilespmem:s0], [sflag:$0xA] =	stream.linear.gather @!p1 [hbm4b:s3+s4], s2, $0x38;
	[tilespmem:$0x1F6F8] =	vst v63  }
0x41: {  	s0 =	sadd.s32 $0xFFFFFFFF, s21  }
0x42: {  	p1 =	sge.u32 s0, s13  }
0x43: {  	p2 =	sgt.s32 @!p1 s20, $0x27010  }
0x44: {  	s2 =	smov.u32 s20;
	s3 =	sshra.s32 @!p1 s20, $0x1F;
	p2 =	por !p2, p1  }
0x45: {  	s3 =	sand.u32 @!p1 s3, s20;
	s2 =	simm.s32 @p2 $0x27010  }
0x46: {  	s2 =	ssub.s32 @!p1 s2, s3  }
0x47: {  	s2 =	sadd.s32 @!p1 $0xFFFD8FF0, s2  }
0x48: {  	s4 =	sand.u32 @!p1 $0x1, s0;
	s3 =	sshll.u32 @!p1 s2, $0x2  }
0x49: {  	p2 =	sgt.s32 @!p1 s2, $0xEF;
	s2 =	ssub.s32 @!p1 $0x3C0, s3;
	s3 =	smulhi.u32 @!p1 $0xAAAAAAAB, s0  }
0x4a: {  	s23 =	smul.u32 @!p1 $0x3C0, s4;
	p2 =	por !p2, p1;
	s2 =	sshrl.u32 @!p1 s2, $0x2  }
0x4b: {  	s5 =	simm.s32 @!p1 $0xA;
	s2 =	simm.s32 @!p2 $0x0;
	s3 =	sshrl.u32 @!p1 s3, $0x1  }
0x4c: {  	s23 =	sshrl.u32 @!p1 s23, $0x2;
	_ =	swait.ge @!p1 [sflag:s5], s2;
	s3 =	smul.u32 @!p1 $0x3, s3  }
0x4d: {  	s23 =	sadd.s32 @!p1 $0x10518, s23;
	s24 =	ssub.s32 @!p1 $0x0, s2;
	[sflag:s5] =	ssyncset.done @!p1 $0x0  }
0x4e: {  	[sflag:s5] =	ssyncadd.s32 @!p1 s24;
	s5 =	sshrl.u32 @!p1 s20, $0x3;
	s0 =	ssub.s32 @!p1 s0, s3  }
0x4f: {  	s24 =	sand.u32 @!p1 $0x7, s20;
	s5 =	sadd.s32 @!p1 s5, s15;
	s0 =	smul.u32 @!p1 $0x3C0, s0  }
0x50: {  	[tilespmem:s23], [sflag:$0xB] =	stream.linear.gather @!p1 [hbm4b:s5+s24], s2, $0x38;
	[tilespmem:$0x1F6F8] =	vst v63  }
0x51: {  	s3 =	ssub.s32 @!p1 $0x27100, s20;
	s2 =	smul.u32 @!p1 $0x1E000, s4  }
0x52: {  	p2 =	slt.s32 @!p1 s3, $0xF0  }
0x53: {  	p2 =	por !p2, p1;
	s0 =	sshrl.u32 @!p1 s0, $0x2;
	s2 =	sshrl.u32 @!p1 s2, $0x2  }
0x54: {  	s3 =	simm.s32 @p2 $0xF0;
	s0 =	sadd.s32 @!p1 $0x10248, s0;
	s2 =	sor.u32 @!p1 $0x106F8, s2  }
0x55: {  	[tilespmem:s2], [sflag:$0x9] =	stream.indirect.gather @!p1 [hbm4b:s6+s3], $0x80, s0, s3, $0xb8;
	[tilespmem:$0x1F6F8] =	vst v63  }
0x56: {  	p1 =	slt.u32 s21, $0x2  }
.Ltmp3:
0x57: {  	_ = 	snop;
	(pc) =	sbr.rel @p1 .LBB2_21-.Ltmp3, $1  }
0x58: {  	_ =	sdelay $0x3  }
0x59: {  	p1 =	sgt.s32 s22, $0x27010  }
0x5a: {  	s0 =	smov.u32 s22;
	s2 =	sshra.s32 s22, $0x1F;
	s3 =	ssub.s32 $0x27100, s22  }
0x5b: {  	s0 =	simm.s32 @!p1 $0x27010;
	s2 =	sand.u32 s2, s22;
	p1 =	slt.s32 s3, $0xF0  }
0x5c: {  	s0 =	ssub.s32 s0, s2;
	s3 =	simm.s32 @!p1 $0xF0  }
0x5d: {  	s0 =	sadd.s32 $0xFFFD8FF0, s0;
	s25 =	sshll.u32 s3, $0x7  }
0x5e: {  	s26 =	sshll.u32 s0, $0x2;
	s2 =	sand.u32 $0x3FFFFF80, s25  }
0x5f: {  	p1 =	sgt.s32 s0, $0xEF;
	s29 =	ssub.s32 $0x3C0, s26;
	_ =	swait.ge [sflag:s10], s2  }
0x60: {  	s2 =	ssub.s32 $0x0, s2;
	[sflag:s10] =	ssyncset.done $0x0;
	s0 =	sshrl.u32 s29, $0x2  }
0x61: {  	[sflag:s10] =	ssyncadd.s32 s2;
	s0 =	simm.s32 @p1 $0x0  }
0x62: {  	_ =	swait.ge [sflag:s11], s0  }
0x63: {  	s0 =	ssub.s32 $0x0, s0;
	[sflag:s11] =	ssyncset.done $0x0  }
0x64: {  	[sflag:s11] =	ssyncadd.s32 s0  }
0x65: {  	v1 =	vld [tilespmem:$0xF208];
	_ =	sdelay $0x4  }
0x66: {  	(v2sf) =	vpush v1, $0x0  }
0x67: {  	(v2sf) =	vpush v1, $0x1  }
0x68: {  	(v2sf) =	vpush v1, $0x2;
	_ =	sdelay $0x3  }
0x69: {  	s0 =	sadd.s32 $0xF0, s22  }
0x6a: {  	s2 =	ssub.s32 $0x4E200, s22;
	p1 =	slt.s32 s8, s0  }
0x6b: {  	s0 =	smov.u32 @p1 s8;
	p1 =	sgt.s32 s2, $0x0  }
0x6c: {  	s26 =	ssub.s32 s0, s22;
	s2 =	simm.s32 @!p1 $0x0  }
0x6d: {  	p1 =	slt.s32 s2, s26  }
0x6e: {  	s26 =	smov.u32 @p1 s2  }
0x6f: {  	s25 =	simm.s32 $0x1;
	p1 =	slt.s32 s26, $0x1  }
.Ltmp4:
0x70: {  	s25 =	simm.s32 @!p0 $0x0;
	(pc) =	sbr.rel @p1 .LBB2_8-.Ltmp4, $4  }
0x71: {  	s31 =	smul.u32 $0x3C0, s25  }
0x72: {  	s28 =	spop (v2sf)  }
0x73: {  	s0 =	sshrl.u32 s31, $0x2;
	s30 =	spop (v2sf)  }
0x74: {  	s23 =	sadd.s32 $0x10518, s0;
	s22 =	spop (v2sf)  }
0x75: {  	s0 =	smin.u32 s26, $0x10  }
0x76: {  	v1 =	vmov s0  }
0x77: {  	p2 =	sgt.s32 s26, $0x10;
	vm1 =	vgt.u32 v1, v0  }
.Ltmp5:
0x78: {  	_ = 	snop;
	(pc) =	sbr.rel @!p2 .LBB2_7-.Ltmp5, $2  }
0x79: {  	_ =	sdelay $0x2  }
0x7a: {  	s4 =	simm.s32 $0x10;
	s24 =	sadd.s32 $0xFFFFFFF0, s26;
	s0 =	smov.u32 s23;
	vm0 =	vmmov vm1  }
.LBB2_6:
0x7b: {  	s2 =	smin.u32 s24, $0x10;
	s4 =	sadd.s32 $0x10, s4;
	v1 =	vld.msk [tilespmem:s0+$0x0 ss:$0x1], vm1  }
0x7c: {  	v2 =	vmov s2;
	p2 =	slt.s32 s4, s26  }
0x7d: {  	vm1 =	vgt.u32 v2, v0  }
.Ltmp6:
0x7e: {  	(pc) =	sbr.rel @p2 .LBB2_6-.Ltmp6, $3  }
0x7f: {  	_ =	sdelay $0x1  }
0x80: {  	v1 =	vshll.u32 v1, $0x4  }
0x81: {  	s24 =	sadd.s32 $0xFFFFFFF0, s24;
	[tilespmem:s0+$0x0] =	vst.msk vm0, v1;
	s0 =	sadd.s32 $0x10, s0;
	vm0 =	vmmov vm1  }
.LBB2_7:
0x82: {  	_ =	sdelay $0x4  }
0x83: {  	v1 =	vld.msk [tilespmem:s0+$0x0 ss:$0x1], vm1;
	_ =	sdelay $0x4  }
0x84: {  	v1 =	vshll.u32 v1, $0x4  }
0x85: {  	[tilespmem:s0+$0x0] =	vst.msk vm0, v1  }
.LBB2_8:
0x86: {  	s0 =	sand.u32 $0x1, s21  }
0x87: {  	s0 =	smul.u32 $0xF0, s0  }
0x88: {  	p2 =	sne.s32 s30, $0xFFFFFFFF  }
0x89: {  	v1 =	vld.msk @!p2 [tilespmem:s0+$0x10518], $0x1;
	_ =	sdelay $0x4  }
0x8a: {  	(v2sf) =	vpush @!p2 v1, $0x0;
	_ =	sdelay $0xc  }
.Ltmp7:
0x8b: {  	_ = 	snop;
	(pc) =	sbr.rel @p1 .LBB2_19-.Ltmp7, $4  }
0x8c: {  	_ = 	snop  }
0x8d: {  	s29 =	spop @!p2 (v2sf)  }
0x8e: {  	s22 =	simm.s32 @!p2 $0x0;
	s24 =	smov.u32 s29  }
0x8f: {  	[sflag:s18] =	ssyncpa.u1 $0x0;
	s29 =	smov.u32 @p2 s28;
	s24 =	smov.u32 @p2 s30  }
0x90: {  	v1 =	vld.msk [tilespmem:s23+$0x0], $0x1;
	_ =	sdelay $0x4  }
0x91: {  	(v2sf) =	vpush v1, $0x0;
	_ =	sdelay $0xe  }
0x92: {  	s2 =	smul.u32 $0x1E000, s25;
	s0 =	spop (v2sf)  }
0x93: {  	s26 =	ssub.s32 $0x0, s26;
	p1 =	seq.s32 s29, s0  }
0x94: {  	s30 =	sadd.s32 $0x1, s26;
	s2 =	sshrl.u32 s2, $0x2;
	p2 =	sgt.s32 @!p1 s29, $0x0  }
0x95: {  	s25 =	sor.u32 $0x10738, s2;
	s2 =	smov.u32 s29;
	p2 =	por !p2, p1  }
0x96: {  	s2 =	simm.s32 @p2 $0x0;
	p2 =	seq.s32 s30, $0x0  }
.Ltmp8:
0x97: {  	_ = 	snop;
	(pc) =	sbr.rel @p2 .LBB2_11-.Ltmp8, $4  }
0x98: {  	_ = 	snop  }
0x99: {  	s28 =	simm.s32 $0x0;
	s31 =	sadd.s32 $0x1, s23;
	s2 =	smin.u32 @!p1 s2, $0x270F0  }
0x9a: {  	s4 =	simm.s32 @!p1 $0x1;
	s5 =	simm.s32 @!p1 $0x7988;
	s3 =	sand.u32 @!p1 $0x3FFF8, s2  }
0x9b: {  	s4 =	smov.u32 @p1 s28;
	s2 =	sand.u32 @!p1 $0x7, s2;
	s3 =	sadd.s32 @!p1 s1, s3  }
.LBB2_10:
0x9c: {  	s9 =	smov.u32 s4  }
0x9d: {  	[tilespmem:s5], [sflag:$0x2] =	stream.linear.gather @!p1 [hbm4b:s3+s2], $0x80, $0x38;
	[tilespmem:$0x1F6F8] =	vst v63  }
0x9e: {  	s30 =	sadd.s32 $0x1, s30;
	s2 =	smov.u32 s0;
	v1 =	vld.msk [tilespmem:s31+$0x0], $0x1  }
0x9f: {  	p2 =	seq.s32 s30, $0x0;
	_ =	sdelay $0x3  }
0xa0: {  	(v2sf) =	vpush v1, $0x0;
	_ =	sdelay $0xe  }
0xa1: {  	s0 =	spop (v2sf)  }
0xa2: {  	p1 =	seq.s32 s2, s0  }
0xa3: {  	p3 =	sgt.s32 @!p1 s2, $0x0;
	s3 =	sshll.u32 @!p1 s4, $0x9;
	s4 =	sadd.s32 @!p1 $0x1, s4  }
.Ltmp9:
0xa4: {  	p3 =	por !p3, p1;
	s3 =	sshra.s32 @!p1 s3, $0x2;
	(pc) =	sbr.rel @!p2 .LBB2_10-.Ltmp9, $4  }
0xa5: {  	s4 =	smov.u32 @p1 s9;
	s2 =	simm.s32 @p3 $0x0;
	s5 =	sadd.s32 @!p1 $0x7988, s3  }
0xa6: {  	s2 =	smin.u32 @!p1 s2, $0x270F0  }
0xa7: {  	s3 =	sand.u32 @!p1 $0x3FFF8, s2;
	s2 =	sand.u32 @!p1 $0x7, s2  }
0xa8: {  	s31 =	sadd.s32 $0x1, s31;
	s3 =	sadd.s32 @!p1 s1, s3  }
.LBB2_11:
0xa9: {  	[tilespmem:s5], [sflag:$0x2] =	stream.linear.gather @!p1 [hbm4b:s3+s2], $0x80, $0x38;
	[tilespmem:$0x1F6F8] =	vst v63  }
.Ltmp10:
0xaa: {  	s0 =	sshll.u32 s4, $0x7;
	(pc) =	sbr.rel .LBB2_12-.Ltmp10, $4  }
0xab: {  	s30 =	simm.s32 $0x2;
	s0 =	sand.u32 $0x3FFFFF80, s0  }
0xac: {  	_ =	swait.ge [sflag:s30], s0  }
0xad: {  	s0 =	ssub.s32 $0x0, s0;
	[sflag:s30] =	ssyncset.done $0x0  }
0xae: {  	s31 =	simm.s32 $0x0;
	[sflag:s30] =	ssyncadd.s32 s0  }
.LBB2_13:
0xaf: {  	v1 =	vld [tilespmem:s25+$0xFFFFFFC0];
	_ =	sdelay $0x3  }
0xb0: {  	s0 =	sshra.s32 s0, $0x2  }
0xb1: {  	[tilespmem:s0+$0x108] =	vst.add.f32.msk $0xffff, v1  }
0xb2: {  	v1 =	vld [tilespmem:s25+$0xFFFFFFD0];
	_ =	sdelay $0x4  }
0xb3: {  	[tilespmem:s0+$0x118] =	vst.add.f32.msk $0xffff, v1  }
0xb4: {  	v1 =	vld [tilespmem:s25+$0xFFFFFFE0];
	_ =	sdelay $0x4  }
0xb5: {  	[tilespmem:s0+$0x128] =	vst.add.f32.msk $0xffff, v1  }
0xb6: {  	v1 =	vld [tilespmem:s25+$0xFFFFFFF0];
	_ =	sdelay $0x4  }
0xb7: {  	[tilespmem:s0+$0x138] =	vst.add.f32.msk $0xffff, v1  }
0xb8: {  	v1 =	vld [tilespmem:s25+$0x0];
	_ =	sdelay $0x4  }
0xb9: {  	[tilespmem:s0+$0x148] =	vst.add.f32.msk $0xffff, v1  }
0xba: {  	v1 =	vld [tilespmem:s25+$0x10];
	_ =	sdelay $0x4  }
0xbb: {  	[tilespmem:s0+$0x158] =	vst.add.f32.msk $0xffff, v1  }
0xbc: {  	v1 =	vld [tilespmem:s25+$0x20];
	_ =	sdelay $0x4  }
0xbd: {  	[tilespmem:s0+$0x168] =	vst.add.f32.msk $0xffff, v1  }
0xbe: {  	v1 =	vld [tilespmem:s25+$0x30];
	_ =	sdelay $0x4  }
0xbf: {  	[tilespmem:s0+$0x178] =	vst.add.f32.msk $0xffff, v1  }
.LBB2_17:
0xc0: {  	s26 =	sadd.s32 $0x1, s26  }
0xc1: {  	p1 =	seq.s32 s26, $0x0  }
.Ltmp11:
0xc2: {  	_ = 	snop;
	(pc) =	sbr.rel @p1 .LBB2_18-.Ltmp11, $2  }
0xc3: {  	_ =	sdelay $0x2  }
0xc4: {  	s23 =	sadd.s32 $0x1, s23;
	s25 =	sadd.s32 $0x80, s25;
	s29 =	smov.u32 s30  }
.LBB2_12:
0xc5: {  	v1 =	vld.msk [tilespmem:s23+$0x0], $0x1;
	_ =	sdelay $0x4  }
0xc6: {  	(v2sf) =	vpush v1, $0x0;
	_ =	sdelay $0xe  }
0xc7: {  	s30 =	spop (v2sf)  }
0xc8: {  	p1 =	sne.s32 s29, s30  }
.Ltmp12:
0xc9: {  	_ = 	snop;
	(pc) =	sbr.rel @!p1 .LBB2_13-.Ltmp12, $2  }
0xca: {  	_ =	sdelay $0x2  }
0xcb: {  	s0 =	sshll.u32 s22, $0x9  }
0xcc: {  	p1 =	seq.s32 s29, s24  }
.Ltmp13:
0xcd: {  	_ = 	snop;
	(pc) =	sbr.rel @!p1 .LBB2_15-.Ltmp13, $1  }
0xce: {  	_ =	sdelay $0x3  }
0xcf: {  	s0 =	sshra.s32 s0, $0x2  }
.Ltmp14:
0xd0: {  	s0 =	sadd.s32 $0x108, s0;
	(pc) =	sbr.rel .LBB2_16-.Ltmp14, $4  }
0xd1: {  	[spmem:s16] =	stream.linear.scatter [tilespmem:s0], [sflag:$0x1], $0x80, $0x38;
	[tilespmem:$0x1F6F8] =	vst v63  }
0xd2: {  	_ =	swait.ge [sflag:s12], $0x80  }
0xd3: {  	[sflag:s12] =	ssyncset.done $0x0  }
0xd4: {  	[sflag:s12] =	ssyncadd.s32 $0xFFFFFF80  }
.LBB2_15:
0xd5: {  	s2 =	sshll.u32 s28, $0x9  }
0xd6: {  	s2 =	sshra.s32 s2, $0x2  }
0xd7: {  	v1 =	vld [tilespmem:s2+$0x7988];
	_ =	sdelay $0x3  }
0xd8: {  	s0 =	sshra.s32 s0, $0x2  }
0xd9: {  	[tilespmem:s0+$0x108] =	vst.add.f32.msk $0xffff, v1  }
0xda: {  	v1 =	vld [tilespmem:s2+$0x7998];
	_ =	sdelay $0x4  }
0xdb: {  	[tilespmem:s0+$0x118] =	vst.add.f32.msk $0xffff, v1  }
0xdc: {  	v1 =	vld [tilespmem:s2+$0x79A8];
	_ =	sdelay $0x4  }
0xdd: {  	[tilespmem:s0+$0x128] =	vst.add.f32.msk $0xffff, v1  }
0xde: {  	v1 =	vld [tilespmem:s2+$0x79B8];
	_ =	sdelay $0x4  }
0xdf: {  	[tilespmem:s0+$0x138] =	vst.add.f32.msk $0xffff, v1  }
0xe0: {  	v1 =	vld [tilespmem:s2+$0x79C8];
	_ =	sdelay $0x4  }
0xe1: {  	[tilespmem:s0+$0x148] =	vst.add.f32.msk $0xffff, v1  }
0xe2: {  	v1 =	vld [tilespmem:s2+$0x79D8];
	_ =	sdelay $0x4  }
0xe3: {  	[tilespmem:s0+$0x158] =	vst.add.f32.msk $0xffff, v1  }
0xe4: {  	v1 =	vld [tilespmem:s2+$0x79E8];
	_ =	sdelay $0x4  }
0xe5: {  	[tilespmem:s0+$0x168] =	vst.add.f32.msk $0xffff, v1  }
0xe6: {  	v1 =	vld [tilespmem:s2+$0x79F8];
	_ =	sdelay $0x2  }
0xe7: {  	p1 =	sgt.u32 s29, $0x270F0  }
0xe8: {  	s2 =	sand.u32 @!p1 $0x3FFF8, s29  }
0xe9: {  	s3 =	sadd.s32 $0x108, s0;
	[tilespmem:s0+$0x178] =	vst.add.f32.msk $0xffff, v1;
	s0 =	sadd.s32 @!p1 s1, s2;
	s2 =	sand.u32 @!p1 $0x7, s29  }
0xea: {  	[hbm4b:s0+s2] =	stream.linear.scatter @!p1 [tilespmem:s3], [sflag:$0xC], $0x80, $0x38;
	[tilespmem:$0x1F6F8] =	vst v63  }
0xeb: {  	s0 =	simm.s32 $0x0  }
0xec: {  	s0 =	simm.s32 @!p1 $0x200  }
0xed: {  	s31 =	sadd.s32 s0, s31  }
.LBB2_16:
0xee: {  	s0 =	sadd.s32 $0x1, s22  }
0xef: {  	s2 =	smulhi.u32 $0x88888889, s0;
	_ =	sdelay $0x1  }
0xf0: {  	v1 =	vld [tilespmem:s25+$0xFFFFFFC0];
	s2 =	sshrl.u32 s2, $0x7  }
0xf1: {  	s2 =	smul.u32 $0xF0, s2;
	_ =	sdelay $0x1  }
0xf2: {  	s22 =	ssub.s32 s0, s2  }
0xf3: {  	s0 =	sshll.u32 s22, $0x7  }
0xf4: {  	[tilespmem:s0+$0x108] =	vst v1  }
0xf5: {  	v1 =	vld [tilespmem:s25+$0xFFFFFFD0];
	_ =	sdelay $0x4  }
0xf6: {  	[tilespmem:s0+$0x118] =	vst v1  }
0xf7: {  	v1 =	vld [tilespmem:s25+$0xFFFFFFE0];
	_ =	sdelay $0x4  }
0xf8: {  	[tilespmem:s0+$0x128] =	vst v1  }
0xf9: {  	v1 =	vld [tilespmem:s25+$0xFFFFFFF0];
	_ =	sdelay $0x4  }
0xfa: {  	[tilespmem:s0+$0x138] =	vst v1  }
0xfb: {  	v1 =	vld [tilespmem:s25+$0x0];
	_ =	sdelay $0x4  }
0xfc: {  	[tilespmem:s0+$0x148] =	vst v1  }
0xfd: {  	v1 =	vld [tilespmem:s25+$0x10];
	_ =	sdelay $0x4  }
0xfe: {  	[tilespmem:s0+$0x158] =	vst v1  }
0xff: {  	v1 =	vld [tilespmem:s25+$0x20];
	_ =	sdelay $0x4  }
0x100: {  	[tilespmem:s0+$0x168] =	vst v1  }
0x101: {  	v1 =	vld [tilespmem:s25+$0x30]  }
.Ltmp15:
0x102: {  	_ = 	snop;
	(pc) =	sbr.rel .LBB2_17-.Ltmp15, $2  }
0x103: {  	_ =	sdelay $0x2  }
0x104: {  	s28 =	sadd.s32 $0x1, s28;
	[tilespmem:s0+$0x178] =	vst v1  }
.LBB2_19:
.Ltmp16:
0x105: {  	(pc) =	sbr.rel .LBB2_20-.Ltmp16, $4  }
0x106: {  	_ = 	snop  }
0x107: {  	s0 =	simm.s32 $0x2  }
0x108: {  	_ =	swait.ge [sflag:s0], $0x0  }
0x109: {  	s30 =	smov.u32 s29;
	[sflag:s0] =	ssyncset.done $0x0;
	s0 =	simm.s32 $0x0  }
.LBB2_22:
0x10a: {  	_ =	sfence.sel $0x180000  }
0x10b: {  	s0 =	simm.s32 $0x9;
	[bflag:$0x0] =	sbarrier.arrive $0xFFFF  }
0x10c: {  	s24 =	simm.s32 $0xA;
	[sflag:s0] =	ssyncpa.u1 $0x1  }
0x10d: {  	s25 =	simm.s32 $0xB;
	[sflag:s24] =	ssyncpa.u1 $0x1  }
0x10e: {  	s26 =	simm.s32 $0x2;
	[sflag:s25] =	ssyncpa.u1 $0x1  }
0x10f: {  	[sflag:s26] =	ssyncpa.u1 $0x1  }
0x110: {  	v0 =	vld [tilespmem:$0xF208];
	_ =	sdelay $0x4  }
0x111: {  	(v2sf) =	vpush v0, $0x0  }
0x112: {  	(v2sf) =	vpush v0, $0x1;
	_ =	sdelay $0x1  }
0x113: {  	(v2sf) =	vpush v0, $0x2;
	_ =	sdelay $0xb  }
0x114: {  	s0 =	spop (v2sf)  }
0x115: {  	s2 =	spop (v2sf)  }
0x116: {  	s3 =	smov.u32 s0;
	p0 =	sne.s32 s0, s2  }
0x117: {  	s4 =	spop (v2sf);
	s3 =	simm.s32 @!p0 $0xFFFFFFFF  }
0x118: {  	v2 =	vimm.s32 $0x1;
	v3 =	vlaneseq.u32;
	p0 =	seq.s32 s4, $0xFFFFFFFF;
	v1 =	vmov s3  }
0x119: {  	s16 =	stileid.u32;
	v0 =	vperm.xlane v0, v2;
	p1 =	sne.s32 @!p0 s0, s2;
	v1 =	vperm.xlane v1, v3  }
0x11a: {  	vm0 =	vcmask $0x3F04;
	s6 =	simm.s32 $0xF208;
	s0 =	simm.s32 @!p0 $0x1;
	p1 =	por !p1, p0  }
0x11b: {  	s3 =	sshll.u32 s16, $0x1;
	s2 =	sshll.u32 @!p0 s4, $0x9;
	s0 =	simm.s32 @p1 $0x0;
	v0 =	vsel vm0, v1, v0  }
0x11c: {  	s5 =	sor.u32 $0x1000, s3;
	s2 =	sshra.s32 @!p0 s2, $0x2;
	s0 =	sor.u32 @!p0 s0, s3;
	[tilespmem:$0xF208] =	vst v0  }
0x11d: {  	[spmem:s5] =	stream.linear.scatter [tilespmem:s6], [sflag:$0x1], $0x2, $0x38;
	[tilespmem:$0x1F6F8] =	vst v63  }
0x11e: {  	s2 =	sadd.s32 @!p0 $0x108, s2;
	s0 =	sshll.u32 @!p0 s0, $0x7  }
0x11f: {  	[spmem:s0] =	stream.linear.scatter @!p0 [tilespmem:s2], [sflag:$0x1], $0x80, $0x38;
	[tilespmem:$0x1F6F8] =	vst v63  }
0x120: {  	s0 =	simm.s32 @!p0 $0x82  }
0x121: {  	s28 =	simm.s32 $0x1;
	s0 =	simm.s32 @p0 $0x2  }
0x122: {  	_ =	swait.ge [sflag:s28], s0  }
0x123: {  	s0 =	ssub.s32 $0x0, s0;
	[sflag:s28] =	ssyncset.done $0x0  }
0x124: {  	p0 =	sne.s32 s16, $0x0;
	[sflag:s28] =	ssyncadd.s32 s0  }
.Ltmp17:
0x125: {  	_ =	sfence.stream.spmem;
	(pc) =	sbr.rel @p0 .LBB2_39-.Ltmp17, $4  }
0x126: {  	s29 =	simm.s32 $0x3;
	[bflag:$0x0] =	sbarrier.arrive $0xFFFF  }
0x127: {  	s30 =	simm.s32 $0x4;
	[sflag:s29] =	ssyncpa.u1 $0x1  }
0x128: {  	s31 =	simm.s32 $0x3C;
	[sflag:s30] =	ssyncpa.u1 $0x1  }
0x129: {  	s15 =	rddreg [dreg:$0x5];
	[sflag:s31] =	ssyncpa.u1 $0x1  }
0x12a: {  	_ =	sfence.stream.spmem;
	s0 =	simm.s32 $0x5  }
0x12b: {  	s2 =	simm.s32 $0x1000;
	s3 =	simm.s32 $0xF218;
	[sflag:s0] =	ssyncpa.u1 $0x0  }
0x12c: {  	[tilespmem:s3], [sflag:$0x5] =	stream.linear.gather [spmem:s2], $0x20, $0x38;
	[tilespmem:$0x1F6F8] =	vst v63  }
0x12d: {  	s26 =	simm.s32 $0x0;
	s28 =	simm.s32 $0xF238  }
0x12e: {  	[tilespmem:s28], [sflag:$0x5] =	stream.linear.gather [spmem:s26], $0x1000, $0x38;
	[tilespmem:$0x1F6F8] =	vst v63  }
0x12f: {  	_ =	swait.ge [sflag:s0], $0x1020  }
0x130: {  	[sflag:s0] =	ssyncset.done $0x0  }
0x131: {  	s29 =	simm.s32 $0x0;
	[sflag:s0] =	ssyncadd.s32 $0xFFFFEFE0  }
0x132: {  	v0 =	vld.msk [tilespmem:s29+$0xF218], $0x1;
	_ =	sdelay $0x1  }
0x133: {  	s30 =	simm.s32 $0x1  }
0x134: {  	v1 =	vld.msk [tilespmem:s30+$0xF218], $0x1;
	_ =	sdelay $0x1  }
0x135: {  	(v2sf) =	vpush v0, $0x0;
	_ =	sdelay $0x2  }
0x136: {  	(v2sf) =	vpush v1, $0x0;
	_ =	sdelay $0x2  }
0x137: {  	s31 =	simm.s32 $0x2  }
0x138: {  	v0 =	vld.msk [tilespmem:s31+$0xF218], $0x1;
	_ =	sdelay $0x2  }
0x139: {  	s4 =	simm.s32 $0xFFFFFFFF;
	s5 =	simm.s32 $0xFFFFFFFF;
	s0 =	simm.s32 $0xC  }
.LBB2_24:
0x13a: {  	s2 =	smov.u32 s5;
	s3 =	smov.u32 s4  }
0x13b: {  	s4 =	sshra.s32 s0, $0x2;
	p1 =	sne.s32 s0, $0x7C;
	s0 =	sadd.s32 $0x4, s0;
	(v2sf) =	vpush v0, $0x0  }
0x13c: {  	v0 =	vld.msk [tilespmem:s4+$0xF218], $0x1  }
.Ltmp18:
0x13d: {  	(pc) =	sbr.rel @p1 .LBB2_24-.Ltmp18, $4  }
0x13e: {  	s5 =	spop (v2sf)  }
0x13f: {  	p2 =	sne.s32 s3, $0xFFFFFFFF;
	s4 =	smov.u32 s5  }
0x140: {  	p3 =	seq.s32 s5, $0xFFFFFFFF;
	s4 =	smov.u32 @p2 s3  }
0x141: {  	s5 =	smov.u32 @p3 s2;
	s4 =	smov.u32 @p3 s3  }
0x142: {  	(v2sf) =	vpush v0, $0x0;
	_ =	sdelay $0x8  }
0x143: {  	s0 =	spop (v2sf)  }
0x144: {  	p1 =	sne.s32 s4, $0xFFFFFFFF;
	s2 =	smov.u32 s0  }
0x145: {  	s9 =	simm.s32 $0x6;
	p2 =	seq.s32 s0, $0xFFFFFFFF;
	s2 =	smov.u32 @p1 s4  }
0x146: {  	s6 =	simm.s32 $0x0;
	s2 =	smov.u32 @p2 s4;
	s3 =	spop (v2sf)  }
0x147: {  	s0 =	smov.u32 @p2 s5;
	p1 =	sne.s32 s2, $0xFFFFFFFF;
	s4 =	smov.u32 s3  }
.Ltmp19:
0x148: {  	p2 =	seq.s32 s3, $0xFFFFFFFF;
	s4 =	smov.u32 @p1 s2;
	(pc) =	sbr.rel .LBB2_26-.Ltmp19, $4  }
0x149: {  	s10 =	simm.s32 $0xF188;
	s4 =	smov.u32 @p2 s2;
	s7 =	spop (v2sf)  }
0x14a: {  	s11 =	simm.s32 $0x0;
	p1 =	sne.s32 s4, $0xFFFFFFFF;
	s8 =	smov.u32 s7  }
0x14b: {  	s3 =	smov.u32 @p2 s0;
	p2 =	seq.s32 s7, $0xFFFFFFFF;
	s8 =	smov.u32 @p1 s4  }
0x14c: {  	[sflag:s9] =	ssyncpa.u1 $0x0;
	s7 =	smov.u32 @p2 s3;
	s8 =	smov.u32 @p2 s4  }
.LBB2_32:
0x14d: {  	p1 =	sgt.u32 s12, $0x270F0  }
0x14e: {  	p2 =	seq.s32 @!p1 s12, s8  }
0x14f: {  	p1 =	por p1, p2  }
0x150: {  	p2 =	sne.s32 @!p1 s12, s7  }
0x151: {  	p1 =	por p1, !p2  }
0x152: {  	s0 =	sshll.u32 @p1 s11, $0x9  }
0x153: {  	s0 =	sand.u32 @!p1 $0x3FFF8, s12  }
0x154: {  	s2 =	sand.u32 @!p1 $0x7, s12;
	s0 =	sadd.s32 @!p1 s1, s0  }
0x155: {  	[tilespmem:s10], [sflag:$0x6] =	stream.linear.gather @!p1 [hbm4b:s0+s2], $0x80, $0x38;
	[tilespmem:$0x1F6F8] =	vst v63  }
0x156: {  	_ =	swait.ge @!p1 [sflag:s9], $0x80  }
0x157: {  	[sflag:s9] =	ssyncset.done @!p1 $0x0  }
0x158: {  	[sflag:s9] =	ssyncadd.s32 @!p1 $0xFFFFFF80  }
0x159: {  	v1 =	vld @!p1 [tilespmem:$0xF188];
	_ =	sdelay $0x2  }
0x15a: {  	s0 =	sshll.u32 @!p1 s11, $0x9  }
0x15b: {  	s2 =	sshrl.u32 @!p1 s0, $0x2  }
0x15c: {  	[tilespmem:s2+$0xF238] =	vst.add.f32.msk @!p1 $0xffff, v1  }
0x15d: {  	v1 =	vld @!p1 [tilespmem:$0xF198];
	_ =	sdelay $0x4  }
0x15e: {  	[tilespmem:s2+$0xF248] =	vst.add.f32.msk @!p1 $0xffff, v1  }
0x15f: {  	v1 =	vld @!p1 [tilespmem:$0xF1A8];
	_ =	sdelay $0x4  }
0x160: {  	[tilespmem:s2+$0xF258] =	vst.add.f32.msk @!p1 $0xffff, v1  }
0x161: {  	v1 =	vld @!p1 [tilespmem:$0xF1B8];
	_ =	sdelay $0x4  }
0x162: {  	[tilespmem:s2+$0xF268] =	vst.add.f32.msk @!p1 $0xffff, v1  }
0x163: {  	v1 =	vld @!p1 [tilespmem:$0xF1C8];
	_ =	sdelay $0x4  }
0x164: {  	[tilespmem:s2+$0xF278] =	vst.add.f32.msk @!p1 $0xffff, v1  }
0x165: {  	v1 =	vld @!p1 [tilespmem:$0xF1D8];
	_ =	sdelay $0x4  }
0x166: {  	[tilespmem:s2+$0xF288] =	vst.add.f32.msk @!p1 $0xffff, v1  }
0x167: {  	v1 =	vld @!p1 [tilespmem:$0xF1E8];
	_ =	sdelay $0x4  }
0x168: {  	[tilespmem:s2+$0xF298] =	vst.add.f32.msk @!p1 $0xffff, v1  }
0x169: {  	v1 =	vld @!p1 [tilespmem:$0xF1F8];
	_ =	sdelay $0x4  }
0x16a: {  	[tilespmem:s2+$0xF2A8] =	vst.add.f32.msk @!p1 $0xffff, v1  }
0x16b: {  	s0 =	sshrl.u32 s0, $0x2;
	[tilespmem:s6+$0xF218] =	vst.msk $0x1, v0  }
0x16c: {  	v0 =	vld [tilespmem:s0+$0xF238];
	_ =	sdelay $0x2  }
0x16d: {  	s31 =	sshll.u32 s6, $0x9  }
0x16e: {  	s2 =	sshra.s32 s31, $0x2  }
0x16f: {  	[tilespmem:s2+$0xF238] =	vst v0  }
0x170: {  	v0 =	vld [tilespmem:s0+$0xF248];
	_ =	sdelay $0x4  }
0x171: {  	[tilespmem:s2+$0xF248] =	vst v0  }
0x172: {  	v0 =	vld [tilespmem:s0+$0xF258];
	_ =	sdelay $0x4  }
0x173: {  	[tilespmem:s2+$0xF258] =	vst v0  }
0x174: {  	v0 =	vld [tilespmem:s0+$0xF268];
	_ =	sdelay $0x4  }
0x175: {  	[tilespmem:s2+$0xF268] =	vst v0  }
0x176: {  	v0 =	vld [tilespmem:s0+$0xF278];
	_ =	sdelay $0x4  }
0x177: {  	[tilespmem:s2+$0xF278] =	vst v0  }
0x178: {  	v0 =	vld [tilespmem:s0+$0xF288];
	_ =	sdelay $0x4  }
0x179: {  	[tilespmem:s2+$0xF288] =	vst v0  }
0x17a: {  	v0 =	vld [tilespmem:s0+$0xF298];
	_ =	sdelay $0x4  }
0x17b: {  	[tilespmem:s2+$0xF298] =	vst v0  }
0x17c: {  	v0 =	vld [tilespmem:s0+$0xF2A8];
	_ =	sdelay $0x4  }
0x17d: {  	s6 =	sadd.s32 $0x1, s6;
	[tilespmem:s2+$0xF2A8] =	vst v0  }
.LBB2_33:
0x17e: {  	s11 =	sadd.s32 $0x1, s11  }
0x17f: {  	p1 =	sne.s32 s11, $0x20  }
.Ltmp20:
0x180: {  	_ = 	snop;
	(pc) =	sbr.rel @!p1 .LBB2_34-.Ltmp20, $1  }
0x181: {  	_ =	sdelay $0x3  }
.LBB2_26:
0x182: {  	v0 =	vld.msk [tilespmem:s11+$0xF218], $0x1;
	_ =	sdelay $0x4  }
0x183: {  	(v2sf) =	vpush v0, $0x0;
	_ =	sdelay $0xe  }
0x184: {  	s12 =	spop (v2sf)  }
0x185: {  	p1 =	seq.s32 s12, $0xFFFFFFFF  }
.Ltmp21:
0x186: {  	_ = 	snop;
	(pc) =	sbr.rel @p1 .LBB2_33-.Ltmp21, $1  }
0x187: {  	_ =	sdelay $0x3  }
0x188: {  	p1 =	slt.s32 s6, $0x1  }
.Ltmp22:
0x189: {  	_ = 	snop;
	(pc) =	sbr.rel @p1 .LBB2_32-.Ltmp22, $1  }
0x18a: {  	_ =	sdelay $0x3  }
0x18b: {  	s13 =	simm.s32 $0xF218;
	p1 =	por $0x0, $0x0  }
0x18c: {  	v1 =	vld.msk @!p1 [tilespmem:s13+$0x0], $0x1;
	_ =	sdelay $0x4  }
0x18d: {  	(v2sf) =	vpush @!p1 v1, $0x0;
	_ =	sdelay $0xd  }
0x18e: {  	p3 =	sne.s32 s6, $0x1  }
.Ltmp23:
0x18f: {  	s0 =	spop @!p1 (v2sf);
	(pc) =	sbr.rel @!p3 .LBB2_30-.Ltmp23, $4  }
0x190: {  	p2 =	seq.s32 @!p1 s12, s0  }
0x191: {  	s14 =	simm.s32 $0x0;
	p2 =	por !p2, p1  }
0x192: {  	s2 =	simm.s32 $0xFFFFFFFF;
	s14 =	simm.s32 @p2 $0xFFFFFFFF  }
0x193: {  	s0 =	simm.s32 $0x1;
	s14 =	smov.u32 @p1 s2  }
.LBB2_29:
0x194: {  	s2 =	smov.u32 s14;
	p1 =	sne.s32 s14, $0xFFFFFFFF  }
0x195: {  	s13 =	sadd.s32 $0x1, s13;
	s14 =	smov.u32 s0;
	s0 =	sadd.s32 $0x1, s0  }
0x196: {  	p2 =	sne.s32 s6, s0;
	v1 =	vld.msk @!p1 [tilespmem:s13+$0x0], $0x1;
	_ =	sdelay $0x4  }
0x197: {  	(v2sf) =	vpush @!p1 v1, $0x0;
	_ =	sdelay $0xe  }
.Ltmp24:
0x198: {  	s3 =	spop @!p1 (v2sf);
	(pc) =	sbr.rel @p2 .LBB2_29-.Ltmp24, $4  }
0x199: {  	p3 =	seq.s32 @!p1 s12, s3  }
0x19a: {  	p3 =	por !p3, p1  }
0x19b: {  	s14 =	simm.s32 @p3 $0xFFFFFFFF  }
0x19c: {  	s14 =	smov.u32 @p1 s2  }
.LBB2_30:
0x19d: {  	p1 =	seq.s32 s14, $0xFFFFFFFF  }
.Ltmp25:
0x19e: {  	_ = 	snop;
	(pc) =	sbr.rel @p1 .LBB2_32-.Ltmp25, $1  }
0x19f: {  	_ =	sdelay $0x3  }
0x1a0: {  	s0 =	sshll.u32 s11, $0x7  }
0x1a1: {  	s0 =	sand.u32 $0x3FFFFF80, s0  }
0x1a2: {  	v0 =	vld [tilespmem:s0+$0xF238];
	_ =	sdelay $0x2  }
0x1a3: {  	s2 =	sshll.u32 s14, $0x9  }
0x1a4: {  	s2 =	sshra.s32 s2, $0x2  }
0x1a5: {  	[tilespmem:s2+$0xF238] =	vst.add.f32.msk $0xffff, v0  }
0x1a6: {  	v0 =	vld [tilespmem:s0+$0xF248];
	_ =	sdelay $0x4  }
0x1a7: {  	[tilespmem:s2+$0xF248] =	vst.add.f32.msk $0xffff, v0  }
0x1a8: {  	v0 =	vld [tilespmem:s0+$0xF258];
	_ =	sdelay $0x4  }
0x1a9: {  	[tilespmem:s2+$0xF258] =	vst.add.f32.msk $0xffff, v0  }
0x1aa: {  	v0 =	vld [tilespmem:s0+$0xF268];
	_ =	sdelay $0x4  }
0x1ab: {  	[tilespmem:s2+$0xF268] =	vst.add.f32.msk $0xffff, v0  }
0x1ac: {  	v0 =	vld [tilespmem:s0+$0xF278];
	_ =	sdelay $0x4  }
0x1ad: {  	[tilespmem:s2+$0xF278] =	vst.add.f32.msk $0xffff, v0  }
0x1ae: {  	v0 =	vld [tilespmem:s0+$0xF288];
	_ =	sdelay $0x4  }
0x1af: {  	[tilespmem:s2+$0xF288] =	vst.add.f32.msk $0xffff, v0  }
0x1b0: {  	v0 =	vld [tilespmem:s0+$0xF298];
	_ =	sdelay $0x4  }
0x1b1: {  	[tilespmem:s2+$0xF298] =	vst.add.f32.msk $0xffff, v0  }
0x1b2: {  	v0 =	vld [tilespmem:s0+$0xF2A8]  }
.Ltmp26:
0x1b3: {  	_ = 	snop;
	(pc) =	sbr.rel .LBB2_33-.Ltmp26, $2  }
0x1b4: {  	_ =	sdelay $0x2  }
0x1b5: {  	[tilespmem:s2+$0xF2A8] =	vst.add.f32.msk $0xffff, v0  }
.LBB2_34:
0x1b6: {  	s0 =	simm.s32 $0x6;
	p1 =	seq.s32 s6, $0x0  }
0x1b7: {  	[sflag:s0] =	ssyncpa.u1 $0x1;
	v0 =	vimm.s32 @p1 $0xFFFFFFFF  }
0x1b8: {  	s9 =	sadd.s32 $0xFFFFFFFF, s6;
	[tilespmem:$0x10238] =	vst @p1 v0  }
0x1b9: {  	v0 =	vld.msk @!p1 [tilespmem:s9+$0xF218], $0x1;
	_ =	sdelay $0x1  }
0x1ba: {  	v1 =	vld.msk @!p1 [tilespmem:$0xF218], $0x1;
	_ =	sdelay $0x2  }
0x1bb: {  	p2 =	seq.s32 @!p1 s9, $0x0;
	v0 =	vbroadcast @!p1 v0, $0x0  }
0x1bc: {  	vm0 =	vmmov @!p1 $0x1;
	p2 =	por !p2, p1  }
0x1bd: {  	v1 =	vnsel @!p1 vm0, $0xFFFFFFFF, v1;
	vm0 =	vcmask @!p1 $0x308;
	v0 =	vpsel !p2, $0xFFFFFFFF, v0  }
0x1be: {  	p2 =	sne.s32 @!p1 s8, s7;
	v0 =	vsel @!p1 vm0, v1, v0  }
0x1bf: {  	s0 =	simm.s32 @!p1 $0xF238;
	s2 =	simm.s32 @!p1 $0x0;
	p3 =	por !p2, p1;
	[tilespmem:$0x10238] =	vst @!p1 v0  }
0x1c0: {  	[spmem:s2] =	stream.linear.scatter @!p1 [tilespmem:s0], [sflag:$0x1], $0x80, $0x38;
	[tilespmem:$0x1F6F8] =	vst v63  }
0x1c1: {  	s0 =	sshll.u32 @!p3 s9, $0x9  }
0x1c2: {  	s0 =	sshra.s32 @!p3 s0, $0x2  }
0x1c3: {  	s2 =	simm.s32 @!p3 $0x80;
	s0 =	sadd.s32 @!p3 $0xF238, s0  }
0x1c4: {  	[spmem:s2] =	stream.linear.scatter @!p3 [tilespmem:s0], [sflag:$0x1], $0x80, $0x38;
	[tilespmem:$0x1F6F8] =	vst v63  }
0x1c5: {  	s0 =	simm.s32 @!p3 $0x1  }
0x1c6: {  	_ =	swait.ge @!p3 [sflag:s0], $0x100  }
0x1c7: {  	p1 =	por p2, p1;
	[sflag:s0] =	ssyncset.done @!p3 $0x0  }
0x1c8: {  	[sflag:s0] =	ssyncadd.s32 @!p3 $0xFFFFFF00;
	s0 =	simm.s32 @!p1 $0x1  }
0x1c9: {  	_ =	swait.ge @!p1 [sflag:s0], $0x80  }
0x1ca: {  	s29 =	simm.s32 $0x10238;
	[sflag:s0] =	ssyncset.done @!p1 $0x0  }
0x1cb: {  	s30 =	simm.s32 $0x1000;
	s31 =	simm.s32 $0x1;
	[sflag:s0] =	ssyncadd.s32 @!p1 $0xFFFFFF80  }
0x1cc: {  	[spmem:s30] =	stream.linear.scatter [tilespmem:s29], [sflag:$0x1], $0x10, $0x38;
	[tilespmem:$0x1F6F8] =	vst v63  }
0x1cd: {  	_ =	swait.ge [sflag:s31], $0x10  }
0x1ce: {  	[sflag:s31] =	ssyncset.done $0x0  }
0x1cf: {  	p1 =	seq.s32 s15, $0x0;
	s8 =	rddreg [dreg:$0x2];
	[sflag:s31] =	ssyncadd.s32 $0xFFFFFFF0  }
0x1d0: {  	s2 =	sshll.u32 @p1 s8, $0xE;
	s7 =	rddreg [dreg:$0x3]  }
0x1d1: {  	s0 =	sadd.s32 @p1 $0x15C3C, s2;
	s2 =	sshll.u32 @p1 s7, $0x11  }
0x1d2: {  	_ =	sfence.stream.spmem;
	s0 =	sor.u32 @p1 s2, s0  }
0x1d3: {  	[sflag:s0] =	ssyncadd.remote.s32 @p1 $0x1;
	s0 =	simm.s32 @p1 $0x4  }
0x1d4: {  	s3 =	simm.s32 @!p1 $0x3C;
	s2 =	sand.u32 $0xFFFFFFFE, s8;
	_ =	swait.ge @p1 [sflag:s0], $0x22  }
0x1d5: {  	s4 =	simm.s32 @!p1 $0x0;
	s2 =	sadd.s32 @!p1 $0x4, s2;
	[sflag:s0] =	ssyncset.done @p1 $0x0  }
0x1d6: {  	s5 =	simm.s32 @!p1 $0x100;
	[sflag:s0] =	ssyncadd.s32 @p1 $0xFFFFFFDE;
	s0 =	sshll.u32 @!p1 s2, $0x1A  }
0x1d7: {  	s2 =	sshll.u32 @!p1 s2, $0xD;
	s0 =	sor.u32 @!p1 s0, s7;
	_ =	swait.eq @!p1 [sflag:s3], $0x1  }
0x1d8: {  	s2 =	sor.u32 @!p1 $0x1C04, s2;
	s3 =	simm.s32 @!p1 $0x1C03;
	s0 =	sor.u32 @!p1 $0x80004000, s0  }
0x1d9: {  	[spmem:s5], [sflag:s2] =	dma.general @!p1 [spmem:s4], [sflag:s3], length:$0x20, [dreg:$0x0], stride_count:$0x0, ici_dest:s0, dma_misc:DstOpCode:WRITE  }
0x1da: {  	p2 =	slt.s32 s9, $0x2;
	s4 =	simm.s32 @!p1 $0x200;
	s5 =	simm.s32 @!p1 $0x202  }
0x1db: {  	[spmem:s5], [sflag:s2] =	dma.general @!p1 [spmem:s4], [sflag:s3], length:$0x2, [dreg:$0x0], stride_count:$0x0, ici_dest:s0, dma_misc:DstOpCode:WRITE  }
.Ltmp27:
0x1dc: {  	s0 =	simm.s32 @!p1 $0x3;
	(pc) =	sbr.rel @p2 .LBB2_38-.Ltmp27, $4  }
0x1dd: {  	s2 =	sshll.u32 @!p1 s8, $0xE;
	_ =	swait.ge @!p1 [sflag:s0], $0x22  }
0x1de: {  	s3 =	sshll.u32 @!p1 s7, $0x11;
	s2 =	sadd.s32 @!p1 $0x11C3C, s2;
	[sflag:s0] =	ssyncset.done @!p1 $0x0  }
0x1df: {  	[sflag:s0] =	ssyncadd.s32 @!p1 $0xFFFFFFDE;
	s0 =	sor.u32 @!p1 s3, s2  }
0x1e0: {  	[sflag:s0] =	ssyncadd.remote.s32 @!p1 $0xFFFFFFFF;
	s0 =	simm.s32 $0x0  }
0x1e1: {  	s0 =	simm.s32 $0xF219  }
0x1e2: {  	v0 =	vld.msk [tilespmem:s0+$0x0], $0x1;
	_ =	sdelay $0x4  }
0x1e3: {  	(v2sf) =	vpush v0, $0x0;
	_ =	sdelay $0xb  }
0x1e4: {  	s31 =	sadd.s32 $0xFFFFFFFE, s6  }
0x1e5: {  	s0 =	sadd.s32 $0xFFFFFFFF, s31  }
0x1e6: {  	p2 =	sne.s32 s0, $0x0  }
.Ltmp28:
0x1e7: {  	s2 =	spop (v2sf);
	(pc) =	sbr.rel @!p2 .LBB2_37-.Ltmp28, $4  }
0x1e8: {  	s4 =	simm.s32 $0xF2B8;
	s7 =	simm.s32 $0x0;
	p1 =	sgt.u32 s2, $0x270F0  }
0x1e9: {  	s5 =	simm.s32 $0x0;
	s6 =	simm.s32 $0xF21A;
	s3 =	sand.u32 @!p1 $0x3FFF8, s2  }
0x1ea: {  	s2 =	sand.u32 @!p1 $0x7, s2;
	s7 =	simm.s32 @!p1 $0x200;
	s3 =	sadd.s32 @!p1 s1, s3  }
0x1eb: {  	[hbm4b:s3+s2] =	stream.linear.scatter @!p1 [tilespmem:s4], [sflag:$0x5], $0x80, $0x38;
	[tilespmem:$0x1F6F8] =	vst v63  }
.LBB2_36:
0x1ec: {  	v0 =	vld.msk [tilespmem:s6+$0x0], $0x1;
	s0 =	sadd.s32 $0xFFFFFFFF, s0;
	s5 =	sadd.s32 s5, s7  }
0x1ed: {  	p1 =	sne.s32 s0, $0x0;
	_ =	sdelay $0x3  }
0x1ee: {  	(v2sf) =	vpush v0, $0x0;
	_ =	sdelay $0xe  }
.Ltmp29:
0x1ef: {  	s2 =	spop (v2sf);
	(pc) =	sbr.rel @p1 .LBB2_36-.Ltmp29, $4  }
0x1f0: {  	s7 =	simm.s32 $0x0;
	p2 =	sgt.u32 s2, $0x270F0  }
0x1f1: {  	s4 =	sadd.s32 $0x80, s4;
	s7 =	simm.s32 @!p2 $0x200;
	s3 =	sand.u32 @!p2 $0x3FFF8, s2  }
0x1f2: {  	s6 =	sadd.s32 $0x1, s6;
	s2 =	sand.u32 @!p2 $0x7, s2;
	s3 =	sadd.s32 @!p2 s1, s3  }
0x1f3: {  	[hbm4b:s3+s2] =	stream.linear.scatter @!p2 [tilespmem:s4], [sflag:$0x5], $0x80, $0x38;
	[tilespmem:$0x1F6F8] =	vst v63  }
.LBB2_37:
0x1f4: {  	s0 =	sadd.s32 s5, s7  }
0x1f5: {  	s0 =	sshrl.u32 s0, $0x2  }
.LBB2_38:
0x1f6: {  	s2 =	simm.s32 $0x5  }
0x1f7: {  	_ =	swait.ge [sflag:s2], s0  }
0x1f8: {  	s31 =	ssub.s32 $0x0, s0;
	[sflag:s2] =	ssyncset.done $0x0  }
0x1f9: {  	[sflag:s2] =	ssyncadd.s32 s31  }
0x1fa: {  	[sflag:s2] =	ssyncpa.u1 $0x1  }
.LBB2_39:
0x1fb: {  	s0 =	sor.u32 s15, s16  }
0x1fc: {  	p1 =	sne.s32 s0, $0x0  }
.Ltmp30:
0x1fd: {  	_ = 	snop;
	(pc) =	sbr.rel @p1 .LBB2_54-.Ltmp30, $3  }
0x1fe: {  	_ =	sdelay $0x1  }
0x1ff: {  	[bflag:$0x0] =	sbarrier.arrive $0xFFFF  }
0x200: {  	_ =	sfence  }
0x201: {  	s0 =	simm.s32 $0x7  }
0x202: {  	s2 =	simm.s32 $0x1000;
	s3 =	simm.s32 $0xF218;
	[sflag:s0] =	ssyncpa.u1 $0x0  }
0x203: {  	[tilespmem:s3], [sflag:$0x7] =	stream.linear.gather [spmem:s2], $0x20, $0x38;
	[tilespmem:$0x1F6F8] =	vst v63  }
0x204: {  	s30 =	simm.s32 $0xF238;
	s2 =	simm.s32 $0x0  }
0x205: {  	[tilespmem:s30], [sflag:$0x7] =	stream.linear.gather [spmem:s2], $0x1000, $0x38;
	[tilespmem:$0x1F6F8] =	vst v63  }
.Ltmp31:
0x206: {  	_ = 	snop;
	(pc) =	sbr.rel .LBB2_41-.Ltmp31, $4  }
0x207: {  	_ =	swait.ge [sflag:s0], $0x1020  }
0x208: {  	[sflag:s0] =	ssyncset.done $0x0  }
0x209: {  	s31 =	simm.s32 $0x8;
	[sflag:s0] =	ssyncadd.s32 $0xFFFFEFE0  }
0x20a: {  	s3 =	simm.s32 $0x0;
	[sflag:s31] =	ssyncpa.u1 $0x0  }
.LBB2_47:
0x20b: {  	p1 =	slt.u32 s4, $0x270F1  }
0x20c: {  	s0 =	sand.u32 @p1 $0x3FFF8, s4  }
0x20d: {  	s4 =	sand.u32 @p1 $0x7, s4;
	s5 =	simm.s32 @p1 $0xF188;
	s0 =	sadd.s32 @p1 s1, s0  }
0x20e: {  	[tilespmem:s5], [sflag:$0x8] =	stream.linear.gather @p1 [hbm4b:s0+s4], $0x80, $0x38;
	[tilespmem:$0x1F6F8] =	vst v63  }
0x20f: {  	s0 =	simm.s32 @p1 $0x8  }
0x210: {  	_ =	swait.ge @p1 [sflag:s0], $0x80  }
0x211: {  	[sflag:s0] =	ssyncset.done @p1 $0x0  }
0x212: {  	[sflag:s0] =	ssyncadd.s32 @p1 $0xFFFFFF80  }
0x213: {  	v1 =	vld @p1 [tilespmem:$0xF188];
	_ =	sdelay $0x2  }
0x214: {  	s0 =	sshll.u32 @p1 s3, $0x9  }
0x215: {  	s4 =	sshrl.u32 @p1 s0, $0x2  }
0x216: {  	[tilespmem:s4+$0xF238] =	vst.add.f32.msk @p1 $0xffff, v1  }
0x217: {  	v1 =	vld @p1 [tilespmem:$0xF198];
	_ =	sdelay $0x4  }
0x218: {  	[tilespmem:s4+$0xF248] =	vst.add.f32.msk @p1 $0xffff, v1  }
0x219: {  	v1 =	vld @p1 [tilespmem:$0xF1A8];
	_ =	sdelay $0x4  }
0x21a: {  	[tilespmem:s4+$0xF258] =	vst.add.f32.msk @p1 $0xffff, v1  }
0x21b: {  	v1 =	vld @p1 [tilespmem:$0xF1B8];
	_ =	sdelay $0x4  }
0x21c: {  	[tilespmem:s4+$0xF268] =	vst.add.f32.msk @p1 $0xffff, v1  }
0x21d: {  	v1 =	vld @p1 [tilespmem:$0xF1C8];
	_ =	sdelay $0x4  }
0x21e: {  	[tilespmem:s4+$0xF278] =	vst.add.f32.msk @p1 $0xffff, v1  }
0x21f: {  	v1 =	vld @p1 [tilespmem:$0xF1D8];
	_ =	sdelay $0x4  }
0x220: {  	[tilespmem:s4+$0xF288] =	vst.add.f32.msk @p1 $0xffff, v1  }
0x221: {  	v1 =	vld @p1 [tilespmem:$0xF1E8];
	_ =	sdelay $0x4  }
0x222: {  	[tilespmem:s4+$0xF298] =	vst.add.f32.msk @p1 $0xffff, v1  }
0x223: {  	v1 =	vld @p1 [tilespmem:$0xF1F8];
	_ =	sdelay $0x3  }
0x224: {  	s5 =	sshll.u32 @!p1 s3, $0x9  }
0x225: {  	s5 =	smov.u32 @p1 s0;
	[tilespmem:s4+$0xF2A8] =	vst.add.f32.msk @p1 $0xffff, v1  }
0x226: {  	s0 =	sshrl.u32 s5, $0x2;
	[tilespmem:s2+$0xF218] =	vst.msk $0x1, v0  }
0x227: {  	v0 =	vld [tilespmem:s0+$0xF238];
	_ =	sdelay $0x2  }
0x228: {  	s31 =	sshll.u32 s2, $0x9  }
0x229: {  	s4 =	sshra.s32 s31, $0x2  }
0x22a: {  	[tilespmem:s4+$0xF238] =	vst v0  }
0x22b: {  	v0 =	vld [tilespmem:s0+$0xF248];
	_ =	sdelay $0x4  }
0x22c: {  	[tilespmem:s4+$0xF248] =	vst v0  }
0x22d: {  	v0 =	vld [tilespmem:s0+$0xF258];
	_ =	sdelay $0x4  }
0x22e: {  	[tilespmem:s4+$0xF258] =	vst v0  }
0x22f: {  	v0 =	vld [tilespmem:s0+$0xF268];
	_ =	sdelay $0x4  }
0x230: {  	[tilespmem:s4+$0xF268] =	vst v0  }
0x231: {  	v0 =	vld [tilespmem:s0+$0xF278];
	_ =	sdelay $0x4  }
0x232: {  	[tilespmem:s4+$0xF278] =	vst v0  }
0x233: {  	v0 =	vld [tilespmem:s0+$0xF288];
	_ =	sdelay $0x4  }
0x234: {  	[tilespmem:s4+$0xF288] =	vst v0  }
0x235: {  	v0 =	vld [tilespmem:s0+$0xF298];
	_ =	sdelay $0x4  }
0x236: {  	[tilespmem:s4+$0xF298] =	vst v0  }
0x237: {  	v0 =	vld [tilespmem:s0+$0xF2A8];
	_ =	sdelay $0x4  }
0x238: {  	s2 =	sadd.s32 $0x1, s2;
	[tilespmem:s4+$0xF2A8] =	vst v0  }
.LBB2_48:
0x239: {  	s3 =	sadd.s32 $0x1, s3  }
0x23a: {  	p1 =	sne.s32 s3, $0x20  }
.Ltmp32:
0x23b: {  	_ = 	snop;
	(pc) =	sbr.rel @!p1 .LBB2_49-.Ltmp32, $1  }
0x23c: {  	_ =	sdelay $0x3  }
.LBB2_41:
0x23d: {  	v0 =	vld.msk [tilespmem:s3+$0xF218], $0x1;
	_ =	sdelay $0x4  }
0x23e: {  	(v2sf) =	vpush v0, $0x0;
	_ =	sdelay $0xe  }
0x23f: {  	s4 =	spop (v2sf)  }
0x240: {  	p1 =	seq.s32 s4, $0xFFFFFFFF  }
.Ltmp33:
0x241: {  	_ = 	snop;
	(pc) =	sbr.rel @p1 .LBB2_48-.Ltmp33, $1  }
0x242: {  	_ =	sdelay $0x3  }
0x243: {  	p1 =	slt.s32 s2, $0x1  }
.Ltmp34:
0x244: {  	_ = 	snop;
	(pc) =	sbr.rel @p1 .LBB2_47-.Ltmp34, $1  }
0x245: {  	_ =	sdelay $0x3  }
0x246: {  	s5 =	simm.s32 $0xF218;
	p1 =	por $0x0, $0x0  }
0x247: {  	v1 =	vld.msk @!p1 [tilespmem:s5+$0x0], $0x1;
	_ =	sdelay $0x4  }
0x248: {  	(v2sf) =	vpush @!p1 v1, $0x0;
	_ =	sdelay $0xd  }
0x249: {  	p3 =	sne.s32 s2, $0x1  }
.Ltmp35:
0x24a: {  	s0 =	spop @!p1 (v2sf);
	(pc) =	sbr.rel @!p3 .LBB2_45-.Ltmp35, $4  }
0x24b: {  	p2 =	seq.s32 @!p1 s4, s0  }
0x24c: {  	s6 =	simm.s32 $0x0;
	p2 =	por !p2, p1  }
0x24d: {  	s7 =	simm.s32 $0xFFFFFFFF;
	s6 =	simm.s32 @p2 $0xFFFFFFFF  }
0x24e: {  	s0 =	simm.s32 $0x1;
	s6 =	smov.u32 @p1 s7  }
.LBB2_44:
0x24f: {  	s7 =	smov.u32 s6;
	p1 =	sne.s32 s6, $0xFFFFFFFF  }
0x250: {  	s5 =	sadd.s32 $0x1, s5;
	s6 =	smov.u32 s0;
	s0 =	sadd.s32 $0x1, s0  }
0x251: {  	p2 =	sne.s32 s2, s0;
	v1 =	vld.msk @!p1 [tilespmem:s5+$0x0], $0x1;
	_ =	sdelay $0x4  }
0x252: {  	(v2sf) =	vpush @!p1 v1, $0x0;
	_ =	sdelay $0xe  }
.Ltmp36:
0x253: {  	s8 =	spop @!p1 (v2sf);
	(pc) =	sbr.rel @p2 .LBB2_44-.Ltmp36, $4  }
0x254: {  	p3 =	seq.s32 @!p1 s4, s8  }
0x255: {  	p3 =	por !p3, p1  }
0x256: {  	s6 =	simm.s32 @p3 $0xFFFFFFFF  }
0x257: {  	s6 =	smov.u32 @p1 s7  }
.LBB2_45:
0x258: {  	p1 =	seq.s32 s6, $0xFFFFFFFF  }
.Ltmp37:
0x259: {  	_ = 	snop;
	(pc) =	sbr.rel @p1 .LBB2_47-.Ltmp37, $1  }
0x25a: {  	_ =	sdelay $0x3  }
0x25b: {  	s0 =	sshll.u32 s3, $0x7  }
0x25c: {  	s0 =	sand.u32 $0x3FFFFF80, s0  }
0x25d: {  	v0 =	vld [tilespmem:s0+$0xF238];
	_ =	sdelay $0x2  }
0x25e: {  	s4 =	sshll.u32 s6, $0x9  }
0x25f: {  	s4 =	sshra.s32 s4, $0x2  }
0x260: {  	[tilespmem:s4+$0xF238] =	vst.add.f32.msk $0xffff, v0  }
0x261: {  	v0 =	vld [tilespmem:s0+$0xF248];
	_ =	sdelay $0x4  }
0x262: {  	[tilespmem:s4+$0xF248] =	vst.add.f32.msk $0xffff, v0  }
0x263: {  	v0 =	vld [tilespmem:s0+$0xF258];
	_ =	sdelay $0x4  }
0x264: {  	[tilespmem:s4+$0xF258] =	vst.add.f32.msk $0xffff, v0  }
0x265: {  	v0 =	vld [tilespmem:s0+$0xF268];
	_ =	sdelay $0x4  }
0x266: {  	[tilespmem:s4+$0xF268] =	vst.add.f32.msk $0xffff, v0  }
0x267: {  	v0 =	vld [tilespmem:s0+$0xF278];
	_ =	sdelay $0x4  }
0x268: {  	[tilespmem:s4+$0xF278] =	vst.add.f32.msk $0xffff, v0  }
0x269: {  	v0 =	vld [tilespmem:s0+$0xF288];
	_ =	sdelay $0x4  }
0x26a: {  	[tilespmem:s4+$0xF288] =	vst.add.f32.msk $0xffff, v0  }
0x26b: {  	v0 =	vld [tilespmem:s0+$0xF298];
	_ =	sdelay $0x4  }
0x26c: {  	[tilespmem:s4+$0xF298] =	vst.add.f32.msk $0xffff, v0  }
0x26d: {  	v0 =	vld [tilespmem:s0+$0xF2A8]  }
.Ltmp38:
0x26e: {  	_ = 	snop;
	(pc) =	sbr.rel .LBB2_48-.Ltmp38, $2  }
0x26f: {  	_ =	sdelay $0x2  }
0x270: {  	[tilespmem:s4+$0xF2A8] =	vst.add.f32.msk $0xffff, v0  }
.LBB2_49:
0x271: {  	p1 =	slt.s32 s2, $0x1  }
.Ltmp39:
0x272: {  	_ = 	snop;
	(pc) =	sbr.rel @p1 .LBB2_53-.Ltmp39, $3  }
0x273: {  	_ =	sdelay $0x1  }
0x274: {  	s0 =	simm.s32 $0x8  }
0x275: {  	s3 =	simm.s32 $0x0;
	[sflag:s0] =	ssyncpa.u1 $0x1  }
0x276: {  	s0 =	simm.s32 $0xF218  }
0x277: {  	v0 =	vld.msk [tilespmem:s0+$0x0], $0x1;
	_ =	sdelay $0x4  }
0x278: {  	(v2sf) =	vpush v0, $0x0;
	_ =	sdelay $0xe  }
0x279: {  	s0 =	sadd.s32 $0xFFFFFFFF, s2;
	s5 =	spop (v2sf)  }
0x27a: {  	p2 =	sne.s32 s0, $0x0;
	p1 =	sgt.u32 s5, $0x270F0  }
.Ltmp40:
0x27b: {  	s6 =	sand.u32 @!p1 $0x3FFF8, s5;
	(pc) =	sbr.rel @!p2 .LBB2_52-.Ltmp40, $4  }
0x27c: {  	s4 =	simm.s32 $0xF238;
	s5 =	sand.u32 @!p1 $0x7, s5;
	s2 =	sadd.s32 @!p1 s1, s6  }
0x27d: {  	[hbm4b:s2+s5] =	stream.linear.scatter @!p1 [tilespmem:s4], [sflag:$0x7], $0x80, $0x38;
	[tilespmem:$0x1F6F8] =	vst v63  }
0x27e: {  	s5 =	simm.s32 $0x0  }
0x27f: {  	s2 =	simm.s32 $0xF219;
	s5 =	simm.s32 @!p1 $0x200  }
.LBB2_51:
0x280: {  	v0 =	vld.msk [tilespmem:s2+$0x0], $0x1;
	s0 =	sadd.s32 $0xFFFFFFFF, s0;
	s3 =	sadd.s32 s3, s5  }
0x281: {  	p1 =	sne.s32 s0, $0x0;
	_ =	sdelay $0x3  }
0x282: {  	(v2sf) =	vpush v0, $0x0;
	_ =	sdelay $0xe  }
.Ltmp41:
0x283: {  	s6 =	spop (v2sf);
	(pc) =	sbr.rel @p1 .LBB2_51-.Ltmp41, $4  }
0x284: {  	s5 =	simm.s32 $0x0;
	p2 =	sgt.u32 s6, $0x270F0  }
0x285: {  	s4 =	sadd.s32 $0x80, s4;
	s5 =	simm.s32 @!p2 $0x200;
	s7 =	sand.u32 @!p2 $0x3FFF8, s6  }
0x286: {  	s2 =	sadd.s32 $0x1, s2;
	s6 =	sand.u32 @!p2 $0x7, s6;
	s7 =	sadd.s32 @!p2 s1, s7  }
0x287: {  	[hbm4b:s7+s6] =	stream.linear.scatter @!p2 [tilespmem:s4], [sflag:$0x7], $0x80, $0x38;
	[tilespmem:$0x1F6F8] =	vst v63  }
.LBB2_52:
0x288: {  	s0 =	sadd.s32 s3, s5  }
0x289: {  	s3 =	sshrl.u32 s0, $0x2  }
.LBB2_53:
0x28a: {  	s0 =	simm.s32 $0x7  }
0x28b: {  	_ =	swait.ge [sflag:s0], s3  }
0x28c: {  	s1 =	ssub.s32 $0x0, s3;
	[sflag:s0] =	ssyncset.done $0x0  }
0x28d: {  	[sflag:s0] =	ssyncadd.s32 s1  }
0x28e: {  	[sflag:s0] =	ssyncpa.u1 $0x1  }
.LBB2_54:
0x28f: {  	_ =	sfence;
	s0 =	simm.s32 $0x1  }
0x290: {  	[sflag:s0] =	ssyncpa.u1 $0x1  }
0x291: {  	_ =	strace $0x9000004A  }
0x292: {  	[bflag:$0x2] =	sbarrier.arrive $0xFFFF  }
0x293: {  	s0 =	rddreg [dreg:$0x4]  }
0x294: {  	s0 =	sadd.s32 @!p0 $0x100000, s0  }
0x295: {  	[sflag:s0] =	ssyncadd.tile.s32 @!p0 $0x1;
	_ =	shalt  }
.Lfunc_end2:
_tile_overlayer_lowered:
.L_overlay_start_2:
0x296: {  	(tag) =	ssettag $0x2  }
0x297: {  	s0 =	rddreg [dreg:$0x0];
	s2 =	stileid.u32  }
0x298: {  	s1 =	rddreg [dreg:$0x1];
	p0 =	sne.s32 s2, $0x0  }
0x299: {  	s3 =	rddreg [dreg:$0x2];
	[bflag:$0x3] =	sbarrier.arrive $0xFFFF;
	s2 =	simm.s32 @!p0 $0x1C01  }
0x29a: {  	[timem:s3], [sflag:s2] =	dma.local @!p0 [hbm:s0], s1  }
0x29b: {  	s0 =	simm.s32 @!p0 $0x1  }
0x29c: {  	_ =	swait.ge @!p0 [sflag:s0], s1  }
0x29d: {  	s1 =	ssub.s32 @!p0 $0x0, s1;
	[sflag:s0] =	ssyncset.done @!p0 $0x0  }
0x29e: {  	[sflag:s0] =	ssyncadd.s32 @!p0 s1  }
0x29f: {  	[bflag:$0x3] =	sbarrier.arrive $0xFFFF  }
0x2a0: {  	_ =	shalt  }

</sc_bundles>
